<compile_context>
chip_gen: v7x
topology: tpu7x:2x2x1
jax: 0.10.2.dev20260603
libtpu: 0.0.44.dev20260713+nightly
codegen_flags: <defaults>
</compile_context>

<pallas_src>
import functools

import jax
import jax.numpy as jnp
from jax import lax
from jax.experimental import pallas as pl
from jax.experimental.pallas import tpu as pltpu
from jax.experimental.pallas import tpu_sc as plsc

N = 10000
E = 320000
D = 128
NETYPES = 4
NSTEPS = 6
CLASS_NUM = 2

NCORES = 2
NSUB = 16
NW = NCORES * NSUB
CHUNK = 128
CPW = 79
EPAD = NW * CPW * CHUNK
NPAD = 10112
STRIPE = NPAD // NSUB

BN = 2000
GRID = N // BN

_leaky = functools.partial(jax.nn.leaky_relu, negative_slope=0.01)


def _edge_body(m_hbm, gidx_hbm, dst_hbm, zeros_hbm, out_hbm,
               gidx_v, dst_v, rows_v, acc, sem):
    c = lax.axis_index("c")
    s = lax.axis_index("s")
    w = c * NSUB + s
    pltpu.sync_copy(gidx_hbm.at[w], gidx_v)
    pltpu.sync_copy(dst_hbm.at[w], dst_v)
    pltpu.sync_copy(zeros_hbm.at[pl.ds(s * STRIPE, STRIPE)],
                    acc.at[pl.ds(s * STRIPE, STRIPE)])
    plsc.subcore_barrier()

    def chunk(j, carry):
        pltpu.async_copy(m_hbm.at[gidx_v.at[j]], rows_v, sem).wait()
        pltpu.sync_copy(rows_v, acc.at[dst_v.at[j]], add=True)
        return carry

    lax.fori_loop(0, CPW, chunk, 0)
    plsc.subcore_barrier()
    pltpu.sync_copy(acc.at[pl.ds(s * STRIPE, STRIPE)],
                    out_hbm.at[c, pl.ds(s * STRIPE, STRIPE)])


_edge_kernel = pl.kernel(
    _edge_body,
    out_type=jax.ShapeDtypeStruct((NCORES, NPAD, D), jnp.float32),
    mesh=plsc.VectorSubcoreMesh(core_axis_name="c", subcore_axis_name="s"),
    scratch_types=[
        pltpu.VMEM((CPW, CHUNK), jnp.int32),
        pltpu.VMEM((CPW, CHUNK), jnp.int32),
        pltpu.VMEM((CHUNK, D), jnp.float32),
        pltpu.VMEM_SHARED((NPAD, D), jnp.float32),
        pltpu.SemaphoreType.DMA,
    ],
)


def _init_body(x_ref, wemb_ref, bemb_ref, wcat_ref, bcat_ref, emb_ref, m_ref):
    e = lax.dot_general(x_ref[...], wemb_ref[...], (((1,), (1,)), ((), ())),
                        preferred_element_type=jnp.float32) + bemb_ref[...]
    emb_ref[...] = e
    m = lax.dot_general(e, wcat_ref[...], (((1,), (0,)), ((), ())),
                        preferred_element_type=jnp.float32) + bcat_ref[...]
    for i in range(NETYPES):
        m_ref[i] = m[:, i * D:(i + 1) * D]


def _init_call(x, wemb, bemb, wcat, bcat):
    return pl.pallas_call(
        _init_body,
        grid=(GRID,),
        in_specs=[
            pl.BlockSpec((BN, D), lambda i: (i, 0)),
            pl.BlockSpec((D, D), lambda i: (0, 0)),
            pl.BlockSpec((1, D), lambda i: (0, 0)),
            pl.BlockSpec((D, NETYPES * D), lambda i: (0, 0)),
            pl.BlockSpec((1, NETYPES * D), lambda i: (0, 0)),
        ],
        out_specs=[
            pl.BlockSpec((BN, D), lambda i: (i, 0)),
            pl.BlockSpec((NETYPES, BN, D), lambda i: (0, i, 0)),
        ],
        out_shape=[
            jax.ShapeDtypeStruct((N, D), jnp.float32),
            jax.ShapeDtypeStruct((NETYPES, N, D), jnp.float32),
        ],
    )(x, wemb, bemb, wcat, bcat)


def _step_body(p_ref, h_ref, wih_ref, whh_ref, bih_ref, bhh_ref,
               wcat_ref, bcat_ref, hout_ref, m_ref):
    a = p_ref[0] + p_ref[1]
    h = h_ref[...]
    gi = lax.dot_general(a, wih_ref[...], (((1,), (1,)), ((), ())),
                         preferred_element_type=jnp.float32) + bih_ref[...]
    gh = lax.dot_general(h, whh_ref[...], (((1,), (1,)), ((), ())),
                         preferred_element_type=jnp.float32) + bhh_ref[...]
    r = jax.nn.sigmoid(gi[:, :D] + gh[:, :D])
    z = jax.nn.sigmoid(gi[:, D:2 * D] + gh[:, D:2 * D])
    nt = jnp.tanh(gi[:, 2 * D:] + r * gh[:, 2 * D:])
    hn = (1.0 - z) * nt + z * h
    hout_ref[...] = hn
    m = lax.dot_general(hn, wcat_ref[...], (((1,), (0,)), ((), ())),
                        preferred_element_type=jnp.float32) + bcat_ref[...]
    for i in range(NETYPES):
        m_ref[i] = m[:, i * D:(i + 1) * D]


def _step_call(p, h, wih, whh, bih, bhh, wcat, bcat):
    return pl.pallas_call(
        _step_body,
        grid=(GRID,),
        in_specs=[
            pl.BlockSpec((NCORES, BN, D), lambda i: (0, i, 0)),
            pl.BlockSpec((BN, D), lambda i: (i, 0)),
            pl.BlockSpec((3 * D, D), lambda i: (0, 0)),
            pl.BlockSpec((3 * D, D), lambda i: (0, 0)),
            pl.BlockSpec((1, 3 * D), lambda i: (0, 0)),
            pl.BlockSpec((1, 3 * D), lambda i: (0, 0)),
            pl.BlockSpec((D, NETYPES * D), lambda i: (0, 0)),
            pl.BlockSpec((1, NETYPES * D), lambda i: (0, 0)),
        ],
        out_specs=[
            pl.BlockSpec((BN, D), lambda i: (i, 0)),
            pl.BlockSpec((NETYPES, BN, D), lambda i: (0, i, 0)),
        ],
        out_shape=[
            jax.ShapeDtypeStruct((N, D), jnp.float32),
            jax.ShapeDtypeStruct((NETYPES, N, D), jnp.float32),
        ],
    )(p, h, wih, whh, bih, bhh, wcat, bcat)


def _stats_body(h_ref, emb_ref, o_ref):
    i = pl.program_id(0)
    hc = jnp.concatenate([_leaky(h_ref[...]), emb_ref[...]], axis=1)
    st = jnp.concatenate([jnp.sum(hc, axis=0, keepdims=True),
                          jnp.sum(hc * hc, axis=0, keepdims=True)], axis=0)

    @pl.when(i == 0)
    def _():
        o_ref[...] = st

    @pl.when(i != 0)
    def _():
        o_ref[...] += st


def _norm_body(h_ref, emb_ref, st_ref, g_ref, b_ref, o_ref):
    i = pl.program_id(0)
    hc = jnp.concatenate([_leaky(h_ref[...]), emb_ref[...]], axis=1)
    mu = st_ref[0:1, :] * (1.0 / N)
    var = st_ref[1:2, :] * (1.0 / N) - mu * mu
    rstd = lax.rsqrt(var + 1e-5)
    contrib = jnp.sum((hc - mu) * rstd * g_ref[...] + b_ref[...],
                      axis=0, keepdims=True)

    @pl.when(i == 0)
    def _():
        o_ref[...] = contrib

    @pl.when(i != 0)
    def _():
        o_ref[...] += contrib

    @pl.when(i == GRID - 1)
    def _():
        o_ref[...] *= (1.0 / N)


def _readout(h, emb, g, b):
    stats = pl.pallas_call(
        _stats_body,
        grid=(GRID,),
        in_specs=[pl.BlockSpec((BN, D), lambda i: (i, 0)),
                  pl.BlockSpec((BN, D), lambda i: (i, 0))],
        out_specs=pl.BlockSpec((2, 2 * D), lambda i: (0, 0)),
        out_shape=jax.ShapeDtypeStruct((2, 2 * D), jnp.float32),
    )(h, emb)
    return pl.pallas_call(
        _norm_body,
        grid=(GRID,),
        in_specs=[pl.BlockSpec((BN, D), lambda i: (i, 0)),
                  pl.BlockSpec((BN, D), lambda i: (i, 0)),
                  pl.BlockSpec((2, 2 * D), lambda i: (0, 0)),
                  pl.BlockSpec((1, 2 * D), lambda i: (0, 0)),
                  pl.BlockSpec((1, 2 * D), lambda i: (0, 0))],
        out_specs=pl.BlockSpec((1, 2 * D), lambda i: (0, 0)),
        out_shape=jax.ShapeDtypeStruct((1, 2 * D), jnp.float32),
    )(h, emb, stats, g.reshape(1, 2 * D), b.reshape(1, 2 * D))


def _cls_body(feats_ref, wf_ref, bf_ref, out_ref):
    logits = lax.dot_general(feats_ref[...], wf_ref[...],
                             (((1,), (1,)), ((), ())),
                             preferred_element_type=jnp.float32) + bf_ref[...]
    logits = _leaky(logits)
    m = jnp.max(logits, axis=-1, keepdims=True)
    e = jnp.exp(logits - m)
    out_ref[...] = e / jnp.sum(e, axis=-1, keepdims=True)


def _classifier(feats, wf, bf):
    return pl.pallas_call(
        _cls_body,
        out_shape=jax.ShapeDtypeStruct((1, CLASS_NUM), jnp.float32),
    )(feats, wf, bf.reshape(1, CLASS_NUM))


def _prep_edges(ei, et):
    src, dst = ei[0], ei[1]
    gidx = et * N + src
    pad = EPAD - E
    gidx = jnp.concatenate([gidx, jnp.zeros((pad,), jnp.int32)])
    dstp = jnp.concatenate([dst, jnp.full((pad,), N, jnp.int32)])
    return gidx.reshape(NW, CPW, CHUNK), dstp.reshape(NW, CPW, CHUNK)


def _prep_w(we, be):
    wcat = jnp.transpose(we, (2, 0, 1)).reshape(D, NETYPES * D)
    bcat = be.reshape(1, NETYPES * D)
    return wcat, bcat


def kernel(x1, x2, edge_index1, edge_index2, edge_type1, edge_type2,
           Wemb1, bemb1, Wemb2, bemb2, We1, be1, We2, be2,
           Wih1, Whh1, bih1, bhh1, Wih2, Whh2, bih2, bhh2,
           gamma1, beta1, gamma2, beta2, Wf, bf):
    zeros = jnp.zeros((NPAD, D), jnp.float32)
    g1, d1 = _prep_edges(edge_index1, edge_type1)
    g2, d2 = _prep_edges(edge_index2, edge_type2)
    wc1, bc1 = _prep_w(We1, be1)
    wc2, bc2 = _prep_w(We2, be2)
    emb1, M1 = _init_call(x1, Wemb1, bemb1.reshape(1, D), wc1, bc1)
    emb2, M2 = _init_call(x2, Wemb2, bemb2.reshape(1, D), wc2, bc2)
    h1, h2 = emb1, emb2
    bih1r, bhh1r = bih1.reshape(1, 3 * D), bhh1.reshape(1, 3 * D)
    bih2r, bhh2r = bih2.reshape(1, 3 * D), bhh2.reshape(1, 3 * D)
    for _ in range(NSTEPS):
        p1 = _edge_kernel(M1.reshape(NETYPES * N, D), g1, d1, zeros)
        p2 = _edge_kernel(M2.reshape(NETYPES * N, D), g2, d2, zeros)
        h1, M1 = _step_call(p1, h1, Wih1, Whh1, bih1r, bhh1r, wc1, bc1)
        h2, M2 = _step_call(p2, h2, Wih2, Whh2, bih2r, bhh2r, wc2, bc2)
    m1 = _readout(h1, emb1, gamma1, beta1)
    m2 = _readout(h2, emb2, gamma2, beta2)
    feats = jnp.concatenate([m1, m2], axis=1)
    return _classifier(feats, Wf, bf)

# --- scband reference (transcript-rebuilt; emitter-appended) ---
"""Pipeline reference for scband-ggnnmodel-38070590112024 (READ-ONLY COPY).

The authoritative reference and input builder live on the scoring server;
editing this copy changes nothing except your own understanding.
"""

import jax, jax.numpy as jnp
import numpy as np

N = 10000
E = 320000
D = 128
NETYPES = 4
NSTEPS = 6
CLASS_NUM = 2


def setup_inputs(seed: int = 0) -> dict:
    key = jax.random.key(seed)
    ks = jax.random.split(key, 40)
    s = 0.05
    inp = {}
    inp["x1"] = jax.random.normal(ks[0], (N, D), dtype=jnp.float32)
    inp["x2"] = jax.random.normal(ks[1], (N, D), dtype=jnp.float32)
    inp["edge_index1"] = jax.random.randint(ks[2], (2, E), 0, N, dtype=jnp.int32)
    inp["edge_index2"] = jax.random.randint(ks[3], (2, E), 0, N, dtype=jnp.int32)
    inp["edge_type1"] = jax.random.randint(ks[4], (E,), 0, NETYPES, dtype=jnp.int32)
    inp["edge_type2"] = jax.random.randint(ks[5], (E,), 0, NETYPES, dtype=jnp.int32)
    inp["Wemb1"] = jax.random.normal(ks[6], (D, D), dtype=jnp.float32) * s
    inp["bemb1"] = jnp.zeros((D,), dtype=jnp.float32)
    inp["Wemb2"] = jax.random.normal(ks[7], (D, D), dtype=jnp.float32) * s
    inp["bemb2"] = jnp.zeros((D,), dtype=jnp.float32)
    inp["We1"] = jax.random.normal(ks[8], (NETYPES, D, D), dtype=jnp.float32) * s
    inp["be1"] = jnp.zeros((NETYPES, D), dtype=jnp.float32)
    inp["We2"] = jax.random.normal(ks[9], (NETYPES, D, D), dtype=jnp.float32) * s
    inp["be2"] = jnp.zeros((NETYPES, D), dtype=jnp.float32)
    inp["Wih1"] = jax.random.normal(ks[10], (3 * D, D), dtype=jnp.float32) * s
    inp["Whh1"] = jax.random.normal(ks[11], (3 * D, D), dtype=jnp.float32) * s
    inp["bih1"] = jnp.zeros((3 * D,), dtype=jnp.float32)
    inp["bhh1"] = jnp.zeros((3 * D,), dtype=jnp.float32)
    inp["Wih2"] = jax.random.normal(ks[12], (3 * D, D), dtype=jnp.float32) * s
    inp["Whh2"] = jax.random.normal(ks[13], (3 * D, D), dtype=jnp.float32) * s
    inp["bih2"] = jnp.zeros((3 * D,), dtype=jnp.float32)
    inp["bhh2"] = jnp.zeros((3 * D,), dtype=jnp.float32)
    inp["gamma1"] = jnp.ones((2 * D,), dtype=jnp.float32)
    inp["beta1"] = jnp.zeros((2 * D,), dtype=jnp.float32)
    inp["gamma2"] = jnp.ones((2 * D,), dtype=jnp.float32)
    inp["beta2"] = jnp.zeros((2 * D,), dtype=jnp.float32)
    inp["Wf"] = jax.random.normal(ks[14], (CLASS_NUM, 4 * D), dtype=jnp.float32) * s
    inp["bf"] = jnp.zeros((CLASS_NUM,), dtype=jnp.float32)
    return inp


def _leaky(x):
    return jax.nn.leaky_relu(x, 0.01)


def _ggconv(h, src, dst, et, We, be, Wih, Whh, bih, bhh):
    # DGL GatedGraphConv: per-step typed linear transform + scatter-add + GRUCell update
    for _ in range(NSTEPS):
        a = jnp.zeros_like(h)
        for i in range(NETYPES):
            m = h @ We[i].T + be[i]
            mask = (et == i).astype(h.dtype)[:, None]
            a = a.at[dst].add(m[src] * mask)
        gi = a @ Wih.T + bih
        gh = h @ Whh.T + bhh
        i_r, i_z, i_n = jnp.split(gi, 3, axis=1)
        h_r, h_z, h_n = jnp.split(gh, 3, axis=1)
        r = jax.nn.sigmoid(i_r + h_r)
        z = jax.nn.sigmoid(i_z + h_z)
        n_t = jnp.tanh(i_n + r * h_n)
        h = (1.0 - z) * n_t + z * h
    return h


def _bn(x, g, b):
    # BatchNorm1d in training mode: batch statistics over the node dimension
    mu = jnp.mean(x, axis=0)
    var = jnp.var(x, axis=0)
    return (x - mu) / jnp.sqrt(var + 1e-5) * g + b


def _branch(x, src, dst, et, Wemb, bemb, We, be, Wih, Whh, bih, bhh, g, b):
    emb = x @ Wemb.T + bemb            # node embedding layer (linear projection)
    h = _leaky(_ggconv(emb, src, dst, et, We, be, Wih, Whh, bih, bhh))
    h = jnp.concatenate([h, emb], axis=-1)  # initial_representation=True
    h = _bn(h, g, b)
    # dropout is identity at inference
    return jnp.mean(h, axis=0, keepdims=True)  # graph_agg='mean' readout -> [1, 2D]


def reference(x1, x2, edge_index1, edge_index2, edge_type1, edge_type2, Wemb1, bemb1, Wemb2, bemb2, We1, be1, We2, be2, Wih1, Whh1, bih1, bhh1, Wih2, Whh2, bih2, bhh2, gamma1, beta1, gamma2, beta2, Wf, bf):
    m1 = _branch(x1, edge_index1[0], edge_index1[1], edge_type1, Wemb1, bemb1, We1, be1, Wih1, Whh1, bih1, bhh1, gamma1, beta1)
    m2 = _branch(x2, edge_index2[0], edge_index2[1], edge_type2, Wemb2, bemb2, We2, be2, Wih2, Whh2, bih2, bhh2, gamma2, beta2)
    feats = jnp.concatenate([m1, m2], axis=1)
    dense = _leaky(feats @ Wf.T + bf)
    return jax.nn.softmax(dense, axis=-1)

if __name__ == "__main__":
    import jax
    _d = setup_inputs()
    print(jax.jit(kernel)(*tuple(_d.values())))

</pallas_src>

<mosaic_0001>
#map = affine_map<(d0, d1) -> (0, 0)>
#map1 = affine_map<(d0, d1) -> (0, 0, 0)>
module attributes {stable_mosaic.version = 14 : i64} {
  func.func @_edge_body(%arg0: i32, %arg1: i32, %arg2: memref<40000x128xf32, #tpu.memory_space<hbm>>, %arg3: memref<32x79x128xi32, #tpu.memory_space<hbm>>, %arg4: memref<32x79x128xi32, #tpu.memory_space<hbm>>, %arg5: memref<10112x128xf32, #tpu.memory_space<hbm>>, %arg6: memref<2x10112x128xf32, #tpu.memory_space<hbm>>, %arg7: memref<79x128xi32, #tpu.memory_space<vmem>>, %arg8: memref<79x128xi32, #tpu.memory_space<vmem>>, %arg9: memref<128x128xf32, #tpu.memory_space<vmem>>, %arg10: memref<10112x128xf32, #tpu.memory_space<vmem_shared>>, %arg11: memref<!tpu.dma_semaphore, #tpu.memory_space<semaphore_mem>>) attributes {dimension_semantics = [#tpu.dimension_semantics<core_parallel>, #tpu.dimension_semantics<subcore_parallel>], iteration_bounds = array<i64: 2, 16>, scalar_prefetch = 0 : i64, scratch_operands = 5 : i64, tpu.core_type = #tpu.core_type<sc_vector_subcore>, window_params = [{transform_indices = #map}, {transform_indices = #map1}, {transform_indices = #map1}, {transform_indices = #map}, {transform_indices = #map1}]} {
    %mul3A = arith.constant 16 : i32
    %mul3A_0 = arith.muli %arg0, %mul3A : i32
    %add3A = arith.addi %mul3A_0, %arg1 : i32
    "tpu.region"() ({
      %run_scoped3A = tpu.sem_alloc : memref<!tpu.dma_semaphore, #tpu.memory_space<semaphore_mem>>
      %dma_start3A = arith.constant 0 : i32
      %dma_start3A_15 = arith.constant 0 : i32
      %dma_start3A_16 = tpu.memref_slice %arg3[%add3A, %dma_start3A, %dma_start3A_15] : memref<32x79x128xi32, #tpu.memory_space<hbm>> -> memref<1x79x128xi32, #tpu.memory_space<hbm>>
      %dma_start3A_17 = tpu.memref_squeeze %dma_start3A_16 : memref<1x79x128xi32, #tpu.memory_space<hbm>> -> memref<79x128xi32, #tpu.memory_space<hbm>>
      %dma_start3A_18 = arith.constant 0 : i32
      %dma_start3A_19 = arith.constant 0 : i32
      %dma_start3A_20 = tpu.memref_slice %arg3[%add3A, %dma_start3A_18, %dma_start3A_19] : memref<32x79x128xi32, #tpu.memory_space<hbm>> -> memref<1x79x128xi32, #tpu.memory_space<hbm>>
      %dma_start3A_21 = tpu.memref_squeeze %dma_start3A_20 : memref<1x79x128xi32, #tpu.memory_space<hbm>> -> memref<79x128xi32, #tpu.memory_space<hbm>>
      tpu.enqueue_dma source(%dma_start3A_21 : memref<79x128xi32, #tpu.memory_space<hbm>>) target(%arg7 : memref<79x128xi32, #tpu.memory_space<vmem>>) target_semaphore(%run_scoped3A : memref<!tpu.dma_semaphore, #tpu.memory_space<semaphore_mem>>)
      %dma_wait3A = arith.constant 0 : i32
      %dma_wait3A_22 = arith.constant 0 : i32
      %dma_wait3A_23 = tpu.memref_slice %arg3[%add3A, %dma_wait3A, %dma_wait3A_22] : memref<32x79x128xi32, #tpu.memory_space<hbm>> -> memref<1x79x128xi32, #tpu.memory_space<hbm>>
      %dma_wait3A_24 = tpu.memref_squeeze %dma_wait3A_23 : memref<1x79x128xi32, #tpu.memory_space<hbm>> -> memref<79x128xi32, #tpu.memory_space<hbm>>
      %dma_wait3A_25 = arith.constant 0 : i32
      %dma_wait3A_26 = arith.constant 0 : i32
      %dma_wait3A_27 = tpu.memref_slice %arg3[%add3A, %dma_wait3A_25, %dma_wait3A_26] : memref<32x79x128xi32, #tpu.memory_space<hbm>> -> memref<1x79x128xi32, #tpu.memory_space<hbm>>
      %dma_wait3A_28 = tpu.memref_squeeze %dma_wait3A_27 : memref<1x79x128xi32, #tpu.memory_space<hbm>> -> memref<79x128xi32, #tpu.memory_space<hbm>>
      tpu.wait_dma2 semaphore(%run_scoped3A : memref<!tpu.dma_semaphore, #tpu.memory_space<semaphore_mem>>) src(%dma_wait3A_28 : memref<79x128xi32, #tpu.memory_space<hbm>>) dst(%arg7 : memref<79x128xi32, #tpu.memory_space<vmem>>)
      tpu.yield
    }) : () -> ()
    "tpu.region"() ({
      %run_scoped3A = tpu.sem_alloc : memref<!tpu.dma_semaphore, #tpu.memory_space<semaphore_mem>>
      %dma_start3A = arith.constant 0 : i32
      %dma_start3A_15 = arith.constant 0 : i32
      %dma_start3A_16 = tpu.memref_slice %arg4[%add3A, %dma_start3A, %dma_start3A_15] : memref<32x79x128xi32, #tpu.memory_space<hbm>> -> memref<1x79x128xi32, #tpu.memory_space<hbm>>
      %dma_start3A_17 = tpu.memref_squeeze %dma_start3A_16 : memref<1x79x128xi32, #tpu.memory_space<hbm>> -> memref<79x128xi32, #tpu.memory_space<hbm>>
      %dma_start3A_18 = arith.constant 0 : i32
      %dma_start3A_19 = arith.constant 0 : i32
      %dma_start3A_20 = tpu.memref_slice %arg4[%add3A, %dma_start3A_18, %dma_start3A_19] : memref<32x79x128xi32, #tpu.memory_space<hbm>> -> memref<1x79x128xi32, #tpu.memory_space<hbm>>
      %dma_start3A_21 = tpu.memref_squeeze %dma_start3A_20 : memref<1x79x128xi32, #tpu.memory_space<hbm>> -> memref<79x128xi32, #tpu.memory_space<hbm>>
      tpu.enqueue_dma source(%dma_start3A_21 : memref<79x128xi32, #tpu.memory_space<hbm>>) target(%arg8 : memref<79x128xi32, #tpu.memory_space<vmem>>) target_semaphore(%run_scoped3A : memref<!tpu.dma_semaphore, #tpu.memory_space<semaphore_mem>>)
      %dma_wait3A = arith.constant 0 : i32
      %dma_wait3A_22 = arith.constant 0 : i32
      %dma_wait3A_23 = tpu.memref_slice %arg4[%add3A, %dma_wait3A, %dma_wait3A_22] : memref<32x79x128xi32, #tpu.memory_space<hbm>> -> memref<1x79x128xi32, #tpu.memory_space<hbm>>
      %dma_wait3A_24 = tpu.memref_squeeze %dma_wait3A_23 : memref<1x79x128xi32, #tpu.memory_space<hbm>> -> memref<79x128xi32, #tpu.memory_space<hbm>>
      %dma_wait3A_25 = arith.constant 0 : i32
      %dma_wait3A_26 = arith.constant 0 : i32
      %dma_wait3A_27 = tpu.memref_slice %arg4[%add3A, %dma_wait3A_25, %dma_wait3A_26] : memref<32x79x128xi32, #tpu.memory_space<hbm>> -> memref<1x79x128xi32, #tpu.memory_space<hbm>>
      %dma_wait3A_28 = tpu.memref_squeeze %dma_wait3A_27 : memref<1x79x128xi32, #tpu.memory_space<hbm>> -> memref<79x128xi32, #tpu.memory_space<hbm>>
      tpu.wait_dma2 semaphore(%run_scoped3A : memref<!tpu.dma_semaphore, #tpu.memory_space<semaphore_mem>>) src(%dma_wait3A_28 : memref<79x128xi32, #tpu.memory_space<hbm>>) dst(%arg8 : memref<79x128xi32, #tpu.memory_space<vmem>>)
      tpu.yield
    }) : () -> ()
    %mul3A_1 = arith.constant 632 : i32
    %mul3A_2 = arith.muli %arg1, %mul3A_1 : i32
    %mul3A_3 = arith.constant 632 : i32
    %mul3A_4 = arith.muli %arg1, %mul3A_3 : i32
    "tpu.region"() ({
      %run_scoped3A = tpu.sem_alloc : memref<!tpu.dma_semaphore, #tpu.memory_space<semaphore_mem>>
      %dma_start3A = arith.constant 0 : i32
      %dma_start3A_15 = tpu.memref_slice %arg10[%mul3A_4, %dma_start3A] : memref<10112x128xf32, #tpu.memory_space<vmem_shared>> -> memref<632x128xf32, #tpu.memory_space<vmem_shared>>
      %dma_start3A_16 = arith.constant 0 : i32
      %dma_start3A_17 = tpu.memref_slice %arg5[%mul3A_2, %dma_start3A_16] : memref<10112x128xf32, #tpu.memory_space<hbm>> -> memref<632x128xf32, #tpu.memory_space<hbm>>
      tpu.enqueue_dma source(%dma_start3A_17 : memref<632x128xf32, #tpu.memory_space<hbm>>) target(%dma_start3A_15 : memref<632x128xf32, #tpu.memory_space<vmem_shared>>) target_semaphore(%run_scoped3A : memref<!tpu.dma_semaphore, #tpu.memory_space<semaphore_mem>>)
      %dma_wait3A = arith.constant 0 : i32
      %dma_wait3A_18 = tpu.memref_slice %arg10[%mul3A_4, %dma_wait3A] : memref<10112x128xf32, #tpu.memory_space<vmem_shared>> -> memref<632x128xf32, #tpu.memory_space<vmem_shared>>
      %dma_wait3A_19 = arith.constant 0 : i32
      %dma_wait3A_20 = tpu.memref_slice %arg5[%mul3A_2, %dma_wait3A_19] : memref<10112x128xf32, #tpu.memory_space<hbm>> -> memref<632x128xf32, #tpu.memory_space<hbm>>
      tpu.wait_dma2 semaphore(%run_scoped3A : memref<!tpu.dma_semaphore, #tpu.memory_space<semaphore_mem>>) src(%dma_wait3A_20 : memref<632x128xf32, #tpu.memory_space<hbm>>) dst(%dma_wait3A_18 : memref<632x128xf32, #tpu.memory_space<vmem_shared>>)
      tpu.yield
    }) : () -> ()
    %barrier3A = arith.constant 0 : index
    tpu.barrier barrier_id(%barrier3A)
    %scan3A = arith.constant 0 : i32
    %scan3A_5 = arith.constant 0 : i32
    %scan3A_6 = arith.constant 79 : i32
    %scan3A_7 = arith.addi %scan3A_5, %scan3A_6 : i32
    %scan3A_8 = arith.constant 1 : i32
    scf.for %scan3A_15 = %scan3A_5 to %scan3A_7 step %scan3A_8  : i32 {
      %dma_start3A = arith.constant 0 : i32
      %dma_start3A_16 = tpu.memref_slice %arg7[%scan3A_15, %dma_start3A] : memref<79x128xi32, #tpu.memory_space<vmem>> -> memref<1x128xi32, #tpu.memory_space<vmem>>
      %dma_start3A_17 = tpu.memref_squeeze %dma_start3A_16 : memref<1x128xi32, #tpu.memory_space<vmem>> -> memref<128xi32, #tpu.memory_space<vmem>>
      %dma_start3A_18 = arith.constant 0 : i32
      %dma_start3A_19 = arith.constant 0 : i32
      %dma_start3A_20 = tpu.memref_slice %arg2[%dma_start3A_18, %dma_start3A_19] : memref<40000x128xf32, #tpu.memory_space<hbm>> -> memref<40000x128xf32, #tpu.memory_space<hbm>>
      tpu.enqueue_indirect_dma source(%dma_start3A_20 : memref<40000x128xf32, #tpu.memory_space<hbm>>) target(%arg9 : memref<128x128xf32, #tpu.memory_space<vmem>>) offsets(%dma_start3A_17 : memref<128xi32, #tpu.memory_space<vmem>>) semaphore(%arg11 : memref<!tpu.dma_semaphore, #tpu.memory_space<semaphore_mem>>)
      %dma_wait3A = arith.constant 0 : i32
      %dma_wait3A_21 = tpu.memref_slice %arg7[%scan3A_15, %dma_wait3A] : memref<79x128xi32, #tpu.memory_space<vmem>> -> memref<1x128xi32, #tpu.memory_space<vmem>>
      %dma_wait3A_22 = tpu.memref_squeeze %dma_wait3A_21 : memref<1x128xi32, #tpu.memory_space<vmem>> -> memref<128xi32, #tpu.memory_space<vmem>>
      %dma_wait3A_23 = arith.constant 0 : i32
      %dma_wait3A_24 = arith.constant 0 : i32
      %dma_wait3A_25 = tpu.memref_slice %arg2[%dma_wait3A_23, %dma_wait3A_24] : memref<40000x128xf32, #tpu.memory_space<hbm>> -> memref<40000x128xf32, #tpu.memory_space<hbm>>
      tpu.wait_indirect_dma semaphore(%arg11 : memref<!tpu.dma_semaphore, #tpu.memory_space<semaphore_mem>>) src(%dma_wait3A_25 : memref<40000x128xf32, #tpu.memory_space<hbm>>) dst(%arg9 : memref<128x128xf32, #tpu.memory_space<vmem>>)
      "tpu.region"() ({
        %run_scoped3A = tpu.sem_alloc : memref<!tpu.dma_semaphore, #tpu.memory_space<semaphore_mem>>
        %dma_start3A_26 = arith.constant 0 : i32
        %dma_start3A_27 = tpu.memref_slice %arg8[%scan3A_15, %dma_start3A_26] : memref<79x128xi32, #tpu.memory_space<vmem>> -> memref<1x128xi32, #tpu.memory_space<vmem>>
        %dma_start3A_28 = tpu.memref_squeeze %dma_start3A_27 : memref<1x128xi32, #tpu.memory_space<vmem>> -> memref<128xi32, #tpu.memory_space<vmem>>
        %dma_start3A_29 = arith.constant 0 : i32
        %dma_start3A_30 = arith.constant 0 : i32
        %dma_start3A_31 = tpu.memref_slice %arg10[%dma_start3A_29, %dma_start3A_30] : memref<10112x128xf32, #tpu.memory_space<vmem_shared>> -> memref<10112x128xf32, #tpu.memory_space<vmem_shared>>
        tpu.enqueue_indirect_dma source(%arg9 : memref<128x128xf32, #tpu.memory_space<vmem>>) target(%dma_start3A_31 : memref<10112x128xf32, #tpu.memory_space<vmem_shared>>) offsets(%dma_start3A_28 : memref<128xi32, #tpu.memory_space<vmem>>) semaphore(%run_scoped3A : memref<!tpu.dma_semaphore, #tpu.memory_space<semaphore_mem>>) {add = true}
        %dma_wait3A_32 = arith.constant 0 : i32
        %dma_wait3A_33 = tpu.memref_slice %arg8[%scan3A_15, %dma_wait3A_32] : memref<79x128xi32, #tpu.memory_space<vmem>> -> memref<1x128xi32, #tpu.memory_space<vmem>>
        %dma_wait3A_34 = tpu.memref_squeeze %dma_wait3A_33 : memref<1x128xi32, #tpu.memory_space<vmem>> -> memref<128xi32, #tpu.memory_space<vmem>>
        %dma_wait3A_35 = arith.constant 0 : i32
        %dma_wait3A_36 = arith.constant 0 : i32
        %dma_wait3A_37 = tpu.memref_slice %arg10[%dma_wait3A_35, %dma_wait3A_36] : memref<10112x128xf32, #tpu.memory_space<vmem_shared>> -> memref<10112x128xf32, #tpu.memory_space<vmem_shared>>
        tpu.wait_indirect_dma semaphore(%run_scoped3A : memref<!tpu.dma_semaphore, #tpu.memory_space<semaphore_mem>>) src(%arg9 : memref<128x128xf32, #tpu.memory_space<vmem>>) dst(%dma_wait3A_37 : memref<10112x128xf32, #tpu.memory_space<vmem_shared>>)
        tpu.yield
      }) : () -> ()
    }
    %scan3A_9 = arith.constant 79 : i32
    %barrier3A_10 = arith.constant 0 : index
    tpu.barrier barrier_id(%barrier3A_10)
    %mul3A_11 = arith.constant 632 : i32
    %mul3A_12 = arith.muli %arg1, %mul3A_11 : i32
    %mul3A_13 = arith.constant 632 : i32
    %mul3A_14 = arith.muli %arg1, %mul3A_13 : i32
    "tpu.region"() ({
      %run_scoped3A = tpu.sem_alloc : memref<!tpu.dma_semaphore, #tpu.memory_space<semaphore_mem>>
      %dma_start3A = arith.constant 0 : i32
      %dma_start3A_15 = tpu.memref_slice %arg6[%arg0, %mul3A_14, %dma_start3A] : memref<2x10112x128xf32, #tpu.memory_space<hbm>> -> memref<1x632x128xf32, #tpu.memory_space<hbm>>
      %dma_start3A_16 = tpu.memref_squeeze %dma_start3A_15 : memref<1x632x128xf32, #tpu.memory_space<hbm>> -> memref<632x128xf32, #tpu.memory_space<hbm>>
      %dma_start3A_17 = arith.constant 0 : i32
      %dma_start3A_18 = tpu.memref_slice %arg10[%mul3A_12, %dma_start3A_17] : memref<10112x128xf32, #tpu.memory_space<vmem_shared>> -> memref<632x128xf32, #tpu.memory_space<vmem_shared>>
      tpu.enqueue_dma source(%dma_start3A_18 : memref<632x128xf32, #tpu.memory_space<vmem_shared>>) target(%dma_start3A_16 : memref<632x128xf32, #tpu.memory_space<hbm>>) target_semaphore(%run_scoped3A : memref<!tpu.dma_semaphore, #tpu.memory_space<semaphore_mem>>)
      %dma_wait3A = arith.constant 0 : i32
      %dma_wait3A_19 = tpu.memref_slice %arg6[%arg0, %mul3A_14, %dma_wait3A] : memref<2x10112x128xf32, #tpu.memory_space<hbm>> -> memref<1x632x128xf32, #tpu.memory_space<hbm>>
      %dma_wait3A_20 = tpu.memref_squeeze %dma_wait3A_19 : memref<1x632x128xf32, #tpu.memory_space<hbm>> -> memref<632x128xf32, #tpu.memory_space<hbm>>
      %dma_wait3A_21 = arith.constant 0 : i32
      %dma_wait3A_22 = tpu.memref_slice %arg10[%mul3A_12, %dma_wait3A_21] : memref<10112x128xf32, #tpu.memory_space<vmem_shared>> -> memref<632x128xf32, #tpu.memory_space<vmem_shared>>
      tpu.wait_dma2 semaphore(%run_scoped3A : memref<!tpu.dma_semaphore, #tpu.memory_space<semaphore_mem>>) src(%dma_wait3A_22 : memref<632x128xf32, #tpu.memory_space<vmem_shared>>) dst(%dma_wait3A_20 : memref<632x128xf32, #tpu.memory_space<hbm>>)
      tpu.yield
    }) : () -> ()
    return
  }
}

#map = affine_map<(d0, d1) -> (0, 0)>
#map1 = affine_map<(d0, d1) -> (0, 0, 0)>
module attributes {stable_mosaic.version = 14 : i64} {
  func.func @_edge_body(%arg0: i32, %arg1: i32, %arg2: memref<40000x128xf32, #tpu.memory_space<hbm>>, %arg3: memref<32x79x128xi32, #tpu.memory_space<hbm>>, %arg4: memref<32x79x128xi32, #tpu.memory_space<hbm>>, %arg5: memref<10112x128xf32, #tpu.memory_space<hbm>>, %arg6: memref<2x10112x128xf32, #tpu.memory_space<hbm>>, %arg7: memref<79x128xi32, #tpu.memory_space<vmem>>, %arg8: memref<79x128xi32, #tpu.memory_space<vmem>>, %arg9: memref<128x128xf32, #tpu.memory_space<vmem>>, %arg10: memref<10112x128xf32, #tpu.memory_space<vmem_shared>>, %arg11: memref<!tpu.dma_semaphore, #tpu.memory_space<semaphore_mem>>) attributes {dimension_semantics = [#tpu.dimension_semantics<core_parallel>, #tpu.dimension_semantics<subcore_parallel>], iteration_bounds = array<i64: 2, 16>, scalar_prefetch = 0 : i64, scratch_operands = 5 : i64, tpu.core_type = #tpu.core_type<sc_vector_subcore>, window_params = [{transform_indices = #map}, {transform_indices = #map1}, {transform_indices = #map1}, {transform_indices = #map}, {transform_indices = #map1}]} {
    %mul3A = arith.constant 16 : i32
    %mul3A_0 = arith.muli %arg0, %mul3A : i32
    %add3A = arith.addi %mul3A_0, %arg1 : i32
    "tpu.region"() ({
      %run_scoped3A = tpu.sem_alloc : memref<!tpu.dma_semaphore, #tpu.memory_space<semaphore_mem>>
      %dma_start3A = arith.constant 0 : i32
      %dma_start3A_15 = arith.constant 0 : i32
      %dma_start3A_16 = tpu.memref_slice %arg3[%add3A, %dma_start3A, %dma_start3A_15] : memref<32x79x128xi32, #tpu.memory_space<hbm>> -> memref<1x79x128xi32, #tpu.memory_space<hbm>>
      %dma_start3A_17 = tpu.memref_squeeze %dma_start3A_16 : memref<1x79x128xi32, #tpu.memory_space<hbm>> -> memref<79x128xi32, #tpu.memory_space<hbm>>
      %dma_start3A_18 = arith.constant 0 : i32
      %dma_start3A_19 = arith.constant 0 : i32
      %dma_start3A_20 = tpu.memref_slice %arg3[%add3A, %dma_start3A_18, %dma_start3A_19] : memref<32x79x128xi32, #tpu.memory_space<hbm>> -> memref<1x79x128xi32, #tpu.memory_space<hbm>>
      %dma_start3A_21 = tpu.memref_squeeze %dma_start3A_20 : memref<1x79x128xi32, #tpu.memory_space<hbm>> -> memref<79x128xi32, #tpu.memory_space<hbm>>
      tpu.enqueue_dma source(%dma_start3A_21 : memref<79x128xi32, #tpu.memory_space<hbm>>) target(%arg7 : memref<79x128xi32, #tpu.memory_space<vmem>>) target_semaphore(%run_scoped3A : memref<!tpu.dma_semaphore, #tpu.memory_space<semaphore_mem>>)
      %dma_wait3A = arith.constant 0 : i32
      %dma_wait3A_22 = arith.constant 0 : i32
      %dma_wait3A_23 = tpu.memref_slice %arg3[%add3A, %dma_wait3A, %dma_wait3A_22] : memref<32x79x128xi32, #tpu.memory_space<hbm>> -> memref<1x79x128xi32, #tpu.memory_space<hbm>>
      %dma_wait3A_24 = tpu.memref_squeeze %dma_wait3A_23 : memref<1x79x128xi32, #tpu.memory_space<hbm>> -> memref<79x128xi32, #tpu.memory_space<hbm>>
      %dma_wait3A_25 = arith.constant 0 : i32
      %dma_wait3A_26 = arith.constant 0 : i32
      %dma_wait3A_27 = tpu.memref_slice %arg3[%add3A, %dma_wait3A_25, %dma_wait3A_26] : memref<32x79x128xi32, #tpu.memory_space<hbm>> -> memref<1x79x128xi32, #tpu.memory_space<hbm>>
      %dma_wait3A_28 = tpu.memref_squeeze %dma_wait3A_27 : memref<1x79x128xi32, #tpu.memory_space<hbm>> -> memref<79x128xi32, #tpu.memory_space<hbm>>
      tpu.wait_dma2 semaphore(%run_scoped3A : memref<!tpu.dma_semaphore, #tpu.memory_space<semaphore_mem>>) src(%dma_wait3A_28 : memref<79x128xi32, #tpu.memory_space<hbm>>) dst(%arg7 : memref<79x128xi32, #tpu.memory_space<vmem>>)
      tpu.yield
    }) : () -> ()
    "tpu.region"() ({
      %run_scoped3A = tpu.sem_alloc : memref<!tpu.dma_semaphore, #tpu.memory_space<semaphore_mem>>
      %dma_start3A = arith.constant 0 : i32
      %dma_start3A_15 = arith.constant 0 : i32
      %dma_start3A_16 = tpu.memref_slice %arg4[%add3A, %dma_start3A, %dma_start3A_15] : memref<32x79x128xi32, #tpu.memory_space<hbm>> -> memref<1x79x128xi32, #tpu.memory_space<hbm>>
      %dma_start3A_17 = tpu.memref_squeeze %dma_start3A_16 : memref<1x79x128xi32, #tpu.memory_space<hbm>> -> memref<79x128xi32, #tpu.memory_space<hbm>>
      %dma_start3A_18 = arith.constant 0 : i32
      %dma_start3A_19 = arith.constant 0 : i32
      %dma_start3A_20 = tpu.memref_slice %arg4[%add3A, %dma_start3A_18, %dma_start3A_19] : memref<32x79x128xi32, #tpu.memory_space<hbm>> -> memref<1x79x128xi32, #tpu.memory_space<hbm>>
      %dma_start3A_21 = tpu.memref_squeeze %dma_start3A_20 : memref<1x79x128xi32, #tpu.memory_space<hbm>> -> memref<79x128xi32, #tpu.memory_space<hbm>>
      tpu.enqueue_dma source(%dma_start3A_21 : memref<79x128xi32, #tpu.memory_space<hbm>>) target(%arg8 : memref<79x128xi32, #tpu.memory_space<vmem>>) target_semaphore(%run_scoped3A : memref<!tpu.dma_semaphore, #tpu.memory_space<semaphore_mem>>)
      %dma_wait3A = arith.constant 0 : i32
      %dma_wait3A_22 = arith.constant 0 : i32
      %dma_wait3A_23 = tpu.memref_slice %arg4[%add3A, %dma_wait3A, %dma_wait3A_22] : memref<32x79x128xi32, #tpu.memory_space<hbm>> -> memref<1x79x128xi32, #tpu.memory_space<hbm>>
      %dma_wait3A_24 = tpu.memref_squeeze %dma_wait3A_23 : memref<1x79x128xi32, #tpu.memory_space<hbm>> -> memref<79x128xi32, #tpu.memory_space<hbm>>
      %dma_wait3A_25 = arith.constant 0 : i32
      %dma_wait3A_26 = arith.constant 0 : i32
      %dma_wait3A_27 = tpu.memref_slice %arg4[%add3A, %dma_wait3A_25, %dma_wait3A_26] : memref<32x79x128xi32, #tpu.memory_space<hbm>> -> memref<1x79x128xi32, #tpu.memory_space<hbm>>
      %dma_wait3A_28 = tpu.memref_squeeze %dma_wait3A_27 : memref<1x79x128xi32, #tpu.memory_space<hbm>> -> memref<79x128xi32, #tpu.memory_space<hbm>>
      tpu.wait_dma2 semaphore(%run_scoped3A : memref<!tpu.dma_semaphore, #tpu.memory_space<semaphore_mem>>) src(%dma_wait3A_28 : memref<79x128xi32, #tpu.memory_space<hbm>>) dst(%arg8 : memref<79x128xi32, #tpu.memory_space<vmem>>)
      tpu.yield
    }) : () -> ()
    %mul3A_1 = arith.constant 632 : i32
    %mul3A_2 = arith.muli %arg1, %mul3A_1 : i32
    %mul3A_3 = arith.constant 632 : i32
    %mul3A_4 = arith.muli %arg1, %mul3A_3 : i32
    "tpu.region"() ({
      %run_scoped3A = tpu.sem_alloc : memref<!tpu.dma_semaphore, #tpu.memory_space<semaphore_mem>>
      %dma_start3A = arith.constant 0 : i32
      %dma_start3A_15 = tpu.memref_slice %arg10[%mul3A_4, %dma_start3A] : memref<10112x128xf32, #tpu.memory_space<vmem_shared>> -> memref<632x128xf32, #tpu.memory_space<vmem_shared>>
      %dma_start3A_16 = arith.constant 0 : i32
      %dma_start3A_17 = tpu.memref_slice %arg5[%mul3A_2, %dma_start3A_16] : memref<10112x128xf32, #tpu.memory_space<hbm>> -> memref<632x128xf32, #tpu.memory_space<hbm>>
      tpu.enqueue_dma source(%dma_start3A_17 : memref<632x128xf32, #tpu.memory_space<hbm>>) target(%dma_start3A_15 : memref<632x128xf32, #tpu.memory_space<vmem_shared>>) target_semaphore(%run_scoped3A : memref<!tpu.dma_semaphore, #tpu.memory_space<semaphore_mem>>)
      %dma_wait3A = arith.constant 0 : i32
      %dma_wait3A_18 = tpu.memref_slice %arg10[%mul3A_4, %dma_wait3A] : memref<10112x128xf32, #tpu.memory_space<vmem_shared>> -> memref<632x128xf32, #tpu.memory_space<vmem_shared>>
      %dma_wait3A_19 = arith.constant 0 : i32
      %dma_wait3A_20 = tpu.memref_slice %arg5[%mul3A_2, %dma_wait3A_19] : memref<10112x128xf32, #tpu.memory_space<hbm>> -> memref<632x128xf32, #tpu.memory_space<hbm>>
      tpu.wait_dma2 semaphore(%run_scoped3A : memref<!tpu.dma_semaphore, #tpu.memory_space<semaphore_mem>>) src(%dma_wait3A_20 : memref<632x128xf32, #tpu.memory_space<hbm>>) dst(%dma_wait3A_18 : memref<632x128xf32, #tpu.memory_space<vmem_shared>>)
      tpu.yield
    }) : () -> ()
    %barrier3A = arith.constant 0 : index
    tpu.barrier barrier_id(%barrier3A)
    %scan3A = arith.constant 0 : i32
    %scan3A_5 = arith.constant 0 : i32
    %scan3A_6 = arith.constant 79 : i32
    %scan3A_7 = arith.addi %scan3A_5, %scan3A_6 : i32
    %scan3A_8 = arith.constant 1 : i32
    scf.for %scan3A_15 = %scan3A_5 to %scan3A_7 step %scan3A_8  : i32 {
      %dma_start3A = arith.constant 0 : i32
      %dma_start3A_16 = tpu.memref_slice %arg7[%scan3A_15, %dma_start3A] : memref<79x128xi32, #tpu.memory_space<vmem>> -> memref<1x128xi32, #tpu.memory_space<vmem>>
      %dma_start3A_17 = tpu.memref_squeeze %dma_start3A_16 : memref<1x128xi32, #tpu.memory_space<vmem>> -> memref<128xi32, #tpu.memory_space<vmem>>
      %dma_start3A_18 = arith.constant 0 : i32
      %dma_start3A_19 = arith.constant 0 : i32
      %dma_start3A_20 = tpu.memref_slice %arg2[%dma_start3A_18, %dma_start3A_19] : memref<40000x128xf32, #tpu.memory_space<hbm>> -> memref<40000x128xf32, #tpu.memory_space<hbm>>
      tpu.enqueue_indirect_dma source(%dma_start3A_20 : memref<40000x128xf32, #tpu.memory_space<hbm>>) target(%arg9 : memref<128x128xf32, #tpu.memory_space<vmem>>) offsets(%dma_start3A_17 : memref<128xi32, #tpu.memory_space<vmem>>) semaphore(%arg11 : memref<!tpu.dma_semaphore, #tpu.memory_space<semaphore_mem>>)
      %dma_wait3A = arith.constant 0 : i32
      %dma_wait3A_21 = tpu.memref_slice %arg7[%scan3A_15, %dma_wait3A] : memref<79x128xi32, #tpu.memory_space<vmem>> -> memref<1x128xi32, #tpu.memory_space<vmem>>
      %dma_wait3A_22 = tpu.memref_squeeze %dma_wait3A_21 : memref<1x128xi32, #tpu.memory_space<vmem>> -> memref<128xi32, #tpu.memory_space<vmem>>
      %dma_wait3A_23 = arith.constant 0 : i32
      %dma_wait3A_24 = arith.constant 0 : i32
      %dma_wait3A_25 = tpu.memref_slice %arg2[%dma_wait3A_23, %dma_wait3A_24] : memref<40000x128xf32, #tpu.memory_space<hbm>> -> memref<40000x128xf32, #tpu.memory_space<hbm>>
      tpu.wait_indirect_dma semaphore(%arg11 : memref<!tpu.dma_semaphore, #tpu.memory_space<semaphore_mem>>) src(%dma_wait3A_25 : memref<40000x128xf32, #tpu.memory_space<hbm>>) dst(%arg9 : memref<128x128xf32, #tpu.memory_space<vmem>>)
      "tpu.region"() ({
        %run_scoped3A = tpu.sem_alloc : memref<!tpu.dma_semaphore, #tpu.memory_space<semaphore_mem>>
        %dma_start3A_26 = arith.constant 0 : i32
        %dma_start3A_27 = tpu.memref_slice %arg8[%scan3A_15, %dma_start3A_26] : memref<79x128xi32, #tpu.memory_space<vmem>> -> memref<1x128xi32, #tpu.memory_space<vmem>>
        %dma_start3A_28 = tpu.memref_squeeze %dma_start3A_27 : memref<1x128xi32, #tpu.memory_space<vmem>> -> memref<128xi32, #tpu.memory_space<vmem>>
        %dma_start3A_29 = arith.constant 0 : i32
        %dma_start3A_30 = arith.constant 0 : i32
        %dma_start3A_31 = tpu.memref_slice %arg10[%dma_start3A_29, %dma_start3A_30] : memref<10112x128xf32, #tpu.memory_space<vmem_shared>> -> memref<10112x128xf32, #tpu.memory_space<vmem_shared>>
        tpu.enqueue_indirect_dma source(%arg9 : memref<128x128xf32, #tpu.memory_space<vmem>>) target(%dma_start3A_31 : memref<10112x128xf32, #tpu.memory_space<vmem_shared>>) offsets(%dma_start3A_28 : memref<128xi32, #tpu.memory_space<vmem>>) semaphore(%run_scoped3A : memref<!tpu.dma_semaphore, #tpu.memory_space<semaphore_mem>>) {add = true}
        %dma_wait3A_32 = arith.constant 0 : i32
        %dma_wait3A_33 = tpu.memref_slice %arg8[%scan3A_15, %dma_wait3A_32] : memref<79x128xi32, #tpu.memory_space<vmem>> -> memref<1x128xi32, #tpu.memory_space<vmem>>
        %dma_wait3A_34 = tpu.memref_squeeze %dma_wait3A_33 : memref<1x128xi32, #tpu.memory_space<vmem>> -> memref<128xi32, #tpu.memory_space<vmem>>
        %dma_wait3A_35 = arith.constant 0 : i32
        %dma_wait3A_36 = arith.constant 0 : i32
        %dma_wait3A_37 = tpu.memref_slice %arg10[%dma_wait3A_35, %dma_wait3A_36] : memref<10112x128xf32, #tpu.memory_space<vmem_shared>> -> memref<10112x128xf32, #tpu.memory_space<vmem_shared>>
        tpu.wait_indirect_dma semaphore(%run_scoped3A : memref<!tpu.dma_semaphore, #tpu.memory_space<semaphore_mem>>) src(%arg9 : memref<128x128xf32, #tpu.memory_space<vmem>>) dst(%dma_wait3A_37 : memref<10112x128xf32, #tpu.memory_space<vmem_shared>>)
        tpu.yield
      }) : () -> ()
    }
    %scan3A_9 = arith.constant 79 : i32
    %barrier3A_10 = arith.constant 0 : index
    tpu.barrier barrier_id(%barrier3A_10)
    %mul3A_11 = arith.constant 632 : i32
    %mul3A_12 = arith.muli %arg1, %mul3A_11 : i32
    %mul3A_13 = arith.constant 632 : i32
    %mul3A_14 = arith.muli %arg1, %mul3A_13 : i32
    "tpu.region"() ({
      %run_scoped3A = tpu.sem_alloc : memref<!tpu.dma_semaphore, #tpu.memory_space<semaphore_mem>>
      %dma_start3A = arith.constant 0 : i32
      %dma_start3A_15 = tpu.memref_slice %arg6[%arg0, %mul3A_14, %dma_start3A] : memref<2x10112x128xf32, #tpu.memory_space<hbm>> -> memref<1x632x128xf32, #tpu.memory_space<hbm>>
      %dma_start3A_16 = tpu.memref_squeeze %dma_start3A_15 : memref<1x632x128xf32, #tpu.memory_space<hbm>> -> memref<632x128xf32, #tpu.memory_space<hbm>>
      %dma_start3A_17 = arith.constant 0 : i32
      %dma_start3A_18 = tpu.memref_slice %arg10[%mul3A_12, %dma_start3A_17] : memref<10112x128xf32, #tpu.memory_space<vmem_shared>> -> memref<632x128xf32, #tpu.memory_space<vmem_shared>>
      tpu.enqueue_dma source(%dma_start3A_18 : memref<632x128xf32, #tpu.memory_space<vmem_shared>>) target(%dma_start3A_16 : memref<632x128xf32, #tpu.memory_space<hbm>>) target_semaphore(%run_scoped3A : memref<!tpu.dma_semaphore, #tpu.memory_space<semaphore_mem>>)
      %dma_wait3A = arith.constant 0 : i32
      %dma_wait3A_19 = tpu.memref_slice %arg6[%arg0, %mul3A_14, %dma_wait3A] : memref<2x10112x128xf32, #tpu.memory_space<hbm>> -> memref<1x632x128xf32, #tpu.memory_space<hbm>>
      %dma_wait3A_20 = tpu.memref_squeeze %dma_wait3A_19 : memref<1x632x128xf32, #tpu.memory_space<hbm>> -> memref<632x128xf32, #tpu.memory_space<hbm>>
      %dma_wait3A_21 = arith.constant 0 : i32
      %dma_wait3A_22 = tpu.memref_slice %arg10[%mul3A_12, %dma_wait3A_21] : memref<10112x128xf32, #tpu.memory_space<vmem_shared>> -> memref<632x128xf32, #tpu.memory_space<vmem_shared>>
      tpu.wait_dma2 semaphore(%run_scoped3A : memref<!tpu.dma_semaphore, #tpu.memory_space<semaphore_mem>>) src(%dma_wait3A_22 : memref<632x128xf32, #tpu.memory_space<vmem_shared>>) dst(%dma_wait3A_20 : memref<632x128xf32, #tpu.memory_space<hbm>>)
      tpu.yield
    }) : () -> ()
    return
  }
}

#map = affine_map<(d0, d1) -> (0, 0)>
#map1 = affine_map<(d0, d1) -> (0, 0, 0)>
module attributes {stable_mosaic.version = 14 : i64} {
  func.func @_edge_body(%arg0: i32, %arg1: i32, %arg2: memref<40000x128xf32, #tpu.memory_space<hbm>>, %arg3: memref<32x79x128xi32, #tpu.memory_space<hbm>>, %arg4: memref<32x79x128xi32, #tpu.memory_space<hbm>>, %arg5: memref<10112x128xf32, #tpu.memory_space<hbm>>, %arg6: memref<2x10112x128xf32, #tpu.memory_space<hbm>>, %arg7: memref<79x128xi32, #tpu.memory_space<vmem>>, %arg8: memref<79x128xi32, #tpu.memory_space<vmem>>, %arg9: memref<128x128xf32, #tpu.memory_space<vmem>>, %arg10: memref<10112x128xf32, #tpu.memory_space<vmem_shared>>, %arg11: memref<!tpu.dma_semaphore, #tpu.memory_space<semaphore_mem>>) attributes {dimension_semantics = [#tpu.dimension_semantics<core_parallel>, #tpu.dimension_semantics<subcore_parallel>], iteration_bounds = array<i64: 2, 16>, scalar_prefetch = 0 : i64, scratch_operands = 5 : i64, tpu.core_type = #tpu.core_type<sc_vector_subcore>, window_params = [{transform_indices = #map}, {transform_indices = #map1}, {transform_indices = #map1}, {transform_indices = #map}, {transform_indices = #map1}]} {
    %mul3A = arith.constant 16 : i32
    %mul3A_0 = arith.muli %arg0, %mul3A : i32
    %add3A = arith.addi %mul3A_0, %arg1 : i32
    "tpu.region"() ({
      %run_scoped3A = tpu.sem_alloc : memref<!tpu.dma_semaphore, #tpu.memory_space<semaphore_mem>>
      %dma_start3A = arith.constant 0 : i32
      %dma_start3A_15 = arith.constant 0 : i32
      %dma_start3A_16 = tpu.memref_slice %arg3[%add3A, %dma_start3A, %dma_start3A_15] : memref<32x79x128xi32, #tpu.memory_space<hbm>> -> memref<1x79x128xi32, #tpu.memory_space<hbm>>
      %dma_start3A_17 = tpu.memref_squeeze %dma_start3A_16 : memref<1x79x128xi32, #tpu.memory_space<hbm>> -> memref<79x128xi32, #tpu.memory_space<hbm>>
      %dma_start3A_18 = arith.constant 0 : i32
      %dma_start3A_19 = arith.constant 0 : i32
      %dma_start3A_20 = tpu.memref_slice %arg3[%add3A, %dma_start3A_18, %dma_start3A_19] : memref<32x79x128xi32, #tpu.memory_space<hbm>> -> memref<1x79x128xi32, #tpu.memory_space<hbm>>
      %dma_start3A_21 = tpu.memref_squeeze %dma_start3A_20 : memref<1x79x128xi32, #tpu.memory_space<hbm>> -> memref<79x128xi32, #tpu.memory_space<hbm>>
      tpu.enqueue_dma source(%dma_start3A_21 : memref<79x128xi32, #tpu.memory_space<hbm>>) target(%arg7 : memref<79x128xi32, #tpu.memory_space<vmem>>) target_semaphore(%run_scoped3A : memref<!tpu.dma_semaphore, #tpu.memory_space<semaphore_mem>>)
      %dma_wait3A = arith.constant 0 : i32
      %dma_wait3A_22 = arith.constant 0 : i32
      %dma_wait3A_23 = tpu.memref_slice %arg3[%add3A, %dma_wait3A, %dma_wait3A_22] : memref<32x79x128xi32, #tpu.memory_space<hbm>> -> memref<1x79x128xi32, #tpu.memory_space<hbm>>
      %dma_wait3A_24 = tpu.memref_squeeze %dma_wait3A_23 : memref<1x79x128xi32, #tpu.memory_space<hbm>> -> memref<79x128xi32, #tpu.memory_space<hbm>>
      %dma_wait3A_25 = arith.constant 0 : i32
      %dma_wait3A_26 = arith.constant 0 : i32
      %dma_wait3A_27 = tpu.memref_slice %arg3[%add3A, %dma_wait3A_25, %dma_wait3A_26] : memref<32x79x128xi32, #tpu.memory_space<hbm>> -> memref<1x79x128xi32, #tpu.memory_space<hbm>>
      %dma_wait3A_28 = tpu.memref_squeeze %dma_wait3A_27 : memref<1x79x128xi32, #tpu.memory_space<hbm>> -> memref<79x128xi32, #tpu.memory_space<hbm>>
      tpu.wait_dma2 semaphore(%run_scoped3A : memref<!tpu.dma_semaphore, #tpu.memory_space<semaphore_mem>>) src(%dma_wait3A_28 : memref<79x128xi32, #tpu.memory_space<hbm>>) dst(%arg7 : memref<79x128xi32, #tpu.memory_space<vmem>>)
      tpu.yield
    }) : () -> ()
    "tpu.region"() ({
      %run_scoped3A = tpu.sem_alloc : memref<!tpu.dma_semaphore, #tpu.memory_space<semaphore_mem>>
      %dma_start3A = arith.constant 0 : i32
      %dma_start3A_15 = arith.constant 0 : i32
      %dma_start3A_16 = tpu.memref_slice %arg4[%add3A, %dma_start3A, %dma_start3A_15] : memref<32x79x128xi32, #tpu.memory_space<hbm>> -> memref<1x79x128xi32, #tpu.memory_space<hbm>>
      %dma_start3A_17 = tpu.memref_squeeze %dma_start3A_16 : memref<1x79x128xi32, #tpu.memory_space<hbm>> -> memref<79x128xi32, #tpu.memory_space<hbm>>
      %dma_start3A_18 = arith.constant 0 : i32
      %dma_start3A_19 = arith.constant 0 : i32
      %dma_start3A_20 = tpu.memref_slice %arg4[%add3A, %dma_start3A_18, %dma_start3A_19] : memref<32x79x128xi32, #tpu.memory_space<hbm>> -> memref<1x79x128xi32, #tpu.memory_space<hbm>>
      %dma_start3A_21 = tpu.memref_squeeze %dma_start3A_20 : memref<1x79x128xi32, #tpu.memory_space<hbm>> -> memref<79x128xi32, #tpu.memory_space<hbm>>
      tpu.enqueue_dma source(%dma_start3A_21 : memref<79x128xi32, #tpu.memory_space<hbm>>) target(%arg8 : memref<79x128xi32, #tpu.memory_space<vmem>>) target_semaphore(%run_scoped3A : memref<!tpu.dma_semaphore, #tpu.memory_space<semaphore_mem>>)
      %dma_wait3A = arith.constant 0 : i32
      %dma_wait3A_22 = arith.constant 0 : i32
      %dma_wait3A_23 = tpu.memref_slice %arg4[%add3A, %dma_wait3A, %dma_wait3A_22] : memref<32x79x128xi32, #tpu.memory_space<hbm>> -> memref<1x79x128xi32, #tpu.memory_space<hbm>>
      %dma_wait3A_24 = tpu.memref_squeeze %dma_wait3A_23 : memref<1x79x128xi32, #tpu.memory_space<hbm>> -> memref<79x128xi32, #tpu.memory_space<hbm>>
      %dma_wait3A_25 = arith.constant 0 : i32
      %dma_wait3A_26 = arith.constant 0 : i32
      %dma_wait3A_27 = tpu.memref_slice %arg4[%add3A, %dma_wait3A_25, %dma_wait3A_26] : memref<32x79x128xi32, #tpu.memory_space<hbm>> -> memref<1x79x128xi32, #tpu.memory_space<hbm>>
      %dma_wait3A_28 = tpu.memref_squeeze %dma_wait3A_27 : memref<1x79x128xi32, #tpu.memory_space<hbm>> -> memref<79x128xi32, #tpu.memory_space<hbm>>
      tpu.wait_dma2 semaphore(%run_scoped3A : memref<!tpu.dma_semaphore, #tpu.memory_space<semaphore_mem>>) src(%dma_wait3A_28 : memref<79x128xi32, #tpu.memory_space<hbm>>) dst(%arg8 : memref<79x128xi32, #tpu.memory_space<vmem>>)
      tpu.yield
    }) : () -> ()
    %mul3A_1 = arith.constant 632 : i32
    %mul3A_2 = arith.muli %arg1, %mul3A_1 : i32
    %mul3A_3 = arith.constant 632 : i32
    %mul3A_4 = arith.muli %arg1, %mul3A_3 : i32
    "tpu.region"() ({
      %run_scoped3A = tpu.sem_alloc : memref<!tpu.dma_semaphore, #tpu.memory_space<semaphore_mem>>
      %dma_start3A = arith.constant 0 : i32
      %dma_start3A_15 = tpu.memref_slice %arg10[%mul3A_4, %dma_start3A] : memref<10112x128xf32, #tpu.memory_space<vmem_shared>> -> memref<632x128xf32, #tpu.memory_space<vmem_shared>>
      %dma_start3A_16 = arith.constant 0 : i32
      %dma_start3A_17 = tpu.memref_slice %arg5[%mul3A_2, %dma_start3A_16] : memref<10112x128xf32, #tpu.memory_space<hbm>> -> memref<632x128xf32, #tpu.memory_space<hbm>>
      tpu.enqueue_dma source(%dma_start3A_17 : memref<632x128xf32, #tpu.memory_space<hbm>>) target(%dma_start3A_15 : memref<632x128xf32, #tpu.memory_space<vmem_shared>>) target_semaphore(%run_scoped3A : memref<!tpu.dma_semaphore, #tpu.memory_space<semaphore_mem>>)
      %dma_wait3A = arith.constant 0 : i32
      %dma_wait3A_18 = tpu.memref_slice %arg10[%mul3A_4, %dma_wait3A] : memref<10112x128xf32, #tpu.memory_space<vmem_shared>> -> memref<632x128xf32, #tpu.memory_space<vmem_shared>>
      %dma_wait3A_19 = arith.constant 0 : i32
      %dma_wait3A_20 = tpu.memref_slice %arg5[%mul3A_2, %dma_wait3A_19] : memref<10112x128xf32, #tpu.memory_space<hbm>> -> memref<632x128xf32, #tpu.memory_space<hbm>>
      tpu.wait_dma2 semaphore(%run_scoped3A : memref<!tpu.dma_semaphore, #tpu.memory_space<semaphore_mem>>) src(%dma_wait3A_20 : memref<632x128xf32, #tpu.memory_space<hbm>>) dst(%dma_wait3A_18 : memref<632x128xf32, #tpu.memory_space<vmem_shared>>)
      tpu.yield
    }) : () -> ()
    %barrier3A = arith.constant 0 : index
    tpu.barrier barrier_id(%barrier3A)
    %scan3A = arith.constant 0 : i32
    %scan3A_5 = arith.constant 0 : i32
    %scan3A_6 = arith.constant 79 : i32
    %scan3A_7 = arith.addi %scan3A_5, %scan3A_6 : i32
    %scan3A_8 = arith.constant 1 : i32
    scf.for %scan3A_15 = %scan3A_5 to %scan3A_7 step %scan3A_8  : i32 {
      %dma_start3A = arith.constant 0 : i32
      %dma_start3A_16 = tpu.memref_slice %arg7[%scan3A_15, %dma_start3A] : memref<79x128xi32, #tpu.memory_space<vmem>> -> memref<1x128xi32, #tpu.memory_space<vmem>>
      %dma_start3A_17 = tpu.memref_squeeze %dma_start3A_16 : memref<1x128xi32, #tpu.memory_space<vmem>> -> memref<128xi32, #tpu.memory_space<vmem>>
      %dma_start3A_18 = arith.constant 0 : i32
      %dma_start3A_19 = arith.constant 0 : i32
      %dma_start3A_20 = tpu.memref_slice %arg2[%dma_start3A_18, %dma_start3A_19] : memref<40000x128xf32, #tpu.memory_space<hbm>> -> memref<40000x128xf32, #tpu.memory_space<hbm>>
      tpu.enqueue_indirect_dma source(%dma_start3A_20 : memref<40000x128xf32, #tpu.memory_space<hbm>>) target(%arg9 : memref<128x128xf32, #tpu.memory_space<vmem>>) offsets(%dma_start3A_17 : memref<128xi32, #tpu.memory_space<vmem>>) semaphore(%arg11 : memref<!tpu.dma_semaphore, #tpu.memory_space<semaphore_mem>>)
      %dma_wait3A = arith.constant 0 : i32
      %dma_wait3A_21 = tpu.memref_slice %arg7[%scan3A_15, %dma_wait3A] : memref<79x128xi32, #tpu.memory_space<vmem>> -> memref<1x128xi32, #tpu.memory_space<vmem>>
      %dma_wait3A_22 = tpu.memref_squeeze %dma_wait3A_21 : memref<1x128xi32, #tpu.memory_space<vmem>> -> memref<128xi32, #tpu.memory_space<vmem>>
      %dma_wait3A_23 = arith.constant 0 : i32
      %dma_wait3A_24 = arith.constant 0 : i32
      %dma_wait3A_25 = tpu.memref_slice %arg2[%dma_wait3A_23, %dma_wait3A_24] : memref<40000x128xf32, #tpu.memory_space<hbm>> -> memref<40000x128xf32, #tpu.memory_space<hbm>>
      tpu.wait_indirect_dma semaphore(%arg11 : memref<!tpu.dma_semaphore, #tpu.memory_space<semaphore_mem>>) src(%dma_wait3A_25 : memref<40000x128xf32, #tpu.memory_space<hbm>>) dst(%arg9 : memref<128x128xf32, #tpu.memory_space<vmem>>)
      "tpu.region"() ({
        %run_scoped3A = tpu.sem_alloc : memref<!tpu.dma_semaphore, #tpu.memory_space<semaphore_mem>>
        %dma_start3A_26 = arith.constant 0 : i32
        %dma_start3A_27 = tpu.memref_slice %arg8[%scan3A_15, %dma_start3A_26] : memref<79x128xi32, #tpu.memory_space<vmem>> -> memref<1x128xi32, #tpu.memory_space<vmem>>
        %dma_start3A_28 = tpu.memref_squeeze %dma_start3A_27 : memref<1x128xi32, #tpu.memory_space<vmem>> -> memref<128xi32, #tpu.memory_space<vmem>>
        %dma_start3A_29 = arith.constant 0 : i32
        %dma_start3A_30 = arith.constant 0 : i32
        %dma_start3A_31 = tpu.memref_slice %arg10[%dma_start3A_29, %dma_start3A_30] : memref<10112x128xf32, #tpu.memory_space<vmem_shared>> -> memref<10112x128xf32, #tpu.memory_space<vmem_shared>>
        tpu.enqueue_indirect_dma source(%arg9 : memref<128x128xf32, #tpu.memory_space<vmem>>) target(%dma_start3A_31 : memref<10112x128xf32, #tpu.memory_space<vmem_shared>>) offsets(%dma_start3A_28 : memref<128xi32, #tpu.memory_space<vmem>>) semaphore(%run_scoped3A : memref<!tpu.dma_semaphore, #tpu.memory_space<semaphore_mem>>) {add = true}
        %dma_wait3A_32 = arith.constant 0 : i32
        %dma_wait3A_33 = tpu.memref_slice %arg8[%scan3A_15, %dma_wait3A_32] : memref<79x128xi32, #tpu.memory_space<vmem>> -> memref<1x128xi32, #tpu.memory_space<vmem>>
        %dma_wait3A_34 = tpu.memref_squeeze %dma_wait3A_33 : memref<1x128xi32, #tpu.memory_space<vmem>> -> memref<128xi32, #tpu.memory_space<vmem>>
        %dma_wait3A_35 = arith.constant 0 : i32
        %dma_wait3A_36 = arith.constant 0 : i32
        %dma_wait3A_37 = tpu.memref_slice %arg10[%dma_wait3A_35, %dma_wait3A_36] : memref<10112x128xf32, #tpu.memory_space<vmem_shared>> -> memref<10112x128xf32, #tpu.memory_space<vmem_shared>>
        tpu.wait_indirect_dma semaphore(%run_scoped3A : memref<!tpu.dma_semaphore, #tpu.memory_space<semaphore_mem>>) src(%arg9 : memref<128x128xf32, #tpu.memory_space<vmem>>) dst(%dma_wait3A_37 : memref<10112x128xf32, #tpu.memory_space<vmem_shared>>)
        tpu.yield
      }) : () -> ()
    }
    %scan3A_9 = arith.constant 79 : i32
    %barrier3A_10 = arith.constant 0 : index
    tpu.barrier barrier_id(%barrier3A_10)
    %mul3A_11 = arith.constant 632 : i32
    %mul3A_12 = arith.muli %arg1, %mul3A_11 : i32
    %mul3A_13 = arith.constant 632 : i32
    %mul3A_14 = arith.muli %arg1, %mul3A_13 : i32
    "tpu.region"() ({
      %run_scoped3A = tpu.sem_alloc : memref<!tpu.dma_semaphore, #tpu.memory_space<semaphore_mem>>
      %dma_start3A = arith.constant 0 : i32
      %dma_start3A_15 = tpu.memref_slice %arg6[%arg0, %mul3A_14, %dma_start3A] : memref<2x10112x128xf32, #tpu.memory_space<hbm>> -> memref<1x632x128xf32, #tpu.memory_space<hbm>>
      %dma_start3A_16 = tpu.memref_squeeze %dma_start3A_15 : memref<1x632x128xf32, #tpu.memory_space<hbm>> -> memref<632x128xf32, #tpu.memory_space<hbm>>
      %dma_start3A_17 = arith.constant 0 : i32
      %dma_start3A_18 = tpu.memref_slice %arg10[%mul3A_12, %dma_start3A_17] : memref<10112x128xf32, #tpu.memory_space<vmem_shared>> -> memref<632x128xf32, #tpu.memory_space<vmem_shared>>
      tpu.enqueue_dma source(%dma_start3A_18 : memref<632x128xf32, #tpu.memory_space<vmem_shared>>) target(%dma_start3A_16 : memref<632x128xf32, #tpu.memory_space<hbm>>) target_semaphore(%run_scoped3A : memref<!tpu.dma_semaphore, #tpu.memory_space<semaphore_mem>>)
      %dma_wait3A = arith.constant 0 : i32
      %dma_wait3A_19 = tpu.memref_slice %arg6[%arg0, %mul3A_14, %dma_wait3A] : memref<2x10112x128xf32, #tpu.memory_space<hbm>> -> memref<1x632x128xf32, #tpu.memory_space<hbm>>
      %dma_wait3A_20 = tpu.memref_squeeze %dma_wait3A_19 : memref<1x632x128xf32, #tpu.memory_space<hbm>> -> memref<632x128xf32, #tpu.memory_space<hbm>>
      %dma_wait3A_21 = arith.constant 0 : i32
      %dma_wait3A_22 = tpu.memref_slice %arg10[%mul3A_12, %dma_wait3A_21] : memref<10112x128xf32, #tpu.memory_space<vmem_shared>> -> memref<632x128xf32, #tpu.memory_space<vmem_shared>>
      tpu.wait_dma2 semaphore(%run_scoped3A : memref<!tpu.dma_semaphore, #tpu.memory_space<semaphore_mem>>) src(%dma_wait3A_22 : memref<632x128xf32, #tpu.memory_space<vmem_shared>>) dst(%dma_wait3A_20 : memref<632x128xf32, #tpu.memory_space<hbm>>)
      tpu.yield
    }) : () -> ()
    return
  }
}

#map = affine_map<(d0, d1) -> (0, 0)>
#map1 = affine_map<(d0, d1) -> (0, 0, 0)>
module attributes {stable_mosaic.version = 14 : i64} {
  func.func @_edge_body(%arg0: i32, %arg1: i32, %arg2: memref<40000x128xf32, #tpu.memory_space<hbm>>, %arg3: memref<32x79x128xi32, #tpu.memory_space<hbm>>, %arg4: memref<32x79x128xi32, #tpu.memory_space<hbm>>, %arg5: memref<10112x128xf32, #tpu.memory_space<hbm>>, %arg6: memref<2x10112x128xf32, #tpu.memory_space<hbm>>, %arg7: memref<79x128xi32, #tpu.memory_space<vmem>>, %arg8: memref<79x128xi32, #tpu.memory_space<vmem>>, %arg9: memref<128x128xf32, #tpu.memory_space<vmem>>, %arg10: memref<10112x128xf32, #tpu.memory_space<vmem_shared>>, %arg11: memref<!tpu.dma_semaphore, #tpu.memory_space<semaphore_mem>>) attributes {dimension_semantics = [#tpu.dimension_semantics<core_parallel>, #tpu.dimension_semantics<subcore_parallel>], iteration_bounds = array<i64: 2, 16>, scalar_prefetch = 0 : i64, scratch_operands = 5 : i64, tpu.core_type = #tpu.core_type<sc_vector_subcore>, window_params = [{transform_indices = #map}, {transform_indices = #map1}, {transform_indices = #map1}, {transform_indices = #map}, {transform_indices = #map1}]} {
    %mul3A = arith.constant 16 : i32
    %mul3A_0 = arith.muli %arg0, %mul3A : i32
    %add3A = arith.addi %mul3A_0, %arg1 : i32
    "tpu.region"() ({
      %run_scoped3A = tpu.sem_alloc : memref<!tpu.dma_semaphore, #tpu.memory_space<semaphore_mem>>
      %dma_start3A = arith.constant 0 : i32
      %dma_start3A_15 = arith.constant 0 : i32
      %dma_start3A_16 = tpu.memref_slice %arg3[%add3A, %dma_start3A, %dma_start3A_15] : memref<32x79x128xi32, #tpu.memory_space<hbm>> -> memref<1x79x128xi32, #tpu.memory_space<hbm>>
      %dma_start3A_17 = tpu.memref_squeeze %dma_start3A_16 : memref<1x79x128xi32, #tpu.memory_space<hbm>> -> memref<79x128xi32, #tpu.memory_space<hbm>>
      %dma_start3A_18 = arith.constant 0 : i32
      %dma_start3A_19 = arith.constant 0 : i32
      %dma_start3A_20 = tpu.memref_slice %arg3[%add3A, %dma_start3A_18, %dma_start3A_19] : memref<32x79x128xi32, #tpu.memory_space<hbm>> -> memref<1x79x128xi32, #tpu.memory_space<hbm>>
      %dma_start3A_21 = tpu.memref_squeeze %dma_start3A_20 : memref<1x79x128xi32, #tpu.memory_space<hbm>> -> memref<79x128xi32, #tpu.memory_space<hbm>>
      tpu.enqueue_dma source(%dma_start3A_21 : memref<79x128xi32, #tpu.memory_space<hbm>>) target(%arg7 : memref<79x128xi32, #tpu.memory_space<vmem>>) target_semaphore(%run_scoped3A : memref<!tpu.dma_semaphore, #tpu.memory_space<semaphore_mem>>)
      %dma_wait3A = arith.constant 0 : i32
      %dma_wait3A_22 = arith.constant 0 : i32
      %dma_wait3A_23 = tpu.memref_slice %arg3[%add3A, %dma_wait3A, %dma_wait3A_22] : memref<32x79x128xi32, #tpu.memory_space<hbm>> -> memref<1x79x128xi32, #tpu.memory_space<hbm>>
      %dma_wait3A_24 = tpu.memref_squeeze %dma_wait3A_23 : memref<1x79x128xi32, #tpu.memory_space<hbm>> -> memref<79x128xi32, #tpu.memory_space<hbm>>
      %dma_wait3A_25 = arith.constant 0 : i32
      %dma_wait3A_26 = arith.constant 0 : i32
      %dma_wait3A_27 = tpu.memref_slice %arg3[%add3A, %dma_wait3A_25, %dma_wait3A_26] : memref<32x79x128xi32, #tpu.memory_space<hbm>> -> memref<1x79x128xi32, #tpu.memory_space<hbm>>
      %dma_wait3A_28 = tpu.memref_squeeze %dma_wait3A_27 : memref<1x79x128xi32, #tpu.memory_space<hbm>> -> memref<79x128xi32, #tpu.memory_space<hbm>>
      tpu.wait_dma2 semaphore(%run_scoped3A : memref<!tpu.dma_semaphore, #tpu.memory_space<semaphore_mem>>) src(%dma_wait3A_28 : memref<79x128xi32, #tpu.memory_space<hbm>>) dst(%arg7 : memref<79x128xi32, #tpu.memory_space<vmem>>)
      tpu.yield
    }) : () -> ()
    "tpu.region"() ({
      %run_scoped3A = tpu.sem_alloc : memref<!tpu.dma_semaphore, #tpu.memory_space<semaphore_mem>>
      %dma_start3A = arith.constant 0 : i32
      %dma_start3A_15 = arith.constant 0 : i32
      %dma_start3A_16 = tpu.memref_slice %arg4[%add3A, %dma_start3A, %dma_start3A_15] : memref<32x79x128xi32, #tpu.memory_space<hbm>> -> memref<1x79x128xi32, #tpu.memory_space<hbm>>
      %dma_start3A_17 = tpu.memref_squeeze %dma_start3A_16 : memref<1x79x128xi32, #tpu.memory_space<hbm>> -> memref<79x128xi32, #tpu.memory_space<hbm>>
      %dma_start3A_18 = arith.constant 0 : i32
      %dma_start3A_19 = arith.constant 0 : i32
      %dma_start3A_20 = tpu.memref_slice %arg4[%add3A, %dma_start3A_18, %dma_start3A_19] : memref<32x79x128xi32, #tpu.memory_space<hbm>> -> memref<1x79x128xi32, #tpu.memory_space<hbm>>
      %dma_start3A_21 = tpu.memref_squeeze %dma_start3A_20 : memref<1x79x128xi32, #tpu.memory_space<hbm>> -> memref<79x128xi32, #tpu.memory_space<hbm>>
      tpu.enqueue_dma source(%dma_start3A_21 : memref<79x128xi32, #tpu.memory_space<hbm>>) target(%arg8 : memref<79x128xi32, #tpu.memory_space<vmem>>) target_semaphore(%run_scoped3A : memref<!tpu.dma_semaphore, #tpu.memory_space<semaphore_mem>>)
      %dma_wait3A = arith.constant 0 : i32
      %dma_wait3A_22 = arith.constant 0 : i32
      %dma_wait3A_23 = tpu.memref_slice %arg4[%add3A, %dma_wait3A, %dma_wait3A_22] : memref<32x79x128xi32, #tpu.memory_space<hbm>> -> memref<1x79x128xi32, #tpu.memory_space<hbm>>
      %dma_wait3A_24 = tpu.memref_squeeze %dma_wait3A_23 : memref<1x79x128xi32, #tpu.memory_space<hbm>> -> memref<79x128xi32, #tpu.memory_space<hbm>>
      %dma_wait3A_25 = arith.constant 0 : i32
      %dma_wait3A_26 = arith.constant 0 : i32
      %dma_wait3A_27 = tpu.memref_slice %arg4[%add3A, %dma_wait3A_25, %dma_wait3A_26] : memref<32x79x128xi32, #tpu.memory_space<hbm>> -> memref<1x79x128xi32, #tpu.memory_space<hbm>>
      %dma_wait3A_28 = tpu.memref_squeeze %dma_wait3A_27 : memref<1x79x128xi32, #tpu.memory_space<hbm>> -> memref<79x128xi32, #tpu.memory_space<hbm>>
      tpu.wait_dma2 semaphore(%run_scoped3A : memref<!tpu.dma_semaphore, #tpu.memory_space<semaphore_mem>>) src(%dma_wait3A_28 : memref<79x128xi32, #tpu.memory_space<hbm>>) dst(%arg8 : memref<79x128xi32, #tpu.memory_space<vmem>>)
      tpu.yield
    }) : () -> ()
    %mul3A_1 = arith.constant 632 : i32
    %mul3A_2 = arith.muli %arg1, %mul3A_1 : i32
    %mul3A_3 = arith.constant 632 : i32
    %mul3A_4 = arith.muli %arg1, %mul3A_3 : i32
    "tpu.region"() ({
      %run_scoped3A = tpu.sem_alloc : memref<!tpu.dma_semaphore, #tpu.memory_space<semaphore_mem>>
      %dma_start3A = arith.constant 0 : i32
      %dma_start3A_15 = tpu.memref_slice %arg10[%mul3A_4, %dma_start3A] : memref<10112x128xf32, #tpu.memory_space<vmem_shared>> -> memref<632x128xf32, #tpu.memory_space<vmem_shared>>
      %dma_start3A_16 = arith.constant 0 : i32
      %dma_start3A_17 = tpu.memref_slice %arg5[%mul3A_2, %dma_start3A_16] : memref<10112x128xf32, #tpu.memory_space<hbm>> -> memref<632x128xf32, #tpu.memory_space<hbm>>
      tpu.enqueue_dma source(%dma_start3A_17 : memref<632x128xf32, #tpu.memory_space<hbm>>) target(%dma_start3A_15 : memref<632x128xf32, #tpu.memory_space<vmem_shared>>) target_semaphore(%run_scoped3A : memref<!tpu.dma_semaphore, #tpu.memory_space<semaphore_mem>>)
      %dma_wait3A = arith.constant 0 : i32
      %dma_wait3A_18 = tpu.memref_slice %arg10[%mul3A_4, %dma_wait3A] : memref<10112x128xf32, #tpu.memory_space<vmem_shared>> -> memref<632x128xf32, #tpu.memory_space<vmem_shared>>
      %dma_wait3A_19 = arith.constant 0 : i32
      %dma_wait3A_20 = tpu.memref_slice %arg5[%mul3A_2, %dma_wait3A_19] : memref<10112x128xf32, #tpu.memory_space<hbm>> -> memref<632x128xf32, #tpu.memory_space<hbm>>
      tpu.wait_dma2 semaphore(%run_scoped3A : memref<!tpu.dma_semaphore, #tpu.memory_space<semaphore_mem>>) src(%dma_wait3A_20 : memref<632x128xf32, #tpu.memory_space<hbm>>) dst(%dma_wait3A_18 : memref<632x128xf32, #tpu.memory_space<vmem_shared>>)
      tpu.yield
    }) : () -> ()
    %barrier3A = arith.constant 0 : index
    tpu.barrier barrier_id(%barrier3A)
    %scan3A = arith.constant 0 : i32
    %scan3A_5 = arith.constant 0 : i32
    %scan3A_6 = arith.constant 79 : i32
    %scan3A_7 = arith.addi %scan3A_5, %scan3A_6 : i32
    %scan3A_8 = arith.constant 1 : i32
    scf.for %scan3A_15 = %scan3A_5 to %scan3A_7 step %scan3A_8  : i32 {
      %dma_start3A = arith.constant 0 : i32
      %dma_start3A_16 = tpu.memref_slice %arg7[%scan3A_15, %dma_start3A] : memref<79x128xi32, #tpu.memory_space<vmem>> -> memref<1x128xi32, #tpu.memory_space<vmem>>
      %dma_start3A_17 = tpu.memref_squeeze %dma_start3A_16 : memref<1x128xi32, #tpu.memory_space<vmem>> -> memref<128xi32, #tpu.memory_space<vmem>>
      %dma_start3A_18 = arith.constant 0 : i32
      %dma_start3A_19 = arith.constant 0 : i32
      %dma_start3A_20 = tpu.memref_slice %arg2[%dma_start3A_18, %dma_start3A_19] : memref<40000x128xf32, #tpu.memory_space<hbm>> -> memref<40000x128xf32, #tpu.memory_space<hbm>>
      tpu.enqueue_indirect_dma source(%dma_start3A_20 : memref<40000x128xf32, #tpu.memory_space<hbm>>) target(%arg9 : memref<128x128xf32, #tpu.memory_space<vmem>>) offsets(%dma_start3A_17 : memref<128xi32, #tpu.memory_space<vmem>>) semaphore(%arg11 : memref<!tpu.dma_semaphore, #tpu.memory_space<semaphore_mem>>)
      %dma_wait3A = arith.constant 0 : i32
      %dma_wait3A_21 = tpu.memref_slice %arg7[%scan3A_15, %dma_wait3A] : memref<79x128xi32, #tpu.memory_space<vmem>> -> memref<1x128xi32, #tpu.memory_space<vmem>>
      %dma_wait3A_22 = tpu.memref_squeeze %dma_wait3A_21 : memref<1x128xi32, #tpu.memory_space<vmem>> -> memref<128xi32, #tpu.memory_space<vmem>>
      %dma_wait3A_23 = arith.constant 0 : i32
      %dma_wait3A_24 = arith.constant 0 : i32
      %dma_wait3A_25 = tpu.memref_slice %arg2[%dma_wait3A_23, %dma_wait3A_24] : memref<40000x128xf32, #tpu.memory_space<hbm>> -> memref<40000x128xf32, #tpu.memory_space<hbm>>
      tpu.wait_indirect_dma semaphore(%arg11 : memref<!tpu.dma_semaphore, #tpu.memory_space<semaphore_mem>>) src(%dma_wait3A_25 : memref<40000x128xf32, #tpu.memory_space<hbm>>) dst(%arg9 : memref<128x128xf32, #tpu.memory_space<vmem>>)
      "tpu.region"() ({
        %run_scoped3A = tpu.sem_alloc : memref<!tpu.dma_semaphore, #tpu.memory_space<semaphore_mem>>
        %dma_start3A_26 = arith.constant 0 : i32
        %dma_start3A_27 = tpu.memref_slice %arg8[%scan3A_15, %dma_start3A_26] : memref<79x128xi32, #tpu.memory_space<vmem>> -> memref<1x128xi32, #tpu.memory_space<vmem>>
        %dma_start3A_28 = tpu.memref_squeeze %dma_start3A_27 : memref<1x128xi32, #tpu.memory_space<vmem>> -> memref<128xi32, #tpu.memory_space<vmem>>
        %dma_start3A_29 = arith.constant 0 : i32
        %dma_start3A_30 = arith.constant 0 : i32
        %dma_start3A_31 = tpu.memref_slice %arg10[%dma_start3A_29, %dma_start3A_30] : memref<10112x128xf32, #tpu.memory_space<vmem_shared>> -> memref<10112x128xf32, #tpu.memory_space<vmem_shared>>
        tpu.enqueue_indirect_dma source(%arg9 : memref<128x128xf32, #tpu.memory_space<vmem>>) target(%dma_start3A_31 : memref<10112x128xf32, #tpu.memory_space<vmem_shared>>) offsets(%dma_start3A_28 : memref<128xi32, #tpu.memory_space<vmem>>) semaphore(%run_scoped3A : memref<!tpu.dma_semaphore, #tpu.memory_space<semaphore_mem>>) {add = true}
        %dma_wait3A_32 = arith.constant 0 : i32
        %dma_wait3A_33 = tpu.memref_slice %arg8[%scan3A_15, %dma_wait3A_32] : memref<79x128xi32, #tpu.memory_space<vmem>> -> memref<1x128xi32, #tpu.memory_space<vmem>>
        %dma_wait3A_34 = tpu.memref_squeeze %dma_wait3A_33 : memref<1x128xi32, #tpu.memory_space<vmem>> -> memref<128xi32, #tpu.memory_space<vmem>>
        %dma_wait3A_35 = arith.constant 0 : i32
        %dma_wait3A_36 = arith.constant 0 : i32
        %dma_wait3A_37 = tpu.memref_slice %arg10[%dma_wait3A_35, %dma_wait3A_36] : memref<10112x128xf32, #tpu.memory_space<vmem_shared>> -> memref<10112x128xf32, #tpu.memory_space<vmem_shared>>
        tpu.wait_indirect_dma semaphore(%run_scoped3A : memref<!tpu.dma_semaphore, #tpu.memory_space<semaphore_mem>>) src(%arg9 : memref<128x128xf32, #tpu.memory_space<vmem>>) dst(%dma_wait3A_37 : memref<10112x128xf32, #tpu.memory_space<vmem_shared>>)
        tpu.yield
      }) : () -> ()
    }
    %scan3A_9 = arith.constant 79 : i32
    %barrier3A_10 = arith.constant 0 : index
    tpu.barrier barrier_id(%barrier3A_10)
    %mul3A_11 = arith.constant 632 : i32
    %mul3A_12 = arith.muli %arg1, %mul3A_11 : i32
    %mul3A_13 = arith.constant 632 : i32
    %mul3A_14 = arith.muli %arg1, %mul3A_13 : i32
    "tpu.region"() ({
      %run_scoped3A = tpu.sem_alloc : memref<!tpu.dma_semaphore, #tpu.memory_space<semaphore_mem>>
      %dma_start3A = arith.constant 0 : i32
      %dma_start3A_15 = tpu.memref_slice %arg6[%arg0, %mul3A_14, %dma_start3A] : memref<2x10112x128xf32, #tpu.memory_space<hbm>> -> memref<1x632x128xf32, #tpu.memory_space<hbm>>
      %dma_start3A_16 = tpu.memref_squeeze %dma_start3A_15 : memref<1x632x128xf32, #tpu.memory_space<hbm>> -> memref<632x128xf32, #tpu.memory_space<hbm>>
      %dma_start3A_17 = arith.constant 0 : i32
      %dma_start3A_18 = tpu.memref_slice %arg10[%mul3A_12, %dma_start3A_17] : memref<10112x128xf32, #tpu.memory_space<vmem_shared>> -> memref<632x128xf32, #tpu.memory_space<vmem_shared>>
      tpu.enqueue_dma source(%dma_start3A_18 : memref<632x128xf32, #tpu.memory_space<vmem_shared>>) target(%dma_start3A_16 : memref<632x128xf32, #tpu.memory_space<hbm>>) target_semaphore(%run_scoped3A : memref<!tpu.dma_semaphore, #tpu.memory_space<semaphore_mem>>)
      %dma_wait3A = arith.constant 0 : i32
      %dma_wait3A_19 = tpu.memref_slice %arg6[%arg0, %mul3A_14, %dma_wait3A] : memref<2x10112x128xf32, #tpu.memory_space<hbm>> -> memref<1x632x128xf32, #tpu.memory_space<hbm>>
      %dma_wait3A_20 = tpu.memref_squeeze %dma_wait3A_19 : memref<1x632x128xf32, #tpu.memory_space<hbm>> -> memref<632x128xf32, #tpu.memory_space<hbm>>
      %dma_wait3A_21 = arith.constant 0 : i32
      %dma_wait3A_22 = tpu.memref_slice %arg10[%mul3A_12, %dma_wait3A_21] : memref<10112x128xf32, #tpu.memory_space<vmem_shared>> -> memref<632x128xf32, #tpu.memory_space<vmem_shared>>
      tpu.wait_dma2 semaphore(%run_scoped3A : memref<!tpu.dma_semaphore, #tpu.memory_space<semaphore_mem>>) src(%dma_wait3A_22 : memref<632x128xf32, #tpu.memory_space<vmem_shared>>) dst(%dma_wait3A_20 : memref<632x128xf32, #tpu.memory_space<hbm>>)
      tpu.yield
    }) : () -> ()
    return
  }
}

#map = affine_map<(d0, d1) -> (0, 0)>
#map1 = affine_map<(d0, d1) -> (0, 0, 0)>
module attributes {stable_mosaic.version = 14 : i64} {
  func.func @_edge_body(%arg0: i32, %arg1: i32, %arg2: memref<40000x128xf32, #tpu.memory_space<hbm>>, %arg3: memref<32x79x128xi32, #tpu.memory_space<hbm>>, %arg4: memref<32x79x128xi32, #tpu.memory_space<hbm>>, %arg5: memref<10112x128xf32, #tpu.memory_space<hbm>>, %arg6: memref<2x10112x128xf32, #tpu.memory_space<hbm>>, %arg7: memref<79x128xi32, #tpu.memory_space<vmem>>, %arg8: memref<79x128xi32, #tpu.memory_space<vmem>>, %arg9: memref<128x128xf32, #tpu.memory_space<vmem>>, %arg10: memref<10112x128xf32, #tpu.memory_space<vmem_shared>>, %arg11: memref<!tpu.dma_semaphore, #tpu.memory_space<semaphore_mem>>) attributes {dimension_semantics = [#tpu.dimension_semantics<core_parallel>, #tpu.dimension_semantics<subcore_parallel>], iteration_bounds = array<i64: 2, 16>, scalar_prefetch = 0 : i64, scratch_operands = 5 : i64, tpu.core_type = #tpu.core_type<sc_vector_subcore>, window_params = [{transform_indices = #map}, {transform_indices = #map1}, {transform_indices = #map1}, {transform_indices = #map}, {transform_indices = #map1}]} {
    %mul3A = arith.constant 16 : i32
    %mul3A_0 = arith.muli %arg0, %mul3A : i32
    %add3A = arith.addi %mul3A_0, %arg1 : i32
    "tpu.region"() ({
      %run_scoped3A = tpu.sem_alloc : memref<!tpu.dma_semaphore, #tpu.memory_space<semaphore_mem>>
      %dma_start3A = arith.constant 0 : i32
      %dma_start3A_15 = arith.constant 0 : i32
      %dma_start3A_16 = tpu.memref_slice %arg3[%add3A, %dma_start3A, %dma_start3A_15] : memref<32x79x128xi32, #tpu.memory_space<hbm>> -> memref<1x79x128xi32, #tpu.memory_space<hbm>>
      %dma_start3A_17 = tpu.memref_squeeze %dma_start3A_16 : memref<1x79x128xi32, #tpu.memory_space<hbm>> -> memref<79x128xi32, #tpu.memory_space<hbm>>
      %dma_start3A_18 = arith.constant 0 : i32
      %dma_start3A_19 = arith.constant 0 : i32
      %dma_start3A_20 = tpu.memref_slice %arg3[%add3A, %dma_start3A_18, %dma_start3A_19] : memref<32x79x128xi32, #tpu.memory_space<hbm>> -> memref<1x79x128xi32, #tpu.memory_space<hbm>>
      %dma_start3A_21 = tpu.memref_squeeze %dma_start3A_20 : memref<1x79x128xi32, #tpu.memory_space<hbm>> -> memref<79x128xi32, #tpu.memory_space<hbm>>
      tpu.enqueue_dma source(%dma_start3A_21 : memref<79x128xi32, #tpu.memory_space<hbm>>) target(%arg7 : memref<79x128xi32, #tpu.memory_space<vmem>>) target_semaphore(%run_scoped3A : memref<!tpu.dma_semaphore, #tpu.memory_space<semaphore_mem>>)
      %dma_wait3A = arith.constant 0 : i32
      %dma_wait3A_22 = arith.constant 0 : i32
      %dma_wait3A_23 = tpu.memref_slice %arg3[%add3A, %dma_wait3A, %dma_wait3A_22] : memref<32x79x128xi32, #tpu.memory_space<hbm>> -> memref<1x79x128xi32, #tpu.memory_space<hbm>>
      %dma_wait3A_24 = tpu.memref_squeeze %dma_wait3A_23 : memref<1x79x128xi32, #tpu.memory_space<hbm>> -> memref<79x128xi32, #tpu.memory_space<hbm>>
      %dma_wait3A_25 = arith.constant 0 : i32
      %dma_wait3A_26 = arith.constant 0 : i32
      %dma_wait3A_27 = tpu.memref_slice %arg3[%add3A, %dma_wait3A_25, %dma_wait3A_26] : memref<32x79x128xi32, #tpu.memory_space<hbm>> -> memref<1x79x128xi32, #tpu.memory_space<hbm>>
      %dma_wait3A_28 = tpu.memref_squeeze %dma_wait3A_27 : memref<1x79x128xi32, #tpu.memory_space<hbm>> -> memref<79x128xi32, #tpu.memory_space<hbm>>
      tpu.wait_dma2 semaphore(%run_scoped3A : memref<!tpu.dma_semaphore, #tpu.memory_space<semaphore_mem>>) src(%dma_wait3A_28 : memref<79x128xi32, #tpu.memory_space<hbm>>) dst(%arg7 : memref<79x128xi32, #tpu.memory_space<vmem>>)
      tpu.yield
    }) : () -> ()
    "tpu.region"() ({
      %run_scoped3A = tpu.sem_alloc : memref<!tpu.dma_semaphore, #tpu.memory_space<semaphore_mem>>
      %dma_start3A = arith.constant 0 : i32
      %dma_start3A_15 = arith.constant 0 : i32
      %dma_start3A_16 = tpu.memref_slice %arg4[%add3A, %dma_start3A, %dma_start3A_15] : memref<32x79x128xi32, #tpu.memory_space<hbm>> -> memref<1x79x128xi32, #tpu.memory_space<hbm>>
      %dma_start3A_17 = tpu.memref_squeeze %dma_start3A_16 : memref<1x79x128xi32, #tpu.memory_space<hbm>> -> memref<79x128xi32, #tpu.memory_space<hbm>>
      %dma_start3A_18 = arith.constant 0 : i32
      %dma_start3A_19 = arith.constant 0 : i32
      %dma_start3A_20 = tpu.memref_slice %arg4[%add3A, %dma_start3A_18, %dma_start3A_19] : memref<32x79x128xi32, #tpu.memory_space<hbm>> -> memref<1x79x128xi32, #tpu.memory_space<hbm>>
      %dma_start3A_21 = tpu.memref_squeeze %dma_start3A_20 : memref<1x79x128xi32, #tpu.memory_space<hbm>> -> memref<79x128xi32, #tpu.memory_space<hbm>>
      tpu.enqueue_dma source(%dma_start3A_21 : memref<79x128xi32, #tpu.memory_space<hbm>>) target(%arg8 : memref<79x128xi32, #tpu.memory_space<vmem>>) target_semaphore(%run_scoped3A : memref<!tpu.dma_semaphore, #tpu.memory_space<semaphore_mem>>)
      %dma_wait3A = arith.constant 0 : i32
      %dma_wait3A_22 = arith.constant 0 : i32
      %dma_wait3A_23 = tpu.memref_slice %arg4[%add3A, %dma_wait3A, %dma_wait3A_22] : memref<32x79x128xi32, #tpu.memory_space<hbm>> -> memref<1x79x128xi32, #tpu.memory_space<hbm>>
      %dma_wait3A_24 = tpu.memref_squeeze %dma_wait3A_23 : memref<1x79x128xi32, #tpu.memory_space<hbm>> -> memref<79x128xi32, #tpu.memory_space<hbm>>
      %dma_wait3A_25 = arith.constant 0 : i32
      %dma_wait3A_26 = arith.constant 0 : i32
      %dma_wait3A_27 = tpu.memref_slice %arg4[%add3A, %dma_wait3A_25, %dma_wait3A_26] : memref<32x79x128xi32, #tpu.memory_space<hbm>> -> memref<1x79x128xi32, #tpu.memory_space<hbm>>
      %dma_wait3A_28 = tpu.memref_squeeze %dma_wait3A_27 : memref<1x79x128xi32, #tpu.memory_space<hbm>> -> memref<79x128xi32, #tpu.memory_space<hbm>>
      tpu.wait_dma2 semaphore(%run_scoped3A : memref<!tpu.dma_semaphore, #tpu.memory_space<semaphore_mem>>) src(%dma_wait3A_28 : memref<79x128xi32, #tpu.memory_space<hbm>>) dst(%arg8 : memref<79x128xi32, #tpu.memory_space<vmem>>)
      tpu.yield
    }) : () -> ()
    %mul3A_1 = arith.constant 632 : i32
    %mul3A_2 = arith.muli %arg1, %mul3A_1 : i32
    %mul3A_3 = arith.constant 632 : i32
    %mul3A_4 = arith.muli %arg1, %mul3A_3 : i32
    "tpu.region"() ({
      %run_scoped3A = tpu.sem_alloc : memref<!tpu.dma_semaphore, #tpu.memory_space<semaphore_mem>>
      %dma_start3A = arith.constant 0 : i32
      %dma_start3A_15 = tpu.memref_slice %arg10[%mul3A_4, %dma_start3A] : memref<10112x128xf32, #tpu.memory_space<vmem_shared>> -> memref<632x128xf32, #tpu.memory_space<vmem_shared>>
      %dma_start3A_16 = arith.constant 0 : i32
      %dma_start3A_17 = tpu.memref_slice %arg5[%mul3A_2, %dma_start3A_16] : memref<10112x128xf32, #tpu.memory_space<hbm>> -> memref<632x128xf32, #tpu.memory_space<hbm>>
      tpu.enqueue_dma source(%dma_start3A_17 : memref<632x128xf32, #tpu.memory_space<hbm>>) target(%dma_start3A_15 : memref<632x128xf32, #tpu.memory_space<vmem_shared>>) target_semaphore(%run_scoped3A : memref<!tpu.dma_semaphore, #tpu.memory_space<semaphore_mem>>)
      %dma_wait3A = arith.constant 0 : i32
      %dma_wait3A_18 = tpu.memref_slice %arg10[%mul3A_4, %dma_wait3A] : memref<10112x128xf32, #tpu.memory_space<vmem_shared>> -> memref<632x128xf32, #tpu.memory_space<vmem_shared>>
      %dma_wait3A_19 = arith.constant 0 : i32
      %dma_wait3A_20 = tpu.memref_slice %arg5[%mul3A_2, %dma_wait3A_19] : memref<10112x128xf32, #tpu.memory_space<hbm>> -> memref<632x128xf32, #tpu.memory_space<hbm>>
      tpu.wait_dma2 semaphore(%run_scoped3A : memref<!tpu.dma_semaphore, #tpu.memory_space<semaphore_mem>>) src(%dma_wait3A_20 : memref<632x128xf32, #tpu.memory_space<hbm>>) dst(%dma_wait3A_18 : memref<632x128xf32, #tpu.memory_space<vmem_shared>>)
      tpu.yield
    }) : () -> ()
    %barrier3A = arith.constant 0 : index
    tpu.barrier barrier_id(%barrier3A)
    %scan3A = arith.constant 0 : i32
    %scan3A_5 = arith.constant 0 : i32
    %scan3A_6 = arith.constant 79 : i32
    %scan3A_7 = arith.addi %scan3A_5, %scan3A_6 : i32
    %scan3A_8 = arith.constant 1 : i32
    scf.for %scan3A_15 = %scan3A_5 to %scan3A_7 step %scan3A_8  : i32 {
      %dma_start3A = arith.constant 0 : i32
      %dma_start3A_16 = tpu.memref_slice %arg7[%scan3A_15, %dma_start3A] : memref<79x128xi32, #tpu.memory_space<vmem>> -> memref<1x128xi32, #tpu.memory_space<vmem>>
      %dma_start3A_17 = tpu.memref_squeeze %dma_start3A_16 : memref<1x128xi32, #tpu.memory_space<vmem>> -> memref<128xi32, #tpu.memory_space<vmem>>
      %dma_start3A_18 = arith.constant 0 : i32
      %dma_start3A_19 = arith.constant 0 : i32
      %dma_start3A_20 = tpu.memref_slice %arg2[%dma_start3A_18, %dma_start3A_19] : memref<40000x128xf32, #tpu.memory_space<hbm>> -> memref<40000x128xf32, #tpu.memory_space<hbm>>
      tpu.enqueue_indirect_dma source(%dma_start3A_20 : memref<40000x128xf32, #tpu.memory_space<hbm>>) target(%arg9 : memref<128x128xf32, #tpu.memory_space<vmem>>) offsets(%dma_start3A_17 : memref<128xi32, #tpu.memory_space<vmem>>) semaphore(%arg11 : memref<!tpu.dma_semaphore, #tpu.memory_space<semaphore_mem>>)
      %dma_wait3A = arith.constant 0 : i32
      %dma_wait3A_21 = tpu.memref_slice %arg7[%scan3A_15, %dma_wait3A] : memref<79x128xi32, #tpu.memory_space<vmem>> -> memref<1x128xi32, #tpu.memory_space<vmem>>
      %dma_wait3A_22 = tpu.memref_squeeze %dma_wait3A_21 : memref<1x128xi32, #tpu.memory_space<vmem>> -> memref<128xi32, #tpu.memory_space<vmem>>
      %dma_wait3A_23 = arith.constant 0 : i32
      %dma_wait3A_24 = arith.constant 0 : i32
      %dma_wait3A_25 = tpu.memref_slice %arg2[%dma_wait3A_23, %dma_wait3A_24] : memref<40000x128xf32, #tpu.memory_space<hbm>> -> memref<40000x128xf32, #tpu.memory_space<hbm>>
      tpu.wait_indirect_dma semaphore(%arg11 : memref<!tpu.dma_semaphore, #tpu.memory_space<semaphore_mem>>) src(%dma_wait3A_25 : memref<40000x128xf32, #tpu.memory_space<hbm>>) dst(%arg9 : memref<128x128xf32, #tpu.memory_space<vmem>>)
      "tpu.region"() ({
        %run_scoped3A = tpu.sem_alloc : memref<!tpu.dma_semaphore, #tpu.memory_space<semaphore_mem>>
        %dma_start3A_26 = arith.constant 0 : i32
        %dma_start3A_27 = tpu.memref_slice %arg8[%scan3A_15, %dma_start3A_26] : memref<79x128xi32, #tpu.memory_space<vmem>> -> memref<1x128xi32, #tpu.memory_space<vmem>>
        %dma_start3A_28 = tpu.memref_squeeze %dma_start3A_27 : memref<1x128xi32, #tpu.memory_space<vmem>> -> memref<128xi32, #tpu.memory_space<vmem>>
        %dma_start3A_29 = arith.constant 0 : i32
        %dma_start3A_30 = arith.constant 0 : i32
        %dma_start3A_31 = tpu.memref_slice %arg10[%dma_start3A_29, %dma_start3A_30] : memref<10112x128xf32, #tpu.memory_space<vmem_shared>> -> memref<10112x128xf32, #tpu.memory_space<vmem_shared>>
        tpu.enqueue_indirect_dma source(%arg9 : memref<128x128xf32, #tpu.memory_space<vmem>>) target(%dma_start3A_31 : memref<10112x128xf32, #tpu.memory_space<vmem_shared>>) offsets(%dma_start3A_28 : memref<128xi32, #tpu.memory_space<vmem>>) semaphore(%run_scoped3A : memref<!tpu.dma_semaphore, #tpu.memory_space<semaphore_mem>>) {add = true}
        %dma_wait3A_32 = arith.constant 0 : i32
        %dma_wait3A_33 = tpu.memref_slice %arg8[%scan3A_15, %dma_wait3A_32] : memref<79x128xi32, #tpu.memory_space<vmem>> -> memref<1x128xi32, #tpu.memory_space<vmem>>
        %dma_wait3A_34 = tpu.memref_squeeze %dma_wait3A_33 : memref<1x128xi32, #tpu.memory_space<vmem>> -> memref<128xi32, #tpu.memory_space<vmem>>
        %dma_wait3A_35 = arith.constant 0 : i32
        %dma_wait3A_36 = arith.constant 0 : i32
        %dma_wait3A_37 = tpu.memref_slice %arg10[%dma_wait3A_35, %dma_wait3A_36] : memref<10112x128xf32, #tpu.memory_space<vmem_shared>> -> memref<10112x128xf32, #tpu.memory_space<vmem_shared>>
        tpu.wait_indirect_dma semaphore(%run_scoped3A : memref<!tpu.dma_semaphore, #tpu.memory_space<semaphore_mem>>) src(%arg9 : memref<128x128xf32, #tpu.memory_space<vmem>>) dst(%dma_wait3A_37 : memref<10112x128xf32, #tpu.memory_space<vmem_shared>>)
        tpu.yield
      }) : () -> ()
    }
    %scan3A_9 = arith.constant 79 : i32
    %barrier3A_10 = arith.constant 0 : index
    tpu.barrier barrier_id(%barrier3A_10)
    %mul3A_11 = arith.constant 632 : i32
    %mul3A_12 = arith.muli %arg1, %mul3A_11 : i32
    %mul3A_13 = arith.constant 632 : i32
    %mul3A_14 = arith.muli %arg1, %mul3A_13 : i32
    "tpu.region"() ({
      %run_scoped3A = tpu.sem_alloc : memref<!tpu.dma_semaphore, #tpu.memory_space<semaphore_mem>>
      %dma_start3A = arith.constant 0 : i32
      %dma_start3A_15 = tpu.memref_slice %arg6[%arg0, %mul3A_14, %dma_start3A] : memref<2x10112x128xf32, #tpu.memory_space<hbm>> -> memref<1x632x128xf32, #tpu.memory_space<hbm>>
      %dma_start3A_16 = tpu.memref_squeeze %dma_start3A_15 : memref<1x632x128xf32, #tpu.memory_space<hbm>> -> memref<632x128xf32, #tpu.memory_space<hbm>>
      %dma_start3A_17 = arith.constant 0 : i32
      %dma_start3A_18 = tpu.memref_slice %arg10[%mul3A_12, %dma_start3A_17] : memref<10112x128xf32, #tpu.memory_space<vmem_shared>> -> memref<632x128xf32, #tpu.memory_space<vmem_shared>>
      tpu.enqueue_dma source(%dma_start3A_18 : memref<632x128xf32, #tpu.memory_space<vmem_shared>>) target(%dma_start3A_16 : memref<632x128xf32, #tpu.memory_space<hbm>>) target_semaphore(%run_scoped3A : memref<!tpu.dma_semaphore, #tpu.memory_space<semaphore_mem>>)
      %dma_wait3A = arith.constant 0 : i32
      %dma_wait3A_19 = tpu.memref_slice %arg6[%arg0, %mul3A_14, %dma_wait3A] : memref<2x10112x128xf32, #tpu.memory_space<hbm>> -> memref<1x632x128xf32, #tpu.memory_space<hbm>>
      %dma_wait3A_20 = tpu.memref_squeeze %dma_wait3A_19 : memref<1x632x128xf32, #tpu.memory_space<hbm>> -> memref<632x128xf32, #tpu.memory_space<hbm>>
      %dma_wait3A_21 = arith.constant 0 : i32
      %dma_wait3A_22 = tpu.memref_slice %arg10[%mul3A_12, %dma_wait3A_21] : memref<10112x128xf32, #tpu.memory_space<vmem_shared>> -> memref<632x128xf32, #tpu.memory_space<vmem_shared>>
      tpu.wait_dma2 semaphore(%run_scoped3A : memref<!tpu.dma_semaphore, #tpu.memory_space<semaphore_mem>>) src(%dma_wait3A_22 : memref<632x128xf32, #tpu.memory_space<vmem_shared>>) dst(%dma_wait3A_20 : memref<632x128xf32, #tpu.memory_space<hbm>>)
      tpu.yield
    }) : () -> ()
    return
  }
}

#map = affine_map<(d0, d1) -> (0, 0)>
#map1 = affine_map<(d0, d1) -> (0, 0, 0)>
module attributes {stable_mosaic.version = 14 : i64} {
  func.func @_edge_body(%arg0: i32, %arg1: i32, %arg2: memref<40000x128xf32, #tpu.memory_space<hbm>>, %arg3: memref<32x79x128xi32, #tpu.memory_space<hbm>>, %arg4: memref<32x79x128xi32, #tpu.memory_space<hbm>>, %arg5: memref<10112x128xf32, #tpu.memory_space<hbm>>, %arg6: memref<2x10112x128xf32, #tpu.memory_space<hbm>>, %arg7: memref<79x128xi32, #tpu.memory_space<vmem>>, %arg8: memref<79x128xi32, #tpu.memory_space<vmem>>, %arg9: memref<128x128xf32, #tpu.memory_space<vmem>>, %arg10: memref<10112x128xf32, #tpu.memory_space<vmem_shared>>, %arg11: memref<!tpu.dma_semaphore, #tpu.memory_space<semaphore_mem>>) attributes {dimension_semantics = [#tpu.dimension_semantics<core_parallel>, #tpu.dimension_semantics<subcore_parallel>], iteration_bounds = array<i64: 2, 16>, scalar_prefetch = 0 : i64, scratch_operands = 5 : i64, tpu.core_type = #tpu.core_type<sc_vector_subcore>, window_params = [{transform_indices = #map}, {transform_indices = #map1}, {transform_indices = #map1}, {transform_indices = #map}, {transform_indices = #map1}]} {
    %mul3A = arith.constant 16 : i32
    %mul3A_0 = arith.muli %arg0, %mul3A : i32
    %add3A = arith.addi %mul3A_0, %arg1 : i32
    "tpu.region"() ({
      %run_scoped3A = tpu.sem_alloc : memref<!tpu.dma_semaphore, #tpu.memory_space<semaphore_mem>>
      %dma_start3A = arith.constant 0 : i32
      %dma_start3A_15 = arith.constant 0 : i32
      %dma_start3A_16 = tpu.memref_slice %arg3[%add3A, %dma_start3A, %dma_start3A_15] : memref<32x79x128xi32, #tpu.memory_space<hbm>> -> memref<1x79x128xi32, #tpu.memory_space<hbm>>
      %dma_start3A_17 = tpu.memref_squeeze %dma_start3A_16 : memref<1x79x128xi32, #tpu.memory_space<hbm>> -> memref<79x128xi32, #tpu.memory_space<hbm>>
      %dma_start3A_18 = arith.constant 0 : i32
      %dma_start3A_19 = arith.constant 0 : i32
      %dma_start3A_20 = tpu.memref_slice %arg3[%add3A, %dma_start3A_18, %dma_start3A_19] : memref<32x79x128xi32, #tpu.memory_space<hbm>> -> memref<1x79x128xi32, #tpu.memory_space<hbm>>
      %dma_start3A_21 = tpu.memref_squeeze %dma_start3A_20 : memref<1x79x128xi32, #tpu.memory_space<hbm>> -> memref<79x128xi32, #tpu.memory_space<hbm>>
      tpu.enqueue_dma source(%dma_start3A_21 : memref<79x128xi32, #tpu.memory_space<hbm>>) target(%arg7 : memref<79x128xi32, #tpu.memory_space<vmem>>) target_semaphore(%run_scoped3A : memref<!tpu.dma_semaphore, #tpu.memory_space<semaphore_mem>>)
      %dma_wait3A = arith.constant 0 : i32
      %dma_wait3A_22 = arith.constant 0 : i32
      %dma_wait3A_23 = tpu.memref_slice %arg3[%add3A, %dma_wait3A, %dma_wait3A_22] : memref<32x79x128xi32, #tpu.memory_space<hbm>> -> memref<1x79x128xi32, #tpu.memory_space<hbm>>
      %dma_wait3A_24 = tpu.memref_squeeze %dma_wait3A_23 : memref<1x79x128xi32, #tpu.memory_space<hbm>> -> memref<79x128xi32, #tpu.memory_space<hbm>>
      %dma_wait3A_25 = arith.constant 0 : i32
      %dma_wait3A_26 = arith.constant 0 : i32
      %dma_wait3A_27 = tpu.memref_slice %arg3[%add3A, %dma_wait3A_25, %dma_wait3A_26] : memref<32x79x128xi32, #tpu.memory_space<hbm>> -> memref<1x79x128xi32, #tpu.memory_space<hbm>>
      %dma_wait3A_28 = tpu.memref_squeeze %dma_wait3A_27 : memref<1x79x128xi32, #tpu.memory_space<hbm>> -> memref<79x128xi32, #tpu.memory_space<hbm>>
      tpu.wait_dma2 semaphore(%run_scoped3A : memref<!tpu.dma_semaphore, #tpu.memory_space<semaphore_mem>>) src(%dma_wait3A_28 : memref<79x128xi32, #tpu.memory_space<hbm>>) dst(%arg7 : memref<79x128xi32, #tpu.memory_space<vmem>>)
      tpu.yield
    }) : () -> ()
    "tpu.region"() ({
      %run_scoped3A = tpu.sem_alloc : memref<!tpu.dma_semaphore, #tpu.memory_space<semaphore_mem>>
      %dma_start3A = arith.constant 0 : i32
      %dma_start3A_15 = arith.constant 0 : i32
      %dma_start3A_16 = tpu.memref_slice %arg4[%add3A, %dma_start3A, %dma_start3A_15] : memref<32x79x128xi32, #tpu.memory_space<hbm>> -> memref<1x79x128xi32, #tpu.memory_space<hbm>>
      %dma_start3A_17 = tpu.memref_squeeze %dma_start3A_16 : memref<1x79x128xi32, #tpu.memory_space<hbm>> -> memref<79x128xi32, #tpu.memory_space<hbm>>
      %dma_start3A_18 = arith.constant 0 : i32
      %dma_start3A_19 = arith.constant 0 : i32
      %dma_start3A_20 = tpu.memref_slice %arg4[%add3A, %dma_start3A_18, %dma_start3A_19] : memref<32x79x128xi32, #tpu.memory_space<hbm>> -> memref<1x79x128xi32, #tpu.memory_space<hbm>>
      %dma_start3A_21 = tpu.memref_squeeze %dma_start3A_20 : memref<1x79x128xi32, #tpu.memory_space<hbm>> -> memref<79x128xi32, #tpu.memory_space<hbm>>
      tpu.enqueue_dma source(%dma_start3A_21 : memref<79x128xi32, #tpu.memory_space<hbm>>) target(%arg8 : memref<79x128xi32, #tpu.memory_space<vmem>>) target_semaphore(%run_scoped3A : memref<!tpu.dma_semaphore, #tpu.memory_space<semaphore_mem>>)
      %dma_wait3A = arith.constant 0 : i32
      %dma_wait3A_22 = arith.constant 0 : i32
      %dma_wait3A_23 = tpu.memref_slice %arg4[%add3A, %dma_wait3A, %dma_wait3A_22] : memref<32x79x128xi32, #tpu.memory_space<hbm>> -> memref<1x79x128xi32, #tpu.memory_space<hbm>>
      %dma_wait3A_24 = tpu.memref_squeeze %dma_wait3A_23 : memref<1x79x128xi32, #tpu.memory_space<hbm>> -> memref<79x128xi32, #tpu.memory_space<hbm>>
      %dma_wait3A_25 = arith.constant 0 : i32
      %dma_wait3A_26 = arith.constant 0 : i32
      %dma_wait3A_27 = tpu.memref_slice %arg4[%add3A, %dma_wait3A_25, %dma_wait3A_26] : memref<32x79x128xi32, #tpu.memory_space<hbm>> -> memref<1x79x128xi32, #tpu.memory_space<hbm>>
      %dma_wait3A_28 = tpu.memref_squeeze %dma_wait3A_27 : memref<1x79x128xi32, #tpu.memory_space<hbm>> -> memref<79x128xi32, #tpu.memory_space<hbm>>
      tpu.wait_dma2 semaphore(%run_scoped3A : memref<!tpu.dma_semaphore, #tpu.memory_space<semaphore_mem>>) src(%dma_wait3A_28 : memref<79x128xi32, #tpu.memory_space<hbm>>) dst(%arg8 : memref<79x128xi32, #tpu.memory_space<vmem>>)
      tpu.yield
    }) : () -> ()
    %mul3A_1 = arith.constant 632 : i32
    %mul3A_2 = arith.muli %arg1, %mul3A_1 : i32
    %mul3A_3 = arith.constant 632 : i32
    %mul3A_4 = arith.muli %arg1, %mul3A_3 : i32
    "tpu.region"() ({
      %run_scoped3A = tpu.sem_alloc : memref<!tpu.dma_semaphore, #tpu.memory_space<semaphore_mem>>
      %dma_start3A = arith.constant 0 : i32
      %dma_start3A_15 = tpu.memref_slice %arg10[%mul3A_4, %dma_start3A] : memref<10112x128xf32, #tpu.memory_space<vmem_shared>> -> memref<632x128xf32, #tpu.memory_space<vmem_shared>>
      %dma_start3A_16 = arith.constant 0 : i32
      %dma_start3A_17 = tpu.memref_slice %arg5[%mul3A_2, %dma_start3A_16] : memref<10112x128xf32, #tpu.memory_space<hbm>> -> memref<632x128xf32, #tpu.memory_space<hbm>>
      tpu.enqueue_dma source(%dma_start3A_17 : memref<632x128xf32, #tpu.memory_space<hbm>>) target(%dma_start3A_15 : memref<632x128xf32, #tpu.memory_space<vmem_shared>>) target_semaphore(%run_scoped3A : memref<!tpu.dma_semaphore, #tpu.memory_space<semaphore_mem>>)
      %dma_wait3A = arith.constant 0 : i32
      %dma_wait3A_18 = tpu.memref_slice %arg10[%mul3A_4, %dma_wait3A] : memref<10112x128xf32, #tpu.memory_space<vmem_shared>> -> memref<632x128xf32, #tpu.memory_space<vmem_shared>>
      %dma_wait3A_19 = arith.constant 0 : i32
      %dma_wait3A_20 = tpu.memref_slice %arg5[%mul3A_2, %dma_wait3A_19] : memref<10112x128xf32, #tpu.memory_space<hbm>> -> memref<632x128xf32, #tpu.memory_space<hbm>>
      tpu.wait_dma2 semaphore(%run_scoped3A : memref<!tpu.dma_semaphore, #tpu.memory_space<semaphore_mem>>) src(%dma_wait3A_20 : memref<632x128xf32, #tpu.memory_space<hbm>>) dst(%dma_wait3A_18 : memref<632x128xf32, #tpu.memory_space<vmem_shared>>)
      tpu.yield
    }) : () -> ()
    %barrier3A = arith.constant 0 : index
    tpu.barrier barrier_id(%barrier3A)
    %scan3A = arith.constant 0 : i32
    %scan3A_5 = arith.constant 0 : i32
    %scan3A_6 = arith.constant 79 : i32
    %scan3A_7 = arith.addi %scan3A_5, %scan3A_6 : i32
    %scan3A_8 = arith.constant 1 : i32
    scf.for %scan3A_15 = %scan3A_5 to %scan3A_7 step %scan3A_8  : i32 {
      %dma_start3A = arith.constant 0 : i32
      %dma_start3A_16 = tpu.memref_slice %arg7[%scan3A_15, %dma_start3A] : memref<79x128xi32, #tpu.memory_space<vmem>> -> memref<1x128xi32, #tpu.memory_space<vmem>>
      %dma_start3A_17 = tpu.memref_squeeze %dma_start3A_16 : memref<1x128xi32, #tpu.memory_space<vmem>> -> memref<128xi32, #tpu.memory_space<vmem>>
      %dma_start3A_18 = arith.constant 0 : i32
      %dma_start3A_19 = arith.constant 0 : i32
      %dma_start3A_20 = tpu.memref_slice %arg2[%dma_start3A_18, %dma_start3A_19] : memref<40000x128xf32, #tpu.memory_space<hbm>> -> memref<40000x128xf32, #tpu.memory_space<hbm>>
      tpu.enqueue_indirect_dma source(%dma_start3A_20 : memref<40000x128xf32, #tpu.memory_space<hbm>>) target(%arg9 : memref<128x128xf32, #tpu.memory_space<vmem>>) offsets(%dma_start3A_17 : memref<128xi32, #tpu.memory_space<vmem>>) semaphore(%arg11 : memref<!tpu.dma_semaphore, #tpu.memory_space<semaphore_mem>>)
      %dma_wait3A = arith.constant 0 : i32
      %dma_wait3A_21 = tpu.memref_slice %arg7[%scan3A_15, %dma_wait3A] : memref<79x128xi32, #tpu.memory_space<vmem>> -> memref<1x128xi32, #tpu.memory_space<vmem>>
      %dma_wait3A_22 = tpu.memref_squeeze %dma_wait3A_21 : memref<1x128xi32, #tpu.memory_space<vmem>> -> memref<128xi32, #tpu.memory_space<vmem>>
      %dma_wait3A_23 = arith.constant 0 : i32
      %dma_wait3A_24 = arith.constant 0 : i32
      %dma_wait3A_25 = tpu.memref_slice %arg2[%dma_wait3A_23, %dma_wait3A_24] : memref<40000x128xf32, #tpu.memory_space<hbm>> -> memref<40000x128xf32, #tpu.memory_space<hbm>>
      tpu.wait_indirect_dma semaphore(%arg11 : memref<!tpu.dma_semaphore, #tpu.memory_space<semaphore_mem>>) src(%dma_wait3A_25 : memref<40000x128xf32, #tpu.memory_space<hbm>>) dst(%arg9 : memref<128x128xf32, #tpu.memory_space<vmem>>)
      "tpu.region"() ({
        %run_scoped3A = tpu.sem_alloc : memref<!tpu.dma_semaphore, #tpu.memory_space<semaphore_mem>>
        %dma_start3A_26 = arith.constant 0 : i32
        %dma_start3A_27 = tpu.memref_slice %arg8[%scan3A_15, %dma_start3A_26] : memref<79x128xi32, #tpu.memory_space<vmem>> -> memref<1x128xi32, #tpu.memory_space<vmem>>
        %dma_start3A_28 = tpu.memref_squeeze %dma_start3A_27 : memref<1x128xi32, #tpu.memory_space<vmem>> -> memref<128xi32, #tpu.memory_space<vmem>>
        %dma_start3A_29 = arith.constant 0 : i32
        %dma_start3A_30 = arith.constant 0 : i32
        %dma_start3A_31 = tpu.memref_slice %arg10[%dma_start3A_29, %dma_start3A_30] : memref<10112x128xf32, #tpu.memory_space<vmem_shared>> -> memref<10112x128xf32, #tpu.memory_space<vmem_shared>>
        tpu.enqueue_indirect_dma source(%arg9 : memref<128x128xf32, #tpu.memory_space<vmem>>) target(%dma_start3A_31 : memref<10112x128xf32, #tpu.memory_space<vmem_shared>>) offsets(%dma_start3A_28 : memref<128xi32, #tpu.memory_space<vmem>>) semaphore(%run_scoped3A : memref<!tpu.dma_semaphore, #tpu.memory_space<semaphore_mem>>) {add = true}
        %dma_wait3A_32 = arith.constant 0 : i32
        %dma_wait3A_33 = tpu.memref_slice %arg8[%scan3A_15, %dma_wait3A_32] : memref<79x128xi32, #tpu.memory_space<vmem>> -> memref<1x128xi32, #tpu.memory_space<vmem>>
        %dma_wait3A_34 = tpu.memref_squeeze %dma_wait3A_33 : memref<1x128xi32, #tpu.memory_space<vmem>> -> memref<128xi32, #tpu.memory_space<vmem>>
        %dma_wait3A_35 = arith.constant 0 : i32
        %dma_wait3A_36 = arith.constant 0 : i32
        %dma_wait3A_37 = tpu.memref_slice %arg10[%dma_wait3A_35, %dma_wait3A_36] : memref<10112x128xf32, #tpu.memory_space<vmem_shared>> -> memref<10112x128xf32, #tpu.memory_space<vmem_shared>>
        tpu.wait_indirect_dma semaphore(%run_scoped3A : memref<!tpu.dma_semaphore, #tpu.memory_space<semaphore_mem>>) src(%arg9 : memref<128x128xf32, #tpu.memory_space<vmem>>) dst(%dma_wait3A_37 : memref<10112x128xf32, #tpu.memory_space<vmem_shared>>)
        tpu.yield
      }) : () -> ()
    }
    %scan3A_9 = arith.constant 79 : i32
    %barrier3A_10 = arith.constant 0 : index
    tpu.barrier barrier_id(%barrier3A_10)
    %mul3A_11 = arith.constant 632 : i32
    %mul3A_12 = arith.muli %arg1, %mul3A_11 : i32
    %mul3A_13 = arith.constant 632 : i32
    %mul3A_14 = arith.muli %arg1, %mul3A_13 : i32
    "tpu.region"() ({
      %run_scoped3A = tpu.sem_alloc : memref<!tpu.dma_semaphore, #tpu.memory_space<semaphore_mem>>
      %dma_start3A = arith.constant 0 : i32
      %dma_start3A_15 = tpu.memref_slice %arg6[%arg0, %mul3A_14, %dma_start3A] : memref<2x10112x128xf32, #tpu.memory_space<hbm>> -> memref<1x632x128xf32, #tpu.memory_space<hbm>>
      %dma_start3A_16 = tpu.memref_squeeze %dma_start3A_15 : memref<1x632x128xf32, #tpu.memory_space<hbm>> -> memref<632x128xf32, #tpu.memory_space<hbm>>
      %dma_start3A_17 = arith.constant 0 : i32
      %dma_start3A_18 = tpu.memref_slice %arg10[%mul3A_12, %dma_start3A_17] : memref<10112x128xf32, #tpu.memory_space<vmem_shared>> -> memref<632x128xf32, #tpu.memory_space<vmem_shared>>
      tpu.enqueue_dma source(%dma_start3A_18 : memref<632x128xf32, #tpu.memory_space<vmem_shared>>) target(%dma_start3A_16 : memref<632x128xf32, #tpu.memory_space<hbm>>) target_semaphore(%run_scoped3A : memref<!tpu.dma_semaphore, #tpu.memory_space<semaphore_mem>>)
      %dma_wait3A = arith.constant 0 : i32
      %dma_wait3A_19 = tpu.memref_slice %arg6[%arg0, %mul3A_14, %dma_wait3A] : memref<2x10112x128xf32, #tpu.memory_space<hbm>> -> memref<1x632x128xf32, #tpu.memory_space<hbm>>
      %dma_wait3A_20 = tpu.memref_squeeze %dma_wait3A_19 : memref<1x632x128xf32, #tpu.memory_space<hbm>> -> memref<632x128xf32, #tpu.memory_space<hbm>>
      %dma_wait3A_21 = arith.constant 0 : i32
      %dma_wait3A_22 = tpu.memref_slice %arg10[%mul3A_12, %dma_wait3A_21] : memref<10112x128xf32, #tpu.memory_space<vmem_shared>> -> memref<632x128xf32, #tpu.memory_space<vmem_shared>>
      tpu.wait_dma2 semaphore(%run_scoped3A : memref<!tpu.dma_semaphore, #tpu.memory_space<semaphore_mem>>) src(%dma_wait3A_22 : memref<632x128xf32, #tpu.memory_space<vmem_shared>>) dst(%dma_wait3A_20 : memref<632x128xf32, #tpu.memory_space<hbm>>)
      tpu.yield
    }) : () -> ()
    return
  }
}

#map = affine_map<(d0, d1) -> (0, 0)>
#map1 = affine_map<(d0, d1) -> (0, 0, 0)>
module attributes {stable_mosaic.version = 14 : i64} {
  func.func @_edge_body(%arg0: i32, %arg1: i32, %arg2: memref<40000x128xf32, #tpu.memory_space<hbm>>, %arg3: memref<32x79x128xi32, #tpu.memory_space<hbm>>, %arg4: memref<32x79x128xi32, #tpu.memory_space<hbm>>, %arg5: memref<10112x128xf32, #tpu.memory_space<hbm>>, %arg6: memref<2x10112x128xf32, #tpu.memory_space<hbm>>, %arg7: memref<79x128xi32, #tpu.memory_space<vmem>>, %arg8: memref<79x128xi32, #tpu.memory_space<vmem>>, %arg9: memref<128x128xf32, #tpu.memory_space<vmem>>, %arg10: memref<10112x128xf32, #tpu.memory_space<vmem_shared>>, %arg11: memref<!tpu.dma_semaphore, #tpu.memory_space<semaphore_mem>>) attributes {dimension_semantics = [#tpu.dimension_semantics<core_parallel>, #tpu.dimension_semantics<subcore_parallel>], iteration_bounds = array<i64: 2, 16>, scalar_prefetch = 0 : i64, scratch_operands = 5 : i64, tpu.core_type = #tpu.core_type<sc_vector_subcore>, window_params = [{transform_indices = #map}, {transform_indices = #map1}, {transform_indices = #map1}, {transform_indices = #map}, {transform_indices = #map1}]} {
    %mul3A = arith.constant 16 : i32
    %mul3A_0 = arith.muli %arg0, %mul3A : i32
    %add3A = arith.addi %mul3A_0, %arg1 : i32
    "tpu.region"() ({
      %run_scoped3A = tpu.sem_alloc : memref<!tpu.dma_semaphore, #tpu.memory_space<semaphore_mem>>
      %dma_start3A = arith.constant 0 : i32
      %dma_start3A_15 = arith.constant 0 : i32
      %dma_start3A_16 = tpu.memref_slice %arg3[%add3A, %dma_start3A, %dma_start3A_15] : memref<32x79x128xi32, #tpu.memory_space<hbm>> -> memref<1x79x128xi32, #tpu.memory_space<hbm>>
      %dma_start3A_17 = tpu.memref_squeeze %dma_start3A_16 : memref<1x79x128xi32, #tpu.memory_space<hbm>> -> memref<79x128xi32, #tpu.memory_space<hbm>>
      %dma_start3A_18 = arith.constant 0 : i32
      %dma_start3A_19 = arith.constant 0 : i32
      %dma_start3A_20 = tpu.memref_slice %arg3[%add3A, %dma_start3A_18, %dma_start3A_19] : memref<32x79x128xi32, #tpu.memory_space<hbm>> -> memref<1x79x128xi32, #tpu.memory_space<hbm>>
      %dma_start3A_21 = tpu.memref_squeeze %dma_start3A_20 : memref<1x79x128xi32, #tpu.memory_space<hbm>> -> memref<79x128xi32, #tpu.memory_space<hbm>>
      tpu.enqueue_dma source(%dma_start3A_21 : memref<79x128xi32, #tpu.memory_space<hbm>>) target(%arg7 : memref<79x128xi32, #tpu.memory_space<vmem>>) target_semaphore(%run_scoped3A : memref<!tpu.dma_semaphore, #tpu.memory_space<semaphore_mem>>)
      %dma_wait3A = arith.constant 0 : i32
      %dma_wait3A_22 = arith.constant 0 : i32
      %dma_wait3A_23 = tpu.memref_slice %arg3[%add3A, %dma_wait3A, %dma_wait3A_22] : memref<32x79x128xi32, #tpu.memory_space<hbm>> -> memref<1x79x128xi32, #tpu.memory_space<hbm>>
      %dma_wait3A_24 = tpu.memref_squeeze %dma_wait3A_23 : memref<1x79x128xi32, #tpu.memory_space<hbm>> -> memref<79x128xi32, #tpu.memory_space<hbm>>
      %dma_wait3A_25 = arith.constant 0 : i32
      %dma_wait3A_26 = arith.constant 0 : i32
      %dma_wait3A_27 = tpu.memref_slice %arg3[%add3A, %dma_wait3A_25, %dma_wait3A_26] : memref<32x79x128xi32, #tpu.memory_space<hbm>> -> memref<1x79x128xi32, #tpu.memory_space<hbm>>
      %dma_wait3A_28 = tpu.memref_squeeze %dma_wait3A_27 : memref<1x79x128xi32, #tpu.memory_space<hbm>> -> memref<79x128xi32, #tpu.memory_space<hbm>>
      tpu.wait_dma2 semaphore(%run_scoped3A : memref<!tpu.dma_semaphore, #tpu.memory_space<semaphore_mem>>) src(%dma_wait3A_28 : memref<79x128xi32, #tpu.memory_space<hbm>>) dst(%arg7 : memref<79x128xi32, #tpu.memory_space<vmem>>)
      tpu.yield
    }) : () -> ()
    "tpu.region"() ({
      %run_scoped3A = tpu.sem_alloc : memref<!tpu.dma_semaphore, #tpu.memory_space<semaphore_mem>>
      %dma_start3A = arith.constant 0 : i32
      %dma_start3A_15 = arith.constant 0 : i32
      %dma_start3A_16 = tpu.memref_slice %arg4[%add3A, %dma_start3A, %dma_start3A_15] : memref<32x79x128xi32, #tpu.memory_space<hbm>> -> memref<1x79x128xi32, #tpu.memory_space<hbm>>
      %dma_start3A_17 = tpu.memref_squeeze %dma_start3A_16 : memref<1x79x128xi32, #tpu.memory_space<hbm>> -> memref<79x128xi32, #tpu.memory_space<hbm>>
      %dma_start3A_18 = arith.constant 0 : i32
      %dma_start3A_19 = arith.constant 0 : i32
      %dma_start3A_20 = tpu.memref_slice %arg4[%add3A, %dma_start3A_18, %dma_start3A_19] : memref<32x79x128xi32, #tpu.memory_space<hbm>> -> memref<1x79x128xi32, #tpu.memory_space<hbm>>
      %dma_start3A_21 = tpu.memref_squeeze %dma_start3A_20 : memref<1x79x128xi32, #tpu.memory_space<hbm>> -> memref<79x128xi32, #tpu.memory_space<hbm>>
      tpu.enqueue_dma source(%dma_start3A_21 : memref<79x128xi32, #tpu.memory_space<hbm>>) target(%arg8 : memref<79x128xi32, #tpu.memory_space<vmem>>) target_semaphore(%run_scoped3A : memref<!tpu.dma_semaphore, #tpu.memory_space<semaphore_mem>>)
      %dma_wait3A = arith.constant 0 : i32
      %dma_wait3A_22 = arith.constant 0 : i32
      %dma_wait3A_23 = tpu.memref_slice %arg4[%add3A, %dma_wait3A, %dma_wait3A_22] : memref<32x79x128xi32, #tpu.memory_space<hbm>> -> memref<1x79x128xi32, #tpu.memory_space<hbm>>
      %dma_wait3A_24 = tpu.memref_squeeze %dma_wait3A_23 : memref<1x79x128xi32, #tpu.memory_space<hbm>> -> memref<79x128xi32, #tpu.memory_space<hbm>>
      %dma_wait3A_25 = arith.constant 0 : i32
      %dma_wait3A_26 = arith.constant 0 : i32
      %dma_wait3A_27 = tpu.memref_slice %arg4[%add3A, %dma_wait3A_25, %dma_wait3A_26] : memref<32x79x128xi32, #tpu.memory_space<hbm>> -> memref<1x79x128xi32, #tpu.memory_space<hbm>>
      %dma_wait3A_28 = tpu.memref_squeeze %dma_wait3A_27 : memref<1x79x128xi32, #tpu.memory_space<hbm>> -> memref<79x128xi32, #tpu.memory_space<hbm>>
      tpu.wait_dma2 semaphore(%run_scoped3A : memref<!tpu.dma_semaphore, #tpu.memory_space<semaphore_mem>>) src(%dma_wait3A_28 : memref<79x128xi32, #tpu.memory_space<hbm>>) dst(%arg8 : memref<79x128xi32, #tpu.memory_space<vmem>>)
      tpu.yield
    }) : () -> ()
    %mul3A_1 = arith.constant 632 : i32
    %mul3A_2 = arith.muli %arg1, %mul3A_1 : i32
    %mul3A_3 = arith.constant 632 : i32
    %mul3A_4 = arith.muli %arg1, %mul3A_3 : i32
    "tpu.region"() ({
      %run_scoped3A = tpu.sem_alloc : memref<!tpu.dma_semaphore, #tpu.memory_space<semaphore_mem>>
      %dma_start3A = arith.constant 0 : i32
      %dma_start3A_15 = tpu.memref_slice %arg10[%mul3A_4, %dma_start3A] : memref<10112x128xf32, #tpu.memory_space<vmem_shared>> -> memref<632x128xf32, #tpu.memory_space<vmem_shared>>
      %dma_start3A_16 = arith.constant 0 : i32
      %dma_start3A_17 = tpu.memref_slice %arg5[%mul3A_2, %dma_start3A_16] : memref<10112x128xf32, #tpu.memory_space<hbm>> -> memref<632x128xf32, #tpu.memory_space<hbm>>
      tpu.enqueue_dma source(%dma_start3A_17 : memref<632x128xf32, #tpu.memory_space<hbm>>) target(%dma_start3A_15 : memref<632x128xf32, #tpu.memory_space<vmem_shared>>) target_semaphore(%run_scoped3A : memref<!tpu.dma_semaphore, #tpu.memory_space<semaphore_mem>>)
      %dma_wait3A = arith.constant 0 : i32
      %dma_wait3A_18 = tpu.memref_slice %arg10[%mul3A_4, %dma_wait3A] : memref<10112x128xf32, #tpu.memory_space<vmem_shared>> -> memref<632x128xf32, #tpu.memory_space<vmem_shared>>
      %dma_wait3A_19 = arith.constant 0 : i32
      %dma_wait3A_20 = tpu.memref_slice %arg5[%mul3A_2, %dma_wait3A_19] : memref<10112x128xf32, #tpu.memory_space<hbm>> -> memref<632x128xf32, #tpu.memory_space<hbm>>
      tpu.wait_dma2 semaphore(%run_scoped3A : memref<!tpu.dma_semaphore, #tpu.memory_space<semaphore_mem>>) src(%dma_wait3A_20 : memref<632x128xf32, #tpu.memory_space<hbm>>) dst(%dma_wait3A_18 : memref<632x128xf32, #tpu.memory_space<vmem_shared>>)
      tpu.yield
    }) : () -> ()
    %barrier3A = arith.constant 0 : index
    tpu.barrier barrier_id(%barrier3A)
    %scan3A = arith.constant 0 : i32
    %scan3A_5 = arith.constant 0 : i32
    %scan3A_6 = arith.constant 79 : i32
    %scan3A_7 = arith.addi %scan3A_5, %scan3A_6 : i32
    %scan3A_8 = arith.constant 1 : i32
    scf.for %scan3A_15 = %scan3A_5 to %scan3A_7 step %scan3A_8  : i32 {
      %dma_start3A = arith.constant 0 : i32
      %dma_start3A_16 = tpu.memref_slice %arg7[%scan3A_15, %dma_start3A] : memref<79x128xi32, #tpu.memory_space<vmem>> -> memref<1x128xi32, #tpu.memory_space<vmem>>
      %dma_start3A_17 = tpu.memref_squeeze %dma_start3A_16 : memref<1x128xi32, #tpu.memory_space<vmem>> -> memref<128xi32, #tpu.memory_space<vmem>>
      %dma_start3A_18 = arith.constant 0 : i32
      %dma_start3A_19 = arith.constant 0 : i32
      %dma_start3A_20 = tpu.memref_slice %arg2[%dma_start3A_18, %dma_start3A_19] : memref<40000x128xf32, #tpu.memory_space<hbm>> -> memref<40000x128xf32, #tpu.memory_space<hbm>>
      tpu.enqueue_indirect_dma source(%dma_start3A_20 : memref<40000x128xf32, #tpu.memory_space<hbm>>) target(%arg9 : memref<128x128xf32, #tpu.memory_space<vmem>>) offsets(%dma_start3A_17 : memref<128xi32, #tpu.memory_space<vmem>>) semaphore(%arg11 : memref<!tpu.dma_semaphore, #tpu.memory_space<semaphore_mem>>)
      %dma_wait3A = arith.constant 0 : i32
      %dma_wait3A_21 = tpu.memref_slice %arg7[%scan3A_15, %dma_wait3A] : memref<79x128xi32, #tpu.memory_space<vmem>> -> memref<1x128xi32, #tpu.memory_space<vmem>>
      %dma_wait3A_22 = tpu.memref_squeeze %dma_wait3A_21 : memref<1x128xi32, #tpu.memory_space<vmem>> -> memref<128xi32, #tpu.memory_space<vmem>>
      %dma_wait3A_23 = arith.constant 0 : i32
      %dma_wait3A_24 = arith.constant 0 : i32
      %dma_wait3A_25 = tpu.memref_slice %arg2[%dma_wait3A_23, %dma_wait3A_24] : memref<40000x128xf32, #tpu.memory_space<hbm>> -> memref<40000x128xf32, #tpu.memory_space<hbm>>
      tpu.wait_indirect_dma semaphore(%arg11 : memref<!tpu.dma_semaphore, #tpu.memory_space<semaphore_mem>>) src(%dma_wait3A_25 : memref<40000x128xf32, #tpu.memory_space<hbm>>) dst(%arg9 : memref<128x128xf32, #tpu.memory_space<vmem>>)
      "tpu.region"() ({
        %run_scoped3A = tpu.sem_alloc : memref<!tpu.dma_semaphore, #tpu.memory_space<semaphore_mem>>
        %dma_start3A_26 = arith.constant 0 : i32
        %dma_start3A_27 = tpu.memref_slice %arg8[%scan3A_15, %dma_start3A_26] : memref<79x128xi32, #tpu.memory_space<vmem>> -> memref<1x128xi32, #tpu.memory_space<vmem>>
        %dma_start3A_28 = tpu.memref_squeeze %dma_start3A_27 : memref<1x128xi32, #tpu.memory_space<vmem>> -> memref<128xi32, #tpu.memory_space<vmem>>
        %dma_start3A_29 = arith.constant 0 : i32
        %dma_start3A_30 = arith.constant 0 : i32
        %dma_start3A_31 = tpu.memref_slice %arg10[%dma_start3A_29, %dma_start3A_30] : memref<10112x128xf32, #tpu.memory_space<vmem_shared>> -> memref<10112x128xf32, #tpu.memory_space<vmem_shared>>
        tpu.enqueue_indirect_dma source(%arg9 : memref<128x128xf32, #tpu.memory_space<vmem>>) target(%dma_start3A_31 : memref<10112x128xf32, #tpu.memory_space<vmem_shared>>) offsets(%dma_start3A_28 : memref<128xi32, #tpu.memory_space<vmem>>) semaphore(%run_scoped3A : memref<!tpu.dma_semaphore, #tpu.memory_space<semaphore_mem>>) {add = true}
        %dma_wait3A_32 = arith.constant 0 : i32
        %dma_wait3A_33 = tpu.memref_slice %arg8[%scan3A_15, %dma_wait3A_32] : memref<79x128xi32, #tpu.memory_space<vmem>> -> memref<1x128xi32, #tpu.memory_space<vmem>>
        %dma_wait3A_34 = tpu.memref_squeeze %dma_wait3A_33 : memref<1x128xi32, #tpu.memory_space<vmem>> -> memref<128xi32, #tpu.memory_space<vmem>>
        %dma_wait3A_35 = arith.constant 0 : i32
        %dma_wait3A_36 = arith.constant 0 : i32
        %dma_wait3A_37 = tpu.memref_slice %arg10[%dma_wait3A_35, %dma_wait3A_36] : memref<10112x128xf32, #tpu.memory_space<vmem_shared>> -> memref<10112x128xf32, #tpu.memory_space<vmem_shared>>
        tpu.wait_indirect_dma semaphore(%run_scoped3A : memref<!tpu.dma_semaphore, #tpu.memory_space<semaphore_mem>>) src(%arg9 : memref<128x128xf32, #tpu.memory_space<vmem>>) dst(%dma_wait3A_37 : memref<10112x128xf32, #tpu.memory_space<vmem_shared>>)
        tpu.yield
      }) : () -> ()
    }
    %scan3A_9 = arith.constant 79 : i32
    %barrier3A_10 = arith.constant 0 : index
    tpu.barrier barrier_id(%barrier3A_10)
    %mul3A_11 = arith.constant 632 : i32
    %mul3A_12 = arith.muli %arg1, %mul3A_11 : i32
    %mul3A_13 = arith.constant 632 : i32
    %mul3A_14 = arith.muli %arg1, %mul3A_13 : i32
    "tpu.region"() ({
      %run_scoped3A = tpu.sem_alloc : memref<!tpu.dma_semaphore, #tpu.memory_space<semaphore_mem>>
      %dma_start3A = arith.constant 0 : i32
      %dma_start3A_15 = tpu.memref_slice %arg6[%arg0, %mul3A_14, %dma_start3A] : memref<2x10112x128xf32, #tpu.memory_space<hbm>> -> memref<1x632x128xf32, #tpu.memory_space<hbm>>
      %dma_start3A_16 = tpu.memref_squeeze %dma_start3A_15 : memref<1x632x128xf32, #tpu.memory_space<hbm>> -> memref<632x128xf32, #tpu.memory_space<hbm>>
      %dma_start3A_17 = arith.constant 0 : i32
      %dma_start3A_18 = tpu.memref_slice %arg10[%mul3A_12, %dma_start3A_17] : memref<10112x128xf32, #tpu.memory_space<vmem_shared>> -> memref<632x128xf32, #tpu.memory_space<vmem_shared>>
      tpu.enqueue_dma source(%dma_start3A_18 : memref<632x128xf32, #tpu.memory_space<vmem_shared>>) target(%dma_start3A_16 : memref<632x128xf32, #tpu.memory_space<hbm>>) target_semaphore(%run_scoped3A : memref<!tpu.dma_semaphore, #tpu.memory_space<semaphore_mem>>)
      %dma_wait3A = arith.constant 0 : i32
      %dma_wait3A_19 = tpu.memref_slice %arg6[%arg0, %mul3A_14, %dma_wait3A] : memref<2x10112x128xf32, #tpu.memory_space<hbm>> -> memref<1x632x128xf32, #tpu.memory_space<hbm>>
      %dma_wait3A_20 = tpu.memref_squeeze %dma_wait3A_19 : memref<1x632x128xf32, #tpu.memory_space<hbm>> -> memref<632x128xf32, #tpu.memory_space<hbm>>
      %dma_wait3A_21 = arith.constant 0 : i32
      %dma_wait3A_22 = tpu.memref_slice %arg10[%mul3A_12, %dma_wait3A_21] : memref<10112x128xf32, #tpu.memory_space<vmem_shared>> -> memref<632x128xf32, #tpu.memory_space<vmem_shared>>
      tpu.wait_dma2 semaphore(%run_scoped3A : memref<!tpu.dma_semaphore, #tpu.memory_space<semaphore_mem>>) src(%dma_wait3A_22 : memref<632x128xf32, #tpu.memory_space<vmem_shared>>) dst(%dma_wait3A_20 : memref<632x128xf32, #tpu.memory_space<hbm>>)
      tpu.yield
    }) : () -> ()
    return
  }
}

#map = affine_map<(d0, d1) -> (0, 0)>
#map1 = affine_map<(d0, d1) -> (0, 0, 0)>
module attributes {stable_mosaic.version = 14 : i64} {
  func.func @_edge_body(%arg0: i32, %arg1: i32, %arg2: memref<40000x128xf32, #tpu.memory_space<hbm>>, %arg3: memref<32x79x128xi32, #tpu.memory_space<hbm>>, %arg4: memref<32x79x128xi32, #tpu.memory_space<hbm>>, %arg5: memref<10112x128xf32, #tpu.memory_space<hbm>>, %arg6: memref<2x10112x128xf32, #tpu.memory_space<hbm>>, %arg7: memref<79x128xi32, #tpu.memory_space<vmem>>, %arg8: memref<79x128xi32, #tpu.memory_space<vmem>>, %arg9: memref<128x128xf32, #tpu.memory_space<vmem>>, %arg10: memref<10112x128xf32, #tpu.memory_space<vmem_shared>>, %arg11: memref<!tpu.dma_semaphore, #tpu.memory_space<semaphore_mem>>) attributes {dimension_semantics = [#tpu.dimension_semantics<core_parallel>, #tpu.dimension_semantics<subcore_parallel>], iteration_bounds = array<i64: 2, 16>, scalar_prefetch = 0 : i64, scratch_operands = 5 : i64, tpu.core_type = #tpu.core_type<sc_vector_subcore>, window_params = [{transform_indices = #map}, {transform_indices = #map1}, {transform_indices = #map1}, {transform_indices = #map}, {transform_indices = #map1}]} {
    %mul3A = arith.constant 16 : i32
    %mul3A_0 = arith.muli %arg0, %mul3A : i32
    %add3A = arith.addi %mul3A_0, %arg1 : i32
    "tpu.region"() ({
      %run_scoped3A = tpu.sem_alloc : memref<!tpu.dma_semaphore, #tpu.memory_space<semaphore_mem>>
      %dma_start3A = arith.constant 0 : i32
      %dma_start3A_15 = arith.constant 0 : i32
      %dma_start3A_16 = tpu.memref_slice %arg3[%add3A, %dma_start3A, %dma_start3A_15] : memref<32x79x128xi32, #tpu.memory_space<hbm>> -> memref<1x79x128xi32, #tpu.memory_space<hbm>>
      %dma_start3A_17 = tpu.memref_squeeze %dma_start3A_16 : memref<1x79x128xi32, #tpu.memory_space<hbm>> -> memref<79x128xi32, #tpu.memory_space<hbm>>
      %dma_start3A_18 = arith.constant 0 : i32
      %dma_start3A_19 = arith.constant 0 : i32
      %dma_start3A_20 = tpu.memref_slice %arg3[%add3A, %dma_start3A_18, %dma_start3A_19] : memref<32x79x128xi32, #tpu.memory_space<hbm>> -> memref<1x79x128xi32, #tpu.memory_space<hbm>>
      %dma_start3A_21 = tpu.memref_squeeze %dma_start3A_20 : memref<1x79x128xi32, #tpu.memory_space<hbm>> -> memref<79x128xi32, #tpu.memory_space<hbm>>
      tpu.enqueue_dma source(%dma_start3A_21 : memref<79x128xi32, #tpu.memory_space<hbm>>) target(%arg7 : memref<79x128xi32, #tpu.memory_space<vmem>>) target_semaphore(%run_scoped3A : memref<!tpu.dma_semaphore, #tpu.memory_space<semaphore_mem>>)
      %dma_wait3A = arith.constant 0 : i32
      %dma_wait3A_22 = arith.constant 0 : i32
      %dma_wait3A_23 = tpu.memref_slice %arg3[%add3A, %dma_wait3A, %dma_wait3A_22] : memref<32x79x128xi32, #tpu.memory_space<hbm>> -> memref<1x79x128xi32, #tpu.memory_space<hbm>>
      %dma_wait3A_24 = tpu.memref_squeeze %dma_wait3A_23 : memref<1x79x128xi32, #tpu.memory_space<hbm>> -> memref<79x128xi32, #tpu.memory_space<hbm>>
      %dma_wait3A_25 = arith.constant 0 : i32
      %dma_wait3A_26 = arith.constant 0 : i32
      %dma_wait3A_27 = tpu.memref_slice %arg3[%add3A, %dma_wait3A_25, %dma_wait3A_26] : memref<32x79x128xi32, #tpu.memory_space<hbm>> -> memref<1x79x128xi32, #tpu.memory_space<hbm>>
      %dma_wait3A_28 = tpu.memref_squeeze %dma_wait3A_27 : memref<1x79x128xi32, #tpu.memory_space<hbm>> -> memref<79x128xi32, #tpu.memory_space<hbm>>
      tpu.wait_dma2 semaphore(%run_scoped3A : memref<!tpu.dma_semaphore, #tpu.memory_space<semaphore_mem>>) src(%dma_wait3A_28 : memref<79x128xi32, #tpu.memory_space<hbm>>) dst(%arg7 : memref<79x128xi32, #tpu.memory_space<vmem>>)
      tpu.yield
    }) : () -> ()
    "tpu.region"() ({
      %run_scoped3A = tpu.sem_alloc : memref<!tpu.dma_semaphore, #tpu.memory_space<semaphore_mem>>
      %dma_start3A = arith.constant 0 : i32
      %dma_start3A_15 = arith.constant 0 : i32
      %dma_start3A_16 = tpu.memref_slice %arg4[%add3A, %dma_start3A, %dma_start3A_15] : memref<32x79x128xi32, #tpu.memory_space<hbm>> -> memref<1x79x128xi32, #tpu.memory_space<hbm>>
      %dma_start3A_17 = tpu.memref_squeeze %dma_start3A_16 : memref<1x79x128xi32, #tpu.memory_space<hbm>> -> memref<79x128xi32, #tpu.memory_space<hbm>>
      %dma_start3A_18 = arith.constant 0 : i32
      %dma_start3A_19 = arith.constant 0 : i32
      %dma_start3A_20 = tpu.memref_slice %arg4[%add3A, %dma_start3A_18, %dma_start3A_19] : memref<32x79x128xi32, #tpu.memory_space<hbm>> -> memref<1x79x128xi32, #tpu.memory_space<hbm>>
      %dma_start3A_21 = tpu.memref_squeeze %dma_start3A_20 : memref<1x79x128xi32, #tpu.memory_space<hbm>> -> memref<79x128xi32, #tpu.memory_space<hbm>>
      tpu.enqueue_dma source(%dma_start3A_21 : memref<79x128xi32, #tpu.memory_space<hbm>>) target(%arg8 : memref<79x128xi32, #tpu.memory_space<vmem>>) target_semaphore(%run_scoped3A : memref<!tpu.dma_semaphore, #tpu.memory_space<semaphore_mem>>)
      %dma_wait3A = arith.constant 0 : i32
      %dma_wait3A_22 = arith.constant 0 : i32
      %dma_wait3A_23 = tpu.memref_slice %arg4[%add3A, %dma_wait3A, %dma_wait3A_22] : memref<32x79x128xi32, #tpu.memory_space<hbm>> -> memref<1x79x128xi32, #tpu.memory_space<hbm>>
      %dma_wait3A_24 = tpu.memref_squeeze %dma_wait3A_23 : memref<1x79x128xi32, #tpu.memory_space<hbm>> -> memref<79x128xi32, #tpu.memory_space<hbm>>
      %dma_wait3A_25 = arith.constant 0 : i32
      %dma_wait3A_26 = arith.constant 0 : i32
      %dma_wait3A_27 = tpu.memref_slice %arg4[%add3A, %dma_wait3A_25, %dma_wait3A_26] : memref<32x79x128xi32, #tpu.memory_space<hbm>> -> memref<1x79x128xi32, #tpu.memory_space<hbm>>
      %dma_wait3A_28 = tpu.memref_squeeze %dma_wait3A_27 : memref<1x79x128xi32, #tpu.memory_space<hbm>> -> memref<79x128xi32, #tpu.memory_space<hbm>>
      tpu.wait_dma2 semaphore(%run_scoped3A : memref<!tpu.dma_semaphore, #tpu.memory_space<semaphore_mem>>) src(%dma_wait3A_28 : memref<79x128xi32, #tpu.memory_space<hbm>>) dst(%arg8 : memref<79x128xi32, #tpu.memory_space<vmem>>)
      tpu.yield
    }) : () -> ()
    %mul3A_1 = arith.constant 632 : i32
    %mul3A_2 = arith.muli %arg1, %mul3A_1 : i32
    %mul3A_3 = arith.constant 632 : i32
    %mul3A_4 = arith.muli %arg1, %mul3A_3 : i32
    "tpu.region"() ({
      %run_scoped3A = tpu.sem_alloc : memref<!tpu.dma_semaphore, #tpu.memory_space<semaphore_mem>>
      %dma_start3A = arith.constant 0 : i32
      %dma_start3A_15 = tpu.memref_slice %arg10[%mul3A_4, %dma_start3A] : memref<10112x128xf32, #tpu.memory_space<vmem_shared>> -> memref<632x128xf32, #tpu.memory_space<vmem_shared>>
      %dma_start3A_16 = arith.constant 0 : i32
      %dma_start3A_17 = tpu.memref_slice %arg5[%mul3A_2, %dma_start3A_16] : memref<10112x128xf32, #tpu.memory_space<hbm>> -> memref<632x128xf32, #tpu.memory_space<hbm>>
      tpu.enqueue_dma source(%dma_start3A_17 : memref<632x128xf32, #tpu.memory_space<hbm>>) target(%dma_start3A_15 : memref<632x128xf32, #tpu.memory_space<vmem_shared>>) target_semaphore(%run_scoped3A : memref<!tpu.dma_semaphore, #tpu.memory_space<semaphore_mem>>)
      %dma_wait3A = arith.constant 0 : i32
      %dma_wait3A_18 = tpu.memref_slice %arg10[%mul3A_4, %dma_wait3A] : memref<10112x128xf32, #tpu.memory_space<vmem_shared>> -> memref<632x128xf32, #tpu.memory_space<vmem_shared>>
      %dma_wait3A_19 = arith.constant 0 : i32
      %dma_wait3A_20 = tpu.memref_slice %arg5[%mul3A_2, %dma_wait3A_19] : memref<10112x128xf32, #tpu.memory_space<hbm>> -> memref<632x128xf32, #tpu.memory_space<hbm>>
      tpu.wait_dma2 semaphore(%run_scoped3A : memref<!tpu.dma_semaphore, #tpu.memory_space<semaphore_mem>>) src(%dma_wait3A_20 : memref<632x128xf32, #tpu.memory_space<hbm>>) dst(%dma_wait3A_18 : memref<632x128xf32, #tpu.memory_space<vmem_shared>>)
      tpu.yield
    }) : () -> ()
    %barrier3A = arith.constant 0 : index
    tpu.barrier barrier_id(%barrier3A)
    %scan3A = arith.constant 0 : i32
    %scan3A_5 = arith.constant 0 : i32
    %scan3A_6 = arith.constant 79 : i32
    %scan3A_7 = arith.addi %scan3A_5, %scan3A_6 : i32
    %scan3A_8 = arith.constant 1 : i32
    scf.for %scan3A_15 = %scan3A_5 to %scan3A_7 step %scan3A_8  : i32 {
      %dma_start3A = arith.constant 0 : i32
      %dma_start3A_16 = tpu.memref_slice %arg7[%scan3A_15, %dma_start3A] : memref<79x128xi32, #tpu.memory_space<vmem>> -> memref<1x128xi32, #tpu.memory_space<vmem>>
      %dma_start3A_17 = tpu.memref_squeeze %dma_start3A_16 : memref<1x128xi32, #tpu.memory_space<vmem>> -> memref<128xi32, #tpu.memory_space<vmem>>
      %dma_start3A_18 = arith.constant 0 : i32
      %dma_start3A_19 = arith.constant 0 : i32
      %dma_start3A_20 = tpu.memref_slice %arg2[%dma_start3A_18, %dma_start3A_19] : memref<40000x128xf32, #tpu.memory_space<hbm>> -> memref<40000x128xf32, #tpu.memory_space<hbm>>
      tpu.enqueue_indirect_dma source(%dma_start3A_20 : memref<40000x128xf32, #tpu.memory_space<hbm>>) target(%arg9 : memref<128x128xf32, #tpu.memory_space<vmem>>) offsets(%dma_start3A_17 : memref<128xi32, #tpu.memory_space<vmem>>) semaphore(%arg11 : memref<!tpu.dma_semaphore, #tpu.memory_space<semaphore_mem>>)
      %dma_wait3A = arith.constant 0 : i32
      %dma_wait3A_21 = tpu.memref_slice %arg7[%scan3A_15, %dma_wait3A] : memref<79x128xi32, #tpu.memory_space<vmem>> -> memref<1x128xi32, #tpu.memory_space<vmem>>
      %dma_wait3A_22 = tpu.memref_squeeze %dma_wait3A_21 : memref<1x128xi32, #tpu.memory_space<vmem>> -> memref<128xi32, #tpu.memory_space<vmem>>
      %dma_wait3A_23 = arith.constant 0 : i32
      %dma_wait3A_24 = arith.constant 0 : i32
      %dma_wait3A_25 = tpu.memref_slice %arg2[%dma_wait3A_23, %dma_wait3A_24] : memref<40000x128xf32, #tpu.memory_space<hbm>> -> memref<40000x128xf32, #tpu.memory_space<hbm>>
      tpu.wait_indirect_dma semaphore(%arg11 : memref<!tpu.dma_semaphore, #tpu.memory_space<semaphore_mem>>) src(%dma_wait3A_25 : memref<40000x128xf32, #tpu.memory_space<hbm>>) dst(%arg9 : memref<128x128xf32, #tpu.memory_space<vmem>>)
      "tpu.region"() ({
        %run_scoped3A = tpu.sem_alloc : memref<!tpu.dma_semaphore, #tpu.memory_space<semaphore_mem>>
        %dma_start3A_26 = arith.constant 0 : i32
        %dma_start3A_27 = tpu.memref_slice %arg8[%scan3A_15, %dma_start3A_26] : memref<79x128xi32, #tpu.memory_space<vmem>> -> memref<1x128xi32, #tpu.memory_space<vmem>>
        %dma_start3A_28 = tpu.memref_squeeze %dma_start3A_27 : memref<1x128xi32, #tpu.memory_space<vmem>> -> memref<128xi32, #tpu.memory_space<vmem>>
        %dma_start3A_29 = arith.constant 0 : i32
        %dma_start3A_30 = arith.constant 0 : i32
        %dma_start3A_31 = tpu.memref_slice %arg10[%dma_start3A_29, %dma_start3A_30] : memref<10112x128xf32, #tpu.memory_space<vmem_shared>> -> memref<10112x128xf32, #tpu.memory_space<vmem_shared>>
        tpu.enqueue_indirect_dma source(%arg9 : memref<128x128xf32, #tpu.memory_space<vmem>>) target(%dma_start3A_31 : memref<10112x128xf32, #tpu.memory_space<vmem_shared>>) offsets(%dma_start3A_28 : memref<128xi32, #tpu.memory_space<vmem>>) semaphore(%run_scoped3A : memref<!tpu.dma_semaphore, #tpu.memory_space<semaphore_mem>>) {add = true}
        %dma_wait3A_32 = arith.constant 0 : i32
        %dma_wait3A_33 = tpu.memref_slice %arg8[%scan3A_15, %dma_wait3A_32] : memref<79x128xi32, #tpu.memory_space<vmem>> -> memref<1x128xi32, #tpu.memory_space<vmem>>
        %dma_wait3A_34 = tpu.memref_squeeze %dma_wait3A_33 : memref<1x128xi32, #tpu.memory_space<vmem>> -> memref<128xi32, #tpu.memory_space<vmem>>
        %dma_wait3A_35 = arith.constant 0 : i32
        %dma_wait3A_36 = arith.constant 0 : i32
        %dma_wait3A_37 = tpu.memref_slice %arg10[%dma_wait3A_35, %dma_wait3A_36] : memref<10112x128xf32, #tpu.memory_space<vmem_shared>> -> memref<10112x128xf32, #tpu.memory_space<vmem_shared>>
        tpu.wait_indirect_dma semaphore(%run_scoped3A : memref<!tpu.dma_semaphore, #tpu.memory_space<semaphore_mem>>) src(%arg9 : memref<128x128xf32, #tpu.memory_space<vmem>>) dst(%dma_wait3A_37 : memref<10112x128xf32, #tpu.memory_space<vmem_shared>>)
        tpu.yield
      }) : () -> ()
    }
    %scan3A_9 = arith.constant 79 : i32
    %barrier3A_10 = arith.constant 0 : index
    tpu.barrier barrier_id(%barrier3A_10)
    %mul3A_11 = arith.constant 632 : i32
    %mul3A_12 = arith.muli %arg1, %mul3A_11 : i32
    %mul3A_13 = arith.constant 632 : i32
    %mul3A_14 = arith.muli %arg1, %mul3A_13 : i32
    "tpu.region"() ({
      %run_scoped3A = tpu.sem_alloc : memref<!tpu.dma_semaphore, #tpu.memory_space<semaphore_mem>>
      %dma_start3A = arith.constant 0 : i32
      %dma_start3A_15 = tpu.memref_slice %arg6[%arg0, %mul3A_14, %dma_start3A] : memref<2x10112x128xf32, #tpu.memory_space<hbm>> -> memref<1x632x128xf32, #tpu.memory_space<hbm>>
      %dma_start3A_16 = tpu.memref_squeeze %dma_start3A_15 : memref<1x632x128xf32, #tpu.memory_space<hbm>> -> memref<632x128xf32, #tpu.memory_space<hbm>>
      %dma_start3A_17 = arith.constant 0 : i32
      %dma_start3A_18 = tpu.memref_slice %arg10[%mul3A_12, %dma_start3A_17] : memref<10112x128xf32, #tpu.memory_space<vmem_shared>> -> memref<632x128xf32, #tpu.memory_space<vmem_shared>>
      tpu.enqueue_dma source(%dma_start3A_18 : memref<632x128xf32, #tpu.memory_space<vmem_shared>>) target(%dma_start3A_16 : memref<632x128xf32, #tpu.memory_space<hbm>>) target_semaphore(%run_scoped3A : memref<!tpu.dma_semaphore, #tpu.memory_space<semaphore_mem>>)
      %dma_wait3A = arith.constant 0 : i32
      %dma_wait3A_19 = tpu.memref_slice %arg6[%arg0, %mul3A_14, %dma_wait3A] : memref<2x10112x128xf32, #tpu.memory_space<hbm>> -> memref<1x632x128xf32, #tpu.memory_space<hbm>>
      %dma_wait3A_20 = tpu.memref_squeeze %dma_wait3A_19 : memref<1x632x128xf32, #tpu.memory_space<hbm>> -> memref<632x128xf32, #tpu.memory_space<hbm>>
      %dma_wait3A_21 = arith.constant 0 : i32
      %dma_wait3A_22 = tpu.memref_slice %arg10[%mul3A_12, %dma_wait3A_21] : memref<10112x128xf32, #tpu.memory_space<vmem_shared>> -> memref<632x128xf32, #tpu.memory_space<vmem_shared>>
      tpu.wait_dma2 semaphore(%run_scoped3A : memref<!tpu.dma_semaphore, #tpu.memory_space<semaphore_mem>>) src(%dma_wait3A_22 : memref<632x128xf32, #tpu.memory_space<vmem_shared>>) dst(%dma_wait3A_20 : memref<632x128xf32, #tpu.memory_space<hbm>>)
      tpu.yield
    }) : () -> ()
    return
  }
}

#map = affine_map<(d0, d1) -> (0, 0)>
#map1 = affine_map<(d0, d1) -> (0, 0, 0)>
module attributes {stable_mosaic.version = 14 : i64} {
  func.func @_edge_body(%arg0: i32, %arg1: i32, %arg2: memref<40000x128xf32, #tpu.memory_space<hbm>>, %arg3: memref<32x79x128xi32, #tpu.memory_space<hbm>>, %arg4: memref<32x79x128xi32, #tpu.memory_space<hbm>>, %arg5: memref<10112x128xf32, #tpu.memory_space<hbm>>, %arg6: memref<2x10112x128xf32, #tpu.memory_space<hbm>>, %arg7: memref<79x128xi32, #tpu.memory_space<vmem>>, %arg8: memref<79x128xi32, #tpu.memory_space<vmem>>, %arg9: memref<128x128xf32, #tpu.memory_space<vmem>>, %arg10: memref<10112x128xf32, #tpu.memory_space<vmem_shared>>, %arg11: memref<!tpu.dma_semaphore, #tpu.memory_space<semaphore_mem>>) attributes {dimension_semantics = [#tpu.dimension_semantics<core_parallel>, #tpu.dimension_semantics<subcore_parallel>], iteration_bounds = array<i64: 2, 16>, scalar_prefetch = 0 : i64, scratch_operands = 5 : i64, tpu.core_type = #tpu.core_type<sc_vector_subcore>, window_params = [{transform_indices = #map}, {transform_indices = #map1}, {transform_indices = #map1}, {transform_indices = #map}, {transform_indices = #map1}]} {
    %mul3A = arith.constant 16 : i32
    %mul3A_0 = arith.muli %arg0, %mul3A : i32
    %add3A = arith.addi %mul3A_0, %arg1 : i32
    "tpu.region"() ({
      %run_scoped3A = tpu.sem_alloc : memref<!tpu.dma_semaphore, #tpu.memory_space<semaphore_mem>>
      %dma_start3A = arith.constant 0 : i32
      %dma_start3A_15 = arith.constant 0 : i32
      %dma_start3A_16 = tpu.memref_slice %arg3[%add3A, %dma_start3A, %dma_start3A_15] : memref<32x79x128xi32, #tpu.memory_space<hbm>> -> memref<1x79x128xi32, #tpu.memory_space<hbm>>
      %dma_start3A_17 = tpu.memref_squeeze %dma_start3A_16 : memref<1x79x128xi32, #tpu.memory_space<hbm>> -> memref<79x128xi32, #tpu.memory_space<hbm>>
      %dma_start3A_18 = arith.constant 0 : i32
      %dma_start3A_19 = arith.constant 0 : i32
      %dma_start3A_20 = tpu.memref_slice %arg3[%add3A, %dma_start3A_18, %dma_start3A_19] : memref<32x79x128xi32, #tpu.memory_space<hbm>> -> memref<1x79x128xi32, #tpu.memory_space<hbm>>
      %dma_start3A_21 = tpu.memref_squeeze %dma_start3A_20 : memref<1x79x128xi32, #tpu.memory_space<hbm>> -> memref<79x128xi32, #tpu.memory_space<hbm>>
      tpu.enqueue_dma source(%dma_start3A_21 : memref<79x128xi32, #tpu.memory_space<hbm>>) target(%arg7 : memref<79x128xi32, #tpu.memory_space<vmem>>) target_semaphore(%run_scoped3A : memref<!tpu.dma_semaphore, #tpu.memory_space<semaphore_mem>>)
      %dma_wait3A = arith.constant 0 : i32
      %dma_wait3A_22 = arith.constant 0 : i32
      %dma_wait3A_23 = tpu.memref_slice %arg3[%add3A, %dma_wait3A, %dma_wait3A_22] : memref<32x79x128xi32, #tpu.memory_space<hbm>> -> memref<1x79x128xi32, #tpu.memory_space<hbm>>
      %dma_wait3A_24 = tpu.memref_squeeze %dma_wait3A_23 : memref<1x79x128xi32, #tpu.memory_space<hbm>> -> memref<79x128xi32, #tpu.memory_space<hbm>>
      %dma_wait3A_25 = arith.constant 0 : i32
      %dma_wait3A_26 = arith.constant 0 : i32
      %dma_wait3A_27 = tpu.memref_slice %arg3[%add3A, %dma_wait3A_25, %dma_wait3A_26] : memref<32x79x128xi32, #tpu.memory_space<hbm>> -> memref<1x79x128xi32, #tpu.memory_space<hbm>>
      %dma_wait3A_28 = tpu.memref_squeeze %dma_wait3A_27 : memref<1x79x128xi32, #tpu.memory_space<hbm>> -> memref<79x128xi32, #tpu.memory_space<hbm>>
      tpu.wait_dma2 semaphore(%run_scoped3A : memref<!tpu.dma_semaphore, #tpu.memory_space<semaphore_mem>>) src(%dma_wait3A_28 : memref<79x128xi32, #tpu.memory_space<hbm>>) dst(%arg7 : memref<79x128xi32, #tpu.memory_space<vmem>>)
      tpu.yield
    }) : () -> ()
    "tpu.region"() ({
      %run_scoped3A = tpu.sem_alloc : memref<!tpu.dma_semaphore, #tpu.memory_space<semaphore_mem>>
      %dma_start3A = arith.constant 0 : i32
      %dma_start3A_15 = arith.constant 0 : i32
      %dma_start3A_16 = tpu.memref_slice %arg4[%add3A, %dma_start3A, %dma_start3A_15] : memref<32x79x128xi32, #tpu.memory_space<hbm>> -> memref<1x79x128xi32, #tpu.memory_space<hbm>>
      %dma_start3A_17 = tpu.memref_squeeze %dma_start3A_16 : memref<1x79x128xi32, #tpu.memory_space<hbm>> -> memref<79x128xi32, #tpu.memory_space<hbm>>
      %dma_start3A_18 = arith.constant 0 : i32
      %dma_start3A_19 = arith.constant 0 : i32
      %dma_start3A_20 = tpu.memref_slice %arg4[%add3A, %dma_start3A_18, %dma_start3A_19] : memref<32x79x128xi32, #tpu.memory_space<hbm>> -> memref<1x79x128xi32, #tpu.memory_space<hbm>>
      %dma_start3A_21 = tpu.memref_squeeze %dma_start3A_20 : memref<1x79x128xi32, #tpu.memory_space<hbm>> -> memref<79x128xi32, #tpu.memory_space<hbm>>
      tpu.enqueue_dma source(%dma_start3A_21 : memref<79x128xi32, #tpu.memory_space<hbm>>) target(%arg8 : memref<79x128xi32, #tpu.memory_space<vmem>>) target_semaphore(%run_scoped3A : memref<!tpu.dma_semaphore, #tpu.memory_space<semaphore_mem>>)
      %dma_wait3A = arith.constant 0 : i32
      %dma_wait3A_22 = arith.constant 0 : i32
      %dma_wait3A_23 = tpu.memref_slice %arg4[%add3A, %dma_wait3A, %dma_wait3A_22] : memref<32x79x128xi32, #tpu.memory_space<hbm>> -> memref<1x79x128xi32, #tpu.memory_space<hbm>>
      %dma_wait3A_24 = tpu.memref_squeeze %dma_wait3A_23 : memref<1x79x128xi32, #tpu.memory_space<hbm>> -> memref<79x128xi32, #tpu.memory_space<hbm>>
      %dma_wait3A_25 = arith.constant 0 : i32
      %dma_wait3A_26 = arith.constant 0 : i32
      %dma_wait3A_27 = tpu.memref_slice %arg4[%add3A, %dma_wait3A_25, %dma_wait3A_26] : memref<32x79x128xi32, #tpu.memory_space<hbm>> -> memref<1x79x128xi32, #tpu.memory_space<hbm>>
      %dma_wait3A_28 = tpu.memref_squeeze %dma_wait3A_27 : memref<1x79x128xi32, #tpu.memory_space<hbm>> -> memref<79x128xi32, #tpu.memory_space<hbm>>
      tpu.wait_dma2 semaphore(%run_scoped3A : memref<!tpu.dma_semaphore, #tpu.memory_space<semaphore_mem>>) src(%dma_wait3A_28 : memref<79x128xi32, #tpu.memory_space<hbm>>) dst(%arg8 : memref<79x128xi32, #tpu.memory_space<vmem>>)
      tpu.yield
    }) : () -> ()
    %mul3A_1 = arith.constant 632 : i32
    %mul3A_2 = arith.muli %arg1, %mul3A_1 : i32
    %mul3A_3 = arith.constant 632 : i32
    %mul3A_4 = arith.muli %arg1, %mul3A_3 : i32
    "tpu.region"() ({
      %run_scoped3A = tpu.sem_alloc : memref<!tpu.dma_semaphore, #tpu.memory_space<semaphore_mem>>
      %dma_start3A = arith.constant 0 : i32
      %dma_start3A_15 = tpu.memref_slice %arg10[%mul3A_4, %dma_start3A] : memref<10112x128xf32, #tpu.memory_space<vmem_shared>> -> memref<632x128xf32, #tpu.memory_space<vmem_shared>>
      %dma_start3A_16 = arith.constant 0 : i32
      %dma_start3A_17 = tpu.memref_slice %arg5[%mul3A_2, %dma_start3A_16] : memref<10112x128xf32, #tpu.memory_space<hbm>> -> memref<632x128xf32, #tpu.memory_space<hbm>>
      tpu.enqueue_dma source(%dma_start3A_17 : memref<632x128xf32, #tpu.memory_space<hbm>>) target(%dma_start3A_15 : memref<632x128xf32, #tpu.memory_space<vmem_shared>>) target_semaphore(%run_scoped3A : memref<!tpu.dma_semaphore, #tpu.memory_space<semaphore_mem>>)
      %dma_wait3A = arith.constant 0 : i32
      %dma_wait3A_18 = tpu.memref_slice %arg10[%mul3A_4, %dma_wait3A] : memref<10112x128xf32, #tpu.memory_space<vmem_shared>> -> memref<632x128xf32, #tpu.memory_space<vmem_shared>>
      %dma_wait3A_19 = arith.constant 0 : i32
      %dma_wait3A_20 = tpu.memref_slice %arg5[%mul3A_2, %dma_wait3A_19] : memref<10112x128xf32, #tpu.memory_space<hbm>> -> memref<632x128xf32, #tpu.memory_space<hbm>>
      tpu.wait_dma2 semaphore(%run_scoped3A : memref<!tpu.dma_semaphore, #tpu.memory_space<semaphore_mem>>) src(%dma_wait3A_20 : memref<632x128xf32, #tpu.memory_space<hbm>>) dst(%dma_wait3A_18 : memref<632x128xf32, #tpu.memory_space<vmem_shared>>)
      tpu.yield
    }) : () -> ()
    %barrier3A = arith.constant 0 : index
    tpu.barrier barrier_id(%barrier3A)
    %scan3A = arith.constant 0 : i32
    %scan3A_5 = arith.constant 0 : i32
    %scan3A_6 = arith.constant 79 : i32
    %scan3A_7 = arith.addi %scan3A_5, %scan3A_6 : i32
    %scan3A_8 = arith.constant 1 : i32
    scf.for %scan3A_15 = %scan3A_5 to %scan3A_7 step %scan3A_8  : i32 {
      %dma_start3A = arith.constant 0 : i32
      %dma_start3A_16 = tpu.memref_slice %arg7[%scan3A_15, %dma_start3A] : memref<79x128xi32, #tpu.memory_space<vmem>> -> memref<1x128xi32, #tpu.memory_space<vmem>>
      %dma_start3A_17 = tpu.memref_squeeze %dma_start3A_16 : memref<1x128xi32, #tpu.memory_space<vmem>> -> memref<128xi32, #tpu.memory_space<vmem>>
      %dma_start3A_18 = arith.constant 0 : i32
      %dma_start3A_19 = arith.constant 0 : i32
      %dma_start3A_20 = tpu.memref_slice %arg2[%dma_start3A_18, %dma_start3A_19] : memref<40000x128xf32, #tpu.memory_space<hbm>> -> memref<40000x128xf32, #tpu.memory_space<hbm>>
      tpu.enqueue_indirect_dma source(%dma_start3A_20 : memref<40000x128xf32, #tpu.memory_space<hbm>>) target(%arg9 : memref<128x128xf32, #tpu.memory_space<vmem>>) offsets(%dma_start3A_17 : memref<128xi32, #tpu.memory_space<vmem>>) semaphore(%arg11 : memref<!tpu.dma_semaphore, #tpu.memory_space<semaphore_mem>>)
      %dma_wait3A = arith.constant 0 : i32
      %dma_wait3A_21 = tpu.memref_slice %arg7[%scan3A_15, %dma_wait3A] : memref<79x128xi32, #tpu.memory_space<vmem>> -> memref<1x128xi32, #tpu.memory_space<vmem>>
      %dma_wait3A_22 = tpu.memref_squeeze %dma_wait3A_21 : memref<1x128xi32, #tpu.memory_space<vmem>> -> memref<128xi32, #tpu.memory_space<vmem>>
      %dma_wait3A_23 = arith.constant 0 : i32
      %dma_wait3A_24 = arith.constant 0 : i32
      %dma_wait3A_25 = tpu.memref_slice %arg2[%dma_wait3A_23, %dma_wait3A_24] : memref<40000x128xf32, #tpu.memory_space<hbm>> -> memref<40000x128xf32, #tpu.memory_space<hbm>>
      tpu.wait_indirect_dma semaphore(%arg11 : memref<!tpu.dma_semaphore, #tpu.memory_space<semaphore_mem>>) src(%dma_wait3A_25 : memref<40000x128xf32, #tpu.memory_space<hbm>>) dst(%arg9 : memref<128x128xf32, #tpu.memory_space<vmem>>)
      "tpu.region"() ({
        %run_scoped3A = tpu.sem_alloc : memref<!tpu.dma_semaphore, #tpu.memory_space<semaphore_mem>>
        %dma_start3A_26 = arith.constant 0 : i32
        %dma_start3A_27 = tpu.memref_slice %arg8[%scan3A_15, %dma_start3A_26] : memref<79x128xi32, #tpu.memory_space<vmem>> -> memref<1x128xi32, #tpu.memory_space<vmem>>
        %dma_start3A_28 = tpu.memref_squeeze %dma_start3A_27 : memref<1x128xi32, #tpu.memory_space<vmem>> -> memref<128xi32, #tpu.memory_space<vmem>>
        %dma_start3A_29 = arith.constant 0 : i32
        %dma_start3A_30 = arith.constant 0 : i32
        %dma_start3A_31 = tpu.memref_slice %arg10[%dma_start3A_29, %dma_start3A_30] : memref<10112x128xf32, #tpu.memory_space<vmem_shared>> -> memref<10112x128xf32, #tpu.memory_space<vmem_shared>>
        tpu.enqueue_indirect_dma source(%arg9 : memref<128x128xf32, #tpu.memory_space<vmem>>) target(%dma_start3A_31 : memref<10112x128xf32, #tpu.memory_space<vmem_shared>>) offsets(%dma_start3A_28 : memref<128xi32, #tpu.memory_space<vmem>>) semaphore(%run_scoped3A : memref<!tpu.dma_semaphore, #tpu.memory_space<semaphore_mem>>) {add = true}
        %dma_wait3A_32 = arith.constant 0 : i32
        %dma_wait3A_33 = tpu.memref_slice %arg8[%scan3A_15, %dma_wait3A_32] : memref<79x128xi32, #tpu.memory_space<vmem>> -> memref<1x128xi32, #tpu.memory_space<vmem>>
        %dma_wait3A_34 = tpu.memref_squeeze %dma_wait3A_33 : memref<1x128xi32, #tpu.memory_space<vmem>> -> memref<128xi32, #tpu.memory_space<vmem>>
        %dma_wait3A_35 = arith.constant 0 : i32
        %dma_wait3A_36 = arith.constant 0 : i32
        %dma_wait3A_37 = tpu.memref_slice %arg10[%dma_wait3A_35, %dma_wait3A_36] : memref<10112x128xf32, #tpu.memory_space<vmem_shared>> -> memref<10112x128xf32, #tpu.memory_space<vmem_shared>>
        tpu.wait_indirect_dma semaphore(%run_scoped3A : memref<!tpu.dma_semaphore, #tpu.memory_space<semaphore_mem>>) src(%arg9 : memref<128x128xf32, #tpu.memory_space<vmem>>) dst(%dma_wait3A_37 : memref<10112x128xf32, #tpu.memory_space<vmem_shared>>)
        tpu.yield
      }) : () -> ()
    }
    %scan3A_9 = arith.constant 79 : i32
    %barrier3A_10 = arith.constant 0 : index
    tpu.barrier barrier_id(%barrier3A_10)
    %mul3A_11 = arith.constant 632 : i32
    %mul3A_12 = arith.muli %arg1, %mul3A_11 : i32
    %mul3A_13 = arith.constant 632 : i32
    %mul3A_14 = arith.muli %arg1, %mul3A_13 : i32
    "tpu.region"() ({
      %run_scoped3A = tpu.sem_alloc : memref<!tpu.dma_semaphore, #tpu.memory_space<semaphore_mem>>
      %dma_start3A = arith.constant 0 : i32
      %dma_start3A_15 = tpu.memref_slice %arg6[%arg0, %mul3A_14, %dma_start3A] : memref<2x10112x128xf32, #tpu.memory_space<hbm>> -> memref<1x632x128xf32, #tpu.memory_space<hbm>>
      %dma_start3A_16 = tpu.memref_squeeze %dma_start3A_15 : memref<1x632x128xf32, #tpu.memory_space<hbm>> -> memref<632x128xf32, #tpu.memory_space<hbm>>
      %dma_start3A_17 = arith.constant 0 : i32
      %dma_start3A_18 = tpu.memref_slice %arg10[%mul3A_12, %dma_start3A_17] : memref<10112x128xf32, #tpu.memory_space<vmem_shared>> -> memref<632x128xf32, #tpu.memory_space<vmem_shared>>
      tpu.enqueue_dma source(%dma_start3A_18 : memref<632x128xf32, #tpu.memory_space<vmem_shared>>) target(%dma_start3A_16 : memref<632x128xf32, #tpu.memory_space<hbm>>) target_semaphore(%run_scoped3A : memref<!tpu.dma_semaphore, #tpu.memory_space<semaphore_mem>>)
      %dma_wait3A = arith.constant 0 : i32
      %dma_wait3A_19 = tpu.memref_slice %arg6[%arg0, %mul3A_14, %dma_wait3A] : memref<2x10112x128xf32, #tpu.memory_space<hbm>> -> memref<1x632x128xf32, #tpu.memory_space<hbm>>
      %dma_wait3A_20 = tpu.memref_squeeze %dma_wait3A_19 : memref<1x632x128xf32, #tpu.memory_space<hbm>> -> memref<632x128xf32, #tpu.memory_space<hbm>>
      %dma_wait3A_21 = arith.constant 0 : i32
      %dma_wait3A_22 = tpu.memref_slice %arg10[%mul3A_12, %dma_wait3A_21] : memref<10112x128xf32, #tpu.memory_space<vmem_shared>> -> memref<632x128xf32, #tpu.memory_space<vmem_shared>>
      tpu.wait_dma2 semaphore(%run_scoped3A : memref<!tpu.dma_semaphore, #tpu.memory_space<semaphore_mem>>) src(%dma_wait3A_22 : memref<632x128xf32, #tpu.memory_space<vmem_shared>>) dst(%dma_wait3A_20 : memref<632x128xf32, #tpu.memory_space<hbm>>)
      tpu.yield
    }) : () -> ()
    return
  }
}

#map = affine_map<(d0, d1) -> (0, 0)>
#map1 = affine_map<(d0, d1) -> (0, 0, 0)>
module attributes {stable_mosaic.version = 14 : i64} {
  func.func @_edge_body(%arg0: i32, %arg1: i32, %arg2: memref<40000x128xf32, #tpu.memory_space<hbm>>, %arg3: memref<32x79x128xi32, #tpu.memory_space<hbm>>, %arg4: memref<32x79x128xi32, #tpu.memory_space<hbm>>, %arg5: memref<10112x128xf32, #tpu.memory_space<hbm>>, %arg6: memref<2x10112x128xf32, #tpu.memory_space<hbm>>, %arg7: memref<79x128xi32, #tpu.memory_space<vmem>>, %arg8: memref<79x128xi32, #tpu.memory_space<vmem>>, %arg9: memref<128x128xf32, #tpu.memory_space<vmem>>, %arg10: memref<10112x128xf32, #tpu.memory_space<vmem_shared>>, %arg11: memref<!tpu.dma_semaphore, #tpu.memory_space<semaphore_mem>>) attributes {dimension_semantics = [#tpu.dimension_semantics<core_parallel>, #tpu.dimension_semantics<subcore_parallel>], iteration_bounds = array<i64: 2, 16>, scalar_prefetch = 0 : i64, scratch_operands = 5 : i64, tpu.core_type = #tpu.core_type<sc_vector_subcore>, window_params = [{transform_indices = #map}, {transform_indices = #map1}, {transform_indices = #map1}, {transform_indices = #map}, {transform_indices = #map1}]} {
    %mul3A = arith.constant 16 : i32
    %mul3A_0 = arith.muli %arg0, %mul3A : i32
    %add3A = arith.addi %mul3A_0, %arg1 : i32
    "tpu.region"() ({
      %run_scoped3A = tpu.sem_alloc : memref<!tpu.dma_semaphore, #tpu.memory_space<semaphore_mem>>
      %dma_start3A = arith.constant 0 : i32
      %dma_start3A_15 = arith.constant 0 : i32
      %dma_start3A_16 = tpu.memref_slice %arg3[%add3A, %dma_start3A, %dma_start3A_15] : memref<32x79x128xi32, #tpu.memory_space<hbm>> -> memref<1x79x128xi32, #tpu.memory_space<hbm>>
      %dma_start3A_17 = tpu.memref_squeeze %dma_start3A_16 : memref<1x79x128xi32, #tpu.memory_space<hbm>> -> memref<79x128xi32, #tpu.memory_space<hbm>>
      %dma_start3A_18 = arith.constant 0 : i32
      %dma_start3A_19 = arith.constant 0 : i32
      %dma_start3A_20 = tpu.memref_slice %arg3[%add3A, %dma_start3A_18, %dma_start3A_19] : memref<32x79x128xi32, #tpu.memory_space<hbm>> -> memref<1x79x128xi32, #tpu.memory_space<hbm>>
      %dma_start3A_21 = tpu.memref_squeeze %dma_start3A_20 : memref<1x79x128xi32, #tpu.memory_space<hbm>> -> memref<79x128xi32, #tpu.memory_space<hbm>>
      tpu.enqueue_dma source(%dma_start3A_21 : memref<79x128xi32, #tpu.memory_space<hbm>>) target(%arg7 : memref<79x128xi32, #tpu.memory_space<vmem>>) target_semaphore(%run_scoped3A : memref<!tpu.dma_semaphore, #tpu.memory_space<semaphore_mem>>)
      %dma_wait3A = arith.constant 0 : i32
      %dma_wait3A_22 = arith.constant 0 : i32
      %dma_wait3A_23 = tpu.memref_slice %arg3[%add3A, %dma_wait3A, %dma_wait3A_22] : memref<32x79x128xi32, #tpu.memory_space<hbm>> -> memref<1x79x128xi32, #tpu.memory_space<hbm>>
      %dma_wait3A_24 = tpu.memref_squeeze %dma_wait3A_23 : memref<1x79x128xi32, #tpu.memory_space<hbm>> -> memref<79x128xi32, #tpu.memory_space<hbm>>
      %dma_wait3A_25 = arith.constant 0 : i32
      %dma_wait3A_26 = arith.constant 0 : i32
      %dma_wait3A_27 = tpu.memref_slice %arg3[%add3A, %dma_wait3A_25, %dma_wait3A_26] : memref<32x79x128xi32, #tpu.memory_space<hbm>> -> memref<1x79x128xi32, #tpu.memory_space<hbm>>
      %dma_wait3A_28 = tpu.memref_squeeze %dma_wait3A_27 : memref<1x79x128xi32, #tpu.memory_space<hbm>> -> memref<79x128xi32, #tpu.memory_space<hbm>>
      tpu.wait_dma2 semaphore(%run_scoped3A : memref<!tpu.dma_semaphore, #tpu.memory_space<semaphore_mem>>) src(%dma_wait3A_28 : memref<79x128xi32, #tpu.memory_space<hbm>>) dst(%arg7 : memref<79x128xi32, #tpu.memory_space<vmem>>)
      tpu.yield
    }) : () -> ()
    "tpu.region"() ({
      %run_scoped3A = tpu.sem_alloc : memref<!tpu.dma_semaphore, #tpu.memory_space<semaphore_mem>>
      %dma_start3A = arith.constant 0 : i32
      %dma_start3A_15 = arith.constant 0 : i32
      %dma_start3A_16 = tpu.memref_slice %arg4[%add3A, %dma_start3A, %dma_start3A_15] : memref<32x79x128xi32, #tpu.memory_space<hbm>> -> memref<1x79x128xi32, #tpu.memory_space<hbm>>
      %dma_start3A_17 = tpu.memref_squeeze %dma_start3A_16 : memref<1x79x128xi32, #tpu.memory_space<hbm>> -> memref<79x128xi32, #tpu.memory_space<hbm>>
      %dma_start3A_18 = arith.constant 0 : i32
      %dma_start3A_19 = arith.constant 0 : i32
      %dma_start3A_20 = tpu.memref_slice %arg4[%add3A, %dma_start3A_18, %dma_start3A_19] : memref<32x79x128xi32, #tpu.memory_space<hbm>> -> memref<1x79x128xi32, #tpu.memory_space<hbm>>
      %dma_start3A_21 = tpu.memref_squeeze %dma_start3A_20 : memref<1x79x128xi32, #tpu.memory_space<hbm>> -> memref<79x128xi32, #tpu.memory_space<hbm>>
      tpu.enqueue_dma source(%dma_start3A_21 : memref<79x128xi32, #tpu.memory_space<hbm>>) target(%arg8 : memref<79x128xi32, #tpu.memory_space<vmem>>) target_semaphore(%run_scoped3A : memref<!tpu.dma_semaphore, #tpu.memory_space<semaphore_mem>>)
      %dma_wait3A = arith.constant 0 : i32
      %dma_wait3A_22 = arith.constant 0 : i32
      %dma_wait3A_23 = tpu.memref_slice %arg4[%add3A, %dma_wait3A, %dma_wait3A_22] : memref<32x79x128xi32, #tpu.memory_space<hbm>> -> memref<1x79x128xi32, #tpu.memory_space<hbm>>
      %dma_wait3A_24 = tpu.memref_squeeze %dma_wait3A_23 : memref<1x79x128xi32, #tpu.memory_space<hbm>> -> memref<79x128xi32, #tpu.memory_space<hbm>>
      %dma_wait3A_25 = arith.constant 0 : i32
      %dma_wait3A_26 = arith.constant 0 : i32
      %dma_wait3A_27 = tpu.memref_slice %arg4[%add3A, %dma_wait3A_25, %dma_wait3A_26] : memref<32x79x128xi32, #tpu.memory_space<hbm>> -> memref<1x79x128xi32, #tpu.memory_space<hbm>>
      %dma_wait3A_28 = tpu.memref_squeeze %dma_wait3A_27 : memref<1x79x128xi32, #tpu.memory_space<hbm>> -> memref<79x128xi32, #tpu.memory_space<hbm>>
      tpu.wait_dma2 semaphore(%run_scoped3A : memref<!tpu.dma_semaphore, #tpu.memory_space<semaphore_mem>>) src(%dma_wait3A_28 : memref<79x128xi32, #tpu.memory_space<hbm>>) dst(%arg8 : memref<79x128xi32, #tpu.memory_space<vmem>>)
      tpu.yield
    }) : () -> ()
    %mul3A_1 = arith.constant 632 : i32
    %mul3A_2 = arith.muli %arg1, %mul3A_1 : i32
    %mul3A_3 = arith.constant 632 : i32
    %mul3A_4 = arith.muli %arg1, %mul3A_3 : i32
    "tpu.region"() ({
      %run_scoped3A = tpu.sem_alloc : memref<!tpu.dma_semaphore, #tpu.memory_space<semaphore_mem>>
      %dma_start3A = arith.constant 0 : i32
      %dma_start3A_15 = tpu.memref_slice %arg10[%mul3A_4, %dma_start3A] : memref<10112x128xf32, #tpu.memory_space<vmem_shared>> -> memref<632x128xf32, #tpu.memory_space<vmem_shared>>
      %dma_start3A_16 = arith.constant 0 : i32
      %dma_start3A_17 = tpu.memref_slice %arg5[%mul3A_2, %dma_start3A_16] : memref<10112x128xf32, #tpu.memory_space<hbm>> -> memref<632x128xf32, #tpu.memory_space<hbm>>
      tpu.enqueue_dma source(%dma_start3A_17 : memref<632x128xf32, #tpu.memory_space<hbm>>) target(%dma_start3A_15 : memref<632x128xf32, #tpu.memory_space<vmem_shared>>) target_semaphore(%run_scoped3A : memref<!tpu.dma_semaphore, #tpu.memory_space<semaphore_mem>>)
      %dma_wait3A = arith.constant 0 : i32
      %dma_wait3A_18 = tpu.memref_slice %arg10[%mul3A_4, %dma_wait3A] : memref<10112x128xf32, #tpu.memory_space<vmem_shared>> -> memref<632x128xf32, #tpu.memory_space<vmem_shared>>
      %dma_wait3A_19 = arith.constant 0 : i32
      %dma_wait3A_20 = tpu.memref_slice %arg5[%mul3A_2, %dma_wait3A_19] : memref<10112x128xf32, #tpu.memory_space<hbm>> -> memref<632x128xf32, #tpu.memory_space<hbm>>
      tpu.wait_dma2 semaphore(%run_scoped3A : memref<!tpu.dma_semaphore, #tpu.memory_space<semaphore_mem>>) src(%dma_wait3A_20 : memref<632x128xf32, #tpu.memory_space<hbm>>) dst(%dma_wait3A_18 : memref<632x128xf32, #tpu.memory_space<vmem_shared>>)
      tpu.yield
    }) : () -> ()
    %barrier3A = arith.constant 0 : index
    tpu.barrier barrier_id(%barrier3A)
    %scan3A = arith.constant 0 : i32
    %scan3A_5 = arith.constant 0 : i32
    %scan3A_6 = arith.constant 79 : i32
    %scan3A_7 = arith.addi %scan3A_5, %scan3A_6 : i32
    %scan3A_8 = arith.constant 1 : i32
    scf.for %scan3A_15 = %scan3A_5 to %scan3A_7 step %scan3A_8  : i32 {
      %dma_start3A = arith.constant 0 : i32
      %dma_start3A_16 = tpu.memref_slice %arg7[%scan3A_15, %dma_start3A] : memref<79x128xi32, #tpu.memory_space<vmem>> -> memref<1x128xi32, #tpu.memory_space<vmem>>
      %dma_start3A_17 = tpu.memref_squeeze %dma_start3A_16 : memref<1x128xi32, #tpu.memory_space<vmem>> -> memref<128xi32, #tpu.memory_space<vmem>>
      %dma_start3A_18 = arith.constant 0 : i32
      %dma_start3A_19 = arith.constant 0 : i32
      %dma_start3A_20 = tpu.memref_slice %arg2[%dma_start3A_18, %dma_start3A_19] : memref<40000x128xf32, #tpu.memory_space<hbm>> -> memref<40000x128xf32, #tpu.memory_space<hbm>>
      tpu.enqueue_indirect_dma source(%dma_start3A_20 : memref<40000x128xf32, #tpu.memory_space<hbm>>) target(%arg9 : memref<128x128xf32, #tpu.memory_space<vmem>>) offsets(%dma_start3A_17 : memref<128xi32, #tpu.memory_space<vmem>>) semaphore(%arg11 : memref<!tpu.dma_semaphore, #tpu.memory_space<semaphore_mem>>)
      %dma_wait3A = arith.constant 0 : i32
      %dma_wait3A_21 = tpu.memref_slice %arg7[%scan3A_15, %dma_wait3A] : memref<79x128xi32, #tpu.memory_space<vmem>> -> memref<1x128xi32, #tpu.memory_space<vmem>>
      %dma_wait3A_22 = tpu.memref_squeeze %dma_wait3A_21 : memref<1x128xi32, #tpu.memory_space<vmem>> -> memref<128xi32, #tpu.memory_space<vmem>>
      %dma_wait3A_23 = arith.constant 0 : i32
      %dma_wait3A_24 = arith.constant 0 : i32
      %dma_wait3A_25 = tpu.memref_slice %arg2[%dma_wait3A_23, %dma_wait3A_24] : memref<40000x128xf32, #tpu.memory_space<hbm>> -> memref<40000x128xf32, #tpu.memory_space<hbm>>
      tpu.wait_indirect_dma semaphore(%arg11 : memref<!tpu.dma_semaphore, #tpu.memory_space<semaphore_mem>>) src(%dma_wait3A_25 : memref<40000x128xf32, #tpu.memory_space<hbm>>) dst(%arg9 : memref<128x128xf32, #tpu.memory_space<vmem>>)
      "tpu.region"() ({
        %run_scoped3A = tpu.sem_alloc : memref<!tpu.dma_semaphore, #tpu.memory_space<semaphore_mem>>
        %dma_start3A_26 = arith.constant 0 : i32
        %dma_start3A_27 = tpu.memref_slice %arg8[%scan3A_15, %dma_start3A_26] : memref<79x128xi32, #tpu.memory_space<vmem>> -> memref<1x128xi32, #tpu.memory_space<vmem>>
        %dma_start3A_28 = tpu.memref_squeeze %dma_start3A_27 : memref<1x128xi32, #tpu.memory_space<vmem>> -> memref<128xi32, #tpu.memory_space<vmem>>
        %dma_start3A_29 = arith.constant 0 : i32
        %dma_start3A_30 = arith.constant 0 : i32
        %dma_start3A_31 = tpu.memref_slice %arg10[%dma_start3A_29, %dma_start3A_30] : memref<10112x128xf32, #tpu.memory_space<vmem_shared>> -> memref<10112x128xf32, #tpu.memory_space<vmem_shared>>
        tpu.enqueue_indirect_dma source(%arg9 : memref<128x128xf32, #tpu.memory_space<vmem>>) target(%dma_start3A_31 : memref<10112x128xf32, #tpu.memory_space<vmem_shared>>) offsets(%dma_start3A_28 : memref<128xi32, #tpu.memory_space<vmem>>) semaphore(%run_scoped3A : memref<!tpu.dma_semaphore, #tpu.memory_space<semaphore_mem>>) {add = true}
        %dma_wait3A_32 = arith.constant 0 : i32
        %dma_wait3A_33 = tpu.memref_slice %arg8[%scan3A_15, %dma_wait3A_32] : memref<79x128xi32, #tpu.memory_space<vmem>> -> memref<1x128xi32, #tpu.memory_space<vmem>>
        %dma_wait3A_34 = tpu.memref_squeeze %dma_wait3A_33 : memref<1x128xi32, #tpu.memory_space<vmem>> -> memref<128xi32, #tpu.memory_space<vmem>>
        %dma_wait3A_35 = arith.constant 0 : i32
        %dma_wait3A_36 = arith.constant 0 : i32
        %dma_wait3A_37 = tpu.memref_slice %arg10[%dma_wait3A_35, %dma_wait3A_36] : memref<10112x128xf32, #tpu.memory_space<vmem_shared>> -> memref<10112x128xf32, #tpu.memory_space<vmem_shared>>
        tpu.wait_indirect_dma semaphore(%run_scoped3A : memref<!tpu.dma_semaphore, #tpu.memory_space<semaphore_mem>>) src(%arg9 : memref<128x128xf32, #tpu.memory_space<vmem>>) dst(%dma_wait3A_37 : memref<10112x128xf32, #tpu.memory_space<vmem_shared>>)
        tpu.yield
      }) : () -> ()
    }
    %scan3A_9 = arith.constant 79 : i32
    %barrier3A_10 = arith.constant 0 : index
    tpu.barrier barrier_id(%barrier3A_10)
    %mul3A_11 = arith.constant 632 : i32
    %mul3A_12 = arith.muli %arg1, %mul3A_11 : i32
    %mul3A_13 = arith.constant 632 : i32
    %mul3A_14 = arith.muli %arg1, %mul3A_13 : i32
    "tpu.region"() ({
      %run_scoped3A = tpu.sem_alloc : memref<!tpu.dma_semaphore, #tpu.memory_space<semaphore_mem>>
      %dma_start3A = arith.constant 0 : i32
      %dma_start3A_15 = tpu.memref_slice %arg6[%arg0, %mul3A_14, %dma_start3A] : memref<2x10112x128xf32, #tpu.memory_space<hbm>> -> memref<1x632x128xf32, #tpu.memory_space<hbm>>
      %dma_start3A_16 = tpu.memref_squeeze %dma_start3A_15 : memref<1x632x128xf32, #tpu.memory_space<hbm>> -> memref<632x128xf32, #tpu.memory_space<hbm>>
      %dma_start3A_17 = arith.constant 0 : i32
      %dma_start3A_18 = tpu.memref_slice %arg10[%mul3A_12, %dma_start3A_17] : memref<10112x128xf32, #tpu.memory_space<vmem_shared>> -> memref<632x128xf32, #tpu.memory_space<vmem_shared>>
      tpu.enqueue_dma source(%dma_start3A_18 : memref<632x128xf32, #tpu.memory_space<vmem_shared>>) target(%dma_start3A_16 : memref<632x128xf32, #tpu.memory_space<hbm>>) target_semaphore(%run_scoped3A : memref<!tpu.dma_semaphore, #tpu.memory_space<semaphore_mem>>)
      %dma_wait3A = arith.constant 0 : i32
      %dma_wait3A_19 = tpu.memref_slice %arg6[%arg0, %mul3A_14, %dma_wait3A] : memref<2x10112x128xf32, #tpu.memory_space<hbm>> -> memref<1x632x128xf32, #tpu.memory_space<hbm>>
      %dma_wait3A_20 = tpu.memref_squeeze %dma_wait3A_19 : memref<1x632x128xf32, #tpu.memory_space<hbm>> -> memref<632x128xf32, #tpu.memory_space<hbm>>
      %dma_wait3A_21 = arith.constant 0 : i32
      %dma_wait3A_22 = tpu.memref_slice %arg10[%mul3A_12, %dma_wait3A_21] : memref<10112x128xf32, #tpu.memory_space<vmem_shared>> -> memref<632x128xf32, #tpu.memory_space<vmem_shared>>
      tpu.wait_dma2 semaphore(%run_scoped3A : memref<!tpu.dma_semaphore, #tpu.memory_space<semaphore_mem>>) src(%dma_wait3A_22 : memref<632x128xf32, #tpu.memory_space<vmem_shared>>) dst(%dma_wait3A_20 : memref<632x128xf32, #tpu.memory_space<hbm>>)
      tpu.yield
    }) : () -> ()
    return
  }
}

#map = affine_map<(d0, d1) -> (0, 0)>
#map1 = affine_map<(d0, d1) -> (0, 0, 0)>
module attributes {stable_mosaic.version = 14 : i64} {
  func.func @_edge_body(%arg0: i32, %arg1: i32, %arg2: memref<40000x128xf32, #tpu.memory_space<hbm>>, %arg3: memref<32x79x128xi32, #tpu.memory_space<hbm>>, %arg4: memref<32x79x128xi32, #tpu.memory_space<hbm>>, %arg5: memref<10112x128xf32, #tpu.memory_space<hbm>>, %arg6: memref<2x10112x128xf32, #tpu.memory_space<hbm>>, %arg7: memref<79x128xi32, #tpu.memory_space<vmem>>, %arg8: memref<79x128xi32, #tpu.memory_space<vmem>>, %arg9: memref<128x128xf32, #tpu.memory_space<vmem>>, %arg10: memref<10112x128xf32, #tpu.memory_space<vmem_shared>>, %arg11: memref<!tpu.dma_semaphore, #tpu.memory_space<semaphore_mem>>) attributes {dimension_semantics = [#tpu.dimension_semantics<core_parallel>, #tpu.dimension_semantics<subcore_parallel>], iteration_bounds = array<i64: 2, 16>, scalar_prefetch = 0 : i64, scratch_operands = 5 : i64, tpu.core_type = #tpu.core_type<sc_vector_subcore>, window_params = [{transform_indices = #map}, {transform_indices = #map1}, {transform_indices = #map1}, {transform_indices = #map}, {transform_indices = #map1}]} {
    %mul3A = arith.constant 16 : i32
    %mul3A_0 = arith.muli %arg0, %mul3A : i32
    %add3A = arith.addi %mul3A_0, %arg1 : i32
    "tpu.region"() ({
      %run_scoped3A = tpu.sem_alloc : memref<!tpu.dma_semaphore, #tpu.memory_space<semaphore_mem>>
      %dma_start3A = arith.constant 0 : i32
      %dma_start3A_15 = arith.constant 0 : i32
      %dma_start3A_16 = tpu.memref_slice %arg3[%add3A, %dma_start3A, %dma_start3A_15] : memref<32x79x128xi32, #tpu.memory_space<hbm>> -> memref<1x79x128xi32, #tpu.memory_space<hbm>>
      %dma_start3A_17 = tpu.memref_squeeze %dma_start3A_16 : memref<1x79x128xi32, #tpu.memory_space<hbm>> -> memref<79x128xi32, #tpu.memory_space<hbm>>
      %dma_start3A_18 = arith.constant 0 : i32
      %dma_start3A_19 = arith.constant 0 : i32
      %dma_start3A_20 = tpu.memref_slice %arg3[%add3A, %dma_start3A_18, %dma_start3A_19] : memref<32x79x128xi32, #tpu.memory_space<hbm>> -> memref<1x79x128xi32, #tpu.memory_space<hbm>>
      %dma_start3A_21 = tpu.memref_squeeze %dma_start3A_20 : memref<1x79x128xi32, #tpu.memory_space<hbm>> -> memref<79x128xi32, #tpu.memory_space<hbm>>
      tpu.enqueue_dma source(%dma_start3A_21 : memref<79x128xi32, #tpu.memory_space<hbm>>) target(%arg7 : memref<79x128xi32, #tpu.memory_space<vmem>>) target_semaphore(%run_scoped3A : memref<!tpu.dma_semaphore, #tpu.memory_space<semaphore_mem>>)
      %dma_wait3A = arith.constant 0 : i32
      %dma_wait3A_22 = arith.constant 0 : i32
      %dma_wait3A_23 = tpu.memref_slice %arg3[%add3A, %dma_wait3A, %dma_wait3A_22] : memref<32x79x128xi32, #tpu.memory_space<hbm>> -> memref<1x79x128xi32, #tpu.memory_space<hbm>>
      %dma_wait3A_24 = tpu.memref_squeeze %dma_wait3A_23 : memref<1x79x128xi32, #tpu.memory_space<hbm>> -> memref<79x128xi32, #tpu.memory_space<hbm>>
      %dma_wait3A_25 = arith.constant 0 : i32
      %dma_wait3A_26 = arith.constant 0 : i32
      %dma_wait3A_27 = tpu.memref_slice %arg3[%add3A, %dma_wait3A_25, %dma_wait3A_26] : memref<32x79x128xi32, #tpu.memory_space<hbm>> -> memref<1x79x128xi32, #tpu.memory_space<hbm>>
      %dma_wait3A_28 = tpu.memref_squeeze %dma_wait3A_27 : memref<1x79x128xi32, #tpu.memory_space<hbm>> -> memref<79x128xi32, #tpu.memory_space<hbm>>
      tpu.wait_dma2 semaphore(%run_scoped3A : memref<!tpu.dma_semaphore, #tpu.memory_space<semaphore_mem>>) src(%dma_wait3A_28 : memref<79x128xi32, #tpu.memory_space<hbm>>) dst(%arg7 : memref<79x128xi32, #tpu.memory_space<vmem>>)
      tpu.yield
    }) : () -> ()
    "tpu.region"() ({
      %run_scoped3A = tpu.sem_alloc : memref<!tpu.dma_semaphore, #tpu.memory_space<semaphore_mem>>
      %dma_start3A = arith.constant 0 : i32
      %dma_start3A_15 = arith.constant 0 : i32
      %dma_start3A_16 = tpu.memref_slice %arg4[%add3A, %dma_start3A, %dma_start3A_15] : memref<32x79x128xi32, #tpu.memory_space<hbm>> -> memref<1x79x128xi32, #tpu.memory_space<hbm>>
      %dma_start3A_17 = tpu.memref_squeeze %dma_start3A_16 : memref<1x79x128xi32, #tpu.memory_space<hbm>> -> memref<79x128xi32, #tpu.memory_space<hbm>>
      %dma_start3A_18 = arith.constant 0 : i32
      %dma_start3A_19 = arith.constant 0 : i32
      %dma_start3A_20 = tpu.memref_slice %arg4[%add3A, %dma_start3A_18, %dma_start3A_19] : memref<32x79x128xi32, #tpu.memory_space<hbm>> -> memref<1x79x128xi32, #tpu.memory_space<hbm>>
      %dma_start3A_21 = tpu.memref_squeeze %dma_start3A_20 : memref<1x79x128xi32, #tpu.memory_space<hbm>> -> memref<79x128xi32, #tpu.memory_space<hbm>>
      tpu.enqueue_dma source(%dma_start3A_21 : memref<79x128xi32, #tpu.memory_space<hbm>>) target(%arg8 : memref<79x128xi32, #tpu.memory_space<vmem>>) target_semaphore(%run_scoped3A : memref<!tpu.dma_semaphore, #tpu.memory_space<semaphore_mem>>)
      %dma_wait3A = arith.constant 0 : i32
      %dma_wait3A_22 = arith.constant 0 : i32
      %dma_wait3A_23 = tpu.memref_slice %arg4[%add3A, %dma_wait3A, %dma_wait3A_22] : memref<32x79x128xi32, #tpu.memory_space<hbm>> -> memref<1x79x128xi32, #tpu.memory_space<hbm>>
      %dma_wait3A_24 = tpu.memref_squeeze %dma_wait3A_23 : memref<1x79x128xi32, #tpu.memory_space<hbm>> -> memref<79x128xi32, #tpu.memory_space<hbm>>
      %dma_wait3A_25 = arith.constant 0 : i32
      %dma_wait3A_26 = arith.constant 0 : i32
      %dma_wait3A_27 = tpu.memref_slice %arg4[%add3A, %dma_wait3A_25, %dma_wait3A_26] : memref<32x79x128xi32, #tpu.memory_space<hbm>> -> memref<1x79x128xi32, #tpu.memory_space<hbm>>
      %dma_wait3A_28 = tpu.memref_squeeze %dma_wait3A_27 : memref<1x79x128xi32, #tpu.memory_space<hbm>> -> memref<79x128xi32, #tpu.memory_space<hbm>>
      tpu.wait_dma2 semaphore(%run_scoped3A : memref<!tpu.dma_semaphore, #tpu.memory_space<semaphore_mem>>) src(%dma_wait3A_28 : memref<79x128xi32, #tpu.memory_space<hbm>>) dst(%arg8 : memref<79x128xi32, #tpu.memory_space<vmem>>)
      tpu.yield
    }) : () -> ()
    %mul3A_1 = arith.constant 632 : i32
    %mul3A_2 = arith.muli %arg1, %mul3A_1 : i32
    %mul3A_3 = arith.constant 632 : i32
    %mul3A_4 = arith.muli %arg1, %mul3A_3 : i32
    "tpu.region"() ({
      %run_scoped3A = tpu.sem_alloc : memref<!tpu.dma_semaphore, #tpu.memory_space<semaphore_mem>>
      %dma_start3A = arith.constant 0 : i32
      %dma_start3A_15 = tpu.memref_slice %arg10[%mul3A_4, %dma_start3A] : memref<10112x128xf32, #tpu.memory_space<vmem_shared>> -> memref<632x128xf32, #tpu.memory_space<vmem_shared>>
      %dma_start3A_16 = arith.constant 0 : i32
      %dma_start3A_17 = tpu.memref_slice %arg5[%mul3A_2, %dma_start3A_16] : memref<10112x128xf32, #tpu.memory_space<hbm>> -> memref<632x128xf32, #tpu.memory_space<hbm>>
      tpu.enqueue_dma source(%dma_start3A_17 : memref<632x128xf32, #tpu.memory_space<hbm>>) target(%dma_start3A_15 : memref<632x128xf32, #tpu.memory_space<vmem_shared>>) target_semaphore(%run_scoped3A : memref<!tpu.dma_semaphore, #tpu.memory_space<semaphore_mem>>)
      %dma_wait3A = arith.constant 0 : i32
      %dma_wait3A_18 = tpu.memref_slice %arg10[%mul3A_4, %dma_wait3A] : memref<10112x128xf32, #tpu.memory_space<vmem_shared>> -> memref<632x128xf32, #tpu.memory_space<vmem_shared>>
      %dma_wait3A_19 = arith.constant 0 : i32
      %dma_wait3A_20 = tpu.memref_slice %arg5[%mul3A_2, %dma_wait3A_19] : memref<10112x128xf32, #tpu.memory_space<hbm>> -> memref<632x128xf32, #tpu.memory_space<hbm>>
      tpu.wait_dma2 semaphore(%run_scoped3A : memref<!tpu.dma_semaphore, #tpu.memory_space<semaphore_mem>>) src(%dma_wait3A_20 : memref<632x128xf32, #tpu.memory_space<hbm>>) dst(%dma_wait3A_18 : memref<632x128xf32, #tpu.memory_space<vmem_shared>>)
      tpu.yield
    }) : () -> ()
    %barrier3A = arith.constant 0 : index
    tpu.barrier barrier_id(%barrier3A)
    %scan3A = arith.constant 0 : i32
    %scan3A_5 = arith.constant 0 : i32
    %scan3A_6 = arith.constant 79 : i32
    %scan3A_7 = arith.addi %scan3A_5, %scan3A_6 : i32
    %scan3A_8 = arith.constant 1 : i32
    scf.for %scan3A_15 = %scan3A_5 to %scan3A_7 step %scan3A_8  : i32 {
      %dma_start3A = arith.constant 0 : i32
      %dma_start3A_16 = tpu.memref_slice %arg7[%scan3A_15, %dma_start3A] : memref<79x128xi32, #tpu.memory_space<vmem>> -> memref<1x128xi32, #tpu.memory_space<vmem>>
      %dma_start3A_17 = tpu.memref_squeeze %dma_start3A_16 : memref<1x128xi32, #tpu.memory_space<vmem>> -> memref<128xi32, #tpu.memory_space<vmem>>
      %dma_start3A_18 = arith.constant 0 : i32
      %dma_start3A_19 = arith.constant 0 : i32
      %dma_start3A_20 = tpu.memref_slice %arg2[%dma_start3A_18, %dma_start3A_19] : memref<40000x128xf32, #tpu.memory_space<hbm>> -> memref<40000x128xf32, #tpu.memory_space<hbm>>
      tpu.enqueue_indirect_dma source(%dma_start3A_20 : memref<40000x128xf32, #tpu.memory_space<hbm>>) target(%arg9 : memref<128x128xf32, #tpu.memory_space<vmem>>) offsets(%dma_start3A_17 : memref<128xi32, #tpu.memory_space<vmem>>) semaphore(%arg11 : memref<!tpu.dma_semaphore, #tpu.memory_space<semaphore_mem>>)
      %dma_wait3A = arith.constant 0 : i32
      %dma_wait3A_21 = tpu.memref_slice %arg7[%scan3A_15, %dma_wait3A] : memref<79x128xi32, #tpu.memory_space<vmem>> -> memref<1x128xi32, #tpu.memory_space<vmem>>
      %dma_wait3A_22 = tpu.memref_squeeze %dma_wait3A_21 : memref<1x128xi32, #tpu.memory_space<vmem>> -> memref<128xi32, #tpu.memory_space<vmem>>
      %dma_wait3A_23 = arith.constant 0 : i32
      %dma_wait3A_24 = arith.constant 0 : i32
      %dma_wait3A_25 = tpu.memref_slice %arg2[%dma_wait3A_23, %dma_wait3A_24] : memref<40000x128xf32, #tpu.memory_space<hbm>> -> memref<40000x128xf32, #tpu.memory_space<hbm>>
      tpu.wait_indirect_dma semaphore(%arg11 : memref<!tpu.dma_semaphore, #tpu.memory_space<semaphore_mem>>) src(%dma_wait3A_25 : memref<40000x128xf32, #tpu.memory_space<hbm>>) dst(%arg9 : memref<128x128xf32, #tpu.memory_space<vmem>>)
      "tpu.region"() ({
        %run_scoped3A = tpu.sem_alloc : memref<!tpu.dma_semaphore, #tpu.memory_space<semaphore_mem>>
        %dma_start3A_26 = arith.constant 0 : i32
        %dma_start3A_27 = tpu.memref_slice %arg8[%scan3A_15, %dma_start3A_26] : memref<79x128xi32, #tpu.memory_space<vmem>> -> memref<1x128xi32, #tpu.memory_space<vmem>>
        %dma_start3A_28 = tpu.memref_squeeze %dma_start3A_27 : memref<1x128xi32, #tpu.memory_space<vmem>> -> memref<128xi32, #tpu.memory_space<vmem>>
        %dma_start3A_29 = arith.constant 0 : i32
        %dma_start3A_30 = arith.constant 0 : i32
        %dma_start3A_31 = tpu.memref_slice %arg10[%dma_start3A_29, %dma_start3A_30] : memref<10112x128xf32, #tpu.memory_space<vmem_shared>> -> memref<10112x128xf32, #tpu.memory_space<vmem_shared>>
        tpu.enqueue_indirect_dma source(%arg9 : memref<128x128xf32, #tpu.memory_space<vmem>>) target(%dma_start3A_31 : memref<10112x128xf32, #tpu.memory_space<vmem_shared>>) offsets(%dma_start3A_28 : memref<128xi32, #tpu.memory_space<vmem>>) semaphore(%run_scoped3A : memref<!tpu.dma_semaphore, #tpu.memory_space<semaphore_mem>>) {add = true}
        %dma_wait3A_32 = arith.constant 0 : i32
        %dma_wait3A_33 = tpu.memref_slice %arg8[%scan3A_15, %dma_wait3A_32] : memref<79x128xi32, #tpu.memory_space<vmem>> -> memref<1x128xi32, #tpu.memory_space<vmem>>
        %dma_wait3A_34 = tpu.memref_squeeze %dma_wait3A_33 : memref<1x128xi32, #tpu.memory_space<vmem>> -> memref<128xi32, #tpu.memory_space<vmem>>
        %dma_wait3A_35 = arith.constant 0 : i32
        %dma_wait3A_36 = arith.constant 0 : i32
        %dma_wait3A_37 = tpu.memref_slice %arg10[%dma_wait3A_35, %dma_wait3A_36] : memref<10112x128xf32, #tpu.memory_space<vmem_shared>> -> memref<10112x128xf32, #tpu.memory_space<vmem_shared>>
        tpu.wait_indirect_dma semaphore(%run_scoped3A : memref<!tpu.dma_semaphore, #tpu.memory_space<semaphore_mem>>) src(%arg9 : memref<128x128xf32, #tpu.memory_space<vmem>>) dst(%dma_wait3A_37 : memref<10112x128xf32, #tpu.memory_space<vmem_shared>>)
        tpu.yield
      }) : () -> ()
    }
    %scan3A_9 = arith.constant 79 : i32
    %barrier3A_10 = arith.constant 0 : index
    tpu.barrier barrier_id(%barrier3A_10)
    %mul3A_11 = arith.constant 632 : i32
    %mul3A_12 = arith.muli %arg1, %mul3A_11 : i32
    %mul3A_13 = arith.constant 632 : i32
    %mul3A_14 = arith.muli %arg1, %mul3A_13 : i32
    "tpu.region"() ({
      %run_scoped3A = tpu.sem_alloc : memref<!tpu.dma_semaphore, #tpu.memory_space<semaphore_mem>>
      %dma_start3A = arith.constant 0 : i32
      %dma_start3A_15 = tpu.memref_slice %arg6[%arg0, %mul3A_14, %dma_start3A] : memref<2x10112x128xf32, #tpu.memory_space<hbm>> -> memref<1x632x128xf32, #tpu.memory_space<hbm>>
      %dma_start3A_16 = tpu.memref_squeeze %dma_start3A_15 : memref<1x632x128xf32, #tpu.memory_space<hbm>> -> memref<632x128xf32, #tpu.memory_space<hbm>>
      %dma_start3A_17 = arith.constant 0 : i32
      %dma_start3A_18 = tpu.memref_slice %arg10[%mul3A_12, %dma_start3A_17] : memref<10112x128xf32, #tpu.memory_space<vmem_shared>> -> memref<632x128xf32, #tpu.memory_space<vmem_shared>>
      tpu.enqueue_dma source(%dma_start3A_18 : memref<632x128xf32, #tpu.memory_space<vmem_shared>>) target(%dma_start3A_16 : memref<632x128xf32, #tpu.memory_space<hbm>>) target_semaphore(%run_scoped3A : memref<!tpu.dma_semaphore, #tpu.memory_space<semaphore_mem>>)
      %dma_wait3A = arith.constant 0 : i32
      %dma_wait3A_19 = tpu.memref_slice %arg6[%arg0, %mul3A_14, %dma_wait3A] : memref<2x10112x128xf32, #tpu.memory_space<hbm>> -> memref<1x632x128xf32, #tpu.memory_space<hbm>>
      %dma_wait3A_20 = tpu.memref_squeeze %dma_wait3A_19 : memref<1x632x128xf32, #tpu.memory_space<hbm>> -> memref<632x128xf32, #tpu.memory_space<hbm>>
      %dma_wait3A_21 = arith.constant 0 : i32
      %dma_wait3A_22 = tpu.memref_slice %arg10[%mul3A_12, %dma_wait3A_21] : memref<10112x128xf32, #tpu.memory_space<vmem_shared>> -> memref<632x128xf32, #tpu.memory_space<vmem_shared>>
      tpu.wait_dma2 semaphore(%run_scoped3A : memref<!tpu.dma_semaphore, #tpu.memory_space<semaphore_mem>>) src(%dma_wait3A_22 : memref<632x128xf32, #tpu.memory_space<vmem_shared>>) dst(%dma_wait3A_20 : memref<632x128xf32, #tpu.memory_space<hbm>>)
      tpu.yield
    }) : () -> ()
    return
  }
}

#map = affine_map<(d0, d1) -> (0, 0)>
#map1 = affine_map<(d0, d1) -> (0, 0, 0)>
module attributes {stable_mosaic.version = 14 : i64} {
  func.func @_edge_body(%arg0: i32, %arg1: i32, %arg2: memref<40000x128xf32, #tpu.memory_space<hbm>>, %arg3: memref<32x79x128xi32, #tpu.memory_space<hbm>>, %arg4: memref<32x79x128xi32, #tpu.memory_space<hbm>>, %arg5: memref<10112x128xf32, #tpu.memory_space<hbm>>, %arg6: memref<2x10112x128xf32, #tpu.memory_space<hbm>>, %arg7: memref<79x128xi32, #tpu.memory_space<vmem>>, %arg8: memref<79x128xi32, #tpu.memory_space<vmem>>, %arg9: memref<128x128xf32, #tpu.memory_space<vmem>>, %arg10: memref<10112x128xf32, #tpu.memory_space<vmem_shared>>, %arg11: memref<!tpu.dma_semaphore, #tpu.memory_space<semaphore_mem>>) attributes {dimension_semantics = [#tpu.dimension_semantics<core_parallel>, #tpu.dimension_semantics<subcore_parallel>], iteration_bounds = array<i64: 2, 16>, scalar_prefetch = 0 : i64, scratch_operands = 5 : i64, tpu.core_type = #tpu.core_type<sc_vector_subcore>, window_params = [{transform_indices = #map}, {transform_indices = #map1}, {transform_indices = #map1}, {transform_indices = #map}, {transform_indices = #map1}]} {
    %mul3A = arith.constant 16 : i32
    %mul3A_0 = arith.muli %arg0, %mul3A : i32
    %add3A = arith.addi %mul3A_0, %arg1 : i32
    "tpu.region"() ({
      %run_scoped3A = tpu.sem_alloc : memref<!tpu.dma_semaphore, #tpu.memory_space<semaphore_mem>>
      %dma_start3A = arith.constant 0 : i32
      %dma_start3A_15 = arith.constant 0 : i32
      %dma_start3A_16 = tpu.memref_slice %arg3[%add3A, %dma_start3A, %dma_start3A_15] : memref<32x79x128xi32, #tpu.memory_space<hbm>> -> memref<1x79x128xi32, #tpu.memory_space<hbm>>
      %dma_start3A_17 = tpu.memref_squeeze %dma_start3A_16 : memref<1x79x128xi32, #tpu.memory_space<hbm>> -> memref<79x128xi32, #tpu.memory_space<hbm>>
      %dma_start3A_18 = arith.constant 0 : i32
      %dma_start3A_19 = arith.constant 0 : i32
      %dma_start3A_20 = tpu.memref_slice %arg3[%add3A, %dma_start3A_18, %dma_start3A_19] : memref<32x79x128xi32, #tpu.memory_space<hbm>> -> memref<1x79x128xi32, #tpu.memory_space<hbm>>
      %dma_start3A_21 = tpu.memref_squeeze %dma_start3A_20 : memref<1x79x128xi32, #tpu.memory_space<hbm>> -> memref<79x128xi32, #tpu.memory_space<hbm>>
      tpu.enqueue_dma source(%dma_start3A_21 : memref<79x128xi32, #tpu.memory_space<hbm>>) target(%arg7 : memref<79x128xi32, #tpu.memory_space<vmem>>) target_semaphore(%run_scoped3A : memref<!tpu.dma_semaphore, #tpu.memory_space<semaphore_mem>>)
      %dma_wait3A = arith.constant 0 : i32
      %dma_wait3A_22 = arith.constant 0 : i32
      %dma_wait3A_23 = tpu.memref_slice %arg3[%add3A, %dma_wait3A, %dma_wait3A_22] : memref<32x79x128xi32, #tpu.memory_space<hbm>> -> memref<1x79x128xi32, #tpu.memory_space<hbm>>
      %dma_wait3A_24 = tpu.memref_squeeze %dma_wait3A_23 : memref<1x79x128xi32, #tpu.memory_space<hbm>> -> memref<79x128xi32, #tpu.memory_space<hbm>>
      %dma_wait3A_25 = arith.constant 0 : i32
      %dma_wait3A_26 = arith.constant 0 : i32
      %dma_wait3A_27 = tpu.memref_slice %arg3[%add3A, %dma_wait3A_25, %dma_wait3A_26] : memref<32x79x128xi32, #tpu.memory_space<hbm>> -> memref<1x79x128xi32, #tpu.memory_space<hbm>>
      %dma_wait3A_28 = tpu.memref_squeeze %dma_wait3A_27 : memref<1x79x128xi32, #tpu.memory_space<hbm>> -> memref<79x128xi32, #tpu.memory_space<hbm>>
      tpu.wait_dma2 semaphore(%run_scoped3A : memref<!tpu.dma_semaphore, #tpu.memory_space<semaphore_mem>>) src(%dma_wait3A_28 : memref<79x128xi32, #tpu.memory_space<hbm>>) dst(%arg7 : memref<79x128xi32, #tpu.memory_space<vmem>>)
      tpu.yield
    }) : () -> ()
    "tpu.region"() ({
      %run_scoped3A = tpu.sem_alloc : memref<!tpu.dma_semaphore, #tpu.memory_space<semaphore_mem>>
      %dma_start3A = arith.constant 0 : i32
      %dma_start3A_15 = arith.constant 0 : i32
      %dma_start3A_16 = tpu.memref_slice %arg4[%add3A, %dma_start3A, %dma_start3A_15] : memref<32x79x128xi32, #tpu.memory_space<hbm>> -> memref<1x79x128xi32, #tpu.memory_space<hbm>>
      %dma_start3A_17 = tpu.memref_squeeze %dma_start3A_16 : memref<1x79x128xi32, #tpu.memory_space<hbm>> -> memref<79x128xi32, #tpu.memory_space<hbm>>
      %dma_start3A_18 = arith.constant 0 : i32
      %dma_start3A_19 = arith.constant 0 : i32
      %dma_start3A_20 = tpu.memref_slice %arg4[%add3A, %dma_start3A_18, %dma_start3A_19] : memref<32x79x128xi32, #tpu.memory_space<hbm>> -> memref<1x79x128xi32, #tpu.memory_space<hbm>>
      %dma_start3A_21 = tpu.memref_squeeze %dma_start3A_20 : memref<1x79x128xi32, #tpu.memory_space<hbm>> -> memref<79x128xi32, #tpu.memory_space<hbm>>
      tpu.enqueue_dma source(%dma_start3A_21 : memref<79x128xi32, #tpu.memory_space<hbm>>) target(%arg8 : memref<79x128xi32, #tpu.memory_space<vmem>>) target_semaphore(%run_scoped3A : memref<!tpu.dma_semaphore, #tpu.memory_space<semaphore_mem>>)
      %dma_wait3A = arith.constant 0 : i32
      %dma_wait3A_22 = arith.constant 0 : i32
      %dma_wait3A_23 = tpu.memref_slice %arg4[%add3A, %dma_wait3A, %dma_wait3A_22] : memref<32x79x128xi32, #tpu.memory_space<hbm>> -> memref<1x79x128xi32, #tpu.memory_space<hbm>>
      %dma_wait3A_24 = tpu.memref_squeeze %dma_wait3A_23 : memref<1x79x128xi32, #tpu.memory_space<hbm>> -> memref<79x128xi32, #tpu.memory_space<hbm>>
      %dma_wait3A_25 = arith.constant 0 : i32
      %dma_wait3A_26 = arith.constant 0 : i32
      %dma_wait3A_27 = tpu.memref_slice %arg4[%add3A, %dma_wait3A_25, %dma_wait3A_26] : memref<32x79x128xi32, #tpu.memory_space<hbm>> -> memref<1x79x128xi32, #tpu.memory_space<hbm>>
      %dma_wait3A_28 = tpu.memref_squeeze %dma_wait3A_27 : memref<1x79x128xi32, #tpu.memory_space<hbm>> -> memref<79x128xi32, #tpu.memory_space<hbm>>
      tpu.wait_dma2 semaphore(%run_scoped3A : memref<!tpu.dma_semaphore, #tpu.memory_space<semaphore_mem>>) src(%dma_wait3A_28 : memref<79x128xi32, #tpu.memory_space<hbm>>) dst(%arg8 : memref<79x128xi32, #tpu.memory_space<vmem>>)
      tpu.yield
    }) : () -> ()
    %mul3A_1 = arith.constant 632 : i32
    %mul3A_2 = arith.muli %arg1, %mul3A_1 : i32
    %mul3A_3 = arith.constant 632 : i32
    %mul3A_4 = arith.muli %arg1, %mul3A_3 : i32
    "tpu.region"() ({
      %run_scoped3A = tpu.sem_alloc : memref<!tpu.dma_semaphore, #tpu.memory_space<semaphore_mem>>
      %dma_start3A = arith.constant 0 : i32
      %dma_start3A_15 = tpu.memref_slice %arg10[%mul3A_4, %dma_start3A] : memref<10112x128xf32, #tpu.memory_space<vmem_shared>> -> memref<632x128xf32, #tpu.memory_space<vmem_shared>>
      %dma_start3A_16 = arith.constant 0 : i32
      %dma_start3A_17 = tpu.memref_slice %arg5[%mul3A_2, %dma_start3A_16] : memref<10112x128xf32, #tpu.memory_space<hbm>> -> memref<632x128xf32, #tpu.memory_space<hbm>>
      tpu.enqueue_dma source(%dma_start3A_17 : memref<632x128xf32, #tpu.memory_space<hbm>>) target(%dma_start3A_15 : memref<632x128xf32, #tpu.memory_space<vmem_shared>>) target_semaphore(%run_scoped3A : memref<!tpu.dma_semaphore, #tpu.memory_space<semaphore_mem>>)
      %dma_wait3A = arith.constant 0 : i32
      %dma_wait3A_18 = tpu.memref_slice %arg10[%mul3A_4, %dma_wait3A] : memref<10112x128xf32, #tpu.memory_space<vmem_shared>> -> memref<632x128xf32, #tpu.memory_space<vmem_shared>>
      %dma_wait3A_19 = arith.constant 0 : i32
      %dma_wait3A_20 = tpu.memref_slice %arg5[%mul3A_2, %dma_wait3A_19] : memref<10112x128xf32, #tpu.memory_space<hbm>> -> memref<632x128xf32, #tpu.memory_space<hbm>>
      tpu.wait_dma2 semaphore(%run_scoped3A : memref<!tpu.dma_semaphore, #tpu.memory_space<semaphore_mem>>) src(%dma_wait3A_20 : memref<632x128xf32, #tpu.memory_space<hbm>>) dst(%dma_wait3A_18 : memref<632x128xf32, #tpu.memory_space<vmem_shared>>)
      tpu.yield
    }) : () -> ()
    %barrier3A = arith.constant 0 : index
    tpu.barrier barrier_id(%barrier3A)
    %scan3A = arith.constant 0 : i32
    %scan3A_5 = arith.constant 0 : i32
    %scan3A_6 = arith.constant 79 : i32
    %scan3A_7 = arith.addi %scan3A_5, %scan3A_6 : i32
    %scan3A_8 = arith.constant 1 : i32
    scf.for %scan3A_15 = %scan3A_5 to %scan3A_7 step %scan3A_8  : i32 {
      %dma_start3A = arith.constant 0 : i32
      %dma_start3A_16 = tpu.memref_slice %arg7[%scan3A_15, %dma_start3A] : memref<79x128xi32, #tpu.memory_space<vmem>> -> memref<1x128xi32, #tpu.memory_space<vmem>>
      %dma_start3A_17 = tpu.memref_squeeze %dma_start3A_16 : memref<1x128xi32, #tpu.memory_space<vmem>> -> memref<128xi32, #tpu.memory_space<vmem>>
      %dma_start3A_18 = arith.constant 0 : i32
      %dma_start3A_19 = arith.constant 0 : i32
      %dma_start3A_20 = tpu.memref_slice %arg2[%dma_start3A_18, %dma_start3A_19] : memref<40000x128xf32, #tpu.memory_space<hbm>> -> memref<40000x128xf32, #tpu.memory_space<hbm>>
      tpu.enqueue_indirect_dma source(%dma_start3A_20 : memref<40000x128xf32, #tpu.memory_space<hbm>>) target(%arg9 : memref<128x128xf32, #tpu.memory_space<vmem>>) offsets(%dma_start3A_17 : memref<128xi32, #tpu.memory_space<vmem>>) semaphore(%arg11 : memref<!tpu.dma_semaphore, #tpu.memory_space<semaphore_mem>>)
      %dma_wait3A = arith.constant 0 : i32
      %dma_wait3A_21 = tpu.memref_slice %arg7[%scan3A_15, %dma_wait3A] : memref<79x128xi32, #tpu.memory_space<vmem>> -> memref<1x128xi32, #tpu.memory_space<vmem>>
      %dma_wait3A_22 = tpu.memref_squeeze %dma_wait3A_21 : memref<1x128xi32, #tpu.memory_space<vmem>> -> memref<128xi32, #tpu.memory_space<vmem>>
      %dma_wait3A_23 = arith.constant 0 : i32
      %dma_wait3A_24 = arith.constant 0 : i32
      %dma_wait3A_25 = tpu.memref_slice %arg2[%dma_wait3A_23, %dma_wait3A_24] : memref<40000x128xf32, #tpu.memory_space<hbm>> -> memref<40000x128xf32, #tpu.memory_space<hbm>>
      tpu.wait_indirect_dma semaphore(%arg11 : memref<!tpu.dma_semaphore, #tpu.memory_space<semaphore_mem>>) src(%dma_wait3A_25 : memref<40000x128xf32, #tpu.memory_space<hbm>>) dst(%arg9 : memref<128x128xf32, #tpu.memory_space<vmem>>)
      "tpu.region"() ({
        %run_scoped3A = tpu.sem_alloc : memref<!tpu.dma_semaphore, #tpu.memory_space<semaphore_mem>>
        %dma_start3A_26 = arith.constant 0 : i32
        %dma_start3A_27 = tpu.memref_slice %arg8[%scan3A_15, %dma_start3A_26] : memref<79x128xi32, #tpu.memory_space<vmem>> -> memref<1x128xi32, #tpu.memory_space<vmem>>
        %dma_start3A_28 = tpu.memref_squeeze %dma_start3A_27 : memref<1x128xi32, #tpu.memory_space<vmem>> -> memref<128xi32, #tpu.memory_space<vmem>>
        %dma_start3A_29 = arith.constant 0 : i32
        %dma_start3A_30 = arith.constant 0 : i32
        %dma_start3A_31 = tpu.memref_slice %arg10[%dma_start3A_29, %dma_start3A_30] : memref<10112x128xf32, #tpu.memory_space<vmem_shared>> -> memref<10112x128xf32, #tpu.memory_space<vmem_shared>>
        tpu.enqueue_indirect_dma source(%arg9 : memref<128x128xf32, #tpu.memory_space<vmem>>) target(%dma_start3A_31 : memref<10112x128xf32, #tpu.memory_space<vmem_shared>>) offsets(%dma_start3A_28 : memref<128xi32, #tpu.memory_space<vmem>>) semaphore(%run_scoped3A : memref<!tpu.dma_semaphore, #tpu.memory_space<semaphore_mem>>) {add = true}
        %dma_wait3A_32 = arith.constant 0 : i32
        %dma_wait3A_33 = tpu.memref_slice %arg8[%scan3A_15, %dma_wait3A_32] : memref<79x128xi32, #tpu.memory_space<vmem>> -> memref<1x128xi32, #tpu.memory_space<vmem>>
        %dma_wait3A_34 = tpu.memref_squeeze %dma_wait3A_33 : memref<1x128xi32, #tpu.memory_space<vmem>> -> memref<128xi32, #tpu.memory_space<vmem>>
        %dma_wait3A_35 = arith.constant 0 : i32
        %dma_wait3A_36 = arith.constant 0 : i32
        %dma_wait3A_37 = tpu.memref_slice %arg10[%dma_wait3A_35, %dma_wait3A_36] : memref<10112x128xf32, #tpu.memory_space<vmem_shared>> -> memref<10112x128xf32, #tpu.memory_space<vmem_shared>>
        tpu.wait_indirect_dma semaphore(%run_scoped3A : memref<!tpu.dma_semaphore, #tpu.memory_space<semaphore_mem>>) src(%arg9 : memref<128x128xf32, #tpu.memory_space<vmem>>) dst(%dma_wait3A_37 : memref<10112x128xf32, #tpu.memory_space<vmem_shared>>)
        tpu.yield
      }) : () -> ()
    }
    %scan3A_9 = arith.constant 79 : i32
    %barrier3A_10 = arith.constant 0 : index
    tpu.barrier barrier_id(%barrier3A_10)
    %mul3A_11 = arith.constant 632 : i32
    %mul3A_12 = arith.muli %arg1, %mul3A_11 : i32
    %mul3A_13 = arith.constant 632 : i32
    %mul3A_14 = arith.muli %arg1, %mul3A_13 : i32
    "tpu.region"() ({
      %run_scoped3A = tpu.sem_alloc : memref<!tpu.dma_semaphore, #tpu.memory_space<semaphore_mem>>
      %dma_start3A = arith.constant 0 : i32
      %dma_start3A_15 = tpu.memref_slice %arg6[%arg0, %mul3A_14, %dma_start3A] : memref<2x10112x128xf32, #tpu.memory_space<hbm>> -> memref<1x632x128xf32, #tpu.memory_space<hbm>>
      %dma_start3A_16 = tpu.memref_squeeze %dma_start3A_15 : memref<1x632x128xf32, #tpu.memory_space<hbm>> -> memref<632x128xf32, #tpu.memory_space<hbm>>
      %dma_start3A_17 = arith.constant 0 : i32
      %dma_start3A_18 = tpu.memref_slice %arg10[%mul3A_12, %dma_start3A_17] : memref<10112x128xf32, #tpu.memory_space<vmem_shared>> -> memref<632x128xf32, #tpu.memory_space<vmem_shared>>
      tpu.enqueue_dma source(%dma_start3A_18 : memref<632x128xf32, #tpu.memory_space<vmem_shared>>) target(%dma_start3A_16 : memref<632x128xf32, #tpu.memory_space<hbm>>) target_semaphore(%run_scoped3A : memref<!tpu.dma_semaphore, #tpu.memory_space<semaphore_mem>>)
      %dma_wait3A = arith.constant 0 : i32
      %dma_wait3A_19 = tpu.memref_slice %arg6[%arg0, %mul3A_14, %dma_wait3A] : memref<2x10112x128xf32, #tpu.memory_space<hbm>> -> memref<1x632x128xf32, #tpu.memory_space<hbm>>
      %dma_wait3A_20 = tpu.memref_squeeze %dma_wait3A_19 : memref<1x632x128xf32, #tpu.memory_space<hbm>> -> memref<632x128xf32, #tpu.memory_space<hbm>>
      %dma_wait3A_21 = arith.constant 0 : i32
      %dma_wait3A_22 = tpu.memref_slice %arg10[%mul3A_12, %dma_wait3A_21] : memref<10112x128xf32, #tpu.memory_space<vmem_shared>> -> memref<632x128xf32, #tpu.memory_space<vmem_shared>>
      tpu.wait_dma2 semaphore(%run_scoped3A : memref<!tpu.dma_semaphore, #tpu.memory_space<semaphore_mem>>) src(%dma_wait3A_22 : memref<632x128xf32, #tpu.memory_space<vmem_shared>>) dst(%dma_wait3A_20 : memref<632x128xf32, #tpu.memory_space<hbm>>)
      tpu.yield
    }) : () -> ()
    return
  }
}

module attributes {stable_mosaic.version = 14 : i64} {
  func.func @_init_body(%arg0: i32, %arg1: memref<2000x128xf32, #tpu.memory_space<vmem>>, %arg2: memref<128x128xf32, #tpu.memory_space<vmem>>, %arg3: memref<1x128xf32, #tpu.memory_space<vmem>>, %arg4: memref<128x512xf32, #tpu.memory_space<vmem>>, %arg5: memref<1x512xf32, #tpu.memory_space<vmem>>, %arg6: memref<2000x128xf32, #tpu.memory_space<vmem>>, %arg7: memref<4x2000x128xf32, #tpu.memory_space<vmem>>) attributes {dimension_semantics = [#tpu.dimension_semantics<arbitrary>], iteration_bounds = array<i64: 5>, scalar_prefetch = 0 : i64, scratch_operands = 0 : i64, tpu.core_type = #tpu.core_type<tc>, window_params = [{transform_indices = @transform_0, window_bounds = array<i64: 2000, 128>}, {pipeline_mode = #tpu.pipeline_mode<synchronous>, transform_indices = @transform_1, window_bounds = array<i64: 128, 128>}, {pipeline_mode = #tpu.pipeline_mode<synchronous>, transform_indices = @transform_2, window_bounds = array<i64: 1, 128>}, {pipeline_mode = #tpu.pipeline_mode<synchronous>, transform_indices = @transform_3, window_bounds = array<i64: 128, 512>}, {pipeline_mode = #tpu.pipeline_mode<synchronous>, transform_indices = @transform_4, window_bounds = array<i64: 1, 512>}, {transform_indices = @transform_5, window_bounds = array<i64: 2000, 128>}, {transform_indices = @transform_6, window_bounds = array<i64: 4, 2000, 128>}]} {
    %get3A = arith.constant 0 : index
    %get3A_0 = arith.constant 0 : index
    %get3A_1 = vector.load %arg1[%get3A, %get3A_0] : memref<2000x128xf32, #tpu.memory_space<vmem>>, vector<2000x128xf32>
    %get3A_2 = arith.constant 0 : index
    %get3A_3 = arith.constant 0 : index
    %get3A_4 = vector.load %arg2[%get3A_2, %get3A_3] : memref<128x128xf32, #tpu.memory_space<vmem>>, vector<128x128xf32>
    %dot_general3A = arith.constant dense<0.000000e+00> : vector<2000x128xf32>
    %dot_general3A_5 = tpu.matmul %get3A_1, %get3A_4, %dot_general3A {dimension_numbers = #tpu.dot_dimension_numbers<[1], [1], [0], [0], [0, 0, 1, 0], [], []>, transpose_lhs_hint = false} : vector<2000x128xf32>, vector<128x128xf32>, vector<2000x128xf32> -> vector<2000x128xf32>
    %get3A_6 = arith.constant 0 : index
    %get3A_7 = arith.constant 0 : index
    %get3A_8 = vector.load %arg3[%get3A_6, %get3A_7] : memref<1x128xf32, #tpu.memory_space<vmem>>, vector<1x128xf32>
    %add3A = vector.broadcast %get3A_8 : vector<1x128xf32> to vector<2000x128xf32>
    %add3A_9 = arith.addf %dot_general3A_5, %add3A : vector<2000x128xf32>
    %swap3A = arith.constant 0 : index
    %swap3A_10 = arith.constant 0 : index
    %swap3A_11 = vector.load %arg6[%swap3A, %swap3A_10] : memref<2000x128xf32, #tpu.memory_space<vmem>>, vector<2000x128xf32>
    tpu.vector_store %arg6[%swap3A, %swap3A_10], %add3A_9 {strides = array<i32>} : memref<2000x128xf32, #tpu.memory_space<vmem>>, vector<2000x128xf32>,
    %get3A_12 = arith.constant 0 : index
    %get3A_13 = arith.constant 0 : index
    %get3A_14 = vector.load %arg4[%get3A_12, %get3A_13] : memref<128x512xf32, #tpu.memory_space<vmem>>, vector<128x512xf32>
    %dot_general3A_15 = arith.constant dense<0.000000e+00> : vector<2000x512xf32>
    %dot_general3A_16 = tpu.matmul %add3A_9, %get3A_14, %dot_general3A_15 {dimension_numbers = #tpu.dot_dimension_numbers<[1], [0], [0], [1], [0, 0, 1, 1], [], []>, transpose_lhs_hint = false} : vector<2000x128xf32>, vector<128x512xf32>, vector<2000x512xf32> -> vector<2000x512xf32>
    %get3A_17 = arith.constant 0 : index
    %get3A_18 = arith.constant 0 : index
    %get3A_19 = vector.load %arg5[%get3A_17, %get3A_18] : memref<1x512xf32, #tpu.memory_space<vmem>>, vector<1x512xf32>
    %add3A_20 = vector.broadcast %get3A_19 : vector<1x512xf32> to vector<2000x512xf32>
    %add3A_21 = arith.addf %dot_general3A_16, %add3A_20 : vector<2000x512xf32>
    %slice3A = vector.extract_strided_slice %add3A_21 {offsets = [0, 0], sizes = [2000, 128], strides = [1, 1]} : vector<2000x512xf32> to vector<2000x128xf32>
    %swap3A_22 = arith.constant 0 : index
    %swap3A_23 = arith.constant 0 : index
    %swap3A_24 = arith.constant 0 : index
    %swap3A_25 = vector.load %arg7[%swap3A_22, %swap3A_23, %swap3A_24] : memref<4x2000x128xf32, #tpu.memory_space<vmem>>, vector<1x2000x128xf32>
    %swap3A_26 = vector.shape_cast %swap3A_25 : vector<1x2000x128xf32> to vector<2000x128xf32>
    %swap3A_27 = vector.shape_cast %slice3A : vector<2000x128xf32> to vector<1x2000x128xf32>
    tpu.vector_store %arg7[%swap3A_22, %swap3A_23, %swap3A_24], %swap3A_27 {strides = array<i32>} : memref<4x2000x128xf32, #tpu.memory_space<vmem>>, vector<1x2000x128xf32>,
    %slice3A_28 = vector.extract_strided_slice %add3A_21 {offsets = [0, 128], sizes = [2000, 128], strides = [1, 1]} : vector<2000x512xf32> to vector<2000x128xf32>
    %swap3A_29 = arith.constant 1 : index
    %swap3A_30 = arith.constant 0 : index
    %swap3A_31 = arith.constant 0 : index
    %swap3A_32 = vector.load %arg7[%swap3A_29, %swap3A_30, %swap3A_31] : memref<4x2000x128xf32, #tpu.memory_space<vmem>>, vector<1x2000x128xf32>
    %swap3A_33 = vector.shape_cast %swap3A_32 : vector<1x2000x128xf32> to vector<2000x128xf32>
    %swap3A_34 = vector.shape_cast %slice3A_28 : vector<2000x128xf32> to vector<1x2000x128xf32>
    tpu.vector_store %arg7[%swap3A_29, %swap3A_30, %swap3A_31], %swap3A_34 {strides = array<i32>} : memref<4x2000x128xf32, #tpu.memory_space<vmem>>, vector<1x2000x128xf32>,
    %slice3A_35 = vector.extract_strided_slice %add3A_21 {offsets = [0, 256], sizes = [2000, 128], strides = [1, 1]} : vector<2000x512xf32> to vector<2000x128xf32>
    %swap3A_36 = arith.constant 2 : index
    %swap3A_37 = arith.constant 0 : index
    %swap3A_38 = arith.constant 0 : index
    %swap3A_39 = vector.load %arg7[%swap3A_36, %swap3A_37, %swap3A_38] : memref<4x2000x128xf32, #tpu.memory_space<vmem>>, vector<1x2000x128xf32>
    %swap3A_40 = vector.shape_cast %swap3A_39 : vector<1x2000x128xf32> to vector<2000x128xf32>
    %swap3A_41 = vector.shape_cast %slice3A_35 : vector<2000x128xf32> to vector<1x2000x128xf32>
    tpu.vector_store %arg7[%swap3A_36, %swap3A_37, %swap3A_38], %swap3A_41 {strides = array<i32>} : memref<4x2000x128xf32, #tpu.memory_space<vmem>>, vector<1x2000x128xf32>,
    %slice3A_42 = vector.extract_strided_slice %add3A_21 {offsets = [0, 384], sizes = [2000, 128], strides = [1, 1]} : vector<2000x512xf32> to vector<2000x128xf32>
    %swap3A_43 = arith.constant 3 : index
    %swap3A_44 = arith.constant 0 : index
    %swap3A_45 = arith.constant 0 : index
    %swap3A_46 = vector.load %arg7[%swap3A_43, %swap3A_44, %swap3A_45] : memref<4x2000x128xf32, #tpu.memory_space<vmem>>, vector<1x2000x128xf32>
    %swap3A_47 = vector.shape_cast %swap3A_46 : vector<1x2000x128xf32> to vector<2000x128xf32>
    %swap3A_48 = vector.shape_cast %slice3A_42 : vector<2000x128xf32> to vector<1x2000x128xf32>
    tpu.vector_store %arg7[%swap3A_43, %swap3A_44, %swap3A_45], %swap3A_48 {strides = array<i32>} : memref<4x2000x128xf32, #tpu.memory_space<vmem>>, vector<1x2000x128xf32>,
    return
  }
  func.func @transform_0(%arg0: i32) -> (i32, i32) {
    %c0_i32 = arith.constant 0 : i32
    %c0_i32_0 = arith.constant 0 : i32
    return %arg0, %c0_i32 : i32, i32
  }
  func.func @transform_1(%arg0: i32) -> (i32, i32) {
    %c0_i32 = arith.constant 0 : i32
    %c0_i32_0 = arith.constant 0 : i32
    %c0_i32_1 = arith.constant 0 : i32
    return %c0_i32, %c0_i32_0 : i32, i32
  }
  func.func @transform_2(%arg0: i32) -> (i32, i32) {
    %c0_i32 = arith.constant 0 : i32
    %c0_i32_0 = arith.constant 0 : i32
    %c0_i32_1 = arith.constant 0 : i32
    return %c0_i32, %c0_i32_0 : i32, i32
  }
  func.func @transform_3(%arg0: i32) -> (i32, i32) {
    %c0_i32 = arith.constant 0 : i32
    %c0_i32_0 = arith.constant 0 : i32
    %c0_i32_1 = arith.constant 0 : i32
    return %c0_i32, %c0_i32_0 : i32, i32
  }
  func.func @transform_4(%arg0: i32) -> (i32, i32) {
    %c0_i32 = arith.constant 0 : i32
    %c0_i32_0 = arith.constant 0 : i32
    %c0_i32_1 = arith.constant 0 : i32
    return %c0_i32, %c0_i32_0 : i32, i32
  }
  func.func @transform_5(%arg0: i32) -> (i32, i32) {
    %c0_i32 = arith.constant 0 : i32
    %c0_i32_0 = arith.constant 0 : i32
    return %arg0, %c0_i32 : i32, i32
  }
  func.func @transform_6(%arg0: i32) -> (i32, i32, i32) {
    %c0_i32 = arith.constant 0 : i32
    %c0_i32_0 = arith.constant 0 : i32
    %c0_i32_1 = arith.constant 0 : i32
    return %c0_i32, %arg0, %c0_i32_0 : i32, i32, i32
  }
}

module attributes {stable_mosaic.version = 14 : i64} {
  func.func @_step_body(%arg0: i32, %arg1: memref<2x2000x128xf32, #tpu.memory_space<vmem>>, %arg2: memref<2000x128xf32, #tpu.memory_space<vmem>>, %arg3: memref<384x128xf32, #tpu.memory_space<vmem>>, %arg4: memref<384x128xf32, #tpu.memory_space<vmem>>, %arg5: memref<1x384xf32, #tpu.memory_space<vmem>>, %arg6: memref<1x384xf32, #tpu.memory_space<vmem>>, %arg7: memref<128x512xf32, #tpu.memory_space<vmem>>, %arg8: memref<1x512xf32, #tpu.memory_space<vmem>>, %arg9: memref<2000x128xf32, #tpu.memory_space<vmem>>, %arg10: memref<4x2000x128xf32, #tpu.memory_space<vmem>>) attributes {dimension_semantics = [#tpu.dimension_semantics<arbitrary>], iteration_bounds = array<i64: 5>, scalar_prefetch = 0 : i64, scratch_operands = 0 : i64, tpu.core_type = #tpu.core_type<tc>, window_params = [{transform_indices = @transform_0, window_bounds = array<i64: 2, 2000, 128>}, {transform_indices = @transform_1, window_bounds = array<i64: 2000, 128>}, {pipeline_mode = #tpu.pipeline_mode<synchronous>, transform_indices = @transform_2, window_bounds = array<i64: 384, 128>}, {pipeline_mode = #tpu.pipeline_mode<synchronous>, transform_indices = @transform_3, window_bounds = array<i64: 384, 128>}, {pipeline_mode = #tpu.pipeline_mode<synchronous>, transform_indices = @transform_4, window_bounds = array<i64: 1, 384>}, {pipeline_mode = #tpu.pipeline_mode<synchronous>, transform_indices = @transform_5, window_bounds = array<i64: 1, 384>}, {pipeline_mode = #tpu.pipeline_mode<synchronous>, transform_indices = @transform_6, window_bounds = array<i64: 128, 512>}, {pipeline_mode = #tpu.pipeline_mode<synchronous>, transform_indices = @transform_7, window_bounds = array<i64: 1, 512>}, {transform_indices = @transform_8, window_bounds = array<i64: 2000, 128>}, {transform_indices = @transform_9, window_bounds = array<i64: 4, 2000, 128>}]} {
    %get3A = arith.constant 0 : index
    %get3A_0 = arith.constant 0 : index
    %get3A_1 = arith.constant 0 : index
    %get3A_2 = vector.load %arg1[%get3A, %get3A_0, %get3A_1] : memref<2x2000x128xf32, #tpu.memory_space<vmem>>, vector<1x2000x128xf32>
    %get3A_3 = vector.shape_cast %get3A_2 : vector<1x2000x128xf32> to vector<2000x128xf32>
    %get3A_4 = arith.constant 1 : index
    %get3A_5 = arith.constant 0 : index
    %get3A_6 = arith.constant 0 : index
    %get3A_7 = vector.load %arg1[%get3A_4, %get3A_5, %get3A_6] : memref<2x2000x128xf32, #tpu.memory_space<vmem>>, vector<1x2000x128xf32>
    %get3A_8 = vector.shape_cast %get3A_7 : vector<1x2000x128xf32> to vector<2000x128xf32>
    %add3A = arith.addf %get3A_3, %get3A_8 : vector<2000x128xf32>
    %get3A_9 = arith.constant 0 : index
    %get3A_10 = arith.constant 0 : index
    %get3A_11 = vector.load %arg2[%get3A_9, %get3A_10] : memref<2000x128xf32, #tpu.memory_space<vmem>>, vector<2000x128xf32>
    %get3A_12 = arith.constant 0 : index
    %get3A_13 = arith.constant 0 : index
    %get3A_14 = vector.load %arg3[%get3A_12, %get3A_13] : memref<384x128xf32, #tpu.memory_space<vmem>>, vector<384x128xf32>
    %dot_general3A = arith.constant dense<0.000000e+00> : vector<2000x384xf32>
    %dot_general3A_15 = tpu.matmul %add3A, %get3A_14, %dot_general3A {dimension_numbers = #tpu.dot_dimension_numbers<[1], [1], [0], [0], [0, 0, 1, 0], [], []>, transpose_lhs_hint = false} : vector<2000x128xf32>, vector<384x128xf32>, vector<2000x384xf32> -> vector<2000x384xf32>
    %get3A_16 = arith.constant 0 : index
    %get3A_17 = arith.constant 0 : index
    %get3A_18 = vector.load %arg5[%get3A_16, %get3A_17] : memref<1x384xf32, #tpu.memory_space<vmem>>, vector<1x384xf32>
    %add3A_19 = vector.broadcast %get3A_18 : vector<1x384xf32> to vector<2000x384xf32>
    %add3A_20 = arith.addf %dot_general3A_15, %add3A_19 : vector<2000x384xf32>
    %get3A_21 = arith.constant 0 : index
    %get3A_22 = arith.constant 0 : index
    %get3A_23 = vector.load %arg4[%get3A_21, %get3A_22] : memref<384x128xf32, #tpu.memory_space<vmem>>, vector<384x128xf32>
    %dot_general3A_24 = arith.constant dense<0.000000e+00> : vector<2000x384xf32>
    %dot_general3A_25 = tpu.matmul %get3A_11, %get3A_23, %dot_general3A_24 {dimension_numbers = #tpu.dot_dimension_numbers<[1], [1], [0], [0], [0, 0, 1, 0], [], []>, transpose_lhs_hint = false} : vector<2000x128xf32>, vector<384x128xf32>, vector<2000x384xf32> -> vector<2000x384xf32>
    %get3A_26 = arith.constant 0 : index
    %get3A_27 = arith.constant 0 : index
    %get3A_28 = vector.load %arg6[%get3A_26, %get3A_27] : memref<1x384xf32, #tpu.memory_space<vmem>>, vector<1x384xf32>
    %add3A_29 = vector.broadcast %get3A_28 : vector<1x384xf32> to vector<2000x384xf32>
    %add3A_30 = arith.addf %dot_general3A_25, %add3A_29 : vector<2000x384xf32>
    %slice3A = vector.extract_strided_slice %add3A_20 {offsets = [0, 0], sizes = [2000, 128], strides = [1, 1]} : vector<2000x384xf32> to vector<2000x128xf32>
    %slice3A_31 = vector.extract_strided_slice %add3A_30 {offsets = [0, 0], sizes = [2000, 128], strides = [1, 1]} : vector<2000x384xf32> to vector<2000x128xf32>
    %add3A_32 = arith.addf %slice3A, %slice3A_31 : vector<2000x128xf32>
    %logistic3A = arith.negf %add3A_32 : vector<2000x128xf32>
    %logistic3A_33 = math.exp %logistic3A : vector<2000x128xf32>
    %logistic3A_34 = arith.constant 1.000000e+00 : f32
    %logistic3A_35 = vector.broadcast %logistic3A_34 : f32 to vector<2000x128xf32>
    %logistic3A_36 = arith.addf %logistic3A_35, %logistic3A_33 : vector<2000x128xf32>
    %logistic3A_37 = arith.divf %logistic3A_35, %logistic3A_36 : vector<2000x128xf32>
    %slice3A_38 = vector.extract_strided_slice %add3A_20 {offsets = [0, 128], sizes = [2000, 128], strides = [1, 1]} : vector<2000x384xf32> to vector<2000x128xf32>
    %slice3A_39 = vector.extract_strided_slice %add3A_30 {offsets = [0, 128], sizes = [2000, 128], strides = [1, 1]} : vector<2000x384xf32> to vector<2000x128xf32>
    %add3A_40 = arith.addf %slice3A_38, %slice3A_39 : vector<2000x128xf32>
    %logistic3A_41 = arith.negf %add3A_40 : vector<2000x128xf32>
    %logistic3A_42 = math.exp %logistic3A_41 : vector<2000x128xf32>
    %logistic3A_43 = arith.constant 1.000000e+00 : f32
    %logistic3A_44 = vector.broadcast %logistic3A_43 : f32 to vector<2000x128xf32>
    %logistic3A_45 = arith.addf %logistic3A_44, %logistic3A_42 : vector<2000x128xf32>
    %logistic3A_46 = arith.divf %logistic3A_44, %logistic3A_45 : vector<2000x128xf32>
    %slice3A_47 = vector.extract_strided_slice %add3A_20 {offsets = [0, 256], sizes = [2000, 128], strides = [1, 1]} : vector<2000x384xf32> to vector<2000x128xf32>
    %slice3A_48 = vector.extract_strided_slice %add3A_30 {offsets = [0, 256], sizes = [2000, 128], strides = [1, 1]} : vector<2000x384xf32> to vector<2000x128xf32>
    %mul3A = arith.mulf %logistic3A_37, %slice3A_48 : vector<2000x128xf32>
    %add3A_49 = arith.addf %slice3A_47, %mul3A : vector<2000x128xf32>
    %tanh3A = math.tanh %add3A_49 : vector<2000x128xf32>
    %sub3A = arith.constant 1.000000e+00 : f32
    %sub3A_50 = vector.broadcast %sub3A : f32 to vector<2000x128xf32>
    %sub3A_51 = arith.subf %sub3A_50, %logistic3A_46 : vector<2000x128xf32>
    %mul3A_52 = arith.mulf %sub3A_51, %tanh3A : vector<2000x128xf32>
    %mul3A_53 = arith.mulf %logistic3A_46, %get3A_11 : vector<2000x128xf32>
    %add3A_54 = arith.addf %mul3A_52, %mul3A_53 : vector<2000x128xf32>
    %swap3A = arith.constant 0 : index
    %swap3A_55 = arith.constant 0 : index
    %swap3A_56 = vector.load %arg9[%swap3A, %swap3A_55] : memref<2000x128xf32, #tpu.memory_space<vmem>>, vector<2000x128xf32>
    tpu.vector_store %arg9[%swap3A, %swap3A_55], %add3A_54 {strides = array<i32>} : memref<2000x128xf32, #tpu.memory_space<vmem>>, vector<2000x128xf32>,
    %get3A_57 = arith.constant 0 : index
    %get3A_58 = arith.constant 0 : index
    %get3A_59 = vector.load %arg7[%get3A_57, %get3A_58] : memref<128x512xf32, #tpu.memory_space<vmem>>, vector<128x512xf32>
    %dot_general3A_60 = arith.constant dense<0.000000e+00> : vector<2000x512xf32>
    %dot_general3A_61 = tpu.matmul %add3A_54, %get3A_59, %dot_general3A_60 {dimension_numbers = #tpu.dot_dimension_numbers<[1], [0], [0], [1], [0, 0, 1, 1], [], []>, transpose_lhs_hint = false} : vector<2000x128xf32>, vector<128x512xf32>, vector<2000x512xf32> -> vector<2000x512xf32>
    %get3A_62 = arith.constant 0 : index
    %get3A_63 = arith.constant 0 : index
    %get3A_64 = vector.load %arg8[%get3A_62, %get3A_63] : memref<1x512xf32, #tpu.memory_space<vmem>>, vector<1x512xf32>
    %add3A_65 = vector.broadcast %get3A_64 : vector<1x512xf32> to vector<2000x512xf32>
    %add3A_66 = arith.addf %dot_general3A_61, %add3A_65 : vector<2000x512xf32>
    %slice3A_67 = vector.extract_strided_slice %add3A_66 {offsets = [0, 0], sizes = [2000, 128], strides = [1, 1]} : vector<2000x512xf32> to vector<2000x128xf32>
    %swap3A_68 = arith.constant 0 : index
    %swap3A_69 = arith.constant 0 : index
    %swap3A_70 = arith.constant 0 : index
    %swap3A_71 = vector.load %arg10[%swap3A_68, %swap3A_69, %swap3A_70] : memref<4x2000x128xf32, #tpu.memory_space<vmem>>, vector<1x2000x128xf32>
    %swap3A_72 = vector.shape_cast %swap3A_71 : vector<1x2000x128xf32> to vector<2000x128xf32>
    %swap3A_73 = vector.shape_cast %slice3A_67 : vector<2000x128xf32> to vector<1x2000x128xf32>
    tpu.vector_store %arg10[%swap3A_68, %swap3A_69, %swap3A_70], %swap3A_73 {strides = array<i32>} : memref<4x2000x128xf32, #tpu.memory_space<vmem>>, vector<1x2000x128xf32>,
    %slice3A_74 = vector.extract_strided_slice %add3A_66 {offsets = [0, 128], sizes = [2000, 128], strides = [1, 1]} : vector<2000x512xf32> to vector<2000x128xf32>
    %swap3A_75 = arith.constant 1 : index
    %swap3A_76 = arith.constant 0 : index
    %swap3A_77 = arith.constant 0 : index
    %swap3A_78 = vector.load %arg10[%swap3A_75, %swap3A_76, %swap3A_77] : memref<4x2000x128xf32, #tpu.memory_space<vmem>>, vector<1x2000x128xf32>
    %swap3A_79 = vector.shape_cast %swap3A_78 : vector<1x2000x128xf32> to vector<2000x128xf32>
    %swap3A_80 = vector.shape_cast %slice3A_74 : vector<2000x128xf32> to vector<1x2000x128xf32>
    tpu.vector_store %arg10[%swap3A_75, %swap3A_76, %swap3A_77], %swap3A_80 {strides = array<i32>} : memref<4x2000x128xf32, #tpu.memory_space<vmem>>, vector<1x2000x128xf32>,
    %slice3A_81 = vector.extract_strided_slice %add3A_66 {offsets = [0, 256], sizes = [2000, 128], strides = [1, 1]} : vector<2000x512xf32> to vector<2000x128xf32>
    %swap3A_82 = arith.constant 2 : index
    %swap3A_83 = arith.constant 0 : index
    %swap3A_84 = arith.constant 0 : index
    %swap3A_85 = vector.load %arg10[%swap3A_82, %swap3A_83, %swap3A_84] : memref<4x2000x128xf32, #tpu.memory_space<vmem>>, vector<1x2000x128xf32>
    %swap3A_86 = vector.shape_cast %swap3A_85 : vector<1x2000x128xf32> to vector<2000x128xf32>
    %swap3A_87 = vector.shape_cast %slice3A_81 : vector<2000x128xf32> to vector<1x2000x128xf32>
    tpu.vector_store %arg10[%swap3A_82, %swap3A_83, %swap3A_84], %swap3A_87 {strides = array<i32>} : memref<4x2000x128xf32, #tpu.memory_space<vmem>>, vector<1x2000x128xf32>,
    %slice3A_88 = vector.extract_strided_slice %add3A_66 {offsets = [0, 384], sizes = [2000, 128], strides = [1, 1]} : vector<2000x512xf32> to vector<2000x128xf32>
    %swap3A_89 = arith.constant 3 : index
    %swap3A_90 = arith.constant 0 : index
    %swap3A_91 = arith.constant 0 : index
    %swap3A_92 = vector.load %arg10[%swap3A_89, %swap3A_90, %swap3A_91] : memref<4x2000x128xf32, #tpu.memory_space<vmem>>, vector<1x2000x128xf32>
    %swap3A_93 = vector.shape_cast %swap3A_92 : vector<1x2000x128xf32> to vector<2000x128xf32>
    %swap3A_94 = vector.shape_cast %slice3A_88 : vector<2000x128xf32> to vector<1x2000x128xf32>
    tpu.vector_store %arg10[%swap3A_89, %swap3A_90, %swap3A_91], %swap3A_94 {strides = array<i32>} : memref<4x2000x128xf32, #tpu.memory_space<vmem>>, vector<1x2000x128xf32>,
    return
  }
  func.func @transform_0(%arg0: i32) -> (i32, i32, i32) {
    %c0_i32 = arith.constant 0 : i32
    %c0_i32_0 = arith.constant 0 : i32
    %c0_i32_1 = arith.constant 0 : i32
    return %c0_i32, %arg0, %c0_i32_0 : i32, i32, i32
  }
  func.func @transform_1(%arg0: i32) -> (i32, i32) {
    %c0_i32 = arith.constant 0 : i32
    %c0_i32_0 = arith.constant 0 : i32
    return %arg0, %c0_i32 : i32, i32
  }
  func.func @transform_2(%arg0: i32) -> (i32, i32) {
    %c0_i32 = arith.constant 0 : i32
    %c0_i32_0 = arith.constant 0 : i32
    %c0_i32_1 = arith.constant 0 : i32
    return %c0_i32, %c0_i32_0 : i32, i32
  }
  func.func @transform_3(%arg0: i32) -> (i32, i32) {
    %c0_i32 = arith.constant 0 : i32
    %c0_i32_0 = arith.constant 0 : i32
    %c0_i32_1 = arith.constant 0 : i32
    return %c0_i32, %c0_i32_0 : i32, i32
  }
  func.func @transform_4(%arg0: i32) -> (i32, i32) {
    %c0_i32 = arith.constant 0 : i32
    %c0_i32_0 = arith.constant 0 : i32
    %c0_i32_1 = arith.constant 0 : i32
    return %c0_i32, %c0_i32_0 : i32, i32
  }
  func.func @transform_5(%arg0: i32) -> (i32, i32) {
    %c0_i32 = arith.constant 0 : i32
    %c0_i32_0 = arith.constant 0 : i32
    %c0_i32_1 = arith.constant 0 : i32
    return %c0_i32, %c0_i32_0 : i32, i32
  }
  func.func @transform_6(%arg0: i32) -> (i32, i32) {
    %c0_i32 = arith.constant 0 : i32
    %c0_i32_0 = arith.constant 0 : i32
    %c0_i32_1 = arith.constant 0 : i32
    return %c0_i32, %c0_i32_0 : i32, i32
  }
  func.func @transform_7(%arg0: i32) -> (i32, i32) {
    %c0_i32 = arith.constant 0 : i32
    %c0_i32_0 = arith.constant 0 : i32
    %c0_i32_1 = arith.constant 0 : i32
    return %c0_i32, %c0_i32_0 : i32, i32
  }
  func.func @transform_8(%arg0: i32) -> (i32, i32) {
    %c0_i32 = arith.constant 0 : i32
    %c0_i32_0 = arith.constant 0 : i32
    return %arg0, %c0_i32 : i32, i32
  }
  func.func @transform_9(%arg0: i32) -> (i32, i32, i32) {
    %c0_i32 = arith.constant 0 : i32
    %c0_i32_0 = arith.constant 0 : i32
    %c0_i32_1 = arith.constant 0 : i32
    return %c0_i32, %arg0, %c0_i32_0 : i32, i32, i32
  }
}

module attributes {stable_mosaic.version = 14 : i64} {
  func.func @_stats_body(%arg0: i32, %arg1: memref<2000x128xf32, #tpu.memory_space<vmem>>, %arg2: memref<2000x128xf32, #tpu.memory_space<vmem>>, %arg3: memref<2x256xf32, #tpu.memory_space<vmem>>) attributes {dimension_semantics = [#tpu.dimension_semantics<arbitrary>], iteration_bounds = array<i64: 5>, scalar_prefetch = 0 : i64, scratch_operands = 0 : i64, tpu.core_type = #tpu.core_type<tc>, window_params = [{transform_indices = @transform_0, window_bounds = array<i64: 2000, 128>}, {transform_indices = @transform_1, window_bounds = array<i64: 2000, 128>}, {pipeline_mode = #tpu.pipeline_mode<synchronous>, transform_indices = @transform_2, window_bounds = array<i64: 2, 256>}]} {
    %get3A = arith.constant 0 : index
    %get3A_0 = arith.constant 0 : index
    %get3A_1 = vector.load %arg1[%get3A, %get3A_0] : memref<2000x128xf32, #tpu.memory_space<vmem>>, vector<2000x128xf32>
    %jit3A = arith.constant 0.00999999977 : f32
    %ge3A = arith.constant 0.000000e+00 : f32
    %ge3A_2 = vector.broadcast %ge3A : f32 to vector<2000x128xf32>
    %ge3A_3 = arith.cmpf oge, %get3A_1, %ge3A_2 : vector<2000x128xf32>
    %mul3A = vector.broadcast %jit3A : f32 to vector<2000x128xf32>
    %mul3A_4 = arith.mulf %mul3A, %get3A_1 : vector<2000x128xf32>
    %select_n3A = arith.select %ge3A_3, %get3A_1, %mul3A_4 : vector<2000x128xi1>, vector<2000x128xf32>
    %get3A_5 = arith.constant 0 : index
    %get3A_6 = arith.constant 0 : index
    %get3A_7 = vector.load %arg2[%get3A_5, %get3A_6] : memref<2000x128xf32, #tpu.memory_space<vmem>>, vector<2000x128xf32>
    %concatenate3A = tpu.concatenate %select_n3A, %get3A_7 in 1 : vector<2000x128xf32>, vector<2000x128xf32> -> vector<2000x256xf32>
    %reduce_sum3A = arith.constant dense<0.000000e+00> : vector<256xf32>
    %reduce_sum3A_8 = vector.multi_reduction <add>, %concatenate3A, %reduce_sum3A [0] : vector<2000x256xf32> to vector<256xf32>
    %broadcast_in_dim3A = vector.shape_cast %reduce_sum3A_8 : vector<256xf32> to vector<1x256xf32>
    %mul3A_9 = arith.mulf %concatenate3A, %concatenate3A : vector<2000x256xf32>
    %reduce_sum3A_10 = arith.constant dense<0.000000e+00> : vector<256xf32>
    %reduce_sum3A_11 = vector.multi_reduction <add>, %mul3A_9, %reduce_sum3A_10 [0] : vector<2000x256xf32> to vector<256xf32>
    %broadcast_in_dim3A_12 = vector.shape_cast %reduce_sum3A_11 : vector<256xf32> to vector<1x256xf32>
    %concatenate3A_13 = tpu.concatenate %broadcast_in_dim3A, %broadcast_in_dim3A_12 in 0 : vector<1x256xf32>, vector<1x256xf32> -> vector<2x256xf32>
    %eq3A = arith.constant 0 : i32
    %eq3A_14 = arith.cmpi eq, %arg0, %eq3A : i32
    %convert_element_type3A = arith.extui %eq3A_14 : i1 to i32
    %cond3A = arith.constant 0 : i32
    %cond3A_15 = arith.cmpi ne, %convert_element_type3A, %cond3A : i32
    scf.if %cond3A_15 {
      %swap3A = arith.constant 0 : index
      %swap3A_20 = arith.constant 0 : index
      %swap3A_21 = vector.load %arg3[%swap3A, %swap3A_20] : memref<2x256xf32, #tpu.memory_space<vmem>>, vector<2x256xf32>
      tpu.vector_store %arg3[%swap3A, %swap3A_20], %concatenate3A_13 {strides = array<i32>} : memref<2x256xf32, #tpu.memory_space<vmem>>, vector<2x256xf32>,
    } else {
    }
    %ne3A = arith.constant 0 : i32
    %ne3A_16 = arith.cmpi ne, %arg0, %ne3A : i32
    %convert_element_type3A_17 = arith.extui %ne3A_16 : i1 to i32
    %cond3A_18 = arith.constant 0 : i32
    %cond3A_19 = arith.cmpi ne, %convert_element_type3A_17, %cond3A_18 : i32
    scf.if %cond3A_19 {
      %get3A_20 = arith.constant 0 : index
      %get3A_21 = arith.constant 0 : index
      %get3A_22 = vector.load %arg3[%get3A_20, %get3A_21] : memref<2x256xf32, #tpu.memory_space<vmem>>, vector<2x256xf32>
      %add3A = arith.addf %get3A_22, %concatenate3A_13 : vector<2x256xf32>
      %swap3A = arith.constant 0 : index
      %swap3A_23 = arith.constant 0 : index
      %swap3A_24 = vector.load %arg3[%swap3A, %swap3A_23] : memref<2x256xf32, #tpu.memory_space<vmem>>, vector<2x256xf32>
      tpu.vector_store %arg3[%swap3A, %swap3A_23], %add3A {strides = array<i32>} : memref<2x256xf32, #tpu.memory_space<vmem>>, vector<2x256xf32>,
    } else {
    }
    return
  }
  func.func @transform_0(%arg0: i32) -> (i32, i32) {
    %c0_i32 = arith.constant 0 : i32
    %c0_i32_0 = arith.constant 0 : i32
    return %arg0, %c0_i32 : i32, i32
  }
  func.func @transform_1(%arg0: i32) -> (i32, i32) {
    %c0_i32 = arith.constant 0 : i32
    %c0_i32_0 = arith.constant 0 : i32
    return %arg0, %c0_i32 : i32, i32
  }
  func.func @transform_2(%arg0: i32) -> (i32, i32) {
    %c0_i32 = arith.constant 0 : i32
    %c0_i32_0 = arith.constant 0 : i32
    %c0_i32_1 = arith.constant 0 : i32
    return %c0_i32, %c0_i32_0 : i32, i32
  }
}

module attributes {stable_mosaic.version = 14 : i64} {
  func.func @_norm_body(%arg0: i32, %arg1: memref<2000x128xf32, #tpu.memory_space<vmem>>, %arg2: memref<2000x128xf32, #tpu.memory_space<vmem>>, %arg3: memref<2x256xf32, #tpu.memory_space<vmem>>, %arg4: memref<1x256xf32, #tpu.memory_space<vmem>>, %arg5: memref<1x256xf32, #tpu.memory_space<vmem>>, %arg6: memref<1x256xf32, #tpu.memory_space<vmem>>) attributes {dimension_semantics = [#tpu.dimension_semantics<arbitrary>], iteration_bounds = array<i64: 5>, scalar_prefetch = 0 : i64, scratch_operands = 0 : i64, tpu.core_type = #tpu.core_type<tc>, window_params = [{transform_indices = @transform_0, window_bounds = array<i64: 2000, 128>}, {transform_indices = @transform_1, window_bounds = array<i64: 2000, 128>}, {pipeline_mode = #tpu.pipeline_mode<synchronous>, transform_indices = @transform_2, window_bounds = array<i64: 2, 256>}, {pipeline_mode = #tpu.pipeline_mode<synchronous>, transform_indices = @transform_3, window_bounds = array<i64: 1, 256>}, {pipeline_mode = #tpu.pipeline_mode<synchronous>, transform_indices = @transform_4, window_bounds = array<i64: 1, 256>}, {pipeline_mode = #tpu.pipeline_mode<synchronous>, transform_indices = @transform_5, window_bounds = array<i64: 1, 256>}]} {
    %get3A = arith.constant 0 : index
    %get3A_0 = arith.constant 0 : index
    %get3A_1 = vector.load %arg1[%get3A, %get3A_0] : memref<2000x128xf32, #tpu.memory_space<vmem>>, vector<2000x128xf32>
    %jit3A = arith.constant 0.00999999977 : f32
    %ge3A = arith.constant 0.000000e+00 : f32
    %ge3A_2 = vector.broadcast %ge3A : f32 to vector<2000x128xf32>
    %ge3A_3 = arith.cmpf oge, %get3A_1, %ge3A_2 : vector<2000x128xf32>
    %mul3A = vector.broadcast %jit3A : f32 to vector<2000x128xf32>
    %mul3A_4 = arith.mulf %mul3A, %get3A_1 : vector<2000x128xf32>
    %select_n3A = arith.select %ge3A_3, %get3A_1, %mul3A_4 : vector<2000x128xi1>, vector<2000x128xf32>
    %get3A_5 = arith.constant 0 : index
    %get3A_6 = arith.constant 0 : index
    %get3A_7 = vector.load %arg2[%get3A_5, %get3A_6] : memref<2000x128xf32, #tpu.memory_space<vmem>>, vector<2000x128xf32>
    %concatenate3A = tpu.concatenate %select_n3A, %get3A_7 in 1 : vector<2000x128xf32>, vector<2000x128xf32> -> vector<2000x256xf32>
    %get3A_8 = arith.constant 0 : index
    %get3A_9 = arith.constant 0 : index
    %get3A_10 = vector.load %arg3[%get3A_8, %get3A_9] : memref<2x256xf32, #tpu.memory_space<vmem>>, vector<1x256xf32>
    %mul3A_11 = arith.constant 9.99999974E-5 : f32
    %mul3A_12 = vector.broadcast %mul3A_11 : f32 to vector<1x256xf32>
    %mul3A_13 = arith.mulf %get3A_10, %mul3A_12 : vector<1x256xf32>
    %get3A_14 = arith.constant 1 : index
    %get3A_15 = arith.constant 0 : index
    %get3A_16 = vector.load %arg3[%get3A_14, %get3A_15] : memref<2x256xf32, #tpu.memory_space<vmem>>, vector<1x256xf32>
    %mul3A_17 = arith.constant 9.99999974E-5 : f32
    %mul3A_18 = vector.broadcast %mul3A_17 : f32 to vector<1x256xf32>
    %mul3A_19 = arith.mulf %get3A_16, %mul3A_18 : vector<1x256xf32>
    %mul3A_20 = arith.mulf %mul3A_13, %mul3A_13 : vector<1x256xf32>
    %sub3A = arith.subf %mul3A_19, %mul3A_20 : vector<1x256xf32>
    %add3A = arith.constant 9.99999974E-6 : f32
    %add3A_21 = vector.broadcast %add3A : f32 to vector<1x256xf32>
    %add3A_22 = arith.addf %sub3A, %add3A_21 : vector<1x256xf32>
    %rsqrt3A = math.rsqrt %add3A_22 : vector<1x256xf32>
    %sub3A_23 = vector.broadcast %mul3A_13 : vector<1x256xf32> to vector<2000x256xf32>
    %sub3A_24 = arith.subf %concatenate3A, %sub3A_23 : vector<2000x256xf32>
    %mul3A_25 = vector.broadcast %rsqrt3A : vector<1x256xf32> to vector<2000x256xf32>
    %mul3A_26 = arith.mulf %sub3A_24, %mul3A_25 : vector<2000x256xf32>
    %get3A_27 = arith.constant 0 : index
    %get3A_28 = arith.constant 0 : index
    %get3A_29 = vector.load %arg4[%get3A_27, %get3A_28] : memref<1x256xf32, #tpu.memory_space<vmem>>, vector<1x256xf32>
    %mul3A_30 = vector.broadcast %get3A_29 : vector<1x256xf32> to vector<2000x256xf32>
    %mul3A_31 = arith.mulf %mul3A_26, %mul3A_30 : vector<2000x256xf32>
    %get3A_32 = arith.constant 0 : index
    %get3A_33 = arith.constant 0 : index
    %get3A_34 = vector.load %arg5[%get3A_32, %get3A_33] : memref<1x256xf32, #tpu.memory_space<vmem>>, vector<1x256xf32>
    %add3A_35 = vector.broadcast %get3A_34 : vector<1x256xf32> to vector<2000x256xf32>
    %add3A_36 = arith.addf %mul3A_31, %add3A_35 : vector<2000x256xf32>
    %reduce_sum3A = arith.constant dense<0.000000e+00> : vector<256xf32>
    %reduce_sum3A_37 = vector.multi_reduction <add>, %add3A_36, %reduce_sum3A [0] : vector<2000x256xf32> to vector<256xf32>
    %broadcast_in_dim3A = vector.shape_cast %reduce_sum3A_37 : vector<256xf32> to vector<1x256xf32>
    %eq3A = arith.constant 0 : i32
    %eq3A_38 = arith.cmpi eq, %arg0, %eq3A : i32
    %convert_element_type3A = arith.extui %eq3A_38 : i1 to i32
    %cond3A = arith.constant 0 : i32
    %cond3A_39 = arith.cmpi ne, %convert_element_type3A, %cond3A : i32
    scf.if %cond3A_39 {
      %swap3A = arith.constant 0 : index
      %swap3A_49 = arith.constant 0 : index
      %swap3A_50 = vector.load %arg6[%swap3A, %swap3A_49] : memref<1x256xf32, #tpu.memory_space<vmem>>, vector<1x256xf32>
      tpu.vector_store %arg6[%swap3A, %swap3A_49], %broadcast_in_dim3A {strides = array<i32>} : memref<1x256xf32, #tpu.memory_space<vmem>>, vector<1x256xf32>,
    } else {
    }
    %ne3A = arith.constant 0 : i32
    %ne3A_40 = arith.cmpi ne, %arg0, %ne3A : i32
    %convert_element_type3A_41 = arith.extui %ne3A_40 : i1 to i32
    %cond3A_42 = arith.constant 0 : i32
    %cond3A_43 = arith.cmpi ne, %convert_element_type3A_41, %cond3A_42 : i32
    scf.if %cond3A_43 {
      %get3A_49 = arith.constant 0 : index
      %get3A_50 = arith.constant 0 : index
      %get3A_51 = vector.load %arg6[%get3A_49, %get3A_50] : memref<1x256xf32, #tpu.memory_space<vmem>>, vector<1x256xf32>
      %add3A_52 = arith.addf %get3A_51, %broadcast_in_dim3A : vector<1x256xf32>
      %swap3A = arith.constant 0 : index
      %swap3A_53 = arith.constant 0 : index
      %swap3A_54 = vector.load %arg6[%swap3A, %swap3A_53] : memref<1x256xf32, #tpu.memory_space<vmem>>, vector<1x256xf32>
      tpu.vector_store %arg6[%swap3A, %swap3A_53], %add3A_52 {strides = array<i32>} : memref<1x256xf32, #tpu.memory_space<vmem>>, vector<1x256xf32>,
    } else {
    }
    %eq3A_44 = arith.constant 4 : i32
    %eq3A_45 = arith.cmpi eq, %arg0, %eq3A_44 : i32
    %convert_element_type3A_46 = arith.extui %eq3A_45 : i1 to i32
    %cond3A_47 = arith.constant 0 : i32
    %cond3A_48 = arith.cmpi ne, %convert_element_type3A_46, %cond3A_47 : i32
    scf.if %cond3A_48 {
      %get3A_49 = arith.constant 0 : index
      %get3A_50 = arith.constant 0 : index
      %get3A_51 = vector.load %arg6[%get3A_49, %get3A_50] : memref<1x256xf32, #tpu.memory_space<vmem>>, vector<1x256xf32>
      %mul3A_52 = arith.constant 9.99999974E-5 : f32
      %mul3A_53 = vector.broadcast %mul3A_52 : f32 to vector<1x256xf32>
      %mul3A_54 = arith.mulf %get3A_51, %mul3A_53 : vector<1x256xf32>
      %swap3A = arith.constant 0 : index
      %swap3A_55 = arith.constant 0 : index
      %swap3A_56 = vector.load %arg6[%swap3A, %swap3A_55] : memref<1x256xf32, #tpu.memory_space<vmem>>, vector<1x256xf32>
      tpu.vector_store %arg6[%swap3A, %swap3A_55], %mul3A_54 {strides = array<i32>} : memref<1x256xf32, #tpu.memory_space<vmem>>, vector<1x256xf32>,
    } else {
    }
    return
  }
  func.func @transform_0(%arg0: i32) -> (i32, i32) {
    %c0_i32 = arith.constant 0 : i32
    %c0_i32_0 = arith.constant 0 : i32
    return %arg0, %c0_i32 : i32, i32
  }
  func.func @transform_1(%arg0: i32) -> (i32, i32) {
    %c0_i32 = arith.constant 0 : i32
    %c0_i32_0 = arith.constant 0 : i32
    return %arg0, %c0_i32 : i32, i32
  }
  func.func @transform_2(%arg0: i32) -> (i32, i32) {
    %c0_i32 = arith.constant 0 : i32
    %c0_i32_0 = arith.constant 0 : i32
    %c0_i32_1 = arith.constant 0 : i32
    return %c0_i32, %c0_i32_0 : i32, i32
  }
  func.func @transform_3(%arg0: i32) -> (i32, i32) {
    %c0_i32 = arith.constant 0 : i32
    %c0_i32_0 = arith.constant 0 : i32
    %c0_i32_1 = arith.constant 0 : i32
    return %c0_i32, %c0_i32_0 : i32, i32
  }
  func.func @transform_4(%arg0: i32) -> (i32, i32) {
    %c0_i32 = arith.constant 0 : i32
    %c0_i32_0 = arith.constant 0 : i32
    %c0_i32_1 = arith.constant 0 : i32
    return %c0_i32, %c0_i32_0 : i32, i32
  }
  func.func @transform_5(%arg0: i32) -> (i32, i32) {
    %c0_i32 = arith.constant 0 : i32
    %c0_i32_0 = arith.constant 0 : i32
    %c0_i32_1 = arith.constant 0 : i32
    return %c0_i32, %c0_i32_0 : i32, i32
  }
}

module attributes {stable_mosaic.version = 14 : i64} {
  func.func @_cls_body(%arg0: memref<1x512xf32, #tpu.memory_space<vmem>>, %arg1: memref<2x512xf32, #tpu.memory_space<vmem>>, %arg2: memref<1x2xf32, #tpu.memory_space<vmem>>, %arg3: memref<1x2xf32, #tpu.memory_space<vmem>>) attributes {dimension_semantics = [], scalar_prefetch = 0 : i64, scratch_operands = 0 : i64, tpu.core_type = #tpu.core_type<tc>} {
    %get3A = arith.constant 0 : index
    %get3A_0 = arith.constant 0 : index
    %get3A_1 = vector.load %arg0[%get3A, %get3A_0] : memref<1x512xf32, #tpu.memory_space<vmem>>, vector<1x512xf32>
    %get3A_2 = arith.constant 0 : index
    %get3A_3 = arith.constant 0 : index
    %get3A_4 = vector.load %arg1[%get3A_2, %get3A_3] : memref<2x512xf32, #tpu.memory_space<vmem>>, vector<2x512xf32>
    %dot_general3A = arith.constant dense<0.000000e+00> : vector<1x2xf32>
    %dot_general3A_5 = tpu.matmul %get3A_1, %get3A_4, %dot_general3A {dimension_numbers = #tpu.dot_dimension_numbers<[1], [1], [0], [0], [0, 0, 1, 0], [], []>, transpose_lhs_hint = false} : vector<1x512xf32>, vector<2x512xf32>, vector<1x2xf32> -> vector<1x2xf32>
    %get3A_6 = arith.constant 0 : index
    %get3A_7 = arith.constant 0 : index
    %get3A_8 = vector.load %arg2[%get3A_6, %get3A_7] : memref<1x2xf32, #tpu.memory_space<vmem>>, vector<1x2xf32>
    %add3A = arith.addf %dot_general3A_5, %get3A_8 : vector<1x2xf32>
    %jit3A = arith.constant 0.00999999977 : f32
    %ge3A = arith.constant 0.000000e+00 : f32
    %ge3A_9 = vector.broadcast %ge3A : f32 to vector<1x2xf32>
    %ge3A_10 = arith.cmpf oge, %add3A, %ge3A_9 : vector<1x2xf32>
    %mul3A = vector.broadcast %jit3A : f32 to vector<1x2xf32>
    %mul3A_11 = arith.mulf %mul3A, %add3A : vector<1x2xf32>
    %select_n3A = arith.select %ge3A_10, %add3A, %mul3A_11 : vector<1x2xi1>, vector<1x2xf32>
    %reduce_max3A = arith.constant dense<0xFF800000> : vector<1xf32>
    %reduce_max3A_12 = vector.multi_reduction <maximumf>, %select_n3A, %reduce_max3A [1] : vector<1x2xf32> to vector<1xf32>
    %broadcast_in_dim3A = vector.shape_cast %reduce_max3A_12 : vector<1xf32> to vector<1x1xf32>
    %sub3A = vector.broadcast %broadcast_in_dim3A : vector<1x1xf32> to vector<1x2xf32>
    %sub3A_13 = arith.subf %select_n3A, %sub3A : vector<1x2xf32>
    %exp3A = math.exp %sub3A_13 : vector<1x2xf32>
    %reduce_sum3A = arith.constant dense<0.000000e+00> : vector<1xf32>
    %reduce_sum3A_14 = vector.multi_reduction <add>, %exp3A, %reduce_sum3A [1] : vector<1x2xf32> to vector<1xf32>
    %broadcast_in_dim3A_15 = vector.shape_cast %reduce_sum3A_14 : vector<1xf32> to vector<1x1xf32>
    %div3A = vector.broadcast %broadcast_in_dim3A_15 : vector<1x1xf32> to vector<1x2xf32>
    %div3A_16 = arith.divf %exp3A, %div3A : vector<1x2xf32>
    %swap3A = arith.constant 0 : index
    %swap3A_17 = arith.constant 0 : index
    %swap3A_18 = vector.load %arg3[%swap3A, %swap3A_17] : memref<1x2xf32, #tpu.memory_space<vmem>>, vector<1x2xf32>
    tpu.vector_store %arg3[%swap3A, %swap3A_17], %div3A_16 {strides = array<i32>} : memref<1x2xf32, #tpu.memory_space<vmem>>, vector<1x2xf32>,
    return
  }
}

</mosaic_0001>

<sc_bundles>
// kernel: kernel.33.cloned.1.call-start
scs
__scs_entry_jumppad:
0x0: {  	(pc) =	sbr.rel $0x88, $3  }
0x1: {  	(tag) =	ssettag $0x0;
	lr =	simm.s32 $0x1  }
0x2: {  	[smem:$0x3F85] =	sst lr;
	_ =	strace $0xD0000000  }
0x3: {  	_ = 	snop  }
0x4: {  	_ = 	snop  }
0x5: {  	_ = 	snop  }
0x6: {  	_ = 	snop  }
0x7: {  	_ = 	snop  }
__scs_overlays_trampoline_lowered:
0x8: {  	[smem:$0x3F94] =	sst s0  }
0x9: {  	[smem:$0x3F95] =	sst s1  }
0xa: {  	[smem:$0x3F96] =	sst s2  }
0xb: {  	[smem:$0x3F97] =	sst s3  }
0xc: {  	[smem:$0x3F98] =	sst s4  }
0xd: {  	[smem:$0x3F99] =	sst s5  }
0xe: {  	[smem:$0x3F9A] =	sst s6  }
0xf: {  	[smem:$0x3F9B] =	sst s7  }
0x10: {  	[smem:$0x3F9C] =	sst s8  }
0x11: {  	[smem:$0x3F9D] =	sst s9;
	s0 =	simm.s32 @!p0 $0x0  }
0x12: {  	s1 =	sld [smem:$0x3F83];
	s0 =	simm.s32 @p0 $0x1  }
0x13: {  	[smem:$0x3F9E] =	sst s0;
	s0 =	simm.s32 @!p1 $0x0  }
0x14: {  	s2 =	sld [smem:$0x3F82];
	s0 =	simm.s32 @p1 $0x1  }
0x15: {  	[smem:$0x3F9F] =	sst s0;
	s0 =	simm.s32 @!p2 $0x0  }
0x16: {  	s3 =	sld [smem:$0x3FDB];
	s0 =	simm.s32 @p2 $0x1  }
0x17: {  	s4 =	simm.s32 $0x1BF5;
	[smem:$0x3FA1] =	sst s0  }
0x18: {  	s0 =	sld [smem:$0x3F84];
	_ =	swait.ge [sflag:s4], $0x0  }
0x19: {  	s7 =	sld [smem:$0x3F85]  }
0x1a: {  	s8 =	sadd.s32 $0xFFFFE003, lr  }
0x1b: {  	s9 =	sadd.s32 $0xFFFFFEF7, lr;
	s5 =	simm.s32 $0xFFFFFFFF;
	p2 =	slt.u32 s8, $0xFFFFF086  }
0x1c: {  	p1 =	slt.u32 s9, $0xF7A;
	s5 =	simm.s32 @!p2 $0x0  }
0x1d: {  	s5 =	simm.s32 @p1 $0x1;
	p0 =	seq.s32 s7, s2  }
0x1e: {  	s7 =	smul.u32 @!p0 $0xF7A, s2;
	p2 =	seq.s32 @!p0 s5, $0x0  }
0x1f: {  	s9 =	smul.u32 $0xF7A, s1;
	s8 =	simm.s32 @!p0 $0x1BF5;
	p2 =	por !p2, p0  }
0x20: {  	[sflag:s8] =	ssyncset.s32 @!p0 $0xFFFFF086;
	s6 =	sadd.s32 @!p0 s3, s7;
	s7 =	simm.s32 @!p0 $0x108  }
0x21: {  	s3 =	sadd.s32 s3, s9;
	s6 =	sadd.s32 @!p0 $0x88, s6;
	s7 =	simm.s32 @p2 $0x1082  }
0x22: {  	[simem:s7], [sflag:s8] =	dma.local @!p0 [hbm:s6], $0xF7A  }
0x23: {  	s9 =	sor.u32 $0xD0000000, s2;
	s6 =	simm.s32 $0x108;
	_ =	swait.ge @!p0 [sflag:s8], $0x0  }
0x24: {  	s3 =	sadd.s32 $0x88, s3;
	s6 =	simm.s32 @!p1 $0x1082;
	[sflag:s4] =	ssyncset.s32 $0xFFFFF086  }
0x25: {  	[simem:s6], [sflag:s4] =	dma.local [hbm:s3], $0xF7A  }
0x26: {  	[smem:$0x3F85] =	sst s1;
	(tag) =	ssettag s2;
	_ =	strace s9  }
0x27: {  	s1 =	sld [smem:$0x3F95]  }
0x28: {  	s2 =	sld [smem:$0x3F96]  }
0x29: {  	s4 =	sld [smem:$0x3F98]  }
0x2a: {  	p0 =	seq.s32 s5, $0x0;
	s5 =	sld [smem:$0x3F99]  }
0x2b: {  	s6 =	sld [smem:$0x3F9A]  }
0x2c: {  	s7 =	sld [smem:$0x3F9B]  }
0x2d: {  	s3 =	simm.s32 $0x108;
	s8 =	sld [smem:$0x3F9C]  }
0x2e: {  	s3 =	simm.s32 @!p0 $0x1082;
	s9 =	sld [smem:$0x3F9D]  }
0x2f: {  	lr =	sadd.s32 s0, s3;
	s0 =	sld [smem:$0x3F94]  }
0x30: {  	s3 =	sld [smem:$0x3F97]  }
0x31: {  	[smem:$0x3FA0] =	sst s10  }
0x32: {  	s10 =	sld [smem:$0x3F9E];
	_ =	sdelay $0x3  }
0x33: {  	p0 =	seq.s32 s10, $0x1;
	s10 =	sld [smem:$0x3FA0];
	_ =	sdelay $0x3  }
0x34: {  	[smem:$0x3FA0] =	sst s10  }
0x35: {  	s10 =	sld [smem:$0x3F9F];
	_ =	sdelay $0x3  }
0x36: {  	p1 =	seq.s32 s10, $0x1;
	s10 =	sld [smem:$0x3FA0];
	_ =	sdelay $0x3  }
0x37: {  	[smem:$0x3FA0] =	sst s10  }
0x38: {  	s10 =	sld [smem:$0x3FA1]  }
0x39: {  	_ = 	snop;
	(pc) =	sbr.ind lr, $3  }
0x3a: {  	_ = 	snop  }
0x3b: {  	_ = 	snop  }
0x3c: {  	p2 =	seq.s32 s10, $0x1;
	s10 =	sld [smem:$0x3FA0]  }
0x3d: {  	_ =	shalt  }
0x3e: {  	_ =	shalt  }
0x3f: {  	_ =	shalt  }
0x40: {  	_ =	shalt  }
0x41: {  	_ =	shalt  }
0x42: {  	_ =	shalt  }
0x43: {  	_ =	shalt  }
0x44: {  	_ =	shalt  }
0x45: {  	_ =	shalt  }
0x46: {  	_ =	shalt  }
0x47: {  	_ =	shalt  }
0x48: {  	_ =	shalt  }
0x49: {  	_ =	shalt  }
0x4a: {  	_ =	shalt  }
0x4b: {  	_ =	shalt  }
0x4c: {  	_ =	shalt  }
0x4d: {  	_ =	shalt  }
0x4e: {  	_ =	shalt  }
0x4f: {  	_ =	shalt  }
0x50: {  	_ =	shalt  }
0x51: {  	_ =	shalt  }
0x52: {  	_ =	shalt  }
0x53: {  	_ =	shalt  }
0x54: {  	_ =	shalt  }
0x55: {  	_ =	shalt  }
0x56: {  	_ =	shalt  }
0x57: {  	_ =	shalt  }
0x58: {  	_ =	shalt  }
0x59: {  	_ =	shalt  }
0x5a: {  	_ =	shalt  }
0x5b: {  	_ =	shalt  }
0x5c: {  	_ =	shalt  }
0x5d: {  	_ =	shalt  }
0x5e: {  	_ =	shalt  }
0x5f: {  	_ =	shalt  }
0x60: {  	_ =	shalt  }
0x61: {  	_ =	shalt  }
0x62: {  	_ =	shalt  }
0x63: {  	_ =	shalt  }
0x64: {  	_ =	shalt  }
0x65: {  	_ =	shalt  }
0x66: {  	_ =	shalt  }
0x67: {  	_ =	shalt  }
0x68: {  	_ =	shalt  }
0x69: {  	_ =	shalt  }
0x6a: {  	_ =	shalt  }
0x6b: {  	_ =	shalt  }
0x6c: {  	_ =	shalt  }
0x6d: {  	_ =	shalt  }
0x6e: {  	_ =	shalt  }
0x6f: {  	_ =	shalt  }
0x70: {  	_ =	shalt  }
0x71: {  	_ =	shalt  }
0x72: {  	_ =	shalt  }
0x73: {  	_ =	shalt  }
0x74: {  	_ =	shalt  }
0x75: {  	_ =	shalt  }
0x76: {  	_ =	shalt  }
0x77: {  	_ =	shalt  }
0x78: {  	_ =	shalt  }
0x79: {  	_ =	shalt  }
0x7a: {  	_ =	shalt  }
0x7b: {  	_ =	shalt  }
0x7c: {  	_ =	shalt  }
0x7d: {  	_ =	shalt  }
0x7e: {  	_ =	shalt  }
0x7f: {  	_ =	shalt  }
0x80: {  	_ =	shalt  }
0x81: {  	_ =	shalt  }
0x82: {  	_ =	shalt  }
0x83: {  	_ =	shalt  }
0x84: {  	_ =	shalt  }
0x85: {  	_ =	shalt  }
0x86: {  	_ =	shalt  }
0x87: {  	_ =	shalt  }
.Lfunc_end0:
.L_simem_size_0:
called_computation_lowered:
.L_overlay_start_0:
0x88: {  	s2 =	sld [smem:$0x3FD9]  }
0x89: {  	s3 =	sld [smem:$0x3FFE];
	_ =	sdelay $0x1  }
0x8a: {  	s1 =	srdreg.scid  }
0x8b: {  	s0 =	sand.u32 $0x1, s1  }
0x8c: {  	s16 =	sshll.u32 s0, $0xA;
	s2 =	sadd.s32 s3, s2  }
0x8d: {  	s2 =	sadd.s32 s2, s16  }
0x8e: {  	[smem:$0x3FAC] =	sst s2  }
0x8f: {  	_ = 	snop  }
0x90: {  	(tm) =	ssettm $0x1  }
0x91: {  	s17 =	sld [smem:$0x3FFB];
	_ =	sdelay $0x3  }
0x92: {  	_ =	strace s17  }
0x93: {  	s2 =	sld [smem:$0x3FFC];
	_ =	sdelay $0x3  }
0x94: {  	_ =	strace s2  }
0x95: {  	s2 =	sld [smem:$0x3FFD];
	_ =	sdelay $0x3  }
0x96: {  	_ =	strace s2  }
0x97: {  	_ =	strace $0x8FFFFFFF  }
0x98: {  	s18 =	sld [smem:$0x3FDB];
	_ =	sdelay $0x1  }
0x99: {  	s19 =	simm.s32 $_scs_section_size  }
0x9a: {  	s4 =	simm.s32 $_size__tile_overlayer_lowered;
	s5 =	simm.s32 $_tile_overlayer_lowered  }
0x9b: {  	s22 =	simm.s32 $0x1BFF;
	s21 =	sshll.u32 s5, $0x1;
	s2 =	sadd.s32 s19, s18  }
0x9c: {  	s6 =	simm.s32 $0x0;
	s20 =	sshll.u32 s4, $0x1;
	s4 =	sadd.s32 s21, s2  }
0x9d: {  	[timem:s6], [sflag:s22] =	dma.local [hbm:s4], s20  }
0x9e: {  	_ =	swait.ge [sflag:s22], s20  }
0x9f: {  	s3 =	ssub.s32 $0x0, s20;
	[sflag:s22] =	ssyncset.done $0x0  }
0xa0: {  	[sflag:s22] =	ssyncadd.s32 s3;
	_ =	sdelay $0x1  }
0xa1: {  	s23 =	simm.s32 $0x1B8B  }
0xa2: {  	_ =	swait.ge [sflag:s23], $0x1  }
0xa3: {  	[sflag:s23] =	ssyncset.done $0x0  }
0xa4: {  	s25 =	simm.s32 $0x1B8E;
	s24 =	sld [smem:$0x3FFE];
	[sflag:s23] =	ssyncadd.s32 $0xFFFFFFFF  }
0xa5: {  	s26 =	simm.s32 $execute0_lowered;
	[smem:$0x3FD2] =	sst s25  }
0xa6: {  	s4 =	sshll.u32 s26, $0x1;
	_ =	strace $0x80000046;
	[dreg:$0x1] =	wrdreg $0xFFFFFFFF  }
0xa7: {  	s28 =	simm.s32 $_size_execute0_lowered;
	s2 =	sadd.s32 s2, s4;
	[dreg:$0x0] =	wrdreg $0x0  }
0xa8: {  	s4 =	sshll.u32 s28, $0x1;
	[dreg:$0x2] =	wrdreg s2  }
0xa9: {  	[dreg:$0x3] =	wrdreg s4  }
0xaa: {  	[dreg:$0x4] =	wrdreg $0xC0  }
0xab: {  	_ =	task [dreg:s6], $0x5FFFF  }
0xac: {  	[dreg:$0x1] =	wrdreg $0xFFFFFFFF  }
0xad: {  	[dreg:$0x0] =	wrdreg $0x60  }
0xae: {  	[dreg:$0x2] =	wrdreg s24  }
0xaf: {  	[dreg:$0x3] =	wrdreg $0x90000  }
0xb0: {  	[dreg:$0x4] =	wrdreg $0xA  }
0xb1: {  	_ =	task.clear_ibuf [dreg:s6], $0x5FFFF;
	_ =	strace $0x90000046  }
0xb2: {  	s29 =	simm.s32 $0xA;
	_ =	strace $0x80000048  }
0xb3: {  	_ =	swait.ge [sflag:s29], $0x1  }
0xb4: {  	[sflag:s29] =	ssyncadd.s32 $0xFFFFFFFF  }
0xb5: {  	_ =	strace $0x90000048  }
0xb6: {  	_ =	sfence  }
0xb7: {  	s30 =	sld [smem:$0x0];
	_ =	sdelay $0x2  }
0xb8: {  	s31 =	sshll.u32 s1, $0xD;
	s1 =	sshrl.u32 s1, $0x2  }
0xb9: {  	s3 =	sand.u32 $0x4000, s31;
	s1 =	sadd.s32 s1, s30  }
0xba: {  	s0 =	sor.u32 s3, s0;
	s1 =	sshll.u32 s1, $0x11  }
0xbb: {  	s0 =	sor.u32 s1, s0  }
0xbc: {  	s0 =	sadd.s32 $0x8F2B, s0  }
0xbd: {  	[sflag:s0] =	ssyncadd.remote.s32 $0x1  }
0xbe: {  	_ =	sfence.sel $0xFFFF  }
0xbf: {  	[dreg:$0x0] =	wrdreg $0xFFFFFFFF;
	(pc) =	sbr.abs _section_cstart, $3  }
0xc0: {  	[dreg:$0x1] =	wrdreg $0xFFFFFFFF  }
0xc1: {  	_ =	task.clear_ibuf [dreg:s6], $0x2FFFF;
	_ =	strace $0x9FFFFFFF  }
0xc2: {  	(tm) =	ssettm $0x7FFFFFFF  }
0xc3: {  	_ =	shalt  }
tec
execute0_lowered:
.L_overlay_start_1:
0x0: {  	(tag) =	ssettag $0x1  }
0x1: {  	s0 =	srdreg.scid;
	s6 =	rddreg [dreg:$0x0]  }
0x2: {  	s2 =	rddreg [dreg:$0x1];
	s3 =	simm.s32 $0x0;
	s14 =	simm.s32 $0x80  }
0x3: {  	s15 =	simm.s32 $0x5000;
	s5 =	sand.u32 $0x1, s0;
	s0 =	stileid.u32  }
0x4: {  	s16 =	simm.s32 $0x1;
	s17 =	simm.s32 $0x0;
	s8 =	smul.u32 $0x13C00, s0  }
0x5: {  	[smem:$0x7FF] =	sst s3;
	s1 =	sshll.u32 s5, $0x4;
	s9 =	smul.u32 $0x13C000, s5  }
0x6: {  	s5 =	ssub.s32 $0x2, s5;
	s31 =	smul.u32 $0x4F000, s0;
	s12 =	sshll.u32 s0, $0x6  }
0x7: {  	s4 =	sor.u32 s0, s1;
	s1 =	rddreg [dreg:$0x2];
	_ =	strace $0x80000047  }
0x8: {  	s11 =	sshrl.u32 s5, $0x1;
	s12 =	sor.u32 $0x1C02, s12;
	s7 =	smul.u32 $0x500, s4  }
0x9: {  	s4 =	sadd.s32 $0x23200, s6;
	s10 =	sshrl.u32 s8, $0x3;
	s8 =	sadd.s32 s8, s9  }
0xa: {  	s11 =	ssub.s32 s5, s11;
	s9 =	sshrl.u32 s31, $0x2;
	s10 =	sadd.s32 s10, s6  }
0xb: {  	s8 =	sshrl.u32 s8, $0x3;
	s13 =	sadd.s32 s9, s2;
	s9 =	smax.u32 s11, $0x1  }
0xc: {  	s11 =	simm.s32 $0x2800;
	s7 =	sadd.s32 s7, s6;
	s8 =	sadd.s32 s8, s6  }
0xd: {  	s13 =	sshrl.u32 s13, $0x3;
	s5 =	sadd.s32 $0xF200, s7;
	s6 =	sadd.s32 $0x19200, s7  }
0xe: {  	s7 =	sadd.s32 $0xE6800, s10;
	s8 =	sadd.s32 $0x10E000, s8;
	s10 =	simm.s32 $0x2  }
.LBB2_1:
0xf: {  	[tilespmem:s3], [sflag:$0x2] =	stream.linear.gather [hbm4b:s5+s3], $0x2780, $0x38;
	[tilespmem:$0x1CC00] =	vst v63  }
0x10: {  	_ =	swait.ge [sflag:s10], $0x2780  }
0x11: {  	[sflag:s10] =	ssyncset.done $0x0  }
0x12: {  	[sflag:s10] =	ssyncadd.s32 $0xFFFFD880  }
0x13: {  	[tilespmem:s11], [sflag:$0x2] =	stream.linear.gather [hbm4b:s6+s3], $0x2780, $0x38;
	[tilespmem:$0x1CC00] =	vst v63  }
0x14: {  	_ =	swait.ge [sflag:s10], $0x2780  }
0x15: {  	[sflag:s10] =	ssyncset.done $0x0  }
0x16: {  	[sflag:s10] =	ssyncadd.s32 $0xFFFFD880  }
0x17: {  	[spmem:s13], [sflag:s12] =	dma.local [hbm:s7], $0x2780  }
0x18: {  	_ =	swait.ge [sflag:s10], $0x2780  }
0x19: {  	[sflag:s10] =	ssyncset.done $0x0  }
0x1a: {  	[sflag:s10] =	ssyncadd.s32 $0xFFFFD880  }
0x1b: {  	s18 =	simm.s32 $0x0;
	[bflag:$0x0] =	sbarrier.arrive $0xFFFF  }
0x1c: {  	[tilespmem:s15], [sflag:$0x1] =	stream.indirect.gather [hbm4b:s4+s14], $0x80, s18, s14, $0xb8;
	[tilespmem:$0x1CC00] =	vst v63  }
0x1d: {  	_ =	swait.ge [sflag:s16], $0x4000  }
0x1e: {  	[sflag:s16] =	ssyncset.done $0x0  }
0x1f: {  	s31 =	simm.s32 $0x2800;
	[sflag:s16] =	ssyncadd.s32 $0xFFFFC000  }
0x20: {  	[spmem:s2] =	stream.indirect.scatter.add.f32 [tilespmem:s15], [sflag:$0x2], $0x80, s31, s14, $0xb8;
	[tilespmem:$0x1CC00] =	vst v63  }
0x21: {  	_ =	swait.ge [sflag:s10], $0x4000  }
0x22: {  	s19 =	simm.s32 $0x400;
	s18 =	simm.s32 $0x200;
	[sflag:s10] =	ssyncset.done $0x0  }
.LBB2_2:
0x23: {  	s20 =	sshra.s32 s18, $0x2  }
0x24: {  	[sflag:s10] =	ssyncadd.s32 $0xFFFFC000;
	s18 =	smov.u32 s19;
	s21 =	sadd.s32 $0x200, s19  }
0x25: {  	[tilespmem:s15], [sflag:$0x1] =	stream.indirect.gather [hbm4b:s4+s14], $0x80, s20, s14, $0xb8;
	[tilespmem:$0x1CC00] =	vst v63  }
0x26: {  	p0 =	sne.s32 s19, $0x9C00;
	_ =	swait.ge [sflag:s16], $0x4000  }
.Ltmp0:
0x27: {  	[sflag:s16] =	ssyncset.done $0x0;
	(pc) =	sbr.rel @p0 .LBB2_2-.Ltmp0, $4  }
0x28: {  	s19 =	sadd.s32 $0x2800, s20;
	[sflag:s16] =	ssyncadd.s32 $0xFFFFC000  }
0x29: {  	[spmem:s2] =	stream.indirect.scatter.add.f32 [tilespmem:s15], [sflag:$0x2], $0x80, s19, s14, $0xb8;
	[tilespmem:$0x1CC00] =	vst v63  }
0x2a: {  	_ =	swait.ge [sflag:s10], $0x4000  }
0x2b: {  	s19 =	smov.u32 s21;
	[sflag:s10] =	ssyncset.done $0x0  }
0x2c: {  	s18 =	sshra.s32 s18, $0x2;
	[sflag:s10] =	ssyncadd.s32 $0xFFFFC000  }
0x2d: {  	[tilespmem:s15], [sflag:$0x1] =	stream.indirect.gather [hbm4b:s4+s14], $0x80, s18, s14, $0xb8;
	[tilespmem:$0x1CC00] =	vst v63  }
0x2e: {  	_ =	swait.ge [sflag:s16], $0x4000  }
0x2f: {  	[sflag:s16] =	ssyncset.done $0x0  }
0x30: {  	s18 =	sadd.s32 $0x2800, s18;
	[sflag:s16] =	ssyncadd.s32 $0xFFFFC000  }
0x31: {  	[spmem:s2] =	stream.indirect.scatter.add.f32 [tilespmem:s15], [sflag:$0x2], $0x80, s18, s14, $0xb8;
	[tilespmem:$0x1CC00] =	vst v63  }
0x32: {  	_ =	swait.ge [sflag:s10], $0x4000  }
0x33: {  	s17 =	sadd.s32 $0x1, s17;
	[sflag:s10] =	ssyncset.done $0x0  }
0x34: {  	p0 =	sne.s32 s17, s9;
	[sflag:s10] =	ssyncadd.s32 $0xFFFFC000  }
.Ltmp1:
0x35: {  	[bflag:$0x0] =	sbarrier.arrive $0xFFFF;
	(pc) =	sbr.rel @p0 .LBB2_1-.Ltmp1, $4  }
0x36: {  	[hbm:s8], [sflag:s12] =	dma.local [spmem:s13], $0x2780  }
0x37: {  	_ =	swait.ge [sflag:s10], $0x2780  }
0x38: {  	[sflag:s10] =	ssyncset.done $0x0  }
0x39: {  	[sflag:s10] =	ssyncadd.s32 $0xFFFFD880  }
0x3a: {  	_ =	sfence.sel $0x180000  }
0x3b: {  	[bflag:$0x0] =	sbarrier.arrive $0xFFFF  }
0x3c: {  	p0 =	sne.s32 s0, $0x0;
	_ =	strace $0x90000047  }
0x3d: {  	s0 =	sadd.s32 @!p0 $0x100000, s1;
	[bflag:$0x2] =	sbarrier.arrive $0xFFFF  }
0x3e: {  	[sflag:s0] =	ssyncadd.tile.s32 @!p0 $0x1;
	_ =	shalt  }
.Lfunc_end2:
_tile_overlayer_lowered:
.L_overlay_start_2:
0x3f: {  	(tag) =	ssettag $0x2  }
0x40: {  	s0 =	rddreg [dreg:$0x0];
	s2 =	stileid.u32  }
0x41: {  	s1 =	rddreg [dreg:$0x1];
	p0 =	sne.s32 s2, $0x0  }
0x42: {  	s3 =	rddreg [dreg:$0x2];
	[bflag:$0x3] =	sbarrier.arrive $0xFFFF;
	s2 =	simm.s32 @!p0 $0x1C02  }
0x43: {  	[timem:s3], [sflag:s2] =	dma.local @!p0 [hbm:s0], s1  }
0x44: {  	s0 =	simm.s32 @!p0 $0x2  }
0x45: {  	_ =	swait.ge @!p0 [sflag:s0], s1  }
0x46: {  	s1 =	ssub.s32 @!p0 $0x0, s1;
	[sflag:s0] =	ssyncset.done @!p0 $0x0  }
0x47: {  	[sflag:s0] =	ssyncadd.s32 @!p0 s1  }
0x48: {  	[bflag:$0x3] =	sbarrier.arrive $0xFFFF  }
0x49: {  	_ =	shalt  }

// kernel: kernel.36.cloned.1.call-start
scs
__scs_entry_jumppad:
0x0: {  	(pc) =	sbr.rel $0x88, $3  }
0x1: {  	(tag) =	ssettag $0x0;
	lr =	simm.s32 $0x1  }
0x2: {  	[smem:$0x3F85] =	sst lr;
	_ =	strace $0xD0000000  }
0x3: {  	_ = 	snop  }
0x4: {  	_ = 	snop  }
0x5: {  	_ = 	snop  }
0x6: {  	_ = 	snop  }
0x7: {  	_ = 	snop  }
__scs_overlays_trampoline_lowered:
0x8: {  	[smem:$0x3F94] =	sst s0  }
0x9: {  	[smem:$0x3F95] =	sst s1  }
0xa: {  	[smem:$0x3F96] =	sst s2  }
0xb: {  	[smem:$0x3F97] =	sst s3  }
0xc: {  	[smem:$0x3F98] =	sst s4  }
0xd: {  	[smem:$0x3F99] =	sst s5  }
0xe: {  	[smem:$0x3F9A] =	sst s6  }
0xf: {  	[smem:$0x3F9B] =	sst s7  }
0x10: {  	[smem:$0x3F9C] =	sst s8  }
0x11: {  	[smem:$0x3F9D] =	sst s9;
	s0 =	simm.s32 @!p0 $0x0  }
0x12: {  	s1 =	sld [smem:$0x3F83];
	s0 =	simm.s32 @p0 $0x1  }
0x13: {  	[smem:$0x3F9E] =	sst s0;
	s0 =	simm.s32 @!p1 $0x0  }
0x14: {  	s2 =	sld [smem:$0x3F82];
	s0 =	simm.s32 @p1 $0x1  }
0x15: {  	[smem:$0x3F9F] =	sst s0;
	s0 =	simm.s32 @!p2 $0x0  }
0x16: {  	s3 =	sld [smem:$0x3FDB];
	s0 =	simm.s32 @p2 $0x1  }
0x17: {  	s4 =	simm.s32 $0x1BF5;
	[smem:$0x3FA1] =	sst s0  }
0x18: {  	s0 =	sld [smem:$0x3F84];
	_ =	swait.ge [sflag:s4], $0x0  }
0x19: {  	s7 =	sld [smem:$0x3F85]  }
0x1a: {  	s8 =	sadd.s32 $0xFFFFE003, lr  }
0x1b: {  	s9 =	sadd.s32 $0xFFFFFEF7, lr;
	s5 =	simm.s32 $0xFFFFFFFF;
	p2 =	slt.u32 s8, $0xFFFFF086  }
0x1c: {  	p1 =	slt.u32 s9, $0xF7A;
	s5 =	simm.s32 @!p2 $0x0  }
0x1d: {  	s5 =	simm.s32 @p1 $0x1;
	p0 =	seq.s32 s7, s2  }
0x1e: {  	s7 =	smul.u32 @!p0 $0xF7A, s2;
	p2 =	seq.s32 @!p0 s5, $0x0  }
0x1f: {  	s9 =	smul.u32 $0xF7A, s1;
	s8 =	simm.s32 @!p0 $0x1BF5;
	p2 =	por !p2, p0  }
0x20: {  	[sflag:s8] =	ssyncset.s32 @!p0 $0xFFFFF086;
	s6 =	sadd.s32 @!p0 s3, s7;
	s7 =	simm.s32 @!p0 $0x108  }
0x21: {  	s3 =	sadd.s32 s3, s9;
	s6 =	sadd.s32 @!p0 $0x88, s6;
	s7 =	simm.s32 @p2 $0x1082  }
0x22: {  	[simem:s7], [sflag:s8] =	dma.local @!p0 [hbm:s6], $0xF7A  }
0x23: {  	s9 =	sor.u32 $0xD0000000, s2;
	s6 =	simm.s32 $0x108;
	_ =	swait.ge @!p0 [sflag:s8], $0x0  }
0x24: {  	s3 =	sadd.s32 $0x88, s3;
	s6 =	simm.s32 @!p1 $0x1082;
	[sflag:s4] =	ssyncset.s32 $0xFFFFF086  }
0x25: {  	[simem:s6], [sflag:s4] =	dma.local [hbm:s3], $0xF7A  }
0x26: {  	[smem:$0x3F85] =	sst s1;
	(tag) =	ssettag s2;
	_ =	strace s9  }
0x27: {  	s1 =	sld [smem:$0x3F95]  }
0x28: {  	s2 =	sld [smem:$0x3F96]  }
0x29: {  	s4 =	sld [smem:$0x3F98]  }
0x2a: {  	p0 =	seq.s32 s5, $0x0;
	s5 =	sld [smem:$0x3F99]  }
0x2b: {  	s6 =	sld [smem:$0x3F9A]  }
0x2c: {  	s7 =	sld [smem:$0x3F9B]  }
0x2d: {  	s3 =	simm.s32 $0x108;
	s8 =	sld [smem:$0x3F9C]  }
0x2e: {  	s3 =	simm.s32 @!p0 $0x1082;
	s9 =	sld [smem:$0x3F9D]  }
0x2f: {  	lr =	sadd.s32 s0, s3;
	s0 =	sld [smem:$0x3F94]  }
0x30: {  	s3 =	sld [smem:$0x3F97]  }
0x31: {  	[smem:$0x3FA0] =	sst s10  }
0x32: {  	s10 =	sld [smem:$0x3F9E];
	_ =	sdelay $0x3  }
0x33: {  	p0 =	seq.s32 s10, $0x1;
	s10 =	sld [smem:$0x3FA0];
	_ =	sdelay $0x3  }
0x34: {  	[smem:$0x3FA0] =	sst s10  }
0x35: {  	s10 =	sld [smem:$0x3F9F];
	_ =	sdelay $0x3  }
0x36: {  	p1 =	seq.s32 s10, $0x1;
	s10 =	sld [smem:$0x3FA0];
	_ =	sdelay $0x3  }
0x37: {  	[smem:$0x3FA0] =	sst s10  }
0x38: {  	s10 =	sld [smem:$0x3FA1]  }
0x39: {  	_ = 	snop;
	(pc) =	sbr.ind lr, $3  }
0x3a: {  	_ = 	snop  }
0x3b: {  	_ = 	snop  }
0x3c: {  	p2 =	seq.s32 s10, $0x1;
	s10 =	sld [smem:$0x3FA0]  }
0x3d: {  	_ =	shalt  }
0x3e: {  	_ =	shalt  }
0x3f: {  	_ =	shalt  }
0x40: {  	_ =	shalt  }
0x41: {  	_ =	shalt  }
0x42: {  	_ =	shalt  }
0x43: {  	_ =	shalt  }
0x44: {  	_ =	shalt  }
0x45: {  	_ =	shalt  }
0x46: {  	_ =	shalt  }
0x47: {  	_ =	shalt  }
0x48: {  	_ =	shalt  }
0x49: {  	_ =	shalt  }
0x4a: {  	_ =	shalt  }
0x4b: {  	_ =	shalt  }
0x4c: {  	_ =	shalt  }
0x4d: {  	_ =	shalt  }
0x4e: {  	_ =	shalt  }
0x4f: {  	_ =	shalt  }
0x50: {  	_ =	shalt  }
0x51: {  	_ =	shalt  }
0x52: {  	_ =	shalt  }
0x53: {  	_ =	shalt  }
0x54: {  	_ =	shalt  }
0x55: {  	_ =	shalt  }
0x56: {  	_ =	shalt  }
0x57: {  	_ =	shalt  }
0x58: {  	_ =	shalt  }
0x59: {  	_ =	shalt  }
0x5a: {  	_ =	shalt  }
0x5b: {  	_ =	shalt  }
0x5c: {  	_ =	shalt  }
0x5d: {  	_ =	shalt  }
0x5e: {  	_ =	shalt  }
0x5f: {  	_ =	shalt  }
0x60: {  	_ =	shalt  }
0x61: {  	_ =	shalt  }
0x62: {  	_ =	shalt  }
0x63: {  	_ =	shalt  }
0x64: {  	_ =	shalt  }
0x65: {  	_ =	shalt  }
0x66: {  	_ =	shalt  }
0x67: {  	_ =	shalt  }
0x68: {  	_ =	shalt  }
0x69: {  	_ =	shalt  }
0x6a: {  	_ =	shalt  }
0x6b: {  	_ =	shalt  }
0x6c: {  	_ =	shalt  }
0x6d: {  	_ =	shalt  }
0x6e: {  	_ =	shalt  }
0x6f: {  	_ =	shalt  }
0x70: {  	_ =	shalt  }
0x71: {  	_ =	shalt  }
0x72: {  	_ =	shalt  }
0x73: {  	_ =	shalt  }
0x74: {  	_ =	shalt  }
0x75: {  	_ =	shalt  }
0x76: {  	_ =	shalt  }
0x77: {  	_ =	shalt  }
0x78: {  	_ =	shalt  }
0x79: {  	_ =	shalt  }
0x7a: {  	_ =	shalt  }
0x7b: {  	_ =	shalt  }
0x7c: {  	_ =	shalt  }
0x7d: {  	_ =	shalt  }
0x7e: {  	_ =	shalt  }
0x7f: {  	_ =	shalt  }
0x80: {  	_ =	shalt  }
0x81: {  	_ =	shalt  }
0x82: {  	_ =	shalt  }
0x83: {  	_ =	shalt  }
0x84: {  	_ =	shalt  }
0x85: {  	_ =	shalt  }
0x86: {  	_ =	shalt  }
0x87: {  	_ =	shalt  }
.Lfunc_end0:
.L_simem_size_0:
called_computation.1_lowered:
.L_overlay_start_0:
0x88: {  	s2 =	sld [smem:$0x3FD9]  }
0x89: {  	s3 =	sld [smem:$0x3FFE];
	_ =	sdelay $0x1  }
0x8a: {  	s1 =	srdreg.scid  }
0x8b: {  	s0 =	sand.u32 $0x1, s1  }
0x8c: {  	s17 =	sshll.u32 s0, $0xA;
	s2 =	sadd.s32 s3, s2  }
0x8d: {  	s2 =	sadd.s32 s2, s17  }
0x8e: {  	[smem:$0x3FAC] =	sst s2  }
0x8f: {  	_ = 	snop  }
0x90: {  	(tm) =	ssettm $0x1  }
0x91: {  	s18 =	sld [smem:$0x3FFB];
	_ =	sdelay $0x3  }
0x92: {  	_ =	strace s18  }
0x93: {  	s2 =	sld [smem:$0x3FFC];
	_ =	sdelay $0x3  }
0x94: {  	_ =	strace s2  }
0x95: {  	s2 =	sld [smem:$0x3FFD];
	_ =	sdelay $0x3  }
0x96: {  	_ =	strace s2  }
0x97: {  	_ =	strace $0x8FFFFFFF  }
0x98: {  	s19 =	sld [smem:$0x3FDB];
	_ =	sdelay $0x1  }
0x99: {  	s20 =	simm.s32 $_scs_section_size  }
0x9a: {  	s4 =	simm.s32 $_size__tile_overlayer_lowered;
	s5 =	simm.s32 $_tile_overlayer_lowered  }
0x9b: {  	s6 =	simm.s32 $0x1BFF;
	s21 =	sshll.u32 s5, $0x1;
	s3 =	sadd.s32 s20, s19  }
0x9c: {  	s22 =	simm.s32 $0x0;
	s4 =	sshll.u32 s4, $0x1;
	s5 =	sadd.s32 s21, s3  }
0x9d: {  	[timem:s22], [sflag:s6] =	dma.local [hbm:s5], s4  }
0x9e: {  	_ =	swait.ge [sflag:s6], s4  }
0x9f: {  	s4 =	ssub.s32 $0x0, s4;
	[sflag:s6] =	ssyncset.done $0x0  }
0xa0: {  	[sflag:s6] =	ssyncadd.s32 s4;
	_ =	sdelay $0x1  }
0xa1: {  	s23 =	simm.s32 $0x1B8B  }
0xa2: {  	_ =	swait.ge [sflag:s23], $0x1  }
0xa3: {  	[sflag:s23] =	ssyncset.done $0x0  }
0xa4: {  	[sflag:s23] =	ssyncadd.s32 $0xFFFFFFFF  }
0xa5: {  	s4 =	sld [smem:$0x0]  }
0xa6: {  	s5 =	sand.u32 $0xFFFFFFFE, s1  }
0xa7: {  	p0 =	sne.s32 s1, s5  }
0xa8: {  	s5 =	sshll.u32 @p0 s5, $0xE  }
0xa9: {  	s5 =	sadd.s32 @p0 $0x11B8D, s5;
	s6 =	sshll.u32 @p0 s4, $0x11  }
0xaa: {  	s5 =	sor.u32 @p0 s6, s5  }
0xab: {  	[sflag:s5] =	ssyncadd.remote.s32 @p0 $0x1;
	_ =	sdelay $0x1  }
0xac: {  	s5 =	simm.s32 @p0 $0x1B8D  }
0xad: {  	_ =	swait.eq @p0 [sflag:s5], $0x1  }
0xae: {  	[sflag:s5] =	ssyncadd.s32 @p0 $0xFFFFFFFF  }
0xaf: {  	s6 =	sshll.u32 @!p0 s1, $0xE  }
0xb0: {  	s6 =	sor.u32 @!p0 $0x4000, s6;
	s5 =	simm.s32 @!p0 $0x1B8D  }
0xb1: {  	s4 =	sshll.u32 @!p0 s4, $0x11;
	s6 =	sadd.s32 @!p0 $0x11B8D, s6;
	_ =	swait.eq @!p0 [sflag:s5], $0x1  }
0xb2: {  	s4 =	sor.u32 @!p0 s4, s6;
	[sflag:s5] =	ssyncadd.s32 @!p0 $0xFFFFFFFF  }
0xb3: {  	s25 =	simm.s32 $0x1B8E;
	s24 =	sld [smem:$0x3FFE];
	[sflag:s4] =	ssyncadd.remote.s32 @!p0 $0x1  }
0xb4: {  	s26 =	simm.s32 $execute0_lowered;
	[smem:$0x3FD2] =	sst s25  }
0xb5: {  	s5 =	sshll.u32 s26, $0x1;
	_ =	strace $0x80000049;
	[dreg:$0x1] =	wrdreg $0xFFFFFFFF  }
0xb6: {  	s28 =	simm.s32 $_size_execute0_lowered;
	s3 =	sadd.s32 s3, s5;
	[dreg:$0x0] =	wrdreg $0x0  }
0xb7: {  	s5 =	sshll.u32 s28, $0x1;
	[dreg:$0x2] =	wrdreg s3  }
0xb8: {  	[dreg:$0x3] =	wrdreg s5  }
0xb9: {  	[dreg:$0x4] =	wrdreg $0xC0  }
0xba: {  	_ =	task [dreg:s22], $0x5FFFF  }
0xbb: {  	[dreg:$0x1] =	wrdreg $0xFFFFFFFF  }
0xbc: {  	[dreg:$0x0] =	wrdreg $0x60  }
0xbd: {  	[dreg:$0x2] =	wrdreg s24  }
0xbe: {  	[dreg:$0x3] =	wrdreg $0x90000  }
0xbf: {  	[dreg:$0x4] =	wrdreg $0x9  }
0xc0: {  	_ =	task.clear_ibuf [dreg:s22], $0x5FFFF;
	_ =	strace $0x90000049  }
0xc1: {  	s29 =	simm.s32 $0x9;
	_ =	strace $0x8000004B  }
0xc2: {  	_ =	swait.ge [sflag:s29], $0x1  }
0xc3: {  	[sflag:s29] =	ssyncadd.s32 $0xFFFFFFFF  }
0xc4: {  	_ =	strace $0x9000004B  }
0xc5: {  	_ =	sfence  }
0xc6: {  	s30 =	sld [smem:$0x0];
	_ =	sdelay $0x2  }
0xc7: {  	s31 =	sshll.u32 s1, $0xD;
	s1 =	sshrl.u32 s1, $0x2  }
0xc8: {  	s4 =	sand.u32 $0x4000, s31;
	s1 =	sadd.s32 s1, s30  }
0xc9: {  	s0 =	sor.u32 s4, s0;
	s1 =	sshll.u32 s1, $0x11  }
0xca: {  	s0 =	sor.u32 s1, s0  }
0xcb: {  	s0 =	sadd.s32 $0x8F2B, s0  }
0xcc: {  	[sflag:s0] =	ssyncadd.remote.s32 $0x1  }
0xcd: {  	_ =	sfence.sel $0xFFFF  }
0xce: {  	[dreg:$0x0] =	wrdreg $0xFFFFFFFF;
	(pc) =	sbr.abs _section_cstart, $3  }
0xcf: {  	[dreg:$0x1] =	wrdreg $0xFFFFFFFF  }
0xd0: {  	_ =	task.clear_ibuf [dreg:s22], $0x2FFFF;
	_ =	strace $0x9FFFFFFF  }
0xd1: {  	(tm) =	ssettm $0x7FFFFFFF  }
tec
execute0_lowered:
.L_overlay_start_1:
0x0: {  	(tag) =	ssettag $0x1  }
0x1: {  	s0 =	srdreg.scid;
	s6 =	rddreg [dreg:$0x0]  }
0x2: {  	s2 =	rddreg [dreg:$0x1];
	s3 =	simm.s32 $0x0;
	s14 =	simm.s32 $0x80  }
0x3: {  	s15 =	simm.s32 $0x5000;
	s5 =	sand.u32 $0x1, s0;
	s0 =	stileid.u32  }
0x4: {  	s16 =	simm.s32 $0x1;
	s17 =	simm.s32 $0x0;
	s8 =	smul.u32 $0x13C00, s0  }
0x5: {  	[smem:$0x7FF] =	sst s3;
	s1 =	sshll.u32 s5, $0x4;
	s9 =	smul.u32 $0x13C000, s5  }
0x6: {  	s5 =	ssub.s32 $0x2, s5;
	s31 =	smul.u32 $0x4F000, s0;
	s12 =	sshll.u32 s0, $0x6  }
0x7: {  	s4 =	sor.u32 s0, s1;
	s1 =	rddreg [dreg:$0x2];
	_ =	strace $0x8000004A  }
0x8: {  	s11 =	sshrl.u32 s5, $0x1;
	s12 =	sor.u32 $0x1C02, s12;
	s7 =	smul.u32 $0x500, s4  }
0x9: {  	s4 =	sadd.s32 $0x171000, s6;
	s10 =	sshrl.u32 s8, $0x3;
	s8 =	sadd.s32 s8, s9  }
0xa: {  	s11 =	ssub.s32 s5, s11;
	s9 =	sshrl.u32 s31, $0x2;
	s10 =	sadd.s32 s10, s6  }
0xb: {  	s8 =	sshrl.u32 s8, $0x3;
	s13 =	sadd.s32 s9, s2;
	s9 =	smax.u32 s11, $0x1  }
0xc: {  	s11 =	simm.s32 $0x2800;
	s7 =	sadd.s32 s7, s6;
	s8 =	sadd.s32 s8, s6  }
0xd: {  	s13 =	sshrl.u32 s13, $0x3;
	s5 =	sadd.s32 $0x15D000, s7;
	s6 =	sadd.s32 $0x167000, s7  }
0xe: {  	s7 =	sadd.s32 $0xE6800, s10;
	s8 =	sadd.s32 $0x234600, s8;
	s10 =	simm.s32 $0x2  }
.LBB2_1:
0xf: {  	[tilespmem:s3], [sflag:$0x2] =	stream.linear.gather [hbm4b:s5+s3], $0x2780, $0x38;
	[tilespmem:$0x1CC00] =	vst v63  }
0x10: {  	_ =	swait.ge [sflag:s10], $0x2780  }
0x11: {  	[sflag:s10] =	ssyncset.done $0x0  }
0x12: {  	[sflag:s10] =	ssyncadd.s32 $0xFFFFD880  }
0x13: {  	[tilespmem:s11], [sflag:$0x2] =	stream.linear.gather [hbm4b:s6+s3], $0x2780, $0x38;
	[tilespmem:$0x1CC00] =	vst v63  }
0x14: {  	_ =	swait.ge [sflag:s10], $0x2780  }
0x15: {  	[sflag:s10] =	ssyncset.done $0x0  }
0x16: {  	[sflag:s10] =	ssyncadd.s32 $0xFFFFD880  }
0x17: {  	[spmem:s13], [sflag:s12] =	dma.local [hbm:s7], $0x2780  }
0x18: {  	_ =	swait.ge [sflag:s10], $0x2780  }
0x19: {  	[sflag:s10] =	ssyncset.done $0x0  }
0x1a: {  	[sflag:s10] =	ssyncadd.s32 $0xFFFFD880  }
0x1b: {  	s18 =	simm.s32 $0x0;
	[bflag:$0x0] =	sbarrier.arrive $0xFFFF  }
0x1c: {  	[tilespmem:s15], [sflag:$0x1] =	stream.indirect.gather [hbm4b:s4+s14], $0x80, s18, s14, $0xb8;
	[tilespmem:$0x1CC00] =	vst v63  }
0x1d: {  	_ =	swait.ge [sflag:s16], $0x4000  }
0x1e: {  	[sflag:s16] =	ssyncset.done $0x0  }
0x1f: {  	s31 =	simm.s32 $0x2800;
	[sflag:s16] =	ssyncadd.s32 $0xFFFFC000  }
0x20: {  	[spmem:s2] =	stream.indirect.scatter.add.f32 [tilespmem:s15], [sflag:$0x2], $0x80, s31, s14, $0xb8;
	[tilespmem:$0x1CC00] =	vst v63  }
0x21: {  	_ =	swait.ge [sflag:s10], $0x4000  }
0x22: {  	s19 =	simm.s32 $0x400;
	s18 =	simm.s32 $0x200;
	[sflag:s10] =	ssyncset.done $0x0  }
.LBB2_2:
0x23: {  	s20 =	sshra.s32 s18, $0x2  }
0x24: {  	[sflag:s10] =	ssyncadd.s32 $0xFFFFC000;
	s18 =	smov.u32 s19;
	s21 =	sadd.s32 $0x200, s19  }
0x25: {  	[tilespmem:s15], [sflag:$0x1] =	stream.indirect.gather [hbm4b:s4+s14], $0x80, s20, s14, $0xb8;
	[tilespmem:$0x1CC00] =	vst v63  }
0x26: {  	p0 =	sne.s32 s19, $0x9C00;
	_ =	swait.ge [sflag:s16], $0x4000  }
.Ltmp0:
0x27: {  	[sflag:s16] =	ssyncset.done $0x0;
	(pc) =	sbr.rel @p0 .LBB2_2-.Ltmp0, $4  }
0x28: {  	s19 =	sadd.s32 $0x2800, s20;
	[sflag:s16] =	ssyncadd.s32 $0xFFFFC000  }
0x29: {  	[spmem:s2] =	stream.indirect.scatter.add.f32 [tilespmem:s15], [sflag:$0x2], $0x80, s19, s14, $0xb8;
	[tilespmem:$0x1CC00] =	vst v63  }
0x2a: {  	_ =	swait.ge [sflag:s10], $0x4000  }
0x2b: {  	s19 =	smov.u32 s21;
	[sflag:s10] =	ssyncset.done $0x0  }
0x2c: {  	s18 =	sshra.s32 s18, $0x2;
	[sflag:s10] =	ssyncadd.s32 $0xFFFFC000  }
0x2d: {  	[tilespmem:s15], [sflag:$0x1] =	stream.indirect.gather [hbm4b:s4+s14], $0x80, s18, s14, $0xb8;
	[tilespmem:$0x1CC00] =	vst v63  }
0x2e: {  	_ =	swait.ge [sflag:s16], $0x4000  }
0x2f: {  	[sflag:s16] =	ssyncset.done $0x0  }
0x30: {  	s18 =	sadd.s32 $0x2800, s18;
	[sflag:s16] =	ssyncadd.s32 $0xFFFFC000  }
0x31: {  	[spmem:s2] =	stream.indirect.scatter.add.f32 [tilespmem:s15], [sflag:$0x2], $0x80, s18, s14, $0xb8;
	[tilespmem:$0x1CC00] =	vst v63  }
0x32: {  	_ =	swait.ge [sflag:s10], $0x4000  }
0x33: {  	s17 =	sadd.s32 $0x1, s17;
	[sflag:s10] =	ssyncset.done $0x0  }
0x34: {  	p0 =	sne.s32 s17, s9;
	[sflag:s10] =	ssyncadd.s32 $0xFFFFC000  }
.Ltmp1:
0x35: {  	[bflag:$0x0] =	sbarrier.arrive $0xFFFF;
	(pc) =	sbr.rel @p0 .LBB2_1-.Ltmp1, $4  }
0x36: {  	[hbm:s8], [sflag:s12] =	dma.local [spmem:s13], $0x2780  }
0x37: {  	_ =	swait.ge [sflag:s10], $0x2780  }
0x38: {  	[sflag:s10] =	ssyncset.done $0x0  }
0x39: {  	[sflag:s10] =	ssyncadd.s32 $0xFFFFD880  }
0x3a: {  	_ =	sfence.sel $0x180000  }
0x3b: {  	[bflag:$0x0] =	sbarrier.arrive $0xFFFF  }
0x3c: {  	p0 =	sne.s32 s0, $0x0;
	_ =	strace $0x9000004A  }
0x3d: {  	s0 =	sadd.s32 @!p0 $0x100000, s1;
	[bflag:$0x2] =	sbarrier.arrive $0xFFFF  }
0x3e: {  	[sflag:s0] =	ssyncadd.tile.s32 @!p0 $0x1;
	_ =	shalt  }
.Lfunc_end2:
_tile_overlayer_lowered:
.L_overlay_start_2:
0x3f: {  	(tag) =	ssettag $0x2  }
0x40: {  	s0 =	rddreg [dreg:$0x0];
	s2 =	stileid.u32  }
0x41: {  	s1 =	rddreg [dreg:$0x1];
	p0 =	sne.s32 s2, $0x0  }
0x42: {  	s3 =	rddreg [dreg:$0x2];
	[bflag:$0x3] =	sbarrier.arrive $0xFFFF;
	s2 =	simm.s32 @!p0 $0x1C02  }
0x43: {  	[timem:s3], [sflag:s2] =	dma.local @!p0 [hbm:s0], s1  }
0x44: {  	s0 =	simm.s32 @!p0 $0x2  }
0x45: {  	_ =	swait.ge @!p0 [sflag:s0], s1  }
0x46: {  	s1 =	ssub.s32 @!p0 $0x0, s1;
	[sflag:s0] =	ssyncset.done @!p0 $0x0  }
0x47: {  	[sflag:s0] =	ssyncadd.s32 @!p0 s1  }
0x48: {  	[bflag:$0x3] =	sbarrier.arrive $0xFFFF  }
0x49: {  	_ =	shalt  }

// kernel: kernel.39.cloned.1.call-start
scs
__scs_entry_jumppad:
0x0: {  	(pc) =	sbr.rel $0x88, $3  }
0x1: {  	(tag) =	ssettag $0x0;
	lr =	simm.s32 $0x1  }
0x2: {  	[smem:$0x3F85] =	sst lr;
	_ =	strace $0xD0000000  }
0x3: {  	_ = 	snop  }
0x4: {  	_ = 	snop  }
0x5: {  	_ = 	snop  }
0x6: {  	_ = 	snop  }
0x7: {  	_ = 	snop  }
__scs_overlays_trampoline_lowered:
0x8: {  	[smem:$0x3F94] =	sst s0  }
0x9: {  	[smem:$0x3F95] =	sst s1  }
0xa: {  	[smem:$0x3F96] =	sst s2  }
0xb: {  	[smem:$0x3F97] =	sst s3  }
0xc: {  	[smem:$0x3F98] =	sst s4  }
0xd: {  	[smem:$0x3F99] =	sst s5  }
0xe: {  	[smem:$0x3F9A] =	sst s6  }
0xf: {  	[smem:$0x3F9B] =	sst s7  }
0x10: {  	[smem:$0x3F9C] =	sst s8  }
0x11: {  	[smem:$0x3F9D] =	sst s9;
	s0 =	simm.s32 @!p0 $0x0  }
0x12: {  	s1 =	sld [smem:$0x3F83];
	s0 =	simm.s32 @p0 $0x1  }
0x13: {  	[smem:$0x3F9E] =	sst s0;
	s0 =	simm.s32 @!p1 $0x0  }
0x14: {  	s2 =	sld [smem:$0x3F82];
	s0 =	simm.s32 @p1 $0x1  }
0x15: {  	[smem:$0x3F9F] =	sst s0;
	s0 =	simm.s32 @!p2 $0x0  }
0x16: {  	s3 =	sld [smem:$0x3FDB];
	s0 =	simm.s32 @p2 $0x1  }
0x17: {  	s4 =	simm.s32 $0x1BF5;
	[smem:$0x3FA1] =	sst s0  }
0x18: {  	s0 =	sld [smem:$0x3F84];
	_ =	swait.ge [sflag:s4], $0x0  }
0x19: {  	s7 =	sld [smem:$0x3F85]  }
0x1a: {  	s8 =	sadd.s32 $0xFFFFE003, lr  }
0x1b: {  	s9 =	sadd.s32 $0xFFFFFEF7, lr;
	s5 =	simm.s32 $0xFFFFFFFF;
	p2 =	slt.u32 s8, $0xFFFFF086  }
0x1c: {  	p1 =	slt.u32 s9, $0xF7A;
	s5 =	simm.s32 @!p2 $0x0  }
0x1d: {  	s5 =	simm.s32 @p1 $0x1;
	p0 =	seq.s32 s7, s2  }
0x1e: {  	s7 =	smul.u32 @!p0 $0xF7A, s2;
	p2 =	seq.s32 @!p0 s5, $0x0  }
0x1f: {  	s9 =	smul.u32 $0xF7A, s1;
	s8 =	simm.s32 @!p0 $0x1BF5;
	p2 =	por !p2, p0  }
0x20: {  	[sflag:s8] =	ssyncset.s32 @!p0 $0xFFFFF086;
	s6 =	sadd.s32 @!p0 s3, s7;
	s7 =	simm.s32 @!p0 $0x108  }
0x21: {  	s3 =	sadd.s32 s3, s9;
	s6 =	sadd.s32 @!p0 $0x88, s6;
	s7 =	simm.s32 @p2 $0x1082  }
0x22: {  	[simem:s7], [sflag:s8] =	dma.local @!p0 [hbm:s6], $0xF7A  }
0x23: {  	s9 =	sor.u32 $0xD0000000, s2;
	s6 =	simm.s32 $0x108;
	_ =	swait.ge @!p0 [sflag:s8], $0x0  }
0x24: {  	s3 =	sadd.s32 $0x88, s3;
	s6 =	simm.s32 @!p1 $0x1082;
	[sflag:s4] =	ssyncset.s32 $0xFFFFF086  }
0x25: {  	[simem:s6], [sflag:s4] =	dma.local [hbm:s3], $0xF7A  }
0x26: {  	[smem:$0x3F85] =	sst s1;
	(tag) =	ssettag s2;
	_ =	strace s9  }
0x27: {  	s1 =	sld [smem:$0x3F95]  }
0x28: {  	s2 =	sld [smem:$0x3F96]  }
0x29: {  	s4 =	sld [smem:$0x3F98]  }
0x2a: {  	p0 =	seq.s32 s5, $0x0;
	s5 =	sld [smem:$0x3F99]  }
0x2b: {  	s6 =	sld [smem:$0x3F9A]  }
0x2c: {  	s7 =	sld [smem:$0x3F9B]  }
0x2d: {  	s3 =	simm.s32 $0x108;
	s8 =	sld [smem:$0x3F9C]  }
0x2e: {  	s3 =	simm.s32 @!p0 $0x1082;
	s9 =	sld [smem:$0x3F9D]  }
0x2f: {  	lr =	sadd.s32 s0, s3;
	s0 =	sld [smem:$0x3F94]  }
0x30: {  	s3 =	sld [smem:$0x3F97]  }
0x31: {  	[smem:$0x3FA0] =	sst s10  }
0x32: {  	s10 =	sld [smem:$0x3F9E];
	_ =	sdelay $0x3  }
0x33: {  	p0 =	seq.s32 s10, $0x1;
	s10 =	sld [smem:$0x3FA0];
	_ =	sdelay $0x3  }
0x34: {  	[smem:$0x3FA0] =	sst s10  }
0x35: {  	s10 =	sld [smem:$0x3F9F];
	_ =	sdelay $0x3  }
0x36: {  	p1 =	seq.s32 s10, $0x1;
	s10 =	sld [smem:$0x3FA0];
	_ =	sdelay $0x3  }
0x37: {  	[smem:$0x3FA0] =	sst s10  }
0x38: {  	s10 =	sld [smem:$0x3FA1]  }
0x39: {  	_ = 	snop;
	(pc) =	sbr.ind lr, $3  }
0x3a: {  	_ = 	snop  }
0x3b: {  	_ = 	snop  }
0x3c: {  	p2 =	seq.s32 s10, $0x1;
	s10 =	sld [smem:$0x3FA0]  }
0x3d: {  	_ =	shalt  }
0x3e: {  	_ =	shalt  }
0x3f: {  	_ =	shalt  }
0x40: {  	_ =	shalt  }
0x41: {  	_ =	shalt  }
0x42: {  	_ =	shalt  }
0x43: {  	_ =	shalt  }
0x44: {  	_ =	shalt  }
0x45: {  	_ =	shalt  }
0x46: {  	_ =	shalt  }
0x47: {  	_ =	shalt  }
0x48: {  	_ =	shalt  }
0x49: {  	_ =	shalt  }
0x4a: {  	_ =	shalt  }
0x4b: {  	_ =	shalt  }
0x4c: {  	_ =	shalt  }
0x4d: {  	_ =	shalt  }
0x4e: {  	_ =	shalt  }
0x4f: {  	_ =	shalt  }
0x50: {  	_ =	shalt  }
0x51: {  	_ =	shalt  }
0x52: {  	_ =	shalt  }
0x53: {  	_ =	shalt  }
0x54: {  	_ =	shalt  }
0x55: {  	_ =	shalt  }
0x56: {  	_ =	shalt  }
0x57: {  	_ =	shalt  }
0x58: {  	_ =	shalt  }
0x59: {  	_ =	shalt  }
0x5a: {  	_ =	shalt  }
0x5b: {  	_ =	shalt  }
0x5c: {  	_ =	shalt  }
0x5d: {  	_ =	shalt  }
0x5e: {  	_ =	shalt  }
0x5f: {  	_ =	shalt  }
0x60: {  	_ =	shalt  }
0x61: {  	_ =	shalt  }
0x62: {  	_ =	shalt  }
0x63: {  	_ =	shalt  }
0x64: {  	_ =	shalt  }
0x65: {  	_ =	shalt  }
0x66: {  	_ =	shalt  }
0x67: {  	_ =	shalt  }
0x68: {  	_ =	shalt  }
0x69: {  	_ =	shalt  }
0x6a: {  	_ =	shalt  }
0x6b: {  	_ =	shalt  }
0x6c: {  	_ =	shalt  }
0x6d: {  	_ =	shalt  }
0x6e: {  	_ =	shalt  }
0x6f: {  	_ =	shalt  }
0x70: {  	_ =	shalt  }
0x71: {  	_ =	shalt  }
0x72: {  	_ =	shalt  }
0x73: {  	_ =	shalt  }
0x74: {  	_ =	shalt  }
0x75: {  	_ =	shalt  }
0x76: {  	_ =	shalt  }
0x77: {  	_ =	shalt  }
0x78: {  	_ =	shalt  }
0x79: {  	_ =	shalt  }
0x7a: {  	_ =	shalt  }
0x7b: {  	_ =	shalt  }
0x7c: {  	_ =	shalt  }
0x7d: {  	_ =	shalt  }
0x7e: {  	_ =	shalt  }
0x7f: {  	_ =	shalt  }
0x80: {  	_ =	shalt  }
0x81: {  	_ =	shalt  }
0x82: {  	_ =	shalt  }
0x83: {  	_ =	shalt  }
0x84: {  	_ =	shalt  }
0x85: {  	_ =	shalt  }
0x86: {  	_ =	shalt  }
0x87: {  	_ =	shalt  }
.Lfunc_end0:
.L_simem_size_0:
called_computation.2_lowered:
.L_overlay_start_0:
0x88: {  	s2 =	sld [smem:$0x3FD9]  }
0x89: {  	s3 =	sld [smem:$0x3FFE];
	_ =	sdelay $0x1  }
0x8a: {  	s1 =	srdreg.scid  }
0x8b: {  	s0 =	sand.u32 $0x1, s1  }
0x8c: {  	s17 =	sshll.u32 s0, $0xA;
	s2 =	sadd.s32 s3, s2  }
0x8d: {  	s2 =	sadd.s32 s2, s17  }
0x8e: {  	[smem:$0x3FAC] =	sst s2  }
0x8f: {  	_ = 	snop  }
0x90: {  	(tm) =	ssettm $0x1  }
0x91: {  	s18 =	sld [smem:$0x3FFB];
	_ =	sdelay $0x3  }
0x92: {  	_ =	strace s18  }
0x93: {  	s2 =	sld [smem:$0x3FFC];
	_ =	sdelay $0x3  }
0x94: {  	_ =	strace s2  }
0x95: {  	s2 =	sld [smem:$0x3FFD];
	_ =	sdelay $0x3  }
0x96: {  	_ =	strace s2  }
0x97: {  	_ =	strace $0x8FFFFFFF  }
0x98: {  	s19 =	sld [smem:$0x3FDB];
	_ =	sdelay $0x1  }
0x99: {  	s20 =	simm.s32 $_scs_section_size  }
0x9a: {  	s4 =	simm.s32 $_size__tile_overlayer_lowered;
	s5 =	simm.s32 $_tile_overlayer_lowered  }
0x9b: {  	s6 =	simm.s32 $0x1BFF;
	s21 =	sshll.u32 s5, $0x1;
	s3 =	sadd.s32 s20, s19  }
0x9c: {  	s22 =	simm.s32 $0x0;
	s4 =	sshll.u32 s4, $0x1;
	s5 =	sadd.s32 s21, s3  }
0x9d: {  	[timem:s22], [sflag:s6] =	dma.local [hbm:s5], s4  }
0x9e: {  	_ =	swait.ge [sflag:s6], s4  }
0x9f: {  	s4 =	ssub.s32 $0x0, s4;
	[sflag:s6] =	ssyncset.done $0x0  }
0xa0: {  	[sflag:s6] =	ssyncadd.s32 s4;
	_ =	sdelay $0x1  }
0xa1: {  	s23 =	simm.s32 $0x1B8B  }
0xa2: {  	_ =	swait.ge [sflag:s23], $0x1  }
0xa3: {  	[sflag:s23] =	ssyncset.done $0x0  }
0xa4: {  	[sflag:s23] =	ssyncadd.s32 $0xFFFFFFFF  }
0xa5: {  	s4 =	sld [smem:$0x0]  }
0xa6: {  	s5 =	sand.u32 $0xFFFFFFFE, s1  }
0xa7: {  	p0 =	sne.s32 s1, s5  }
0xa8: {  	s5 =	sshll.u32 @p0 s5, $0xE  }
0xa9: {  	s5 =	sadd.s32 @p0 $0x11B8D, s5;
	s6 =	sshll.u32 @p0 s4, $0x11  }
0xaa: {  	s5 =	sor.u32 @p0 s6, s5  }
0xab: {  	[sflag:s5] =	ssyncadd.remote.s32 @p0 $0x1;
	_ =	sdelay $0x1  }
0xac: {  	s5 =	simm.s32 @p0 $0x1B8D  }
0xad: {  	_ =	swait.eq @p0 [sflag:s5], $0x1  }
0xae: {  	[sflag:s5] =	ssyncadd.s32 @p0 $0xFFFFFFFF  }
0xaf: {  	s6 =	sshll.u32 @!p0 s1, $0xE  }
0xb0: {  	s6 =	sor.u32 @!p0 $0x4000, s6;
	s5 =	simm.s32 @!p0 $0x1B8D  }
0xb1: {  	s4 =	sshll.u32 @!p0 s4, $0x11;
	s6 =	sadd.s32 @!p0 $0x11B8D, s6;
	_ =	swait.eq @!p0 [sflag:s5], $0x1  }
0xb2: {  	s4 =	sor.u32 @!p0 s4, s6;
	[sflag:s5] =	ssyncadd.s32 @!p0 $0xFFFFFFFF  }
0xb3: {  	s25 =	simm.s32 $0x1B8E;
	s24 =	sld [smem:$0x3FFE];
	[sflag:s4] =	ssyncadd.remote.s32 @!p0 $0x1  }
0xb4: {  	s26 =	simm.s32 $execute0_lowered;
	[smem:$0x3FD2] =	sst s25  }
0xb5: {  	s5 =	sshll.u32 s26, $0x1;
	_ =	strace $0x8000004C;
	[dreg:$0x1] =	wrdreg $0xFFFFFFFF  }
0xb6: {  	s28 =	simm.s32 $_size_execute0_lowered;
	s3 =	sadd.s32 s3, s5;
	[dreg:$0x0] =	wrdreg $0x0  }
0xb7: {  	s5 =	sshll.u32 s28, $0x1;
	[dreg:$0x2] =	wrdreg s3  }
0xb8: {  	[dreg:$0x3] =	wrdreg s5  }
0xb9: {  	[dreg:$0x4] =	wrdreg $0xC0  }
0xba: {  	_ =	task [dreg:s22], $0x5FFFF  }
0xbb: {  	[dreg:$0x1] =	wrdreg $0xFFFFFFFF  }
0xbc: {  	[dreg:$0x0] =	wrdreg $0x60  }
0xbd: {  	[dreg:$0x2] =	wrdreg s24  }
0xbe: {  	[dreg:$0x3] =	wrdreg $0x90000  }
0xbf: {  	[dreg:$0x4] =	wrdreg $0xA  }
0xc0: {  	_ =	task.clear_ibuf [dreg:s22], $0x5FFFF;
	_ =	strace $0x9000004C  }
0xc1: {  	s29 =	simm.s32 $0xA;
	_ =	strace $0x8000004E  }
0xc2: {  	_ =	swait.ge [sflag:s29], $0x1  }
0xc3: {  	[sflag:s29] =	ssyncadd.s32 $0xFFFFFFFF  }
0xc4: {  	_ =	strace $0x9000004E  }
0xc5: {  	_ =	sfence  }
0xc6: {  	s30 =	sld [smem:$0x0];
	_ =	sdelay $0x2  }
0xc7: {  	s31 =	sshll.u32 s1, $0xD;
	s1 =	sshrl.u32 s1, $0x2  }
0xc8: {  	s4 =	sand.u32 $0x4000, s31;
	s1 =	sadd.s32 s1, s30  }
0xc9: {  	s0 =	sor.u32 s4, s0;
	s1 =	sshll.u32 s1, $0x11  }
0xca: {  	s0 =	sor.u32 s1, s0  }
0xcb: {  	s0 =	sadd.s32 $0x8F2B, s0  }
0xcc: {  	[sflag:s0] =	ssyncadd.remote.s32 $0x1  }
0xcd: {  	_ =	sfence.sel $0xFFFF  }
0xce: {  	[dreg:$0x0] =	wrdreg $0xFFFFFFFF;
	(pc) =	sbr.abs _section_cstart, $3  }
0xcf: {  	[dreg:$0x1] =	wrdreg $0xFFFFFFFF  }
0xd0: {  	_ =	task.clear_ibuf [dreg:s22], $0x2FFFF;
	_ =	strace $0x9FFFFFFF  }
0xd1: {  	(tm) =	ssettm $0x7FFFFFFF  }
tec
execute0_lowered:
.L_overlay_start_1:
0x0: {  	(tag) =	ssettag $0x1  }
0x1: {  	s0 =	srdreg.scid;
	s6 =	rddreg [dreg:$0x0]  }
0x2: {  	s2 =	rddreg [dreg:$0x1];
	s3 =	simm.s32 $0x0;
	s14 =	simm.s32 $0x80  }
0x3: {  	s15 =	simm.s32 $0x5000;
	s5 =	sand.u32 $0x1, s0;
	s0 =	stileid.u32  }
0x4: {  	s16 =	simm.s32 $0x1;
	s17 =	simm.s32 $0x0;
	s8 =	smul.u32 $0x13C00, s0  }
0x5: {  	[smem:$0x7FF] =	sst s3;
	s1 =	sshll.u32 s5, $0x4;
	s9 =	smul.u32 $0x13C000, s5  }
0x6: {  	s5 =	ssub.s32 $0x2, s5;
	s31 =	smul.u32 $0x4F000, s0;
	s12 =	sshll.u32 s0, $0x6  }
0x7: {  	s4 =	sor.u32 s0, s1;
	s1 =	rddreg [dreg:$0x2];
	_ =	strace $0x8000004D  }
0x8: {  	s11 =	sshrl.u32 s5, $0x1;
	s12 =	sor.u32 $0x1C02, s12;
	s7 =	smul.u32 $0x500, s4  }
0x9: {  	s4 =	sadd.s32 $0x23200, s6;
	s10 =	sshrl.u32 s8, $0x3;
	s8 =	sadd.s32 s8, s9  }
0xa: {  	s11 =	ssub.s32 s5, s11;
	s9 =	sshrl.u32 s31, $0x2;
	s10 =	sadd.s32 s10, s6  }
0xb: {  	s8 =	sshrl.u32 s8, $0x3;
	s13 =	sadd.s32 s9, s2;
	s9 =	smax.u32 s11, $0x1  }
0xc: {  	s11 =	simm.s32 $0x2800;
	s7 =	sadd.s32 s7, s6;
	s8 =	sadd.s32 s8, s6  }
0xd: {  	s13 =	sshrl.u32 s13, $0x3;
	s5 =	sadd.s32 $0xF200, s7;
	s6 =	sadd.s32 $0x19200, s7  }
0xe: {  	s7 =	sadd.s32 $0xE6800, s10;
	s8 =	sadd.s32 $0x283600, s8;
	s10 =	simm.s32 $0x2  }
.LBB2_1:
0xf: {  	[tilespmem:s3], [sflag:$0x2] =	stream.linear.gather [hbm4b:s5+s3], $0x2780, $0x38;
	[tilespmem:$0x1CC00] =	vst v63  }
0x10: {  	_ =	swait.ge [sflag:s10], $0x2780  }
0x11: {  	[sflag:s10] =	ssyncset.done $0x0  }
0x12: {  	[sflag:s10] =	ssyncadd.s32 $0xFFFFD880  }
0x13: {  	[tilespmem:s11], [sflag:$0x2] =	stream.linear.gather [hbm4b:s6+s3], $0x2780, $0x38;
	[tilespmem:$0x1CC00] =	vst v63  }
0x14: {  	_ =	swait.ge [sflag:s10], $0x2780  }
0x15: {  	[sflag:s10] =	ssyncset.done $0x0  }
0x16: {  	[sflag:s10] =	ssyncadd.s32 $0xFFFFD880  }
0x17: {  	[spmem:s13], [sflag:s12] =	dma.local [hbm:s7], $0x2780  }
0x18: {  	_ =	swait.ge [sflag:s10], $0x2780  }
0x19: {  	[sflag:s10] =	ssyncset.done $0x0  }
0x1a: {  	[sflag:s10] =	ssyncadd.s32 $0xFFFFD880  }
0x1b: {  	s18 =	simm.s32 $0x0;
	[bflag:$0x0] =	sbarrier.arrive $0xFFFF  }
0x1c: {  	[tilespmem:s15], [sflag:$0x1] =	stream.indirect.gather [hbm4b:s4+s14], $0x80, s18, s14, $0xb8;
	[tilespmem:$0x1CC00] =	vst v63  }
0x1d: {  	_ =	swait.ge [sflag:s16], $0x4000  }
0x1e: {  	[sflag:s16] =	ssyncset.done $0x0  }
0x1f: {  	s31 =	simm.s32 $0x2800;
	[sflag:s16] =	ssyncadd.s32 $0xFFFFC000  }
0x20: {  	[spmem:s2] =	stream.indirect.scatter.add.f32 [tilespmem:s15], [sflag:$0x2], $0x80, s31, s14, $0xb8;
	[tilespmem:$0x1CC00] =	vst v63  }
0x21: {  	_ =	swait.ge [sflag:s10], $0x4000  }
0x22: {  	s19 =	simm.s32 $0x400;
	s18 =	simm.s32 $0x200;
	[sflag:s10] =	ssyncset.done $0x0  }
.LBB2_2:
0x23: {  	s20 =	sshra.s32 s18, $0x2  }
0x24: {  	[sflag:s10] =	ssyncadd.s32 $0xFFFFC000;
	s18 =	smov.u32 s19;
	s21 =	sadd.s32 $0x200, s19  }
0x25: {  	[tilespmem:s15], [sflag:$0x1] =	stream.indirect.gather [hbm4b:s4+s14], $0x80, s20, s14, $0xb8;
	[tilespmem:$0x1CC00] =	vst v63  }
0x26: {  	p0 =	sne.s32 s19, $0x9C00;
	_ =	swait.ge [sflag:s16], $0x4000  }
.Ltmp0:
0x27: {  	[sflag:s16] =	ssyncset.done $0x0;
	(pc) =	sbr.rel @p0 .LBB2_2-.Ltmp0, $4  }
0x28: {  	s19 =	sadd.s32 $0x2800, s20;
	[sflag:s16] =	ssyncadd.s32 $0xFFFFC000  }
0x29: {  	[spmem:s2] =	stream.indirect.scatter.add.f32 [tilespmem:s15], [sflag:$0x2], $0x80, s19, s14, $0xb8;
	[tilespmem:$0x1CC00] =	vst v63  }
0x2a: {  	_ =	swait.ge [sflag:s10], $0x4000  }
0x2b: {  	s19 =	smov.u32 s21;
	[sflag:s10] =	ssyncset.done $0x0  }
0x2c: {  	s18 =	sshra.s32 s18, $0x2;
	[sflag:s10] =	ssyncadd.s32 $0xFFFFC000  }
0x2d: {  	[tilespmem:s15], [sflag:$0x1] =	stream.indirect.gather [hbm4b:s4+s14], $0x80, s18, s14, $0xb8;
	[tilespmem:$0x1CC00] =	vst v63  }
0x2e: {  	_ =	swait.ge [sflag:s16], $0x4000  }
0x2f: {  	[sflag:s16] =	ssyncset.done $0x0  }
0x30: {  	s18 =	sadd.s32 $0x2800, s18;
	[sflag:s16] =	ssyncadd.s32 $0xFFFFC000  }
0x31: {  	[spmem:s2] =	stream.indirect.scatter.add.f32 [tilespmem:s15], [sflag:$0x2], $0x80, s18, s14, $0xb8;
	[tilespmem:$0x1CC00] =	vst v63  }
0x32: {  	_ =	swait.ge [sflag:s10], $0x4000  }
0x33: {  	s17 =	sadd.s32 $0x1, s17;
	[sflag:s10] =	ssyncset.done $0x0  }
0x34: {  	p0 =	sne.s32 s17, s9;
	[sflag:s10] =	ssyncadd.s32 $0xFFFFC000  }
.Ltmp1:
0x35: {  	[bflag:$0x0] =	sbarrier.arrive $0xFFFF;
	(pc) =	sbr.rel @p0 .LBB2_1-.Ltmp1, $4  }
0x36: {  	[hbm:s8], [sflag:s12] =	dma.local [spmem:s13], $0x2780  }
0x37: {  	_ =	swait.ge [sflag:s10], $0x2780  }
0x38: {  	[sflag:s10] =	ssyncset.done $0x0  }
0x39: {  	[sflag:s10] =	ssyncadd.s32 $0xFFFFD880  }
0x3a: {  	_ =	sfence.sel $0x180000  }
0x3b: {  	[bflag:$0x0] =	sbarrier.arrive $0xFFFF  }
0x3c: {  	p0 =	sne.s32 s0, $0x0;
	_ =	strace $0x9000004D  }
0x3d: {  	s0 =	sadd.s32 @!p0 $0x100000, s1;
	[bflag:$0x2] =	sbarrier.arrive $0xFFFF  }
0x3e: {  	[sflag:s0] =	ssyncadd.tile.s32 @!p0 $0x1;
	_ =	shalt  }
.Lfunc_end2:
_tile_overlayer_lowered:
.L_overlay_start_2:
0x3f: {  	(tag) =	ssettag $0x2  }
0x40: {  	s0 =	rddreg [dreg:$0x0];
	s2 =	stileid.u32  }
0x41: {  	s1 =	rddreg [dreg:$0x1];
	p0 =	sne.s32 s2, $0x0  }
0x42: {  	s3 =	rddreg [dreg:$0x2];
	[bflag:$0x3] =	sbarrier.arrive $0xFFFF;
	s2 =	simm.s32 @!p0 $0x1C02  }
0x43: {  	[timem:s3], [sflag:s2] =	dma.local @!p0 [hbm:s0], s1  }
0x44: {  	s0 =	simm.s32 @!p0 $0x2  }
0x45: {  	_ =	swait.ge @!p0 [sflag:s0], s1  }
0x46: {  	s1 =	ssub.s32 @!p0 $0x0, s1;
	[sflag:s0] =	ssyncset.done @!p0 $0x0  }
0x47: {  	[sflag:s0] =	ssyncadd.s32 @!p0 s1  }
0x48: {  	[bflag:$0x3] =	sbarrier.arrive $0xFFFF  }
0x49: {  	_ =	shalt  }

// kernel: kernel.42.cloned.1.call-start
scs
__scs_entry_jumppad:
0x0: {  	(pc) =	sbr.rel $0x88, $3  }
0x1: {  	(tag) =	ssettag $0x0;
	lr =	simm.s32 $0x1  }
0x2: {  	[smem:$0x3F85] =	sst lr;
	_ =	strace $0xD0000000  }
0x3: {  	_ = 	snop  }
0x4: {  	_ = 	snop  }
0x5: {  	_ = 	snop  }
0x6: {  	_ = 	snop  }
0x7: {  	_ = 	snop  }
__scs_overlays_trampoline_lowered:
0x8: {  	[smem:$0x3F94] =	sst s0  }
0x9: {  	[smem:$0x3F95] =	sst s1  }
0xa: {  	[smem:$0x3F96] =	sst s2  }
0xb: {  	[smem:$0x3F97] =	sst s3  }
0xc: {  	[smem:$0x3F98] =	sst s4  }
0xd: {  	[smem:$0x3F99] =	sst s5  }
0xe: {  	[smem:$0x3F9A] =	sst s6  }
0xf: {  	[smem:$0x3F9B] =	sst s7  }
0x10: {  	[smem:$0x3F9C] =	sst s8  }
0x11: {  	[smem:$0x3F9D] =	sst s9;
	s0 =	simm.s32 @!p0 $0x0  }
0x12: {  	s1 =	sld [smem:$0x3F83];
	s0 =	simm.s32 @p0 $0x1  }
0x13: {  	[smem:$0x3F9E] =	sst s0;
	s0 =	simm.s32 @!p1 $0x0  }
0x14: {  	s2 =	sld [smem:$0x3F82];
	s0 =	simm.s32 @p1 $0x1  }
0x15: {  	[smem:$0x3F9F] =	sst s0;
	s0 =	simm.s32 @!p2 $0x0  }
0x16: {  	s3 =	sld [smem:$0x3FDB];
	s0 =	simm.s32 @p2 $0x1  }
0x17: {  	s4 =	simm.s32 $0x1BF5;
	[smem:$0x3FA1] =	sst s0  }
0x18: {  	s0 =	sld [smem:$0x3F84];
	_ =	swait.ge [sflag:s4], $0x0  }
0x19: {  	s7 =	sld [smem:$0x3F85]  }
0x1a: {  	s8 =	sadd.s32 $0xFFFFE003, lr  }
0x1b: {  	s9 =	sadd.s32 $0xFFFFFEF7, lr;
	s5 =	simm.s32 $0xFFFFFFFF;
	p2 =	slt.u32 s8, $0xFFFFF086  }
0x1c: {  	p1 =	slt.u32 s9, $0xF7A;
	s5 =	simm.s32 @!p2 $0x0  }
0x1d: {  	s5 =	simm.s32 @p1 $0x1;
	p0 =	seq.s32 s7, s2  }
0x1e: {  	s7 =	smul.u32 @!p0 $0xF7A, s2;
	p2 =	seq.s32 @!p0 s5, $0x0  }
0x1f: {  	s9 =	smul.u32 $0xF7A, s1;
	s8 =	simm.s32 @!p0 $0x1BF5;
	p2 =	por !p2, p0  }
0x20: {  	[sflag:s8] =	ssyncset.s32 @!p0 $0xFFFFF086;
	s6 =	sadd.s32 @!p0 s3, s7;
	s7 =	simm.s32 @!p0 $0x108  }
0x21: {  	s3 =	sadd.s32 s3, s9;
	s6 =	sadd.s32 @!p0 $0x88, s6;
	s7 =	simm.s32 @p2 $0x1082  }
0x22: {  	[simem:s7], [sflag:s8] =	dma.local @!p0 [hbm:s6], $0xF7A  }
0x23: {  	s9 =	sor.u32 $0xD0000000, s2;
	s6 =	simm.s32 $0x108;
	_ =	swait.ge @!p0 [sflag:s8], $0x0  }
0x24: {  	s3 =	sadd.s32 $0x88, s3;
	s6 =	simm.s32 @!p1 $0x1082;
	[sflag:s4] =	ssyncset.s32 $0xFFFFF086  }
0x25: {  	[simem:s6], [sflag:s4] =	dma.local [hbm:s3], $0xF7A  }
0x26: {  	[smem:$0x3F85] =	sst s1;
	(tag) =	ssettag s2;
	_ =	strace s9  }
0x27: {  	s1 =	sld [smem:$0x3F95]  }
0x28: {  	s2 =	sld [smem:$0x3F96]  }
0x29: {  	s4 =	sld [smem:$0x3F98]  }
0x2a: {  	p0 =	seq.s32 s5, $0x0;
	s5 =	sld [smem:$0x3F99]  }
0x2b: {  	s6 =	sld [smem:$0x3F9A]  }
0x2c: {  	s7 =	sld [smem:$0x3F9B]  }
0x2d: {  	s3 =	simm.s32 $0x108;
	s8 =	sld [smem:$0x3F9C]  }
0x2e: {  	s3 =	simm.s32 @!p0 $0x1082;
	s9 =	sld [smem:$0x3F9D]  }
0x2f: {  	lr =	sadd.s32 s0, s3;
	s0 =	sld [smem:$0x3F94]  }
0x30: {  	s3 =	sld [smem:$0x3F97]  }
0x31: {  	[smem:$0x3FA0] =	sst s10  }
0x32: {  	s10 =	sld [smem:$0x3F9E];
	_ =	sdelay $0x3  }
0x33: {  	p0 =	seq.s32 s10, $0x1;
	s10 =	sld [smem:$0x3FA0];
	_ =	sdelay $0x3  }
0x34: {  	[smem:$0x3FA0] =	sst s10  }
0x35: {  	s10 =	sld [smem:$0x3F9F];
	_ =	sdelay $0x3  }
0x36: {  	p1 =	seq.s32 s10, $0x1;
	s10 =	sld [smem:$0x3FA0];
	_ =	sdelay $0x3  }
0x37: {  	[smem:$0x3FA0] =	sst s10  }
0x38: {  	s10 =	sld [smem:$0x3FA1]  }
0x39: {  	_ = 	snop;
	(pc) =	sbr.ind lr, $3  }
0x3a: {  	_ = 	snop  }
0x3b: {  	_ = 	snop  }
0x3c: {  	p2 =	seq.s32 s10, $0x1;
	s10 =	sld [smem:$0x3FA0]  }
0x3d: {  	_ =	shalt  }
0x3e: {  	_ =	shalt  }
0x3f: {  	_ =	shalt  }
0x40: {  	_ =	shalt  }
0x41: {  	_ =	shalt  }
0x42: {  	_ =	shalt  }
0x43: {  	_ =	shalt  }
0x44: {  	_ =	shalt  }
0x45: {  	_ =	shalt  }
0x46: {  	_ =	shalt  }
0x47: {  	_ =	shalt  }
0x48: {  	_ =	shalt  }
0x49: {  	_ =	shalt  }
0x4a: {  	_ =	shalt  }
0x4b: {  	_ =	shalt  }
0x4c: {  	_ =	shalt  }
0x4d: {  	_ =	shalt  }
0x4e: {  	_ =	shalt  }
0x4f: {  	_ =	shalt  }
0x50: {  	_ =	shalt  }
0x51: {  	_ =	shalt  }
0x52: {  	_ =	shalt  }
0x53: {  	_ =	shalt  }
0x54: {  	_ =	shalt  }
0x55: {  	_ =	shalt  }
0x56: {  	_ =	shalt  }
0x57: {  	_ =	shalt  }
0x58: {  	_ =	shalt  }
0x59: {  	_ =	shalt  }
0x5a: {  	_ =	shalt  }
0x5b: {  	_ =	shalt  }
0x5c: {  	_ =	shalt  }
0x5d: {  	_ =	shalt  }
0x5e: {  	_ =	shalt  }
0x5f: {  	_ =	shalt  }
0x60: {  	_ =	shalt  }
0x61: {  	_ =	shalt  }
0x62: {  	_ =	shalt  }
0x63: {  	_ =	shalt  }
0x64: {  	_ =	shalt  }
0x65: {  	_ =	shalt  }
0x66: {  	_ =	shalt  }
0x67: {  	_ =	shalt  }
0x68: {  	_ =	shalt  }
0x69: {  	_ =	shalt  }
0x6a: {  	_ =	shalt  }
0x6b: {  	_ =	shalt  }
0x6c: {  	_ =	shalt  }
0x6d: {  	_ =	shalt  }
0x6e: {  	_ =	shalt  }
0x6f: {  	_ =	shalt  }
0x70: {  	_ =	shalt  }
0x71: {  	_ =	shalt  }
0x72: {  	_ =	shalt  }
0x73: {  	_ =	shalt  }
0x74: {  	_ =	shalt  }
0x75: {  	_ =	shalt  }
0x76: {  	_ =	shalt  }
0x77: {  	_ =	shalt  }
0x78: {  	_ =	shalt  }
0x79: {  	_ =	shalt  }
0x7a: {  	_ =	shalt  }
0x7b: {  	_ =	shalt  }
0x7c: {  	_ =	shalt  }
0x7d: {  	_ =	shalt  }
0x7e: {  	_ =	shalt  }
0x7f: {  	_ =	shalt  }
0x80: {  	_ =	shalt  }
0x81: {  	_ =	shalt  }
0x82: {  	_ =	shalt  }
0x83: {  	_ =	shalt  }
0x84: {  	_ =	shalt  }
0x85: {  	_ =	shalt  }
0x86: {  	_ =	shalt  }
0x87: {  	_ =	shalt  }
.Lfunc_end0:
.L_simem_size_0:
called_computation.3_lowered:
.L_overlay_start_0:
0x88: {  	s2 =	sld [smem:$0x3FD9]  }
0x89: {  	s3 =	sld [smem:$0x3FFE];
	_ =	sdelay $0x1  }
0x8a: {  	s1 =	srdreg.scid  }
0x8b: {  	s0 =	sand.u32 $0x1, s1  }
0x8c: {  	s17 =	sshll.u32 s0, $0xA;
	s2 =	sadd.s32 s3, s2  }
0x8d: {  	s2 =	sadd.s32 s2, s17  }
0x8e: {  	[smem:$0x3FAC] =	sst s2  }
0x8f: {  	_ = 	snop  }
0x90: {  	(tm) =	ssettm $0x1  }
0x91: {  	s18 =	sld [smem:$0x3FFB];
	_ =	sdelay $0x3  }
0x92: {  	_ =	strace s18  }
0x93: {  	s2 =	sld [smem:$0x3FFC];
	_ =	sdelay $0x3  }
0x94: {  	_ =	strace s2  }
0x95: {  	s2 =	sld [smem:$0x3FFD];
	_ =	sdelay $0x3  }
0x96: {  	_ =	strace s2  }
0x97: {  	_ =	strace $0x8FFFFFFF  }
0x98: {  	s19 =	sld [smem:$0x3FDB];
	_ =	sdelay $0x1  }
0x99: {  	s20 =	simm.s32 $_scs_section_size  }
0x9a: {  	s4 =	simm.s32 $_size__tile_overlayer_lowered;
	s5 =	simm.s32 $_tile_overlayer_lowered  }
0x9b: {  	s6 =	simm.s32 $0x1BFF;
	s21 =	sshll.u32 s5, $0x1;
	s3 =	sadd.s32 s20, s19  }
0x9c: {  	s22 =	simm.s32 $0x0;
	s4 =	sshll.u32 s4, $0x1;
	s5 =	sadd.s32 s21, s3  }
0x9d: {  	[timem:s22], [sflag:s6] =	dma.local [hbm:s5], s4  }
0x9e: {  	_ =	swait.ge [sflag:s6], s4  }
0x9f: {  	s4 =	ssub.s32 $0x0, s4;
	[sflag:s6] =	ssyncset.done $0x0  }
0xa0: {  	[sflag:s6] =	ssyncadd.s32 s4;
	_ =	sdelay $0x1  }
0xa1: {  	s23 =	simm.s32 $0x1B8B  }
0xa2: {  	_ =	swait.ge [sflag:s23], $0x1  }
0xa3: {  	[sflag:s23] =	ssyncset.done $0x0  }
0xa4: {  	[sflag:s23] =	ssyncadd.s32 $0xFFFFFFFF  }
0xa5: {  	s4 =	sld [smem:$0x0]  }
0xa6: {  	s5 =	sand.u32 $0xFFFFFFFE, s1  }
0xa7: {  	p0 =	sne.s32 s1, s5  }
0xa8: {  	s5 =	sshll.u32 @p0 s5, $0xE  }
0xa9: {  	s5 =	sadd.s32 @p0 $0x11B8D, s5;
	s6 =	sshll.u32 @p0 s4, $0x11  }
0xaa: {  	s5 =	sor.u32 @p0 s6, s5  }
0xab: {  	[sflag:s5] =	ssyncadd.remote.s32 @p0 $0x1;
	_ =	sdelay $0x1  }
0xac: {  	s5 =	simm.s32 @p0 $0x1B8D  }
0xad: {  	_ =	swait.eq @p0 [sflag:s5], $0x1  }
0xae: {  	[sflag:s5] =	ssyncadd.s32 @p0 $0xFFFFFFFF  }
0xaf: {  	s6 =	sshll.u32 @!p0 s1, $0xE  }
0xb0: {  	s6 =	sor.u32 @!p0 $0x4000, s6;
	s5 =	simm.s32 @!p0 $0x1B8D  }
0xb1: {  	s4 =	sshll.u32 @!p0 s4, $0x11;
	s6 =	sadd.s32 @!p0 $0x11B8D, s6;
	_ =	swait.eq @!p0 [sflag:s5], $0x1  }
0xb2: {  	s4 =	sor.u32 @!p0 s4, s6;
	[sflag:s5] =	ssyncadd.s32 @!p0 $0xFFFFFFFF  }
0xb3: {  	s25 =	simm.s32 $0x1B8E;
	s24 =	sld [smem:$0x3FFE];
	[sflag:s4] =	ssyncadd.remote.s32 @!p0 $0x1  }
0xb4: {  	s26 =	simm.s32 $execute0_lowered;
	[smem:$0x3FD2] =	sst s25  }
0xb5: {  	s5 =	sshll.u32 s26, $0x1;
	_ =	strace $0x8000004F;
	[dreg:$0x1] =	wrdreg $0xFFFFFFFF  }
0xb6: {  	s28 =	simm.s32 $_size_execute0_lowered;
	s3 =	sadd.s32 s3, s5;
	[dreg:$0x0] =	wrdreg $0x0  }
0xb7: {  	s5 =	sshll.u32 s28, $0x1;
	[dreg:$0x2] =	wrdreg s3  }
0xb8: {  	[dreg:$0x3] =	wrdreg s5  }
0xb9: {  	[dreg:$0x4] =	wrdreg $0xC0  }
0xba: {  	_ =	task [dreg:s22], $0x5FFFF  }
0xbb: {  	[dreg:$0x1] =	wrdreg $0xFFFFFFFF  }
0xbc: {  	[dreg:$0x0] =	wrdreg $0x60  }
0xbd: {  	[dreg:$0x2] =	wrdreg s24  }
0xbe: {  	[dreg:$0x3] =	wrdreg $0x90000  }
0xbf: {  	[dreg:$0x4] =	wrdreg $0x9  }
0xc0: {  	_ =	task.clear_ibuf [dreg:s22], $0x5FFFF;
	_ =	strace $0x9000004F  }
0xc1: {  	s29 =	simm.s32 $0x9;
	_ =	strace $0x80000051  }
0xc2: {  	_ =	swait.ge [sflag:s29], $0x1  }
0xc3: {  	[sflag:s29] =	ssyncadd.s32 $0xFFFFFFFF  }
0xc4: {  	_ =	strace $0x90000051  }
0xc5: {  	_ =	sfence  }
0xc6: {  	s30 =	sld [smem:$0x0];
	_ =	sdelay $0x2  }
0xc7: {  	s31 =	sshll.u32 s1, $0xD;
	s1 =	sshrl.u32 s1, $0x2  }
0xc8: {  	s4 =	sand.u32 $0x4000, s31;
	s1 =	sadd.s32 s1, s30  }
0xc9: {  	s0 =	sor.u32 s4, s0;
	s1 =	sshll.u32 s1, $0x11  }
0xca: {  	s0 =	sor.u32 s1, s0  }
0xcb: {  	s0 =	sadd.s32 $0x8F2B, s0  }
0xcc: {  	[sflag:s0] =	ssyncadd.remote.s32 $0x1  }
0xcd: {  	_ =	sfence.sel $0xFFFF  }
0xce: {  	[dreg:$0x0] =	wrdreg $0xFFFFFFFF;
	(pc) =	sbr.abs _section_cstart, $3  }
0xcf: {  	[dreg:$0x1] =	wrdreg $0xFFFFFFFF  }
0xd0: {  	_ =	task.clear_ibuf [dreg:s22], $0x2FFFF;
	_ =	strace $0x9FFFFFFF  }
0xd1: {  	(tm) =	ssettm $0x7FFFFFFF  }
tec
execute0_lowered:
.L_overlay_start_1:
0x0: {  	(tag) =	ssettag $0x1  }
0x1: {  	s0 =	srdreg.scid;
	s6 =	rddreg [dreg:$0x0]  }
0x2: {  	s2 =	rddreg [dreg:$0x1];
	s3 =	simm.s32 $0x0;
	s14 =	simm.s32 $0x80  }
0x3: {  	s15 =	simm.s32 $0x5000;
	s5 =	sand.u32 $0x1, s0;
	s0 =	stileid.u32  }
0x4: {  	s16 =	simm.s32 $0x1;
	s17 =	simm.s32 $0x0;
	s8 =	smul.u32 $0x13C00, s0  }
0x5: {  	[smem:$0x7FF] =	sst s3;
	s1 =	sshll.u32 s5, $0x4;
	s9 =	smul.u32 $0x13C000, s5  }
0x6: {  	s5 =	ssub.s32 $0x2, s5;
	s31 =	smul.u32 $0x4F000, s0;
	s12 =	sshll.u32 s0, $0x6  }
0x7: {  	s4 =	sor.u32 s0, s1;
	s1 =	rddreg [dreg:$0x2];
	_ =	strace $0x80000050  }
0x8: {  	s11 =	sshrl.u32 s5, $0x1;
	s12 =	sor.u32 $0x1C02, s12;
	s7 =	smul.u32 $0x500, s4  }
0x9: {  	s4 =	sadd.s32 $0x171000, s6;
	s10 =	sshrl.u32 s8, $0x3;
	s8 =	sadd.s32 s8, s9  }
0xa: {  	s11 =	ssub.s32 s5, s11;
	s9 =	sshrl.u32 s31, $0x2;
	s10 =	sadd.s32 s10, s6  }
0xb: {  	s8 =	sshrl.u32 s8, $0x3;
	s13 =	sadd.s32 s9, s2;
	s9 =	smax.u32 s11, $0x1  }
0xc: {  	s11 =	simm.s32 $0x2800;
	s7 =	sadd.s32 s7, s6;
	s8 =	sadd.s32 s8, s6  }
0xd: {  	s13 =	sshrl.u32 s13, $0x3;
	s5 =	sadd.s32 $0x15D000, s7;
	s6 =	sadd.s32 $0x167000, s7  }
0xe: {  	s7 =	sadd.s32 $0xE6800, s10;
	s8 =	sadd.s32 $0x234600, s8;
	s10 =	simm.s32 $0x2  }
.LBB2_1:
0xf: {  	[tilespmem:s3], [sflag:$0x2] =	stream.linear.gather [hbm4b:s5+s3], $0x2780, $0x38;
	[tilespmem:$0x1CC00] =	vst v63  }
0x10: {  	_ =	swait.ge [sflag:s10], $0x2780  }
0x11: {  	[sflag:s10] =	ssyncset.done $0x0  }
0x12: {  	[sflag:s10] =	ssyncadd.s32 $0xFFFFD880  }
0x13: {  	[tilespmem:s11], [sflag:$0x2] =	stream.linear.gather [hbm4b:s6+s3], $0x2780, $0x38;
	[tilespmem:$0x1CC00] =	vst v63  }
0x14: {  	_ =	swait.ge [sflag:s10], $0x2780  }
0x15: {  	[sflag:s10] =	ssyncset.done $0x0  }
0x16: {  	[sflag:s10] =	ssyncadd.s32 $0xFFFFD880  }
0x17: {  	[spmem:s13], [sflag:s12] =	dma.local [hbm:s7], $0x2780  }
0x18: {  	_ =	swait.ge [sflag:s10], $0x2780  }
0x19: {  	[sflag:s10] =	ssyncset.done $0x0  }
0x1a: {  	[sflag:s10] =	ssyncadd.s32 $0xFFFFD880  }
0x1b: {  	s18 =	simm.s32 $0x0;
	[bflag:$0x0] =	sbarrier.arrive $0xFFFF  }
0x1c: {  	[tilespmem:s15], [sflag:$0x1] =	stream.indirect.gather [hbm4b:s4+s14], $0x80, s18, s14, $0xb8;
	[tilespmem:$0x1CC00] =	vst v63  }
0x1d: {  	_ =	swait.ge [sflag:s16], $0x4000  }
0x1e: {  	[sflag:s16] =	ssyncset.done $0x0  }
0x1f: {  	s31 =	simm.s32 $0x2800;
	[sflag:s16] =	ssyncadd.s32 $0xFFFFC000  }
0x20: {  	[spmem:s2] =	stream.indirect.scatter.add.f32 [tilespmem:s15], [sflag:$0x2], $0x80, s31, s14, $0xb8;
	[tilespmem:$0x1CC00] =	vst v63  }
0x21: {  	_ =	swait.ge [sflag:s10], $0x4000  }
0x22: {  	s19 =	simm.s32 $0x400;
	s18 =	simm.s32 $0x200;
	[sflag:s10] =	ssyncset.done $0x0  }
.LBB2_2:
0x23: {  	s20 =	sshra.s32 s18, $0x2  }
0x24: {  	[sflag:s10] =	ssyncadd.s32 $0xFFFFC000;
	s18 =	smov.u32 s19;
	s21 =	sadd.s32 $0x200, s19  }
0x25: {  	[tilespmem:s15], [sflag:$0x1] =	stream.indirect.gather [hbm4b:s4+s14], $0x80, s20, s14, $0xb8;
	[tilespmem:$0x1CC00] =	vst v63  }
0x26: {  	p0 =	sne.s32 s19, $0x9C00;
	_ =	swait.ge [sflag:s16], $0x4000  }
.Ltmp0:
0x27: {  	[sflag:s16] =	ssyncset.done $0x0;
	(pc) =	sbr.rel @p0 .LBB2_2-.Ltmp0, $4  }
0x28: {  	s19 =	sadd.s32 $0x2800, s20;
	[sflag:s16] =	ssyncadd.s32 $0xFFFFC000  }
0x29: {  	[spmem:s2] =	stream.indirect.scatter.add.f32 [tilespmem:s15], [sflag:$0x2], $0x80, s19, s14, $0xb8;
	[tilespmem:$0x1CC00] =	vst v63  }
0x2a: {  	_ =	swait.ge [sflag:s10], $0x4000  }
0x2b: {  	s19 =	smov.u32 s21;
	[sflag:s10] =	ssyncset.done $0x0  }
0x2c: {  	s18 =	sshra.s32 s18, $0x2;
	[sflag:s10] =	ssyncadd.s32 $0xFFFFC000  }
0x2d: {  	[tilespmem:s15], [sflag:$0x1] =	stream.indirect.gather [hbm4b:s4+s14], $0x80, s18, s14, $0xb8;
	[tilespmem:$0x1CC00] =	vst v63  }
0x2e: {  	_ =	swait.ge [sflag:s16], $0x4000  }
0x2f: {  	[sflag:s16] =	ssyncset.done $0x0  }
0x30: {  	s18 =	sadd.s32 $0x2800, s18;
	[sflag:s16] =	ssyncadd.s32 $0xFFFFC000  }
0x31: {  	[spmem:s2] =	stream.indirect.scatter.add.f32 [tilespmem:s15], [sflag:$0x2], $0x80, s18, s14, $0xb8;
	[tilespmem:$0x1CC00] =	vst v63  }
0x32: {  	_ =	swait.ge [sflag:s10], $0x4000  }
0x33: {  	s17 =	sadd.s32 $0x1, s17;
	[sflag:s10] =	ssyncset.done $0x0  }
0x34: {  	p0 =	sne.s32 s17, s9;
	[sflag:s10] =	ssyncadd.s32 $0xFFFFC000  }
.Ltmp1:
0x35: {  	[bflag:$0x0] =	sbarrier.arrive $0xFFFF;
	(pc) =	sbr.rel @p0 .LBB2_1-.Ltmp1, $4  }
0x36: {  	[hbm:s8], [sflag:s12] =	dma.local [spmem:s13], $0x2780  }
0x37: {  	_ =	swait.ge [sflag:s10], $0x2780  }
0x38: {  	[sflag:s10] =	ssyncset.done $0x0  }
0x39: {  	[sflag:s10] =	ssyncadd.s32 $0xFFFFD880  }
0x3a: {  	_ =	sfence.sel $0x180000  }
0x3b: {  	[bflag:$0x0] =	sbarrier.arrive $0xFFFF  }
0x3c: {  	p0 =	sne.s32 s0, $0x0;
	_ =	strace $0x90000050  }
0x3d: {  	s0 =	sadd.s32 @!p0 $0x100000, s1;
	[bflag:$0x2] =	sbarrier.arrive $0xFFFF  }
0x3e: {  	[sflag:s0] =	ssyncadd.tile.s32 @!p0 $0x1;
	_ =	shalt  }
.Lfunc_end2:
_tile_overlayer_lowered:
.L_overlay_start_2:
0x3f: {  	(tag) =	ssettag $0x2  }
0x40: {  	s0 =	rddreg [dreg:$0x0];
	s2 =	stileid.u32  }
0x41: {  	s1 =	rddreg [dreg:$0x1];
	p0 =	sne.s32 s2, $0x0  }
0x42: {  	s3 =	rddreg [dreg:$0x2];
	[bflag:$0x3] =	sbarrier.arrive $0xFFFF;
	s2 =	simm.s32 @!p0 $0x1C02  }
0x43: {  	[timem:s3], [sflag:s2] =	dma.local @!p0 [hbm:s0], s1  }
0x44: {  	s0 =	simm.s32 @!p0 $0x2  }
0x45: {  	_ =	swait.ge @!p0 [sflag:s0], s1  }
0x46: {  	s1 =	ssub.s32 @!p0 $0x0, s1;
	[sflag:s0] =	ssyncset.done @!p0 $0x0  }
0x47: {  	[sflag:s0] =	ssyncadd.s32 @!p0 s1  }
0x48: {  	[bflag:$0x3] =	sbarrier.arrive $0xFFFF  }
0x49: {  	_ =	shalt  }

// kernel: kernel.45.cloned.1.call-start
scs
__scs_entry_jumppad:
0x0: {  	(pc) =	sbr.rel $0x88, $3  }
0x1: {  	(tag) =	ssettag $0x0;
	lr =	simm.s32 $0x1  }
0x2: {  	[smem:$0x3F85] =	sst lr;
	_ =	strace $0xD0000000  }
0x3: {  	_ = 	snop  }
0x4: {  	_ = 	snop  }
0x5: {  	_ = 	snop  }
0x6: {  	_ = 	snop  }
0x7: {  	_ = 	snop  }
__scs_overlays_trampoline_lowered:
0x8: {  	[smem:$0x3F94] =	sst s0  }
0x9: {  	[smem:$0x3F95] =	sst s1  }
0xa: {  	[smem:$0x3F96] =	sst s2  }
0xb: {  	[smem:$0x3F97] =	sst s3  }
0xc: {  	[smem:$0x3F98] =	sst s4  }
0xd: {  	[smem:$0x3F99] =	sst s5  }
0xe: {  	[smem:$0x3F9A] =	sst s6  }
0xf: {  	[smem:$0x3F9B] =	sst s7  }
0x10: {  	[smem:$0x3F9C] =	sst s8  }
0x11: {  	[smem:$0x3F9D] =	sst s9;
	s0 =	simm.s32 @!p0 $0x0  }
0x12: {  	s1 =	sld [smem:$0x3F83];
	s0 =	simm.s32 @p0 $0x1  }
0x13: {  	[smem:$0x3F9E] =	sst s0;
	s0 =	simm.s32 @!p1 $0x0  }
0x14: {  	s2 =	sld [smem:$0x3F82];
	s0 =	simm.s32 @p1 $0x1  }
0x15: {  	[smem:$0x3F9F] =	sst s0;
	s0 =	simm.s32 @!p2 $0x0  }
0x16: {  	s3 =	sld [smem:$0x3FDB];
	s0 =	simm.s32 @p2 $0x1  }
0x17: {  	s4 =	simm.s32 $0x1BF5;
	[smem:$0x3FA1] =	sst s0  }
0x18: {  	s0 =	sld [smem:$0x3F84];
	_ =	swait.ge [sflag:s4], $0x0  }
0x19: {  	s7 =	sld [smem:$0x3F85]  }
0x1a: {  	s8 =	sadd.s32 $0xFFFFE003, lr  }
0x1b: {  	s9 =	sadd.s32 $0xFFFFFEF7, lr;
	s5 =	simm.s32 $0xFFFFFFFF;
	p2 =	slt.u32 s8, $0xFFFFF086  }
0x1c: {  	p1 =	slt.u32 s9, $0xF7A;
	s5 =	simm.s32 @!p2 $0x0  }
0x1d: {  	s5 =	simm.s32 @p1 $0x1;
	p0 =	seq.s32 s7, s2  }
0x1e: {  	s7 =	smul.u32 @!p0 $0xF7A, s2;
	p2 =	seq.s32 @!p0 s5, $0x0  }
0x1f: {  	s9 =	smul.u32 $0xF7A, s1;
	s8 =	simm.s32 @!p0 $0x1BF5;
	p2 =	por !p2, p0  }
0x20: {  	[sflag:s8] =	ssyncset.s32 @!p0 $0xFFFFF086;
	s6 =	sadd.s32 @!p0 s3, s7;
	s7 =	simm.s32 @!p0 $0x108  }
0x21: {  	s3 =	sadd.s32 s3, s9;
	s6 =	sadd.s32 @!p0 $0x88, s6;
	s7 =	simm.s32 @p2 $0x1082  }
0x22: {  	[simem:s7], [sflag:s8] =	dma.local @!p0 [hbm:s6], $0xF7A  }
0x23: {  	s9 =	sor.u32 $0xD0000000, s2;
	s6 =	simm.s32 $0x108;
	_ =	swait.ge @!p0 [sflag:s8], $0x0  }
0x24: {  	s3 =	sadd.s32 $0x88, s3;
	s6 =	simm.s32 @!p1 $0x1082;
	[sflag:s4] =	ssyncset.s32 $0xFFFFF086  }
0x25: {  	[simem:s6], [sflag:s4] =	dma.local [hbm:s3], $0xF7A  }
0x26: {  	[smem:$0x3F85] =	sst s1;
	(tag) =	ssettag s2;
	_ =	strace s9  }
0x27: {  	s1 =	sld [smem:$0x3F95]  }
0x28: {  	s2 =	sld [smem:$0x3F96]  }
0x29: {  	s4 =	sld [smem:$0x3F98]  }
0x2a: {  	p0 =	seq.s32 s5, $0x0;
	s5 =	sld [smem:$0x3F99]  }
0x2b: {  	s6 =	sld [smem:$0x3F9A]  }
0x2c: {  	s7 =	sld [smem:$0x3F9B]  }
0x2d: {  	s3 =	simm.s32 $0x108;
	s8 =	sld [smem:$0x3F9C]  }
0x2e: {  	s3 =	simm.s32 @!p0 $0x1082;
	s9 =	sld [smem:$0x3F9D]  }
0x2f: {  	lr =	sadd.s32 s0, s3;
	s0 =	sld [smem:$0x3F94]  }
0x30: {  	s3 =	sld [smem:$0x3F97]  }
0x31: {  	[smem:$0x3FA0] =	sst s10  }
0x32: {  	s10 =	sld [smem:$0x3F9E];
	_ =	sdelay $0x3  }
0x33: {  	p0 =	seq.s32 s10, $0x1;
	s10 =	sld [smem:$0x3FA0];
	_ =	sdelay $0x3  }
0x34: {  	[smem:$0x3FA0] =	sst s10  }
0x35: {  	s10 =	sld [smem:$0x3F9F];
	_ =	sdelay $0x3  }
0x36: {  	p1 =	seq.s32 s10, $0x1;
	s10 =	sld [smem:$0x3FA0];
	_ =	sdelay $0x3  }
0x37: {  	[smem:$0x3FA0] =	sst s10  }
0x38: {  	s10 =	sld [smem:$0x3FA1]  }
0x39: {  	_ = 	snop;
	(pc) =	sbr.ind lr, $3  }
0x3a: {  	_ = 	snop  }
0x3b: {  	_ = 	snop  }
0x3c: {  	p2 =	seq.s32 s10, $0x1;
	s10 =	sld [smem:$0x3FA0]  }
0x3d: {  	_ =	shalt  }
0x3e: {  	_ =	shalt  }
0x3f: {  	_ =	shalt  }
0x40: {  	_ =	shalt  }
0x41: {  	_ =	shalt  }
0x42: {  	_ =	shalt  }
0x43: {  	_ =	shalt  }
0x44: {  	_ =	shalt  }
0x45: {  	_ =	shalt  }
0x46: {  	_ =	shalt  }
0x47: {  	_ =	shalt  }
0x48: {  	_ =	shalt  }
0x49: {  	_ =	shalt  }
0x4a: {  	_ =	shalt  }
0x4b: {  	_ =	shalt  }
0x4c: {  	_ =	shalt  }
0x4d: {  	_ =	shalt  }
0x4e: {  	_ =	shalt  }
0x4f: {  	_ =	shalt  }
0x50: {  	_ =	shalt  }
0x51: {  	_ =	shalt  }
0x52: {  	_ =	shalt  }
0x53: {  	_ =	shalt  }
0x54: {  	_ =	shalt  }
0x55: {  	_ =	shalt  }
0x56: {  	_ =	shalt  }
0x57: {  	_ =	shalt  }
0x58: {  	_ =	shalt  }
0x59: {  	_ =	shalt  }
0x5a: {  	_ =	shalt  }
0x5b: {  	_ =	shalt  }
0x5c: {  	_ =	shalt  }
0x5d: {  	_ =	shalt  }
0x5e: {  	_ =	shalt  }
0x5f: {  	_ =	shalt  }
0x60: {  	_ =	shalt  }
0x61: {  	_ =	shalt  }
0x62: {  	_ =	shalt  }
0x63: {  	_ =	shalt  }
0x64: {  	_ =	shalt  }
0x65: {  	_ =	shalt  }
0x66: {  	_ =	shalt  }
0x67: {  	_ =	shalt  }
0x68: {  	_ =	shalt  }
0x69: {  	_ =	shalt  }
0x6a: {  	_ =	shalt  }
0x6b: {  	_ =	shalt  }
0x6c: {  	_ =	shalt  }
0x6d: {  	_ =	shalt  }
0x6e: {  	_ =	shalt  }
0x6f: {  	_ =	shalt  }
0x70: {  	_ =	shalt  }
0x71: {  	_ =	shalt  }
0x72: {  	_ =	shalt  }
0x73: {  	_ =	shalt  }
0x74: {  	_ =	shalt  }
0x75: {  	_ =	shalt  }
0x76: {  	_ =	shalt  }
0x77: {  	_ =	shalt  }
0x78: {  	_ =	shalt  }
0x79: {  	_ =	shalt  }
0x7a: {  	_ =	shalt  }
0x7b: {  	_ =	shalt  }
0x7c: {  	_ =	shalt  }
0x7d: {  	_ =	shalt  }
0x7e: {  	_ =	shalt  }
0x7f: {  	_ =	shalt  }
0x80: {  	_ =	shalt  }
0x81: {  	_ =	shalt  }
0x82: {  	_ =	shalt  }
0x83: {  	_ =	shalt  }
0x84: {  	_ =	shalt  }
0x85: {  	_ =	shalt  }
0x86: {  	_ =	shalt  }
0x87: {  	_ =	shalt  }
.Lfunc_end0:
.L_simem_size_0:
called_computation.4_lowered:
.L_overlay_start_0:
0x88: {  	s2 =	sld [smem:$0x3FD9]  }
0x89: {  	s3 =	sld [smem:$0x3FFE];
	_ =	sdelay $0x1  }
0x8a: {  	s1 =	srdreg.scid  }
0x8b: {  	s0 =	sand.u32 $0x1, s1  }
0x8c: {  	s17 =	sshll.u32 s0, $0xA;
	s2 =	sadd.s32 s3, s2  }
0x8d: {  	s2 =	sadd.s32 s2, s17  }
0x8e: {  	[smem:$0x3FAC] =	sst s2  }
0x8f: {  	_ = 	snop  }
0x90: {  	(tm) =	ssettm $0x1  }
0x91: {  	s18 =	sld [smem:$0x3FFB];
	_ =	sdelay $0x3  }
0x92: {  	_ =	strace s18  }
0x93: {  	s2 =	sld [smem:$0x3FFC];
	_ =	sdelay $0x3  }
0x94: {  	_ =	strace s2  }
0x95: {  	s2 =	sld [smem:$0x3FFD];
	_ =	sdelay $0x3  }
0x96: {  	_ =	strace s2  }
0x97: {  	_ =	strace $0x8FFFFFFF  }
0x98: {  	s19 =	sld [smem:$0x3FDB];
	_ =	sdelay $0x1  }
0x99: {  	s20 =	simm.s32 $_scs_section_size  }
0x9a: {  	s4 =	simm.s32 $_size__tile_overlayer_lowered;
	s5 =	simm.s32 $_tile_overlayer_lowered  }
0x9b: {  	s6 =	simm.s32 $0x1BFF;
	s21 =	sshll.u32 s5, $0x1;
	s3 =	sadd.s32 s20, s19  }
0x9c: {  	s22 =	simm.s32 $0x0;
	s4 =	sshll.u32 s4, $0x1;
	s5 =	sadd.s32 s21, s3  }
0x9d: {  	[timem:s22], [sflag:s6] =	dma.local [hbm:s5], s4  }
0x9e: {  	_ =	swait.ge [sflag:s6], s4  }
0x9f: {  	s4 =	ssub.s32 $0x0, s4;
	[sflag:s6] =	ssyncset.done $0x0  }
0xa0: {  	[sflag:s6] =	ssyncadd.s32 s4;
	_ =	sdelay $0x1  }
0xa1: {  	s23 =	simm.s32 $0x1B8B  }
0xa2: {  	_ =	swait.ge [sflag:s23], $0x1  }
0xa3: {  	[sflag:s23] =	ssyncset.done $0x0  }
0xa4: {  	[sflag:s23] =	ssyncadd.s32 $0xFFFFFFFF  }
0xa5: {  	s4 =	sld [smem:$0x0]  }
0xa6: {  	s5 =	sand.u32 $0xFFFFFFFE, s1  }
0xa7: {  	p0 =	sne.s32 s1, s5  }
0xa8: {  	s5 =	sshll.u32 @p0 s5, $0xE  }
0xa9: {  	s5 =	sadd.s32 @p0 $0x11B8D, s5;
	s6 =	sshll.u32 @p0 s4, $0x11  }
0xaa: {  	s5 =	sor.u32 @p0 s6, s5  }
0xab: {  	[sflag:s5] =	ssyncadd.remote.s32 @p0 $0x1;
	_ =	sdelay $0x1  }
0xac: {  	s5 =	simm.s32 @p0 $0x1B8D  }
0xad: {  	_ =	swait.eq @p0 [sflag:s5], $0x1  }
0xae: {  	[sflag:s5] =	ssyncadd.s32 @p0 $0xFFFFFFFF  }
0xaf: {  	s6 =	sshll.u32 @!p0 s1, $0xE  }
0xb0: {  	s6 =	sor.u32 @!p0 $0x4000, s6;
	s5 =	simm.s32 @!p0 $0x1B8D  }
0xb1: {  	s4 =	sshll.u32 @!p0 s4, $0x11;
	s6 =	sadd.s32 @!p0 $0x11B8D, s6;
	_ =	swait.eq @!p0 [sflag:s5], $0x1  }
0xb2: {  	s4 =	sor.u32 @!p0 s4, s6;
	[sflag:s5] =	ssyncadd.s32 @!p0 $0xFFFFFFFF  }
0xb3: {  	s25 =	simm.s32 $0x1B8E;
	s24 =	sld [smem:$0x3FFE];
	[sflag:s4] =	ssyncadd.remote.s32 @!p0 $0x1  }
0xb4: {  	s26 =	simm.s32 $execute0_lowered;
	[smem:$0x3FD2] =	sst s25  }
0xb5: {  	s5 =	sshll.u32 s26, $0x1;
	_ =	strace $0x80000052;
	[dreg:$0x1] =	wrdreg $0xFFFFFFFF  }
0xb6: {  	s28 =	simm.s32 $_size_execute0_lowered;
	s3 =	sadd.s32 s3, s5;
	[dreg:$0x0] =	wrdreg $0x0  }
0xb7: {  	s5 =	sshll.u32 s28, $0x1;
	[dreg:$0x2] =	wrdreg s3  }
0xb8: {  	[dreg:$0x3] =	wrdreg s5  }
0xb9: {  	[dreg:$0x4] =	wrdreg $0xC0  }
0xba: {  	_ =	task [dreg:s22], $0x5FFFF  }
0xbb: {  	[dreg:$0x1] =	wrdreg $0xFFFFFFFF  }
0xbc: {  	[dreg:$0x0] =	wrdreg $0x60  }
0xbd: {  	[dreg:$0x2] =	wrdreg s24  }
0xbe: {  	[dreg:$0x3] =	wrdreg $0x90000  }
0xbf: {  	[dreg:$0x4] =	wrdreg $0xA  }
0xc0: {  	_ =	task.clear_ibuf [dreg:s22], $0x5FFFF;
	_ =	strace $0x90000052  }
0xc1: {  	s29 =	simm.s32 $0xA;
	_ =	strace $0x80000054  }
0xc2: {  	_ =	swait.ge [sflag:s29], $0x1  }
0xc3: {  	[sflag:s29] =	ssyncadd.s32 $0xFFFFFFFF  }
0xc4: {  	_ =	strace $0x90000054  }
0xc5: {  	_ =	sfence  }
0xc6: {  	s30 =	sld [smem:$0x0];
	_ =	sdelay $0x2  }
0xc7: {  	s31 =	sshll.u32 s1, $0xD;
	s1 =	sshrl.u32 s1, $0x2  }
0xc8: {  	s4 =	sand.u32 $0x4000, s31;
	s1 =	sadd.s32 s1, s30  }
0xc9: {  	s0 =	sor.u32 s4, s0;
	s1 =	sshll.u32 s1, $0x11  }
0xca: {  	s0 =	sor.u32 s1, s0  }
0xcb: {  	s0 =	sadd.s32 $0x8F2B, s0  }
0xcc: {  	[sflag:s0] =	ssyncadd.remote.s32 $0x1  }
0xcd: {  	_ =	sfence.sel $0xFFFF  }
0xce: {  	[dreg:$0x0] =	wrdreg $0xFFFFFFFF;
	(pc) =	sbr.abs _section_cstart, $3  }
0xcf: {  	[dreg:$0x1] =	wrdreg $0xFFFFFFFF  }
0xd0: {  	_ =	task.clear_ibuf [dreg:s22], $0x2FFFF;
	_ =	strace $0x9FFFFFFF  }
0xd1: {  	(tm) =	ssettm $0x7FFFFFFF  }
tec
execute0_lowered:
.L_overlay_start_1:
0x0: {  	(tag) =	ssettag $0x1  }
0x1: {  	s0 =	srdreg.scid;
	s6 =	rddreg [dreg:$0x0]  }
0x2: {  	s2 =	rddreg [dreg:$0x1];
	s3 =	simm.s32 $0x0;
	s14 =	simm.s32 $0x80  }
0x3: {  	s15 =	simm.s32 $0x5000;
	s5 =	sand.u32 $0x1, s0;
	s0 =	stileid.u32  }
0x4: {  	s16 =	simm.s32 $0x1;
	s17 =	simm.s32 $0x0;
	s8 =	smul.u32 $0x13C00, s0  }
0x5: {  	[smem:$0x7FF] =	sst s3;
	s1 =	sshll.u32 s5, $0x4;
	s9 =	smul.u32 $0x13C000, s5  }
0x6: {  	s5 =	ssub.s32 $0x2, s5;
	s31 =	smul.u32 $0x4F000, s0;
	s12 =	sshll.u32 s0, $0x6  }
0x7: {  	s4 =	sor.u32 s0, s1;
	s1 =	rddreg [dreg:$0x2];
	_ =	strace $0x80000053  }
0x8: {  	s11 =	sshrl.u32 s5, $0x1;
	s12 =	sor.u32 $0x1C02, s12;
	s7 =	smul.u32 $0x500, s4  }
0x9: {  	s4 =	sadd.s32 $0x23200, s6;
	s10 =	sshrl.u32 s8, $0x3;
	s8 =	sadd.s32 s8, s9  }
0xa: {  	s11 =	ssub.s32 s5, s11;
	s9 =	sshrl.u32 s31, $0x2;
	s10 =	sadd.s32 s10, s6  }
0xb: {  	s8 =	sshrl.u32 s8, $0x3;
	s13 =	sadd.s32 s9, s2;
	s9 =	smax.u32 s11, $0x1  }
0xc: {  	s11 =	simm.s32 $0x2800;
	s7 =	sadd.s32 s7, s6;
	s8 =	sadd.s32 s8, s6  }
0xd: {  	s13 =	sshrl.u32 s13, $0x3;
	s5 =	sadd.s32 $0xF200, s7;
	s6 =	sadd.s32 $0x19200, s7  }
0xe: {  	s7 =	sadd.s32 $0xE6800, s10;
	s8 =	sadd.s32 $0x283600, s8;
	s10 =	simm.s32 $0x2  }
.LBB2_1:
0xf: {  	[tilespmem:s3], [sflag:$0x2] =	stream.linear.gather [hbm4b:s5+s3], $0x2780, $0x38;
	[tilespmem:$0x1CC00] =	vst v63  }
0x10: {  	_ =	swait.ge [sflag:s10], $0x2780  }
0x11: {  	[sflag:s10] =	ssyncset.done $0x0  }
0x12: {  	[sflag:s10] =	ssyncadd.s32 $0xFFFFD880  }
0x13: {  	[tilespmem:s11], [sflag:$0x2] =	stream.linear.gather [hbm4b:s6+s3], $0x2780, $0x38;
	[tilespmem:$0x1CC00] =	vst v63  }
0x14: {  	_ =	swait.ge [sflag:s10], $0x2780  }
0x15: {  	[sflag:s10] =	ssyncset.done $0x0  }
0x16: {  	[sflag:s10] =	ssyncadd.s32 $0xFFFFD880  }
0x17: {  	[spmem:s13], [sflag:s12] =	dma.local [hbm:s7], $0x2780  }
0x18: {  	_ =	swait.ge [sflag:s10], $0x2780  }
0x19: {  	[sflag:s10] =	ssyncset.done $0x0  }
0x1a: {  	[sflag:s10] =	ssyncadd.s32 $0xFFFFD880  }
0x1b: {  	s18 =	simm.s32 $0x0;
	[bflag:$0x0] =	sbarrier.arrive $0xFFFF  }
0x1c: {  	[tilespmem:s15], [sflag:$0x1] =	stream.indirect.gather [hbm4b:s4+s14], $0x80, s18, s14, $0xb8;
	[tilespmem:$0x1CC00] =	vst v63  }
0x1d: {  	_ =	swait.ge [sflag:s16], $0x4000  }
0x1e: {  	[sflag:s16] =	ssyncset.done $0x0  }
0x1f: {  	s31 =	simm.s32 $0x2800;
	[sflag:s16] =	ssyncadd.s32 $0xFFFFC000  }
0x20: {  	[spmem:s2] =	stream.indirect.scatter.add.f32 [tilespmem:s15], [sflag:$0x2], $0x80, s31, s14, $0xb8;
	[tilespmem:$0x1CC00] =	vst v63  }
0x21: {  	_ =	swait.ge [sflag:s10], $0x4000  }
0x22: {  	s19 =	simm.s32 $0x400;
	s18 =	simm.s32 $0x200;
	[sflag:s10] =	ssyncset.done $0x0  }
.LBB2_2:
0x23: {  	s20 =	sshra.s32 s18, $0x2  }
0x24: {  	[sflag:s10] =	ssyncadd.s32 $0xFFFFC000;
	s18 =	smov.u32 s19;
	s21 =	sadd.s32 $0x200, s19  }
0x25: {  	[tilespmem:s15], [sflag:$0x1] =	stream.indirect.gather [hbm4b:s4+s14], $0x80, s20, s14, $0xb8;
	[tilespmem:$0x1CC00] =	vst v63  }
0x26: {  	p0 =	sne.s32 s19, $0x9C00;
	_ =	swait.ge [sflag:s16], $0x4000  }
.Ltmp0:
0x27: {  	[sflag:s16] =	ssyncset.done $0x0;
	(pc) =	sbr.rel @p0 .LBB2_2-.Ltmp0, $4  }
0x28: {  	s19 =	sadd.s32 $0x2800, s20;
	[sflag:s16] =	ssyncadd.s32 $0xFFFFC000  }
0x29: {  	[spmem:s2] =	stream.indirect.scatter.add.f32 [tilespmem:s15], [sflag:$0x2], $0x80, s19, s14, $0xb8;
	[tilespmem:$0x1CC00] =	vst v63  }
0x2a: {  	_ =	swait.ge [sflag:s10], $0x4000  }
0x2b: {  	s19 =	smov.u32 s21;
	[sflag:s10] =	ssyncset.done $0x0  }
0x2c: {  	s18 =	sshra.s32 s18, $0x2;
	[sflag:s10] =	ssyncadd.s32 $0xFFFFC000  }
0x2d: {  	[tilespmem:s15], [sflag:$0x1] =	stream.indirect.gather [hbm4b:s4+s14], $0x80, s18, s14, $0xb8;
	[tilespmem:$0x1CC00] =	vst v63  }
0x2e: {  	_ =	swait.ge [sflag:s16], $0x4000  }
0x2f: {  	[sflag:s16] =	ssyncset.done $0x0  }
0x30: {  	s18 =	sadd.s32 $0x2800, s18;
	[sflag:s16] =	ssyncadd.s32 $0xFFFFC000  }
0x31: {  	[spmem:s2] =	stream.indirect.scatter.add.f32 [tilespmem:s15], [sflag:$0x2], $0x80, s18, s14, $0xb8;
	[tilespmem:$0x1CC00] =	vst v63  }
0x32: {  	_ =	swait.ge [sflag:s10], $0x4000  }
0x33: {  	s17 =	sadd.s32 $0x1, s17;
	[sflag:s10] =	ssyncset.done $0x0  }
0x34: {  	p0 =	sne.s32 s17, s9;
	[sflag:s10] =	ssyncadd.s32 $0xFFFFC000  }
.Ltmp1:
0x35: {  	[bflag:$0x0] =	sbarrier.arrive $0xFFFF;
	(pc) =	sbr.rel @p0 .LBB2_1-.Ltmp1, $4  }
0x36: {  	[hbm:s8], [sflag:s12] =	dma.local [spmem:s13], $0x2780  }
0x37: {  	_ =	swait.ge [sflag:s10], $0x2780  }
0x38: {  	[sflag:s10] =	ssyncset.done $0x0  }
0x39: {  	[sflag:s10] =	ssyncadd.s32 $0xFFFFD880  }
0x3a: {  	_ =	sfence.sel $0x180000  }
0x3b: {  	[bflag:$0x0] =	sbarrier.arrive $0xFFFF  }
0x3c: {  	p0 =	sne.s32 s0, $0x0;
	_ =	strace $0x90000053  }
0x3d: {  	s0 =	sadd.s32 @!p0 $0x100000, s1;
	[bflag:$0x2] =	sbarrier.arrive $0xFFFF  }
0x3e: {  	[sflag:s0] =	ssyncadd.tile.s32 @!p0 $0x1;
	_ =	shalt  }
.Lfunc_end2:
_tile_overlayer_lowered:
.L_overlay_start_2:
0x3f: {  	(tag) =	ssettag $0x2  }
0x40: {  	s0 =	rddreg [dreg:$0x0];
	s2 =	stileid.u32  }
0x41: {  	s1 =	rddreg [dreg:$0x1];
	p0 =	sne.s32 s2, $0x0  }
0x42: {  	s3 =	rddreg [dreg:$0x2];
	[bflag:$0x3] =	sbarrier.arrive $0xFFFF;
	s2 =	simm.s32 @!p0 $0x1C02  }
0x43: {  	[timem:s3], [sflag:s2] =	dma.local @!p0 [hbm:s0], s1  }
0x44: {  	s0 =	simm.s32 @!p0 $0x2  }
0x45: {  	_ =	swait.ge @!p0 [sflag:s0], s1  }
0x46: {  	s1 =	ssub.s32 @!p0 $0x0, s1;
	[sflag:s0] =	ssyncset.done @!p0 $0x0  }
0x47: {  	[sflag:s0] =	ssyncadd.s32 @!p0 s1  }
0x48: {  	[bflag:$0x3] =	sbarrier.arrive $0xFFFF  }
0x49: {  	_ =	shalt  }

// kernel: kernel.48.cloned.1.call-start
scs
__scs_entry_jumppad:
0x0: {  	(pc) =	sbr.rel $0x88, $3  }
0x1: {  	(tag) =	ssettag $0x0;
	lr =	simm.s32 $0x1  }
0x2: {  	[smem:$0x3F85] =	sst lr;
	_ =	strace $0xD0000000  }
0x3: {  	_ = 	snop  }
0x4: {  	_ = 	snop  }
0x5: {  	_ = 	snop  }
0x6: {  	_ = 	snop  }
0x7: {  	_ = 	snop  }
__scs_overlays_trampoline_lowered:
0x8: {  	[smem:$0x3F94] =	sst s0  }
0x9: {  	[smem:$0x3F95] =	sst s1  }
0xa: {  	[smem:$0x3F96] =	sst s2  }
0xb: {  	[smem:$0x3F97] =	sst s3  }
0xc: {  	[smem:$0x3F98] =	sst s4  }
0xd: {  	[smem:$0x3F99] =	sst s5  }
0xe: {  	[smem:$0x3F9A] =	sst s6  }
0xf: {  	[smem:$0x3F9B] =	sst s7  }
0x10: {  	[smem:$0x3F9C] =	sst s8  }
0x11: {  	[smem:$0x3F9D] =	sst s9;
	s0 =	simm.s32 @!p0 $0x0  }
0x12: {  	s1 =	sld [smem:$0x3F83];
	s0 =	simm.s32 @p0 $0x1  }
0x13: {  	[smem:$0x3F9E] =	sst s0;
	s0 =	simm.s32 @!p1 $0x0  }
0x14: {  	s2 =	sld [smem:$0x3F82];
	s0 =	simm.s32 @p1 $0x1  }
0x15: {  	[smem:$0x3F9F] =	sst s0;
	s0 =	simm.s32 @!p2 $0x0  }
0x16: {  	s3 =	sld [smem:$0x3FDB];
	s0 =	simm.s32 @p2 $0x1  }
0x17: {  	s4 =	simm.s32 $0x1BF5;
	[smem:$0x3FA1] =	sst s0  }
0x18: {  	s0 =	sld [smem:$0x3F84];
	_ =	swait.ge [sflag:s4], $0x0  }
0x19: {  	s7 =	sld [smem:$0x3F85]  }
0x1a: {  	s8 =	sadd.s32 $0xFFFFE003, lr  }
0x1b: {  	s9 =	sadd.s32 $0xFFFFFEF7, lr;
	s5 =	simm.s32 $0xFFFFFFFF;
	p2 =	slt.u32 s8, $0xFFFFF086  }
0x1c: {  	p1 =	slt.u32 s9, $0xF7A;
	s5 =	simm.s32 @!p2 $0x0  }
0x1d: {  	s5 =	simm.s32 @p1 $0x1;
	p0 =	seq.s32 s7, s2  }
0x1e: {  	s7 =	smul.u32 @!p0 $0xF7A, s2;
	p2 =	seq.s32 @!p0 s5, $0x0  }
0x1f: {  	s9 =	smul.u32 $0xF7A, s1;
	s8 =	simm.s32 @!p0 $0x1BF5;
	p2 =	por !p2, p0  }
0x20: {  	[sflag:s8] =	ssyncset.s32 @!p0 $0xFFFFF086;
	s6 =	sadd.s32 @!p0 s3, s7;
	s7 =	simm.s32 @!p0 $0x108  }
0x21: {  	s3 =	sadd.s32 s3, s9;
	s6 =	sadd.s32 @!p0 $0x88, s6;
	s7 =	simm.s32 @p2 $0x1082  }
0x22: {  	[simem:s7], [sflag:s8] =	dma.local @!p0 [hbm:s6], $0xF7A  }
0x23: {  	s9 =	sor.u32 $0xD0000000, s2;
	s6 =	simm.s32 $0x108;
	_ =	swait.ge @!p0 [sflag:s8], $0x0  }
0x24: {  	s3 =	sadd.s32 $0x88, s3;
	s6 =	simm.s32 @!p1 $0x1082;
	[sflag:s4] =	ssyncset.s32 $0xFFFFF086  }
0x25: {  	[simem:s6], [sflag:s4] =	dma.local [hbm:s3], $0xF7A  }
0x26: {  	[smem:$0x3F85] =	sst s1;
	(tag) =	ssettag s2;
	_ =	strace s9  }
0x27: {  	s1 =	sld [smem:$0x3F95]  }
0x28: {  	s2 =	sld [smem:$0x3F96]  }
0x29: {  	s4 =	sld [smem:$0x3F98]  }
0x2a: {  	p0 =	seq.s32 s5, $0x0;
	s5 =	sld [smem:$0x3F99]  }
0x2b: {  	s6 =	sld [smem:$0x3F9A]  }
0x2c: {  	s7 =	sld [smem:$0x3F9B]  }
0x2d: {  	s3 =	simm.s32 $0x108;
	s8 =	sld [smem:$0x3F9C]  }
0x2e: {  	s3 =	simm.s32 @!p0 $0x1082;
	s9 =	sld [smem:$0x3F9D]  }
0x2f: {  	lr =	sadd.s32 s0, s3;
	s0 =	sld [smem:$0x3F94]  }
0x30: {  	s3 =	sld [smem:$0x3F97]  }
0x31: {  	[smem:$0x3FA0] =	sst s10  }
0x32: {  	s10 =	sld [smem:$0x3F9E];
	_ =	sdelay $0x3  }
0x33: {  	p0 =	seq.s32 s10, $0x1;
	s10 =	sld [smem:$0x3FA0];
	_ =	sdelay $0x3  }
0x34: {  	[smem:$0x3FA0] =	sst s10  }
0x35: {  	s10 =	sld [smem:$0x3F9F];
	_ =	sdelay $0x3  }
0x36: {  	p1 =	seq.s32 s10, $0x1;
	s10 =	sld [smem:$0x3FA0];
	_ =	sdelay $0x3  }
0x37: {  	[smem:$0x3FA0] =	sst s10  }
0x38: {  	s10 =	sld [smem:$0x3FA1]  }
0x39: {  	_ = 	snop;
	(pc) =	sbr.ind lr, $3  }
0x3a: {  	_ = 	snop  }
0x3b: {  	_ = 	snop  }
0x3c: {  	p2 =	seq.s32 s10, $0x1;
	s10 =	sld [smem:$0x3FA0]  }
0x3d: {  	_ =	shalt  }
0x3e: {  	_ =	shalt  }
0x3f: {  	_ =	shalt  }
0x40: {  	_ =	shalt  }
0x41: {  	_ =	shalt  }
0x42: {  	_ =	shalt  }
0x43: {  	_ =	shalt  }
0x44: {  	_ =	shalt  }
0x45: {  	_ =	shalt  }
0x46: {  	_ =	shalt  }
0x47: {  	_ =	shalt  }
0x48: {  	_ =	shalt  }
0x49: {  	_ =	shalt  }
0x4a: {  	_ =	shalt  }
0x4b: {  	_ =	shalt  }
0x4c: {  	_ =	shalt  }
0x4d: {  	_ =	shalt  }
0x4e: {  	_ =	shalt  }
0x4f: {  	_ =	shalt  }
0x50: {  	_ =	shalt  }
0x51: {  	_ =	shalt  }
0x52: {  	_ =	shalt  }
0x53: {  	_ =	shalt  }
0x54: {  	_ =	shalt  }
0x55: {  	_ =	shalt  }
0x56: {  	_ =	shalt  }
0x57: {  	_ =	shalt  }
0x58: {  	_ =	shalt  }
0x59: {  	_ =	shalt  }
0x5a: {  	_ =	shalt  }
0x5b: {  	_ =	shalt  }
0x5c: {  	_ =	shalt  }
0x5d: {  	_ =	shalt  }
0x5e: {  	_ =	shalt  }
0x5f: {  	_ =	shalt  }
0x60: {  	_ =	shalt  }
0x61: {  	_ =	shalt  }
0x62: {  	_ =	shalt  }
0x63: {  	_ =	shalt  }
0x64: {  	_ =	shalt  }
0x65: {  	_ =	shalt  }
0x66: {  	_ =	shalt  }
0x67: {  	_ =	shalt  }
0x68: {  	_ =	shalt  }
0x69: {  	_ =	shalt  }
0x6a: {  	_ =	shalt  }
0x6b: {  	_ =	shalt  }
0x6c: {  	_ =	shalt  }
0x6d: {  	_ =	shalt  }
0x6e: {  	_ =	shalt  }
0x6f: {  	_ =	shalt  }
0x70: {  	_ =	shalt  }
0x71: {  	_ =	shalt  }
0x72: {  	_ =	shalt  }
0x73: {  	_ =	shalt  }
0x74: {  	_ =	shalt  }
0x75: {  	_ =	shalt  }
0x76: {  	_ =	shalt  }
0x77: {  	_ =	shalt  }
0x78: {  	_ =	shalt  }
0x79: {  	_ =	shalt  }
0x7a: {  	_ =	shalt  }
0x7b: {  	_ =	shalt  }
0x7c: {  	_ =	shalt  }
0x7d: {  	_ =	shalt  }
0x7e: {  	_ =	shalt  }
0x7f: {  	_ =	shalt  }
0x80: {  	_ =	shalt  }
0x81: {  	_ =	shalt  }
0x82: {  	_ =	shalt  }
0x83: {  	_ =	shalt  }
0x84: {  	_ =	shalt  }
0x85: {  	_ =	shalt  }
0x86: {  	_ =	shalt  }
0x87: {  	_ =	shalt  }
.Lfunc_end0:
.L_simem_size_0:
called_computation.5_lowered:
.L_overlay_start_0:
0x88: {  	s2 =	sld [smem:$0x3FD9]  }
0x89: {  	s3 =	sld [smem:$0x3FFE];
	_ =	sdelay $0x1  }
0x8a: {  	s1 =	srdreg.scid  }
0x8b: {  	s0 =	sand.u32 $0x1, s1  }
0x8c: {  	s17 =	sshll.u32 s0, $0xA;
	s2 =	sadd.s32 s3, s2  }
0x8d: {  	s2 =	sadd.s32 s2, s17  }
0x8e: {  	[smem:$0x3FAC] =	sst s2  }
0x8f: {  	_ = 	snop  }
0x90: {  	(tm) =	ssettm $0x1  }
0x91: {  	s18 =	sld [smem:$0x3FFB];
	_ =	sdelay $0x3  }
0x92: {  	_ =	strace s18  }
0x93: {  	s2 =	sld [smem:$0x3FFC];
	_ =	sdelay $0x3  }
0x94: {  	_ =	strace s2  }
0x95: {  	s2 =	sld [smem:$0x3FFD];
	_ =	sdelay $0x3  }
0x96: {  	_ =	strace s2  }
0x97: {  	_ =	strace $0x8FFFFFFF  }
0x98: {  	s19 =	sld [smem:$0x3FDB];
	_ =	sdelay $0x1  }
0x99: {  	s20 =	simm.s32 $_scs_section_size  }
0x9a: {  	s4 =	simm.s32 $_size__tile_overlayer_lowered;
	s5 =	simm.s32 $_tile_overlayer_lowered  }
0x9b: {  	s6 =	simm.s32 $0x1BFF;
	s21 =	sshll.u32 s5, $0x1;
	s3 =	sadd.s32 s20, s19  }
0x9c: {  	s22 =	simm.s32 $0x0;
	s4 =	sshll.u32 s4, $0x1;
	s5 =	sadd.s32 s21, s3  }
0x9d: {  	[timem:s22], [sflag:s6] =	dma.local [hbm:s5], s4  }
0x9e: {  	_ =	swait.ge [sflag:s6], s4  }
0x9f: {  	s4 =	ssub.s32 $0x0, s4;
	[sflag:s6] =	ssyncset.done $0x0  }
0xa0: {  	[sflag:s6] =	ssyncadd.s32 s4;
	_ =	sdelay $0x1  }
0xa1: {  	s23 =	simm.s32 $0x1B8B  }
0xa2: {  	_ =	swait.ge [sflag:s23], $0x1  }
0xa3: {  	[sflag:s23] =	ssyncset.done $0x0  }
0xa4: {  	[sflag:s23] =	ssyncadd.s32 $0xFFFFFFFF  }
0xa5: {  	s4 =	sld [smem:$0x0]  }
0xa6: {  	s5 =	sand.u32 $0xFFFFFFFE, s1  }
0xa7: {  	p0 =	sne.s32 s1, s5  }
0xa8: {  	s5 =	sshll.u32 @p0 s5, $0xE  }
0xa9: {  	s5 =	sadd.s32 @p0 $0x11B8D, s5;
	s6 =	sshll.u32 @p0 s4, $0x11  }
0xaa: {  	s5 =	sor.u32 @p0 s6, s5  }
0xab: {  	[sflag:s5] =	ssyncadd.remote.s32 @p0 $0x1;
	_ =	sdelay $0x1  }
0xac: {  	s5 =	simm.s32 @p0 $0x1B8D  }
0xad: {  	_ =	swait.eq @p0 [sflag:s5], $0x1  }
0xae: {  	[sflag:s5] =	ssyncadd.s32 @p0 $0xFFFFFFFF  }
0xaf: {  	s6 =	sshll.u32 @!p0 s1, $0xE  }
0xb0: {  	s6 =	sor.u32 @!p0 $0x4000, s6;
	s5 =	simm.s32 @!p0 $0x1B8D  }
0xb1: {  	s4 =	sshll.u32 @!p0 s4, $0x11;
	s6 =	sadd.s32 @!p0 $0x11B8D, s6;
	_ =	swait.eq @!p0 [sflag:s5], $0x1  }
0xb2: {  	s4 =	sor.u32 @!p0 s4, s6;
	[sflag:s5] =	ssyncadd.s32 @!p0 $0xFFFFFFFF  }
0xb3: {  	s25 =	simm.s32 $0x1B8E;
	s24 =	sld [smem:$0x3FFE];
	[sflag:s4] =	ssyncadd.remote.s32 @!p0 $0x1  }
0xb4: {  	s26 =	simm.s32 $execute0_lowered;
	[smem:$0x3FD2] =	sst s25  }
0xb5: {  	s5 =	sshll.u32 s26, $0x1;
	_ =	strace $0x80000055;
	[dreg:$0x1] =	wrdreg $0xFFFFFFFF  }
0xb6: {  	s28 =	simm.s32 $_size_execute0_lowered;
	s3 =	sadd.s32 s3, s5;
	[dreg:$0x0] =	wrdreg $0x0  }
0xb7: {  	s5 =	sshll.u32 s28, $0x1;
	[dreg:$0x2] =	wrdreg s3  }
0xb8: {  	[dreg:$0x3] =	wrdreg s5  }
0xb9: {  	[dreg:$0x4] =	wrdreg $0xC0  }
0xba: {  	_ =	task [dreg:s22], $0x5FFFF  }
0xbb: {  	[dreg:$0x1] =	wrdreg $0xFFFFFFFF  }
0xbc: {  	[dreg:$0x0] =	wrdreg $0x60  }
0xbd: {  	[dreg:$0x2] =	wrdreg s24  }
0xbe: {  	[dreg:$0x3] =	wrdreg $0x90000  }
0xbf: {  	[dreg:$0x4] =	wrdreg $0x9  }
0xc0: {  	_ =	task.clear_ibuf [dreg:s22], $0x5FFFF;
	_ =	strace $0x90000055  }
0xc1: {  	s29 =	simm.s32 $0x9;
	_ =	strace $0x80000057  }
0xc2: {  	_ =	swait.ge [sflag:s29], $0x1  }
0xc3: {  	[sflag:s29] =	ssyncadd.s32 $0xFFFFFFFF  }
0xc4: {  	_ =	strace $0x90000057  }
0xc5: {  	_ =	sfence  }
0xc6: {  	s30 =	sld [smem:$0x0];
	_ =	sdelay $0x2  }
0xc7: {  	s31 =	sshll.u32 s1, $0xD;
	s1 =	sshrl.u32 s1, $0x2  }
0xc8: {  	s4 =	sand.u32 $0x4000, s31;
	s1 =	sadd.s32 s1, s30  }
0xc9: {  	s0 =	sor.u32 s4, s0;
	s1 =	sshll.u32 s1, $0x11  }
0xca: {  	s0 =	sor.u32 s1, s0  }
0xcb: {  	s0 =	sadd.s32 $0x8F2B, s0  }
0xcc: {  	[sflag:s0] =	ssyncadd.remote.s32 $0x1  }
0xcd: {  	_ =	sfence.sel $0xFFFF  }
0xce: {  	[dreg:$0x0] =	wrdreg $0xFFFFFFFF;
	(pc) =	sbr.abs _section_cstart, $3  }
0xcf: {  	[dreg:$0x1] =	wrdreg $0xFFFFFFFF  }
0xd0: {  	_ =	task.clear_ibuf [dreg:s22], $0x2FFFF;
	_ =	strace $0x9FFFFFFF  }
0xd1: {  	(tm) =	ssettm $0x7FFFFFFF  }
tec
execute0_lowered:
.L_overlay_start_1:
0x0: {  	(tag) =	ssettag $0x1  }
0x1: {  	s0 =	srdreg.scid;
	s6 =	rddreg [dreg:$0x0]  }
0x2: {  	s2 =	rddreg [dreg:$0x1];
	s3 =	simm.s32 $0x0;
	s14 =	simm.s32 $0x80  }
0x3: {  	s15 =	simm.s32 $0x5000;
	s5 =	sand.u32 $0x1, s0;
	s0 =	stileid.u32  }
0x4: {  	s16 =	simm.s32 $0x1;
	s17 =	simm.s32 $0x0;
	s8 =	smul.u32 $0x13C00, s0  }
0x5: {  	[smem:$0x7FF] =	sst s3;
	s1 =	sshll.u32 s5, $0x4;
	s9 =	smul.u32 $0x13C000, s5  }
0x6: {  	s5 =	ssub.s32 $0x2, s5;
	s31 =	smul.u32 $0x4F000, s0;
	s12 =	sshll.u32 s0, $0x6  }
0x7: {  	s4 =	sor.u32 s0, s1;
	s1 =	rddreg [dreg:$0x2];
	_ =	strace $0x80000056  }
0x8: {  	s11 =	sshrl.u32 s5, $0x1;
	s12 =	sor.u32 $0x1C02, s12;
	s7 =	smul.u32 $0x500, s4  }
0x9: {  	s4 =	sadd.s32 $0x171000, s6;
	s10 =	sshrl.u32 s8, $0x3;
	s8 =	sadd.s32 s8, s9  }
0xa: {  	s11 =	ssub.s32 s5, s11;
	s9 =	sshrl.u32 s31, $0x2;
	s10 =	sadd.s32 s10, s6  }
0xb: {  	s8 =	sshrl.u32 s8, $0x3;
	s13 =	sadd.s32 s9, s2;
	s9 =	smax.u32 s11, $0x1  }
0xc: {  	s11 =	simm.s32 $0x2800;
	s7 =	sadd.s32 s7, s6;
	s8 =	sadd.s32 s8, s6  }
0xd: {  	s13 =	sshrl.u32 s13, $0x3;
	s5 =	sadd.s32 $0x15D000, s7;
	s6 =	sadd.s32 $0x167000, s7  }
0xe: {  	s7 =	sadd.s32 $0xE6800, s10;
	s8 =	sadd.s32 $0x234600, s8;
	s10 =	simm.s32 $0x2  }
.LBB2_1:
0xf: {  	[tilespmem:s3], [sflag:$0x2] =	stream.linear.gather [hbm4b:s5+s3], $0x2780, $0x38;
	[tilespmem:$0x1CC00] =	vst v63  }
0x10: {  	_ =	swait.ge [sflag:s10], $0x2780  }
0x11: {  	[sflag:s10] =	ssyncset.done $0x0  }
0x12: {  	[sflag:s10] =	ssyncadd.s32 $0xFFFFD880  }
0x13: {  	[tilespmem:s11], [sflag:$0x2] =	stream.linear.gather [hbm4b:s6+s3], $0x2780, $0x38;
	[tilespmem:$0x1CC00] =	vst v63  }
0x14: {  	_ =	swait.ge [sflag:s10], $0x2780  }
0x15: {  	[sflag:s10] =	ssyncset.done $0x0  }
0x16: {  	[sflag:s10] =	ssyncadd.s32 $0xFFFFD880  }
0x17: {  	[spmem:s13], [sflag:s12] =	dma.local [hbm:s7], $0x2780  }
0x18: {  	_ =	swait.ge [sflag:s10], $0x2780  }
0x19: {  	[sflag:s10] =	ssyncset.done $0x0  }
0x1a: {  	[sflag:s10] =	ssyncadd.s32 $0xFFFFD880  }
0x1b: {  	s18 =	simm.s32 $0x0;
	[bflag:$0x0] =	sbarrier.arrive $0xFFFF  }
0x1c: {  	[tilespmem:s15], [sflag:$0x1] =	stream.indirect.gather [hbm4b:s4+s14], $0x80, s18, s14, $0xb8;
	[tilespmem:$0x1CC00] =	vst v63  }
0x1d: {  	_ =	swait.ge [sflag:s16], $0x4000  }
0x1e: {  	[sflag:s16] =	ssyncset.done $0x0  }
0x1f: {  	s31 =	simm.s32 $0x2800;
	[sflag:s16] =	ssyncadd.s32 $0xFFFFC000  }
0x20: {  	[spmem:s2] =	stream.indirect.scatter.add.f32 [tilespmem:s15], [sflag:$0x2], $0x80, s31, s14, $0xb8;
	[tilespmem:$0x1CC00] =	vst v63  }
0x21: {  	_ =	swait.ge [sflag:s10], $0x4000  }
0x22: {  	s19 =	simm.s32 $0x400;
	s18 =	simm.s32 $0x200;
	[sflag:s10] =	ssyncset.done $0x0  }
.LBB2_2:
0x23: {  	s20 =	sshra.s32 s18, $0x2  }
0x24: {  	[sflag:s10] =	ssyncadd.s32 $0xFFFFC000;
	s18 =	smov.u32 s19;
	s21 =	sadd.s32 $0x200, s19  }
0x25: {  	[tilespmem:s15], [sflag:$0x1] =	stream.indirect.gather [hbm4b:s4+s14], $0x80, s20, s14, $0xb8;
	[tilespmem:$0x1CC00] =	vst v63  }
0x26: {  	p0 =	sne.s32 s19, $0x9C00;
	_ =	swait.ge [sflag:s16], $0x4000  }
.Ltmp0:
0x27: {  	[sflag:s16] =	ssyncset.done $0x0;
	(pc) =	sbr.rel @p0 .LBB2_2-.Ltmp0, $4  }
0x28: {  	s19 =	sadd.s32 $0x2800, s20;
	[sflag:s16] =	ssyncadd.s32 $0xFFFFC000  }
0x29: {  	[spmem:s2] =	stream.indirect.scatter.add.f32 [tilespmem:s15], [sflag:$0x2], $0x80, s19, s14, $0xb8;
	[tilespmem:$0x1CC00] =	vst v63  }
0x2a: {  	_ =	swait.ge [sflag:s10], $0x4000  }
0x2b: {  	s19 =	smov.u32 s21;
	[sflag:s10] =	ssyncset.done $0x0  }
0x2c: {  	s18 =	sshra.s32 s18, $0x2;
	[sflag:s10] =	ssyncadd.s32 $0xFFFFC000  }
0x2d: {  	[tilespmem:s15], [sflag:$0x1] =	stream.indirect.gather [hbm4b:s4+s14], $0x80, s18, s14, $0xb8;
	[tilespmem:$0x1CC00] =	vst v63  }
0x2e: {  	_ =	swait.ge [sflag:s16], $0x4000  }
0x2f: {  	[sflag:s16] =	ssyncset.done $0x0  }
0x30: {  	s18 =	sadd.s32 $0x2800, s18;
	[sflag:s16] =	ssyncadd.s32 $0xFFFFC000  }
0x31: {  	[spmem:s2] =	stream.indirect.scatter.add.f32 [tilespmem:s15], [sflag:$0x2], $0x80, s18, s14, $0xb8;
	[tilespmem:$0x1CC00] =	vst v63  }
0x32: {  	_ =	swait.ge [sflag:s10], $0x4000  }
0x33: {  	s17 =	sadd.s32 $0x1, s17;
	[sflag:s10] =	ssyncset.done $0x0  }
0x34: {  	p0 =	sne.s32 s17, s9;
	[sflag:s10] =	ssyncadd.s32 $0xFFFFC000  }
.Ltmp1:
0x35: {  	[bflag:$0x0] =	sbarrier.arrive $0xFFFF;
	(pc) =	sbr.rel @p0 .LBB2_1-.Ltmp1, $4  }
0x36: {  	[hbm:s8], [sflag:s12] =	dma.local [spmem:s13], $0x2780  }
0x37: {  	_ =	swait.ge [sflag:s10], $0x2780  }
0x38: {  	[sflag:s10] =	ssyncset.done $0x0  }
0x39: {  	[sflag:s10] =	ssyncadd.s32 $0xFFFFD880  }
0x3a: {  	_ =	sfence.sel $0x180000  }
0x3b: {  	[bflag:$0x0] =	sbarrier.arrive $0xFFFF  }
0x3c: {  	p0 =	sne.s32 s0, $0x0;
	_ =	strace $0x90000056  }
0x3d: {  	s0 =	sadd.s32 @!p0 $0x100000, s1;
	[bflag:$0x2] =	sbarrier.arrive $0xFFFF  }
0x3e: {  	[sflag:s0] =	ssyncadd.tile.s32 @!p0 $0x1;
	_ =	shalt  }
.Lfunc_end2:
_tile_overlayer_lowered:
.L_overlay_start_2:
0x3f: {  	(tag) =	ssettag $0x2  }
0x40: {  	s0 =	rddreg [dreg:$0x0];
	s2 =	stileid.u32  }
0x41: {  	s1 =	rddreg [dreg:$0x1];
	p0 =	sne.s32 s2, $0x0  }
0x42: {  	s3 =	rddreg [dreg:$0x2];
	[bflag:$0x3] =	sbarrier.arrive $0xFFFF;
	s2 =	simm.s32 @!p0 $0x1C02  }
0x43: {  	[timem:s3], [sflag:s2] =	dma.local @!p0 [hbm:s0], s1  }
0x44: {  	s0 =	simm.s32 @!p0 $0x2  }
0x45: {  	_ =	swait.ge @!p0 [sflag:s0], s1  }
0x46: {  	s1 =	ssub.s32 @!p0 $0x0, s1;
	[sflag:s0] =	ssyncset.done @!p0 $0x0  }
0x47: {  	[sflag:s0] =	ssyncadd.s32 @!p0 s1  }
0x48: {  	[bflag:$0x3] =	sbarrier.arrive $0xFFFF  }
0x49: {  	_ =	shalt  }

// kernel: kernel.51.cloned.1.call-start
scs
__scs_entry_jumppad:
0x0: {  	(pc) =	sbr.rel $0x88, $3  }
0x1: {  	(tag) =	ssettag $0x0;
	lr =	simm.s32 $0x1  }
0x2: {  	[smem:$0x3F85] =	sst lr;
	_ =	strace $0xD0000000  }
0x3: {  	_ = 	snop  }
0x4: {  	_ = 	snop  }
0x5: {  	_ = 	snop  }
0x6: {  	_ = 	snop  }
0x7: {  	_ = 	snop  }
__scs_overlays_trampoline_lowered:
0x8: {  	[smem:$0x3F94] =	sst s0  }
0x9: {  	[smem:$0x3F95] =	sst s1  }
0xa: {  	[smem:$0x3F96] =	sst s2  }
0xb: {  	[smem:$0x3F97] =	sst s3  }
0xc: {  	[smem:$0x3F98] =	sst s4  }
0xd: {  	[smem:$0x3F99] =	sst s5  }
0xe: {  	[smem:$0x3F9A] =	sst s6  }
0xf: {  	[smem:$0x3F9B] =	sst s7  }
0x10: {  	[smem:$0x3F9C] =	sst s8  }
0x11: {  	[smem:$0x3F9D] =	sst s9;
	s0 =	simm.s32 @!p0 $0x0  }
0x12: {  	s1 =	sld [smem:$0x3F83];
	s0 =	simm.s32 @p0 $0x1  }
0x13: {  	[smem:$0x3F9E] =	sst s0;
	s0 =	simm.s32 @!p1 $0x0  }
0x14: {  	s2 =	sld [smem:$0x3F82];
	s0 =	simm.s32 @p1 $0x1  }
0x15: {  	[smem:$0x3F9F] =	sst s0;
	s0 =	simm.s32 @!p2 $0x0  }
0x16: {  	s3 =	sld [smem:$0x3FDB];
	s0 =	simm.s32 @p2 $0x1  }
0x17: {  	s4 =	simm.s32 $0x1BF5;
	[smem:$0x3FA1] =	sst s0  }
0x18: {  	s0 =	sld [smem:$0x3F84];
	_ =	swait.ge [sflag:s4], $0x0  }
0x19: {  	s7 =	sld [smem:$0x3F85]  }
0x1a: {  	s8 =	sadd.s32 $0xFFFFE003, lr  }
0x1b: {  	s9 =	sadd.s32 $0xFFFFFEF7, lr;
	s5 =	simm.s32 $0xFFFFFFFF;
	p2 =	slt.u32 s8, $0xFFFFF086  }
0x1c: {  	p1 =	slt.u32 s9, $0xF7A;
	s5 =	simm.s32 @!p2 $0x0  }
0x1d: {  	s5 =	simm.s32 @p1 $0x1;
	p0 =	seq.s32 s7, s2  }
0x1e: {  	s7 =	smul.u32 @!p0 $0xF7A, s2;
	p2 =	seq.s32 @!p0 s5, $0x0  }
0x1f: {  	s9 =	smul.u32 $0xF7A, s1;
	s8 =	simm.s32 @!p0 $0x1BF5;
	p2 =	por !p2, p0  }
0x20: {  	[sflag:s8] =	ssyncset.s32 @!p0 $0xFFFFF086;
	s6 =	sadd.s32 @!p0 s3, s7;
	s7 =	simm.s32 @!p0 $0x108  }
0x21: {  	s3 =	sadd.s32 s3, s9;
	s6 =	sadd.s32 @!p0 $0x88, s6;
	s7 =	simm.s32 @p2 $0x1082  }
0x22: {  	[simem:s7], [sflag:s8] =	dma.local @!p0 [hbm:s6], $0xF7A  }
0x23: {  	s9 =	sor.u32 $0xD0000000, s2;
	s6 =	simm.s32 $0x108;
	_ =	swait.ge @!p0 [sflag:s8], $0x0  }
0x24: {  	s3 =	sadd.s32 $0x88, s3;
	s6 =	simm.s32 @!p1 $0x1082;
	[sflag:s4] =	ssyncset.s32 $0xFFFFF086  }
0x25: {  	[simem:s6], [sflag:s4] =	dma.local [hbm:s3], $0xF7A  }
0x26: {  	[smem:$0x3F85] =	sst s1;
	(tag) =	ssettag s2;
	_ =	strace s9  }
0x27: {  	s1 =	sld [smem:$0x3F95]  }
0x28: {  	s2 =	sld [smem:$0x3F96]  }
0x29: {  	s4 =	sld [smem:$0x3F98]  }
0x2a: {  	p0 =	seq.s32 s5, $0x0;
	s5 =	sld [smem:$0x3F99]  }
0x2b: {  	s6 =	sld [smem:$0x3F9A]  }
0x2c: {  	s7 =	sld [smem:$0x3F9B]  }
0x2d: {  	s3 =	simm.s32 $0x108;
	s8 =	sld [smem:$0x3F9C]  }
0x2e: {  	s3 =	simm.s32 @!p0 $0x1082;
	s9 =	sld [smem:$0x3F9D]  }
0x2f: {  	lr =	sadd.s32 s0, s3;
	s0 =	sld [smem:$0x3F94]  }
0x30: {  	s3 =	sld [smem:$0x3F97]  }
0x31: {  	[smem:$0x3FA0] =	sst s10  }
0x32: {  	s10 =	sld [smem:$0x3F9E];
	_ =	sdelay $0x3  }
0x33: {  	p0 =	seq.s32 s10, $0x1;
	s10 =	sld [smem:$0x3FA0];
	_ =	sdelay $0x3  }
0x34: {  	[smem:$0x3FA0] =	sst s10  }
0x35: {  	s10 =	sld [smem:$0x3F9F];
	_ =	sdelay $0x3  }
0x36: {  	p1 =	seq.s32 s10, $0x1;
	s10 =	sld [smem:$0x3FA0];
	_ =	sdelay $0x3  }
0x37: {  	[smem:$0x3FA0] =	sst s10  }
0x38: {  	s10 =	sld [smem:$0x3FA1]  }
0x39: {  	_ = 	snop;
	(pc) =	sbr.ind lr, $3  }
0x3a: {  	_ = 	snop  }
0x3b: {  	_ = 	snop  }
0x3c: {  	p2 =	seq.s32 s10, $0x1;
	s10 =	sld [smem:$0x3FA0]  }
0x3d: {  	_ =	shalt  }
0x3e: {  	_ =	shalt  }
0x3f: {  	_ =	shalt  }
0x40: {  	_ =	shalt  }
0x41: {  	_ =	shalt  }
0x42: {  	_ =	shalt  }
0x43: {  	_ =	shalt  }
0x44: {  	_ =	shalt  }
0x45: {  	_ =	shalt  }
0x46: {  	_ =	shalt  }
0x47: {  	_ =	shalt  }
0x48: {  	_ =	shalt  }
0x49: {  	_ =	shalt  }
0x4a: {  	_ =	shalt  }
0x4b: {  	_ =	shalt  }
0x4c: {  	_ =	shalt  }
0x4d: {  	_ =	shalt  }
0x4e: {  	_ =	shalt  }
0x4f: {  	_ =	shalt  }
0x50: {  	_ =	shalt  }
0x51: {  	_ =	shalt  }
0x52: {  	_ =	shalt  }
0x53: {  	_ =	shalt  }
0x54: {  	_ =	shalt  }
0x55: {  	_ =	shalt  }
0x56: {  	_ =	shalt  }
0x57: {  	_ =	shalt  }
0x58: {  	_ =	shalt  }
0x59: {  	_ =	shalt  }
0x5a: {  	_ =	shalt  }
0x5b: {  	_ =	shalt  }
0x5c: {  	_ =	shalt  }
0x5d: {  	_ =	shalt  }
0x5e: {  	_ =	shalt  }
0x5f: {  	_ =	shalt  }
0x60: {  	_ =	shalt  }
0x61: {  	_ =	shalt  }
0x62: {  	_ =	shalt  }
0x63: {  	_ =	shalt  }
0x64: {  	_ =	shalt  }
0x65: {  	_ =	shalt  }
0x66: {  	_ =	shalt  }
0x67: {  	_ =	shalt  }
0x68: {  	_ =	shalt  }
0x69: {  	_ =	shalt  }
0x6a: {  	_ =	shalt  }
0x6b: {  	_ =	shalt  }
0x6c: {  	_ =	shalt  }
0x6d: {  	_ =	shalt  }
0x6e: {  	_ =	shalt  }
0x6f: {  	_ =	shalt  }
0x70: {  	_ =	shalt  }
0x71: {  	_ =	shalt  }
0x72: {  	_ =	shalt  }
0x73: {  	_ =	shalt  }
0x74: {  	_ =	shalt  }
0x75: {  	_ =	shalt  }
0x76: {  	_ =	shalt  }
0x77: {  	_ =	shalt  }
0x78: {  	_ =	shalt  }
0x79: {  	_ =	shalt  }
0x7a: {  	_ =	shalt  }
0x7b: {  	_ =	shalt  }
0x7c: {  	_ =	shalt  }
0x7d: {  	_ =	shalt  }
0x7e: {  	_ =	shalt  }
0x7f: {  	_ =	shalt  }
0x80: {  	_ =	shalt  }
0x81: {  	_ =	shalt  }
0x82: {  	_ =	shalt  }
0x83: {  	_ =	shalt  }
0x84: {  	_ =	shalt  }
0x85: {  	_ =	shalt  }
0x86: {  	_ =	shalt  }
0x87: {  	_ =	shalt  }
.Lfunc_end0:
.L_simem_size_0:
called_computation.6_lowered:
.L_overlay_start_0:
0x88: {  	s2 =	sld [smem:$0x3FD9]  }
0x89: {  	s3 =	sld [smem:$0x3FFE];
	_ =	sdelay $0x1  }
0x8a: {  	s1 =	srdreg.scid  }
0x8b: {  	s0 =	sand.u32 $0x1, s1  }
0x8c: {  	s17 =	sshll.u32 s0, $0xA;
	s2 =	sadd.s32 s3, s2  }
0x8d: {  	s2 =	sadd.s32 s2, s17  }
0x8e: {  	[smem:$0x3FAC] =	sst s2  }
0x8f: {  	_ = 	snop  }
0x90: {  	(tm) =	ssettm $0x1  }
0x91: {  	s18 =	sld [smem:$0x3FFB];
	_ =	sdelay $0x3  }
0x92: {  	_ =	strace s18  }
0x93: {  	s2 =	sld [smem:$0x3FFC];
	_ =	sdelay $0x3  }
0x94: {  	_ =	strace s2  }
0x95: {  	s2 =	sld [smem:$0x3FFD];
	_ =	sdelay $0x3  }
0x96: {  	_ =	strace s2  }
0x97: {  	_ =	strace $0x8FFFFFFF  }
0x98: {  	s19 =	sld [smem:$0x3FDB];
	_ =	sdelay $0x1  }
0x99: {  	s20 =	simm.s32 $_scs_section_size  }
0x9a: {  	s4 =	simm.s32 $_size__tile_overlayer_lowered;
	s5 =	simm.s32 $_tile_overlayer_lowered  }
0x9b: {  	s6 =	simm.s32 $0x1BFF;
	s21 =	sshll.u32 s5, $0x1;
	s3 =	sadd.s32 s20, s19  }
0x9c: {  	s22 =	simm.s32 $0x0;
	s4 =	sshll.u32 s4, $0x1;
	s5 =	sadd.s32 s21, s3  }
0x9d: {  	[timem:s22], [sflag:s6] =	dma.local [hbm:s5], s4  }
0x9e: {  	_ =	swait.ge [sflag:s6], s4  }
0x9f: {  	s4 =	ssub.s32 $0x0, s4;
	[sflag:s6] =	ssyncset.done $0x0  }
0xa0: {  	[sflag:s6] =	ssyncadd.s32 s4;
	_ =	sdelay $0x1  }
0xa1: {  	s23 =	simm.s32 $0x1B8B  }
0xa2: {  	_ =	swait.ge [sflag:s23], $0x1  }
0xa3: {  	[sflag:s23] =	ssyncset.done $0x0  }
0xa4: {  	[sflag:s23] =	ssyncadd.s32 $0xFFFFFFFF  }
0xa5: {  	s4 =	sld [smem:$0x0]  }
0xa6: {  	s5 =	sand.u32 $0xFFFFFFFE, s1  }
0xa7: {  	p0 =	sne.s32 s1, s5  }
0xa8: {  	s5 =	sshll.u32 @p0 s5, $0xE  }
0xa9: {  	s5 =	sadd.s32 @p0 $0x11B8D, s5;
	s6 =	sshll.u32 @p0 s4, $0x11  }
0xaa: {  	s5 =	sor.u32 @p0 s6, s5  }
0xab: {  	[sflag:s5] =	ssyncadd.remote.s32 @p0 $0x1;
	_ =	sdelay $0x1  }
0xac: {  	s5 =	simm.s32 @p0 $0x1B8D  }
0xad: {  	_ =	swait.eq @p0 [sflag:s5], $0x1  }
0xae: {  	[sflag:s5] =	ssyncadd.s32 @p0 $0xFFFFFFFF  }
0xaf: {  	s6 =	sshll.u32 @!p0 s1, $0xE  }
0xb0: {  	s6 =	sor.u32 @!p0 $0x4000, s6;
	s5 =	simm.s32 @!p0 $0x1B8D  }
0xb1: {  	s4 =	sshll.u32 @!p0 s4, $0x11;
	s6 =	sadd.s32 @!p0 $0x11B8D, s6;
	_ =	swait.eq @!p0 [sflag:s5], $0x1  }
0xb2: {  	s4 =	sor.u32 @!p0 s4, s6;
	[sflag:s5] =	ssyncadd.s32 @!p0 $0xFFFFFFFF  }
0xb3: {  	s25 =	simm.s32 $0x1B8E;
	s24 =	sld [smem:$0x3FFE];
	[sflag:s4] =	ssyncadd.remote.s32 @!p0 $0x1  }
0xb4: {  	s26 =	simm.s32 $execute0_lowered;
	[smem:$0x3FD2] =	sst s25  }
0xb5: {  	s5 =	sshll.u32 s26, $0x1;
	_ =	strace $0x80000058;
	[dreg:$0x1] =	wrdreg $0xFFFFFFFF  }
0xb6: {  	s28 =	simm.s32 $_size_execute0_lowered;
	s3 =	sadd.s32 s3, s5;
	[dreg:$0x0] =	wrdreg $0x0  }
0xb7: {  	s5 =	sshll.u32 s28, $0x1;
	[dreg:$0x2] =	wrdreg s3  }
0xb8: {  	[dreg:$0x3] =	wrdreg s5  }
0xb9: {  	[dreg:$0x4] =	wrdreg $0xC0  }
0xba: {  	_ =	task [dreg:s22], $0x5FFFF  }
0xbb: {  	[dreg:$0x1] =	wrdreg $0xFFFFFFFF  }
0xbc: {  	[dreg:$0x0] =	wrdreg $0x60  }
0xbd: {  	[dreg:$0x2] =	wrdreg s24  }
0xbe: {  	[dreg:$0x3] =	wrdreg $0x90000  }
0xbf: {  	[dreg:$0x4] =	wrdreg $0xA  }
0xc0: {  	_ =	task.clear_ibuf [dreg:s22], $0x5FFFF;
	_ =	strace $0x90000058  }
0xc1: {  	s29 =	simm.s32 $0xA;
	_ =	strace $0x8000005A  }
0xc2: {  	_ =	swait.ge [sflag:s29], $0x1  }
0xc3: {  	[sflag:s29] =	ssyncadd.s32 $0xFFFFFFFF  }
0xc4: {  	_ =	strace $0x9000005A  }
0xc5: {  	_ =	sfence  }
0xc6: {  	s30 =	sld [smem:$0x0];
	_ =	sdelay $0x2  }
0xc7: {  	s31 =	sshll.u32 s1, $0xD;
	s1 =	sshrl.u32 s1, $0x2  }
0xc8: {  	s4 =	sand.u32 $0x4000, s31;
	s1 =	sadd.s32 s1, s30  }
0xc9: {  	s0 =	sor.u32 s4, s0;
	s1 =	sshll.u32 s1, $0x11  }
0xca: {  	s0 =	sor.u32 s1, s0  }
0xcb: {  	s0 =	sadd.s32 $0x8F2B, s0  }
0xcc: {  	[sflag:s0] =	ssyncadd.remote.s32 $0x1  }
0xcd: {  	_ =	sfence.sel $0xFFFF  }
0xce: {  	[dreg:$0x0] =	wrdreg $0xFFFFFFFF;
	(pc) =	sbr.abs _section_cstart, $3  }
0xcf: {  	[dreg:$0x1] =	wrdreg $0xFFFFFFFF  }
0xd0: {  	_ =	task.clear_ibuf [dreg:s22], $0x2FFFF;
	_ =	strace $0x9FFFFFFF  }
0xd1: {  	(tm) =	ssettm $0x7FFFFFFF  }
tec
execute0_lowered:
.L_overlay_start_1:
0x0: {  	(tag) =	ssettag $0x1  }
0x1: {  	s0 =	srdreg.scid;
	s6 =	rddreg [dreg:$0x0]  }
0x2: {  	s2 =	rddreg [dreg:$0x1];
	s3 =	simm.s32 $0x0;
	s14 =	simm.s32 $0x80  }
0x3: {  	s15 =	simm.s32 $0x5000;
	s5 =	sand.u32 $0x1, s0;
	s0 =	stileid.u32  }
0x4: {  	s16 =	simm.s32 $0x1;
	s17 =	simm.s32 $0x0;
	s8 =	smul.u32 $0x13C00, s0  }
0x5: {  	[smem:$0x7FF] =	sst s3;
	s1 =	sshll.u32 s5, $0x4;
	s9 =	smul.u32 $0x13C000, s5  }
0x6: {  	s5 =	ssub.s32 $0x2, s5;
	s31 =	smul.u32 $0x4F000, s0;
	s12 =	sshll.u32 s0, $0x6  }
0x7: {  	s4 =	sor.u32 s0, s1;
	s1 =	rddreg [dreg:$0x2];
	_ =	strace $0x80000059  }
0x8: {  	s11 =	sshrl.u32 s5, $0x1;
	s12 =	sor.u32 $0x1C02, s12;
	s7 =	smul.u32 $0x500, s4  }
0x9: {  	s4 =	sadd.s32 $0x23200, s6;
	s10 =	sshrl.u32 s8, $0x3;
	s8 =	sadd.s32 s8, s9  }
0xa: {  	s11 =	ssub.s32 s5, s11;
	s9 =	sshrl.u32 s31, $0x2;
	s10 =	sadd.s32 s10, s6  }
0xb: {  	s8 =	sshrl.u32 s8, $0x3;
	s13 =	sadd.s32 s9, s2;
	s9 =	smax.u32 s11, $0x1  }
0xc: {  	s11 =	simm.s32 $0x2800;
	s7 =	sadd.s32 s7, s6;
	s8 =	sadd.s32 s8, s6  }
0xd: {  	s13 =	sshrl.u32 s13, $0x3;
	s5 =	sadd.s32 $0xF200, s7;
	s6 =	sadd.s32 $0x19200, s7  }
0xe: {  	s7 =	sadd.s32 $0xE6800, s10;
	s8 =	sadd.s32 $0x283600, s8;
	s10 =	simm.s32 $0x2  }
.LBB2_1:
0xf: {  	[tilespmem:s3], [sflag:$0x2] =	stream.linear.gather [hbm4b:s5+s3], $0x2780, $0x38;
	[tilespmem:$0x1CC00] =	vst v63  }
0x10: {  	_ =	swait.ge [sflag:s10], $0x2780  }
0x11: {  	[sflag:s10] =	ssyncset.done $0x0  }
0x12: {  	[sflag:s10] =	ssyncadd.s32 $0xFFFFD880  }
0x13: {  	[tilespmem:s11], [sflag:$0x2] =	stream.linear.gather [hbm4b:s6+s3], $0x2780, $0x38;
	[tilespmem:$0x1CC00] =	vst v63  }
0x14: {  	_ =	swait.ge [sflag:s10], $0x2780  }
0x15: {  	[sflag:s10] =	ssyncset.done $0x0  }
0x16: {  	[sflag:s10] =	ssyncadd.s32 $0xFFFFD880  }
0x17: {  	[spmem:s13], [sflag:s12] =	dma.local [hbm:s7], $0x2780  }
0x18: {  	_ =	swait.ge [sflag:s10], $0x2780  }
0x19: {  	[sflag:s10] =	ssyncset.done $0x0  }
0x1a: {  	[sflag:s10] =	ssyncadd.s32 $0xFFFFD880  }
0x1b: {  	s18 =	simm.s32 $0x0;
	[bflag:$0x0] =	sbarrier.arrive $0xFFFF  }
0x1c: {  	[tilespmem:s15], [sflag:$0x1] =	stream.indirect.gather [hbm4b:s4+s14], $0x80, s18, s14, $0xb8;
	[tilespmem:$0x1CC00] =	vst v63  }
0x1d: {  	_ =	swait.ge [sflag:s16], $0x4000  }
0x1e: {  	[sflag:s16] =	ssyncset.done $0x0  }
0x1f: {  	s31 =	simm.s32 $0x2800;
	[sflag:s16] =	ssyncadd.s32 $0xFFFFC000  }
0x20: {  	[spmem:s2] =	stream.indirect.scatter.add.f32 [tilespmem:s15], [sflag:$0x2], $0x80, s31, s14, $0xb8;
	[tilespmem:$0x1CC00] =	vst v63  }
0x21: {  	_ =	swait.ge [sflag:s10], $0x4000  }
0x22: {  	s19 =	simm.s32 $0x400;
	s18 =	simm.s32 $0x200;
	[sflag:s10] =	ssyncset.done $0x0  }
.LBB2_2:
0x23: {  	s20 =	sshra.s32 s18, $0x2  }
0x24: {  	[sflag:s10] =	ssyncadd.s32 $0xFFFFC000;
	s18 =	smov.u32 s19;
	s21 =	sadd.s32 $0x200, s19  }
0x25: {  	[tilespmem:s15], [sflag:$0x1] =	stream.indirect.gather [hbm4b:s4+s14], $0x80, s20, s14, $0xb8;
	[tilespmem:$0x1CC00] =	vst v63  }
0x26: {  	p0 =	sne.s32 s19, $0x9C00;
	_ =	swait.ge [sflag:s16], $0x4000  }
.Ltmp0:
0x27: {  	[sflag:s16] =	ssyncset.done $0x0;
	(pc) =	sbr.rel @p0 .LBB2_2-.Ltmp0, $4  }
0x28: {  	s19 =	sadd.s32 $0x2800, s20;
	[sflag:s16] =	ssyncadd.s32 $0xFFFFC000  }
0x29: {  	[spmem:s2] =	stream.indirect.scatter.add.f32 [tilespmem:s15], [sflag:$0x2], $0x80, s19, s14, $0xb8;
	[tilespmem:$0x1CC00] =	vst v63  }
0x2a: {  	_ =	swait.ge [sflag:s10], $0x4000  }
0x2b: {  	s19 =	smov.u32 s21;
	[sflag:s10] =	ssyncset.done $0x0  }
0x2c: {  	s18 =	sshra.s32 s18, $0x2;
	[sflag:s10] =	ssyncadd.s32 $0xFFFFC000  }
0x2d: {  	[tilespmem:s15], [sflag:$0x1] =	stream.indirect.gather [hbm4b:s4+s14], $0x80, s18, s14, $0xb8;
	[tilespmem:$0x1CC00] =	vst v63  }
0x2e: {  	_ =	swait.ge [sflag:s16], $0x4000  }
0x2f: {  	[sflag:s16] =	ssyncset.done $0x0  }
0x30: {  	s18 =	sadd.s32 $0x2800, s18;
	[sflag:s16] =	ssyncadd.s32 $0xFFFFC000  }
0x31: {  	[spmem:s2] =	stream.indirect.scatter.add.f32 [tilespmem:s15], [sflag:$0x2], $0x80, s18, s14, $0xb8;
	[tilespmem:$0x1CC00] =	vst v63  }
0x32: {  	_ =	swait.ge [sflag:s10], $0x4000  }
0x33: {  	s17 =	sadd.s32 $0x1, s17;
	[sflag:s10] =	ssyncset.done $0x0  }
0x34: {  	p0 =	sne.s32 s17, s9;
	[sflag:s10] =	ssyncadd.s32 $0xFFFFC000  }
.Ltmp1:
0x35: {  	[bflag:$0x0] =	sbarrier.arrive $0xFFFF;
	(pc) =	sbr.rel @p0 .LBB2_1-.Ltmp1, $4  }
0x36: {  	[hbm:s8], [sflag:s12] =	dma.local [spmem:s13], $0x2780  }
0x37: {  	_ =	swait.ge [sflag:s10], $0x2780  }
0x38: {  	[sflag:s10] =	ssyncset.done $0x0  }
0x39: {  	[sflag:s10] =	ssyncadd.s32 $0xFFFFD880  }
0x3a: {  	_ =	sfence.sel $0x180000  }
0x3b: {  	[bflag:$0x0] =	sbarrier.arrive $0xFFFF  }
0x3c: {  	p0 =	sne.s32 s0, $0x0;
	_ =	strace $0x90000059  }
0x3d: {  	s0 =	sadd.s32 @!p0 $0x100000, s1;
	[bflag:$0x2] =	sbarrier.arrive $0xFFFF  }
0x3e: {  	[sflag:s0] =	ssyncadd.tile.s32 @!p0 $0x1;
	_ =	shalt  }
.Lfunc_end2:
_tile_overlayer_lowered:
.L_overlay_start_2:
0x3f: {  	(tag) =	ssettag $0x2  }
0x40: {  	s0 =	rddreg [dreg:$0x0];
	s2 =	stileid.u32  }
0x41: {  	s1 =	rddreg [dreg:$0x1];
	p0 =	sne.s32 s2, $0x0  }
0x42: {  	s3 =	rddreg [dreg:$0x2];
	[bflag:$0x3] =	sbarrier.arrive $0xFFFF;
	s2 =	simm.s32 @!p0 $0x1C02  }
0x43: {  	[timem:s3], [sflag:s2] =	dma.local @!p0 [hbm:s0], s1  }
0x44: {  	s0 =	simm.s32 @!p0 $0x2  }
0x45: {  	_ =	swait.ge @!p0 [sflag:s0], s1  }
0x46: {  	s1 =	ssub.s32 @!p0 $0x0, s1;
	[sflag:s0] =	ssyncset.done @!p0 $0x0  }
0x47: {  	[sflag:s0] =	ssyncadd.s32 @!p0 s1  }
0x48: {  	[bflag:$0x3] =	sbarrier.arrive $0xFFFF  }
0x49: {  	_ =	shalt  }

// kernel: kernel.54.cloned.1.call-start
scs
__scs_entry_jumppad:
0x0: {  	(pc) =	sbr.rel $0x88, $3  }
0x1: {  	(tag) =	ssettag $0x0;
	lr =	simm.s32 $0x1  }
0x2: {  	[smem:$0x3F85] =	sst lr;
	_ =	strace $0xD0000000  }
0x3: {  	_ = 	snop  }
0x4: {  	_ = 	snop  }
0x5: {  	_ = 	snop  }
0x6: {  	_ = 	snop  }
0x7: {  	_ = 	snop  }
__scs_overlays_trampoline_lowered:
0x8: {  	[smem:$0x3F94] =	sst s0  }
0x9: {  	[smem:$0x3F95] =	sst s1  }
0xa: {  	[smem:$0x3F96] =	sst s2  }
0xb: {  	[smem:$0x3F97] =	sst s3  }
0xc: {  	[smem:$0x3F98] =	sst s4  }
0xd: {  	[smem:$0x3F99] =	sst s5  }
0xe: {  	[smem:$0x3F9A] =	sst s6  }
0xf: {  	[smem:$0x3F9B] =	sst s7  }
0x10: {  	[smem:$0x3F9C] =	sst s8  }
0x11: {  	[smem:$0x3F9D] =	sst s9;
	s0 =	simm.s32 @!p0 $0x0  }
0x12: {  	s1 =	sld [smem:$0x3F83];
	s0 =	simm.s32 @p0 $0x1  }
0x13: {  	[smem:$0x3F9E] =	sst s0;
	s0 =	simm.s32 @!p1 $0x0  }
0x14: {  	s2 =	sld [smem:$0x3F82];
	s0 =	simm.s32 @p1 $0x1  }
0x15: {  	[smem:$0x3F9F] =	sst s0;
	s0 =	simm.s32 @!p2 $0x0  }
0x16: {  	s3 =	sld [smem:$0x3FDB];
	s0 =	simm.s32 @p2 $0x1  }
0x17: {  	s4 =	simm.s32 $0x1BF5;
	[smem:$0x3FA1] =	sst s0  }
0x18: {  	s0 =	sld [smem:$0x3F84];
	_ =	swait.ge [sflag:s4], $0x0  }
0x19: {  	s7 =	sld [smem:$0x3F85]  }
0x1a: {  	s8 =	sadd.s32 $0xFFFFE003, lr  }
0x1b: {  	s9 =	sadd.s32 $0xFFFFFEF7, lr;
	s5 =	simm.s32 $0xFFFFFFFF;
	p2 =	slt.u32 s8, $0xFFFFF086  }
0x1c: {  	p1 =	slt.u32 s9, $0xF7A;
	s5 =	simm.s32 @!p2 $0x0  }
0x1d: {  	s5 =	simm.s32 @p1 $0x1;
	p0 =	seq.s32 s7, s2  }
0x1e: {  	s7 =	smul.u32 @!p0 $0xF7A, s2;
	p2 =	seq.s32 @!p0 s5, $0x0  }
0x1f: {  	s9 =	smul.u32 $0xF7A, s1;
	s8 =	simm.s32 @!p0 $0x1BF5;
	p2 =	por !p2, p0  }
0x20: {  	[sflag:s8] =	ssyncset.s32 @!p0 $0xFFFFF086;
	s6 =	sadd.s32 @!p0 s3, s7;
	s7 =	simm.s32 @!p0 $0x108  }
0x21: {  	s3 =	sadd.s32 s3, s9;
	s6 =	sadd.s32 @!p0 $0x88, s6;
	s7 =	simm.s32 @p2 $0x1082  }
0x22: {  	[simem:s7], [sflag:s8] =	dma.local @!p0 [hbm:s6], $0xF7A  }
0x23: {  	s9 =	sor.u32 $0xD0000000, s2;
	s6 =	simm.s32 $0x108;
	_ =	swait.ge @!p0 [sflag:s8], $0x0  }
0x24: {  	s3 =	sadd.s32 $0x88, s3;
	s6 =	simm.s32 @!p1 $0x1082;
	[sflag:s4] =	ssyncset.s32 $0xFFFFF086  }
0x25: {  	[simem:s6], [sflag:s4] =	dma.local [hbm:s3], $0xF7A  }
0x26: {  	[smem:$0x3F85] =	sst s1;
	(tag) =	ssettag s2;
	_ =	strace s9  }
0x27: {  	s1 =	sld [smem:$0x3F95]  }
0x28: {  	s2 =	sld [smem:$0x3F96]  }
0x29: {  	s4 =	sld [smem:$0x3F98]  }
0x2a: {  	p0 =	seq.s32 s5, $0x0;
	s5 =	sld [smem:$0x3F99]  }
0x2b: {  	s6 =	sld [smem:$0x3F9A]  }
0x2c: {  	s7 =	sld [smem:$0x3F9B]  }
0x2d: {  	s3 =	simm.s32 $0x108;
	s8 =	sld [smem:$0x3F9C]  }
0x2e: {  	s3 =	simm.s32 @!p0 $0x1082;
	s9 =	sld [smem:$0x3F9D]  }
0x2f: {  	lr =	sadd.s32 s0, s3;
	s0 =	sld [smem:$0x3F94]  }
0x30: {  	s3 =	sld [smem:$0x3F97]  }
0x31: {  	[smem:$0x3FA0] =	sst s10  }
0x32: {  	s10 =	sld [smem:$0x3F9E];
	_ =	sdelay $0x3  }
0x33: {  	p0 =	seq.s32 s10, $0x1;
	s10 =	sld [smem:$0x3FA0];
	_ =	sdelay $0x3  }
0x34: {  	[smem:$0x3FA0] =	sst s10  }
0x35: {  	s10 =	sld [smem:$0x3F9F];
	_ =	sdelay $0x3  }
0x36: {  	p1 =	seq.s32 s10, $0x1;
	s10 =	sld [smem:$0x3FA0];
	_ =	sdelay $0x3  }
0x37: {  	[smem:$0x3FA0] =	sst s10  }
0x38: {  	s10 =	sld [smem:$0x3FA1]  }
0x39: {  	_ = 	snop;
	(pc) =	sbr.ind lr, $3  }
0x3a: {  	_ = 	snop  }
0x3b: {  	_ = 	snop  }
0x3c: {  	p2 =	seq.s32 s10, $0x1;
	s10 =	sld [smem:$0x3FA0]  }
0x3d: {  	_ =	shalt  }
0x3e: {  	_ =	shalt  }
0x3f: {  	_ =	shalt  }
0x40: {  	_ =	shalt  }
0x41: {  	_ =	shalt  }
0x42: {  	_ =	shalt  }
0x43: {  	_ =	shalt  }
0x44: {  	_ =	shalt  }
0x45: {  	_ =	shalt  }
0x46: {  	_ =	shalt  }
0x47: {  	_ =	shalt  }
0x48: {  	_ =	shalt  }
0x49: {  	_ =	shalt  }
0x4a: {  	_ =	shalt  }
0x4b: {  	_ =	shalt  }
0x4c: {  	_ =	shalt  }
0x4d: {  	_ =	shalt  }
0x4e: {  	_ =	shalt  }
0x4f: {  	_ =	shalt  }
0x50: {  	_ =	shalt  }
0x51: {  	_ =	shalt  }
0x52: {  	_ =	shalt  }
0x53: {  	_ =	shalt  }
0x54: {  	_ =	shalt  }
0x55: {  	_ =	shalt  }
0x56: {  	_ =	shalt  }
0x57: {  	_ =	shalt  }
0x58: {  	_ =	shalt  }
0x59: {  	_ =	shalt  }
0x5a: {  	_ =	shalt  }
0x5b: {  	_ =	shalt  }
0x5c: {  	_ =	shalt  }
0x5d: {  	_ =	shalt  }
0x5e: {  	_ =	shalt  }
0x5f: {  	_ =	shalt  }
0x60: {  	_ =	shalt  }
0x61: {  	_ =	shalt  }
0x62: {  	_ =	shalt  }
0x63: {  	_ =	shalt  }
0x64: {  	_ =	shalt  }
0x65: {  	_ =	shalt  }
0x66: {  	_ =	shalt  }
0x67: {  	_ =	shalt  }
0x68: {  	_ =	shalt  }
0x69: {  	_ =	shalt  }
0x6a: {  	_ =	shalt  }
0x6b: {  	_ =	shalt  }
0x6c: {  	_ =	shalt  }
0x6d: {  	_ =	shalt  }
0x6e: {  	_ =	shalt  }
0x6f: {  	_ =	shalt  }
0x70: {  	_ =	shalt  }
0x71: {  	_ =	shalt  }
0x72: {  	_ =	shalt  }
0x73: {  	_ =	shalt  }
0x74: {  	_ =	shalt  }
0x75: {  	_ =	shalt  }
0x76: {  	_ =	shalt  }
0x77: {  	_ =	shalt  }
0x78: {  	_ =	shalt  }
0x79: {  	_ =	shalt  }
0x7a: {  	_ =	shalt  }
0x7b: {  	_ =	shalt  }
0x7c: {  	_ =	shalt  }
0x7d: {  	_ =	shalt  }
0x7e: {  	_ =	shalt  }
0x7f: {  	_ =	shalt  }
0x80: {  	_ =	shalt  }
0x81: {  	_ =	shalt  }
0x82: {  	_ =	shalt  }
0x83: {  	_ =	shalt  }
0x84: {  	_ =	shalt  }
0x85: {  	_ =	shalt  }
0x86: {  	_ =	shalt  }
0x87: {  	_ =	shalt  }
.Lfunc_end0:
.L_simem_size_0:
called_computation.7_lowered:
.L_overlay_start_0:
0x88: {  	s2 =	sld [smem:$0x3FD9]  }
0x89: {  	s3 =	sld [smem:$0x3FFE];
	_ =	sdelay $0x1  }
0x8a: {  	s1 =	srdreg.scid  }
0x8b: {  	s0 =	sand.u32 $0x1, s1  }
0x8c: {  	s17 =	sshll.u32 s0, $0xA;
	s2 =	sadd.s32 s3, s2  }
0x8d: {  	s2 =	sadd.s32 s2, s17  }
0x8e: {  	[smem:$0x3FAC] =	sst s2  }
0x8f: {  	_ = 	snop  }
0x90: {  	(tm) =	ssettm $0x1  }
0x91: {  	s18 =	sld [smem:$0x3FFB];
	_ =	sdelay $0x3  }
0x92: {  	_ =	strace s18  }
0x93: {  	s2 =	sld [smem:$0x3FFC];
	_ =	sdelay $0x3  }
0x94: {  	_ =	strace s2  }
0x95: {  	s2 =	sld [smem:$0x3FFD];
	_ =	sdelay $0x3  }
0x96: {  	_ =	strace s2  }
0x97: {  	_ =	strace $0x8FFFFFFF  }
0x98: {  	s19 =	sld [smem:$0x3FDB];
	_ =	sdelay $0x1  }
0x99: {  	s20 =	simm.s32 $_scs_section_size  }
0x9a: {  	s4 =	simm.s32 $_size__tile_overlayer_lowered;
	s5 =	simm.s32 $_tile_overlayer_lowered  }
0x9b: {  	s6 =	simm.s32 $0x1BFF;
	s21 =	sshll.u32 s5, $0x1;
	s3 =	sadd.s32 s20, s19  }
0x9c: {  	s22 =	simm.s32 $0x0;
	s4 =	sshll.u32 s4, $0x1;
	s5 =	sadd.s32 s21, s3  }
0x9d: {  	[timem:s22], [sflag:s6] =	dma.local [hbm:s5], s4  }
0x9e: {  	_ =	swait.ge [sflag:s6], s4  }
0x9f: {  	s4 =	ssub.s32 $0x0, s4;
	[sflag:s6] =	ssyncset.done $0x0  }
0xa0: {  	[sflag:s6] =	ssyncadd.s32 s4;
	_ =	sdelay $0x1  }
0xa1: {  	s23 =	simm.s32 $0x1B8B  }
0xa2: {  	_ =	swait.ge [sflag:s23], $0x1  }
0xa3: {  	[sflag:s23] =	ssyncset.done $0x0  }
0xa4: {  	[sflag:s23] =	ssyncadd.s32 $0xFFFFFFFF  }
0xa5: {  	s4 =	sld [smem:$0x0]  }
0xa6: {  	s5 =	sand.u32 $0xFFFFFFFE, s1  }
0xa7: {  	p0 =	sne.s32 s1, s5  }
0xa8: {  	s5 =	sshll.u32 @p0 s5, $0xE  }
0xa9: {  	s5 =	sadd.s32 @p0 $0x11B8D, s5;
	s6 =	sshll.u32 @p0 s4, $0x11  }
0xaa: {  	s5 =	sor.u32 @p0 s6, s5  }
0xab: {  	[sflag:s5] =	ssyncadd.remote.s32 @p0 $0x1;
	_ =	sdelay $0x1  }
0xac: {  	s5 =	simm.s32 @p0 $0x1B8D  }
0xad: {  	_ =	swait.eq @p0 [sflag:s5], $0x1  }
0xae: {  	[sflag:s5] =	ssyncadd.s32 @p0 $0xFFFFFFFF  }
0xaf: {  	s6 =	sshll.u32 @!p0 s1, $0xE  }
0xb0: {  	s6 =	sor.u32 @!p0 $0x4000, s6;
	s5 =	simm.s32 @!p0 $0x1B8D  }
0xb1: {  	s4 =	sshll.u32 @!p0 s4, $0x11;
	s6 =	sadd.s32 @!p0 $0x11B8D, s6;
	_ =	swait.eq @!p0 [sflag:s5], $0x1  }
0xb2: {  	s4 =	sor.u32 @!p0 s4, s6;
	[sflag:s5] =	ssyncadd.s32 @!p0 $0xFFFFFFFF  }
0xb3: {  	s25 =	simm.s32 $0x1B8E;
	s24 =	sld [smem:$0x3FFE];
	[sflag:s4] =	ssyncadd.remote.s32 @!p0 $0x1  }
0xb4: {  	s26 =	simm.s32 $execute0_lowered;
	[smem:$0x3FD2] =	sst s25  }
0xb5: {  	s5 =	sshll.u32 s26, $0x1;
	_ =	strace $0x8000005B;
	[dreg:$0x1] =	wrdreg $0xFFFFFFFF  }
0xb6: {  	s28 =	simm.s32 $_size_execute0_lowered;
	s3 =	sadd.s32 s3, s5;
	[dreg:$0x0] =	wrdreg $0x0  }
0xb7: {  	s5 =	sshll.u32 s28, $0x1;
	[dreg:$0x2] =	wrdreg s3  }
0xb8: {  	[dreg:$0x3] =	wrdreg s5  }
0xb9: {  	[dreg:$0x4] =	wrdreg $0xC0  }
0xba: {  	_ =	task [dreg:s22], $0x5FFFF  }
0xbb: {  	[dreg:$0x1] =	wrdreg $0xFFFFFFFF  }
0xbc: {  	[dreg:$0x0] =	wrdreg $0x60  }
0xbd: {  	[dreg:$0x2] =	wrdreg s24  }
0xbe: {  	[dreg:$0x3] =	wrdreg $0x90000  }
0xbf: {  	[dreg:$0x4] =	wrdreg $0x9  }
0xc0: {  	_ =	task.clear_ibuf [dreg:s22], $0x5FFFF;
	_ =	strace $0x9000005B  }
0xc1: {  	s29 =	simm.s32 $0x9;
	_ =	strace $0x8000005D  }
0xc2: {  	_ =	swait.ge [sflag:s29], $0x1  }
0xc3: {  	[sflag:s29] =	ssyncadd.s32 $0xFFFFFFFF  }
0xc4: {  	_ =	strace $0x9000005D  }
0xc5: {  	_ =	sfence  }
0xc6: {  	s30 =	sld [smem:$0x0];
	_ =	sdelay $0x2  }
0xc7: {  	s31 =	sshll.u32 s1, $0xD;
	s1 =	sshrl.u32 s1, $0x2  }
0xc8: {  	s4 =	sand.u32 $0x4000, s31;
	s1 =	sadd.s32 s1, s30  }
0xc9: {  	s0 =	sor.u32 s4, s0;
	s1 =	sshll.u32 s1, $0x11  }
0xca: {  	s0 =	sor.u32 s1, s0  }
0xcb: {  	s0 =	sadd.s32 $0x8F2B, s0  }
0xcc: {  	[sflag:s0] =	ssyncadd.remote.s32 $0x1  }
0xcd: {  	_ =	sfence.sel $0xFFFF  }
0xce: {  	[dreg:$0x0] =	wrdreg $0xFFFFFFFF;
	(pc) =	sbr.abs _section_cstart, $3  }
0xcf: {  	[dreg:$0x1] =	wrdreg $0xFFFFFFFF  }
0xd0: {  	_ =	task.clear_ibuf [dreg:s22], $0x2FFFF;
	_ =	strace $0x9FFFFFFF  }
0xd1: {  	(tm) =	ssettm $0x7FFFFFFF  }
tec
execute0_lowered:
.L_overlay_start_1:
0x0: {  	(tag) =	ssettag $0x1  }
0x1: {  	s0 =	srdreg.scid;
	s6 =	rddreg [dreg:$0x0]  }
0x2: {  	s2 =	rddreg [dreg:$0x1];
	s3 =	simm.s32 $0x0;
	s14 =	simm.s32 $0x80  }
0x3: {  	s15 =	simm.s32 $0x5000;
	s5 =	sand.u32 $0x1, s0;
	s0 =	stileid.u32  }
0x4: {  	s16 =	simm.s32 $0x1;
	s17 =	simm.s32 $0x0;
	s8 =	smul.u32 $0x13C00, s0  }
0x5: {  	[smem:$0x7FF] =	sst s3;
	s1 =	sshll.u32 s5, $0x4;
	s9 =	smul.u32 $0x13C000, s5  }
0x6: {  	s5 =	ssub.s32 $0x2, s5;
	s31 =	smul.u32 $0x4F000, s0;
	s12 =	sshll.u32 s0, $0x6  }
0x7: {  	s4 =	sor.u32 s0, s1;
	s1 =	rddreg [dreg:$0x2];
	_ =	strace $0x8000005C  }
0x8: {  	s11 =	sshrl.u32 s5, $0x1;
	s12 =	sor.u32 $0x1C02, s12;
	s7 =	smul.u32 $0x500, s4  }
0x9: {  	s4 =	sadd.s32 $0x171000, s6;
	s10 =	sshrl.u32 s8, $0x3;
	s8 =	sadd.s32 s8, s9  }
0xa: {  	s11 =	ssub.s32 s5, s11;
	s9 =	sshrl.u32 s31, $0x2;
	s10 =	sadd.s32 s10, s6  }
0xb: {  	s8 =	sshrl.u32 s8, $0x3;
	s13 =	sadd.s32 s9, s2;
	s9 =	smax.u32 s11, $0x1  }
0xc: {  	s11 =	simm.s32 $0x2800;
	s7 =	sadd.s32 s7, s6;
	s8 =	sadd.s32 s8, s6  }
0xd: {  	s13 =	sshrl.u32 s13, $0x3;
	s5 =	sadd.s32 $0x15D000, s7;
	s6 =	sadd.s32 $0x167000, s7  }
0xe: {  	s7 =	sadd.s32 $0xE6800, s10;
	s8 =	sadd.s32 $0x234600, s8;
	s10 =	simm.s32 $0x2  }
.LBB2_1:
0xf: {  	[tilespmem:s3], [sflag:$0x2] =	stream.linear.gather [hbm4b:s5+s3], $0x2780, $0x38;
	[tilespmem:$0x1CC00] =	vst v63  }
0x10: {  	_ =	swait.ge [sflag:s10], $0x2780  }
0x11: {  	[sflag:s10] =	ssyncset.done $0x0  }
0x12: {  	[sflag:s10] =	ssyncadd.s32 $0xFFFFD880  }
0x13: {  	[tilespmem:s11], [sflag:$0x2] =	stream.linear.gather [hbm4b:s6+s3], $0x2780, $0x38;
	[tilespmem:$0x1CC00] =	vst v63  }
0x14: {  	_ =	swait.ge [sflag:s10], $0x2780  }
0x15: {  	[sflag:s10] =	ssyncset.done $0x0  }
0x16: {  	[sflag:s10] =	ssyncadd.s32 $0xFFFFD880  }
0x17: {  	[spmem:s13], [sflag:s12] =	dma.local [hbm:s7], $0x2780  }
0x18: {  	_ =	swait.ge [sflag:s10], $0x2780  }
0x19: {  	[sflag:s10] =	ssyncset.done $0x0  }
0x1a: {  	[sflag:s10] =	ssyncadd.s32 $0xFFFFD880  }
0x1b: {  	s18 =	simm.s32 $0x0;
	[bflag:$0x0] =	sbarrier.arrive $0xFFFF  }
0x1c: {  	[tilespmem:s15], [sflag:$0x1] =	stream.indirect.gather [hbm4b:s4+s14], $0x80, s18, s14, $0xb8;
	[tilespmem:$0x1CC00] =	vst v63  }
0x1d: {  	_ =	swait.ge [sflag:s16], $0x4000  }
0x1e: {  	[sflag:s16] =	ssyncset.done $0x0  }
0x1f: {  	s31 =	simm.s32 $0x2800;
	[sflag:s16] =	ssyncadd.s32 $0xFFFFC000  }
0x20: {  	[spmem:s2] =	stream.indirect.scatter.add.f32 [tilespmem:s15], [sflag:$0x2], $0x80, s31, s14, $0xb8;
	[tilespmem:$0x1CC00] =	vst v63  }
0x21: {  	_ =	swait.ge [sflag:s10], $0x4000  }
0x22: {  	s19 =	simm.s32 $0x400;
	s18 =	simm.s32 $0x200;
	[sflag:s10] =	ssyncset.done $0x0  }
.LBB2_2:
0x23: {  	s20 =	sshra.s32 s18, $0x2  }
0x24: {  	[sflag:s10] =	ssyncadd.s32 $0xFFFFC000;
	s18 =	smov.u32 s19;
	s21 =	sadd.s32 $0x200, s19  }
0x25: {  	[tilespmem:s15], [sflag:$0x1] =	stream.indirect.gather [hbm4b:s4+s14], $0x80, s20, s14, $0xb8;
	[tilespmem:$0x1CC00] =	vst v63  }
0x26: {  	p0 =	sne.s32 s19, $0x9C00;
	_ =	swait.ge [sflag:s16], $0x4000  }
.Ltmp0:
0x27: {  	[sflag:s16] =	ssyncset.done $0x0;
	(pc) =	sbr.rel @p0 .LBB2_2-.Ltmp0, $4  }
0x28: {  	s19 =	sadd.s32 $0x2800, s20;
	[sflag:s16] =	ssyncadd.s32 $0xFFFFC000  }
0x29: {  	[spmem:s2] =	stream.indirect.scatter.add.f32 [tilespmem:s15], [sflag:$0x2], $0x80, s19, s14, $0xb8;
	[tilespmem:$0x1CC00] =	vst v63  }
0x2a: {  	_ =	swait.ge [sflag:s10], $0x4000  }
0x2b: {  	s19 =	smov.u32 s21;
	[sflag:s10] =	ssyncset.done $0x0  }
0x2c: {  	s18 =	sshra.s32 s18, $0x2;
	[sflag:s10] =	ssyncadd.s32 $0xFFFFC000  }
0x2d: {  	[tilespmem:s15], [sflag:$0x1] =	stream.indirect.gather [hbm4b:s4+s14], $0x80, s18, s14, $0xb8;
	[tilespmem:$0x1CC00] =	vst v63  }
0x2e: {  	_ =	swait.ge [sflag:s16], $0x4000  }
0x2f: {  	[sflag:s16] =	ssyncset.done $0x0  }
0x30: {  	s18 =	sadd.s32 $0x2800, s18;
	[sflag:s16] =	ssyncadd.s32 $0xFFFFC000  }
0x31: {  	[spmem:s2] =	stream.indirect.scatter.add.f32 [tilespmem:s15], [sflag:$0x2], $0x80, s18, s14, $0xb8;
	[tilespmem:$0x1CC00] =	vst v63  }
0x32: {  	_ =	swait.ge [sflag:s10], $0x4000  }
0x33: {  	s17 =	sadd.s32 $0x1, s17;
	[sflag:s10] =	ssyncset.done $0x0  }
0x34: {  	p0 =	sne.s32 s17, s9;
	[sflag:s10] =	ssyncadd.s32 $0xFFFFC000  }
.Ltmp1:
0x35: {  	[bflag:$0x0] =	sbarrier.arrive $0xFFFF;
	(pc) =	sbr.rel @p0 .LBB2_1-.Ltmp1, $4  }
0x36: {  	[hbm:s8], [sflag:s12] =	dma.local [spmem:s13], $0x2780  }
0x37: {  	_ =	swait.ge [sflag:s10], $0x2780  }
0x38: {  	[sflag:s10] =	ssyncset.done $0x0  }
0x39: {  	[sflag:s10] =	ssyncadd.s32 $0xFFFFD880  }
0x3a: {  	_ =	sfence.sel $0x180000  }
0x3b: {  	[bflag:$0x0] =	sbarrier.arrive $0xFFFF  }
0x3c: {  	p0 =	sne.s32 s0, $0x0;
	_ =	strace $0x9000005C  }
0x3d: {  	s0 =	sadd.s32 @!p0 $0x100000, s1;
	[bflag:$0x2] =	sbarrier.arrive $0xFFFF  }
0x3e: {  	[sflag:s0] =	ssyncadd.tile.s32 @!p0 $0x1;
	_ =	shalt  }
.Lfunc_end2:
_tile_overlayer_lowered:
.L_overlay_start_2:
0x3f: {  	(tag) =	ssettag $0x2  }
0x40: {  	s0 =	rddreg [dreg:$0x0];
	s2 =	stileid.u32  }
0x41: {  	s1 =	rddreg [dreg:$0x1];
	p0 =	sne.s32 s2, $0x0  }
0x42: {  	s3 =	rddreg [dreg:$0x2];
	[bflag:$0x3] =	sbarrier.arrive $0xFFFF;
	s2 =	simm.s32 @!p0 $0x1C02  }
0x43: {  	[timem:s3], [sflag:s2] =	dma.local @!p0 [hbm:s0], s1  }
0x44: {  	s0 =	simm.s32 @!p0 $0x2  }
0x45: {  	_ =	swait.ge @!p0 [sflag:s0], s1  }
0x46: {  	s1 =	ssub.s32 @!p0 $0x0, s1;
	[sflag:s0] =	ssyncset.done @!p0 $0x0  }
0x47: {  	[sflag:s0] =	ssyncadd.s32 @!p0 s1  }
0x48: {  	[bflag:$0x3] =	sbarrier.arrive $0xFFFF  }
0x49: {  	_ =	shalt  }

// kernel: kernel.57.cloned.1.call-start
scs
__scs_entry_jumppad:
0x0: {  	(pc) =	sbr.rel $0x88, $3  }
0x1: {  	(tag) =	ssettag $0x0;
	lr =	simm.s32 $0x1  }
0x2: {  	[smem:$0x3F85] =	sst lr;
	_ =	strace $0xD0000000  }
0x3: {  	_ = 	snop  }
0x4: {  	_ = 	snop  }
0x5: {  	_ = 	snop  }
0x6: {  	_ = 	snop  }
0x7: {  	_ = 	snop  }
__scs_overlays_trampoline_lowered:
0x8: {  	[smem:$0x3F94] =	sst s0  }
0x9: {  	[smem:$0x3F95] =	sst s1  }
0xa: {  	[smem:$0x3F96] =	sst s2  }
0xb: {  	[smem:$0x3F97] =	sst s3  }
0xc: {  	[smem:$0x3F98] =	sst s4  }
0xd: {  	[smem:$0x3F99] =	sst s5  }
0xe: {  	[smem:$0x3F9A] =	sst s6  }
0xf: {  	[smem:$0x3F9B] =	sst s7  }
0x10: {  	[smem:$0x3F9C] =	sst s8  }
0x11: {  	[smem:$0x3F9D] =	sst s9;
	s0 =	simm.s32 @!p0 $0x0  }
0x12: {  	s1 =	sld [smem:$0x3F83];
	s0 =	simm.s32 @p0 $0x1  }
0x13: {  	[smem:$0x3F9E] =	sst s0;
	s0 =	simm.s32 @!p1 $0x0  }
0x14: {  	s2 =	sld [smem:$0x3F82];
	s0 =	simm.s32 @p1 $0x1  }
0x15: {  	[smem:$0x3F9F] =	sst s0;
	s0 =	simm.s32 @!p2 $0x0  }
0x16: {  	s3 =	sld [smem:$0x3FDB];
	s0 =	simm.s32 @p2 $0x1  }
0x17: {  	s4 =	simm.s32 $0x1BF5;
	[smem:$0x3FA1] =	sst s0  }
0x18: {  	s0 =	sld [smem:$0x3F84];
	_ =	swait.ge [sflag:s4], $0x0  }
0x19: {  	s7 =	sld [smem:$0x3F85]  }
0x1a: {  	s8 =	sadd.s32 $0xFFFFE003, lr  }
0x1b: {  	s9 =	sadd.s32 $0xFFFFFEF7, lr;
	s5 =	simm.s32 $0xFFFFFFFF;
	p2 =	slt.u32 s8, $0xFFFFF086  }
0x1c: {  	p1 =	slt.u32 s9, $0xF7A;
	s5 =	simm.s32 @!p2 $0x0  }
0x1d: {  	s5 =	simm.s32 @p1 $0x1;
	p0 =	seq.s32 s7, s2  }
0x1e: {  	s7 =	smul.u32 @!p0 $0xF7A, s2;
	p2 =	seq.s32 @!p0 s5, $0x0  }
0x1f: {  	s9 =	smul.u32 $0xF7A, s1;
	s8 =	simm.s32 @!p0 $0x1BF5;
	p2 =	por !p2, p0  }
0x20: {  	[sflag:s8] =	ssyncset.s32 @!p0 $0xFFFFF086;
	s6 =	sadd.s32 @!p0 s3, s7;
	s7 =	simm.s32 @!p0 $0x108  }
0x21: {  	s3 =	sadd.s32 s3, s9;
	s6 =	sadd.s32 @!p0 $0x88, s6;
	s7 =	simm.s32 @p2 $0x1082  }
0x22: {  	[simem:s7], [sflag:s8] =	dma.local @!p0 [hbm:s6], $0xF7A  }
0x23: {  	s9 =	sor.u32 $0xD0000000, s2;
	s6 =	simm.s32 $0x108;
	_ =	swait.ge @!p0 [sflag:s8], $0x0  }
0x24: {  	s3 =	sadd.s32 $0x88, s3;
	s6 =	simm.s32 @!p1 $0x1082;
	[sflag:s4] =	ssyncset.s32 $0xFFFFF086  }
0x25: {  	[simem:s6], [sflag:s4] =	dma.local [hbm:s3], $0xF7A  }
0x26: {  	[smem:$0x3F85] =	sst s1;
	(tag) =	ssettag s2;
	_ =	strace s9  }
0x27: {  	s1 =	sld [smem:$0x3F95]  }
0x28: {  	s2 =	sld [smem:$0x3F96]  }
0x29: {  	s4 =	sld [smem:$0x3F98]  }
0x2a: {  	p0 =	seq.s32 s5, $0x0;
	s5 =	sld [smem:$0x3F99]  }
0x2b: {  	s6 =	sld [smem:$0x3F9A]  }
0x2c: {  	s7 =	sld [smem:$0x3F9B]  }
0x2d: {  	s3 =	simm.s32 $0x108;
	s8 =	sld [smem:$0x3F9C]  }
0x2e: {  	s3 =	simm.s32 @!p0 $0x1082;
	s9 =	sld [smem:$0x3F9D]  }
0x2f: {  	lr =	sadd.s32 s0, s3;
	s0 =	sld [smem:$0x3F94]  }
0x30: {  	s3 =	sld [smem:$0x3F97]  }
0x31: {  	[smem:$0x3FA0] =	sst s10  }
0x32: {  	s10 =	sld [smem:$0x3F9E];
	_ =	sdelay $0x3  }
0x33: {  	p0 =	seq.s32 s10, $0x1;
	s10 =	sld [smem:$0x3FA0];
	_ =	sdelay $0x3  }
0x34: {  	[smem:$0x3FA0] =	sst s10  }
0x35: {  	s10 =	sld [smem:$0x3F9F];
	_ =	sdelay $0x3  }
0x36: {  	p1 =	seq.s32 s10, $0x1;
	s10 =	sld [smem:$0x3FA0];
	_ =	sdelay $0x3  }
0x37: {  	[smem:$0x3FA0] =	sst s10  }
0x38: {  	s10 =	sld [smem:$0x3FA1]  }
0x39: {  	_ = 	snop;
	(pc) =	sbr.ind lr, $3  }
0x3a: {  	_ = 	snop  }
0x3b: {  	_ = 	snop  }
0x3c: {  	p2 =	seq.s32 s10, $0x1;
	s10 =	sld [smem:$0x3FA0]  }
0x3d: {  	_ =	shalt  }
0x3e: {  	_ =	shalt  }
0x3f: {  	_ =	shalt  }
0x40: {  	_ =	shalt  }
0x41: {  	_ =	shalt  }
0x42: {  	_ =	shalt  }
0x43: {  	_ =	shalt  }
0x44: {  	_ =	shalt  }
0x45: {  	_ =	shalt  }
0x46: {  	_ =	shalt  }
0x47: {  	_ =	shalt  }
0x48: {  	_ =	shalt  }
0x49: {  	_ =	shalt  }
0x4a: {  	_ =	shalt  }
0x4b: {  	_ =	shalt  }
0x4c: {  	_ =	shalt  }
0x4d: {  	_ =	shalt  }
0x4e: {  	_ =	shalt  }
0x4f: {  	_ =	shalt  }
0x50: {  	_ =	shalt  }
0x51: {  	_ =	shalt  }
0x52: {  	_ =	shalt  }
0x53: {  	_ =	shalt  }
0x54: {  	_ =	shalt  }
0x55: {  	_ =	shalt  }
0x56: {  	_ =	shalt  }
0x57: {  	_ =	shalt  }
0x58: {  	_ =	shalt  }
0x59: {  	_ =	shalt  }
0x5a: {  	_ =	shalt  }
0x5b: {  	_ =	shalt  }
0x5c: {  	_ =	shalt  }
0x5d: {  	_ =	shalt  }
0x5e: {  	_ =	shalt  }
0x5f: {  	_ =	shalt  }
0x60: {  	_ =	shalt  }
0x61: {  	_ =	shalt  }
0x62: {  	_ =	shalt  }
0x63: {  	_ =	shalt  }
0x64: {  	_ =	shalt  }
0x65: {  	_ =	shalt  }
0x66: {  	_ =	shalt  }
0x67: {  	_ =	shalt  }
0x68: {  	_ =	shalt  }
0x69: {  	_ =	shalt  }
0x6a: {  	_ =	shalt  }
0x6b: {  	_ =	shalt  }
0x6c: {  	_ =	shalt  }
0x6d: {  	_ =	shalt  }
0x6e: {  	_ =	shalt  }
0x6f: {  	_ =	shalt  }
0x70: {  	_ =	shalt  }
0x71: {  	_ =	shalt  }
0x72: {  	_ =	shalt  }
0x73: {  	_ =	shalt  }
0x74: {  	_ =	shalt  }
0x75: {  	_ =	shalt  }
0x76: {  	_ =	shalt  }
0x77: {  	_ =	shalt  }
0x78: {  	_ =	shalt  }
0x79: {  	_ =	shalt  }
0x7a: {  	_ =	shalt  }
0x7b: {  	_ =	shalt  }
0x7c: {  	_ =	shalt  }
0x7d: {  	_ =	shalt  }
0x7e: {  	_ =	shalt  }
0x7f: {  	_ =	shalt  }
0x80: {  	_ =	shalt  }
0x81: {  	_ =	shalt  }
0x82: {  	_ =	shalt  }
0x83: {  	_ =	shalt  }
0x84: {  	_ =	shalt  }
0x85: {  	_ =	shalt  }
0x86: {  	_ =	shalt  }
0x87: {  	_ =	shalt  }
.Lfunc_end0:
.L_simem_size_0:
called_computation.8_lowered:
.L_overlay_start_0:
0x88: {  	s2 =	sld [smem:$0x3FD9]  }
0x89: {  	s3 =	sld [smem:$0x3FFE];
	_ =	sdelay $0x1  }
0x8a: {  	s1 =	srdreg.scid  }
0x8b: {  	s0 =	sand.u32 $0x1, s1  }
0x8c: {  	s17 =	sshll.u32 s0, $0xA;
	s2 =	sadd.s32 s3, s2  }
0x8d: {  	s2 =	sadd.s32 s2, s17  }
0x8e: {  	[smem:$0x3FAC] =	sst s2  }
0x8f: {  	_ = 	snop  }
0x90: {  	(tm) =	ssettm $0x1  }
0x91: {  	s18 =	sld [smem:$0x3FFB];
	_ =	sdelay $0x3  }
0x92: {  	_ =	strace s18  }
0x93: {  	s2 =	sld [smem:$0x3FFC];
	_ =	sdelay $0x3  }
0x94: {  	_ =	strace s2  }
0x95: {  	s2 =	sld [smem:$0x3FFD];
	_ =	sdelay $0x3  }
0x96: {  	_ =	strace s2  }
0x97: {  	_ =	strace $0x8FFFFFFF  }
0x98: {  	s19 =	sld [smem:$0x3FDB];
	_ =	sdelay $0x1  }
0x99: {  	s20 =	simm.s32 $_scs_section_size  }
0x9a: {  	s4 =	simm.s32 $_size__tile_overlayer_lowered;
	s5 =	simm.s32 $_tile_overlayer_lowered  }
0x9b: {  	s6 =	simm.s32 $0x1BFF;
	s21 =	sshll.u32 s5, $0x1;
	s3 =	sadd.s32 s20, s19  }
0x9c: {  	s22 =	simm.s32 $0x0;
	s4 =	sshll.u32 s4, $0x1;
	s5 =	sadd.s32 s21, s3  }
0x9d: {  	[timem:s22], [sflag:s6] =	dma.local [hbm:s5], s4  }
0x9e: {  	_ =	swait.ge [sflag:s6], s4  }
0x9f: {  	s4 =	ssub.s32 $0x0, s4;
	[sflag:s6] =	ssyncset.done $0x0  }
0xa0: {  	[sflag:s6] =	ssyncadd.s32 s4;
	_ =	sdelay $0x1  }
0xa1: {  	s23 =	simm.s32 $0x1B8B  }
0xa2: {  	_ =	swait.ge [sflag:s23], $0x1  }
0xa3: {  	[sflag:s23] =	ssyncset.done $0x0  }
0xa4: {  	[sflag:s23] =	ssyncadd.s32 $0xFFFFFFFF  }
0xa5: {  	s4 =	sld [smem:$0x0]  }
0xa6: {  	s5 =	sand.u32 $0xFFFFFFFE, s1  }
0xa7: {  	p0 =	sne.s32 s1, s5  }
0xa8: {  	s5 =	sshll.u32 @p0 s5, $0xE  }
0xa9: {  	s5 =	sadd.s32 @p0 $0x11B8D, s5;
	s6 =	sshll.u32 @p0 s4, $0x11  }
0xaa: {  	s5 =	sor.u32 @p0 s6, s5  }
0xab: {  	[sflag:s5] =	ssyncadd.remote.s32 @p0 $0x1;
	_ =	sdelay $0x1  }
0xac: {  	s5 =	simm.s32 @p0 $0x1B8D  }
0xad: {  	_ =	swait.eq @p0 [sflag:s5], $0x1  }
0xae: {  	[sflag:s5] =	ssyncadd.s32 @p0 $0xFFFFFFFF  }
0xaf: {  	s6 =	sshll.u32 @!p0 s1, $0xE  }
0xb0: {  	s6 =	sor.u32 @!p0 $0x4000, s6;
	s5 =	simm.s32 @!p0 $0x1B8D  }
0xb1: {  	s4 =	sshll.u32 @!p0 s4, $0x11;
	s6 =	sadd.s32 @!p0 $0x11B8D, s6;
	_ =	swait.eq @!p0 [sflag:s5], $0x1  }
0xb2: {  	s4 =	sor.u32 @!p0 s4, s6;
	[sflag:s5] =	ssyncadd.s32 @!p0 $0xFFFFFFFF  }
0xb3: {  	s25 =	simm.s32 $0x1B8E;
	s24 =	sld [smem:$0x3FFE];
	[sflag:s4] =	ssyncadd.remote.s32 @!p0 $0x1  }
0xb4: {  	s26 =	simm.s32 $execute0_lowered;
	[smem:$0x3FD2] =	sst s25  }
0xb5: {  	s5 =	sshll.u32 s26, $0x1;
	_ =	strace $0x8000005E;
	[dreg:$0x1] =	wrdreg $0xFFFFFFFF  }
0xb6: {  	s28 =	simm.s32 $_size_execute0_lowered;
	s3 =	sadd.s32 s3, s5;
	[dreg:$0x0] =	wrdreg $0x0  }
0xb7: {  	s5 =	sshll.u32 s28, $0x1;
	[dreg:$0x2] =	wrdreg s3  }
0xb8: {  	[dreg:$0x3] =	wrdreg s5  }
0xb9: {  	[dreg:$0x4] =	wrdreg $0xC0  }
0xba: {  	_ =	task [dreg:s22], $0x5FFFF  }
0xbb: {  	[dreg:$0x1] =	wrdreg $0xFFFFFFFF  }
0xbc: {  	[dreg:$0x0] =	wrdreg $0x60  }
0xbd: {  	[dreg:$0x2] =	wrdreg s24  }
0xbe: {  	[dreg:$0x3] =	wrdreg $0x90000  }
0xbf: {  	[dreg:$0x4] =	wrdreg $0xA  }
0xc0: {  	_ =	task.clear_ibuf [dreg:s22], $0x5FFFF;
	_ =	strace $0x9000005E  }
0xc1: {  	s29 =	simm.s32 $0xA;
	_ =	strace $0x80000060  }
0xc2: {  	_ =	swait.ge [sflag:s29], $0x1  }
0xc3: {  	[sflag:s29] =	ssyncadd.s32 $0xFFFFFFFF  }
0xc4: {  	_ =	strace $0x90000060  }
0xc5: {  	_ =	sfence  }
0xc6: {  	s30 =	sld [smem:$0x0];
	_ =	sdelay $0x2  }
0xc7: {  	s31 =	sshll.u32 s1, $0xD;
	s1 =	sshrl.u32 s1, $0x2  }
0xc8: {  	s4 =	sand.u32 $0x4000, s31;
	s1 =	sadd.s32 s1, s30  }
0xc9: {  	s0 =	sor.u32 s4, s0;
	s1 =	sshll.u32 s1, $0x11  }
0xca: {  	s0 =	sor.u32 s1, s0  }
0xcb: {  	s0 =	sadd.s32 $0x8F2B, s0  }
0xcc: {  	[sflag:s0] =	ssyncadd.remote.s32 $0x1  }
0xcd: {  	_ =	sfence.sel $0xFFFF  }
0xce: {  	[dreg:$0x0] =	wrdreg $0xFFFFFFFF;
	(pc) =	sbr.abs _section_cstart, $3  }
0xcf: {  	[dreg:$0x1] =	wrdreg $0xFFFFFFFF  }
0xd0: {  	_ =	task.clear_ibuf [dreg:s22], $0x2FFFF;
	_ =	strace $0x9FFFFFFF  }
0xd1: {  	(tm) =	ssettm $0x7FFFFFFF  }
tec
execute0_lowered:
.L_overlay_start_1:
0x0: {  	(tag) =	ssettag $0x1  }
0x1: {  	s0 =	srdreg.scid;
	s6 =	rddreg [dreg:$0x0]  }
0x2: {  	s2 =	rddreg [dreg:$0x1];
	s3 =	simm.s32 $0x0;
	s14 =	simm.s32 $0x80  }
0x3: {  	s15 =	simm.s32 $0x5000;
	s5 =	sand.u32 $0x1, s0;
	s0 =	stileid.u32  }
0x4: {  	s16 =	simm.s32 $0x1;
	s17 =	simm.s32 $0x0;
	s8 =	smul.u32 $0x13C00, s0  }
0x5: {  	[smem:$0x7FF] =	sst s3;
	s1 =	sshll.u32 s5, $0x4;
	s9 =	smul.u32 $0x13C000, s5  }
0x6: {  	s5 =	ssub.s32 $0x2, s5;
	s31 =	smul.u32 $0x4F000, s0;
	s12 =	sshll.u32 s0, $0x6  }
0x7: {  	s4 =	sor.u32 s0, s1;
	s1 =	rddreg [dreg:$0x2];
	_ =	strace $0x8000005F  }
0x8: {  	s11 =	sshrl.u32 s5, $0x1;
	s12 =	sor.u32 $0x1C02, s12;
	s7 =	smul.u32 $0x500, s4  }
0x9: {  	s4 =	sadd.s32 $0x23200, s6;
	s10 =	sshrl.u32 s8, $0x3;
	s8 =	sadd.s32 s8, s9  }
0xa: {  	s11 =	ssub.s32 s5, s11;
	s9 =	sshrl.u32 s31, $0x2;
	s10 =	sadd.s32 s10, s6  }
0xb: {  	s8 =	sshrl.u32 s8, $0x3;
	s13 =	sadd.s32 s9, s2;
	s9 =	smax.u32 s11, $0x1  }
0xc: {  	s11 =	simm.s32 $0x2800;
	s7 =	sadd.s32 s7, s6;
	s8 =	sadd.s32 s8, s6  }
0xd: {  	s13 =	sshrl.u32 s13, $0x3;
	s5 =	sadd.s32 $0xF200, s7;
	s6 =	sadd.s32 $0x19200, s7  }
0xe: {  	s7 =	sadd.s32 $0xE6800, s10;
	s8 =	sadd.s32 $0x283600, s8;
	s10 =	simm.s32 $0x2  }
.LBB2_1:
0xf: {  	[tilespmem:s3], [sflag:$0x2] =	stream.linear.gather [hbm4b:s5+s3], $0x2780, $0x38;
	[tilespmem:$0x1CC00] =	vst v63  }
0x10: {  	_ =	swait.ge [sflag:s10], $0x2780  }
0x11: {  	[sflag:s10] =	ssyncset.done $0x0  }
0x12: {  	[sflag:s10] =	ssyncadd.s32 $0xFFFFD880  }
0x13: {  	[tilespmem:s11], [sflag:$0x2] =	stream.linear.gather [hbm4b:s6+s3], $0x2780, $0x38;
	[tilespmem:$0x1CC00] =	vst v63  }
0x14: {  	_ =	swait.ge [sflag:s10], $0x2780  }
0x15: {  	[sflag:s10] =	ssyncset.done $0x0  }
0x16: {  	[sflag:s10] =	ssyncadd.s32 $0xFFFFD880  }
0x17: {  	[spmem:s13], [sflag:s12] =	dma.local [hbm:s7], $0x2780  }
0x18: {  	_ =	swait.ge [sflag:s10], $0x2780  }
0x19: {  	[sflag:s10] =	ssyncset.done $0x0  }
0x1a: {  	[sflag:s10] =	ssyncadd.s32 $0xFFFFD880  }
0x1b: {  	s18 =	simm.s32 $0x0;
	[bflag:$0x0] =	sbarrier.arrive $0xFFFF  }
0x1c: {  	[tilespmem:s15], [sflag:$0x1] =	stream.indirect.gather [hbm4b:s4+s14], $0x80, s18, s14, $0xb8;
	[tilespmem:$0x1CC00] =	vst v63  }
0x1d: {  	_ =	swait.ge [sflag:s16], $0x4000  }
0x1e: {  	[sflag:s16] =	ssyncset.done $0x0  }
0x1f: {  	s31 =	simm.s32 $0x2800;
	[sflag:s16] =	ssyncadd.s32 $0xFFFFC000  }
0x20: {  	[spmem:s2] =	stream.indirect.scatter.add.f32 [tilespmem:s15], [sflag:$0x2], $0x80, s31, s14, $0xb8;
	[tilespmem:$0x1CC00] =	vst v63  }
0x21: {  	_ =	swait.ge [sflag:s10], $0x4000  }
0x22: {  	s19 =	simm.s32 $0x400;
	s18 =	simm.s32 $0x200;
	[sflag:s10] =	ssyncset.done $0x0  }
.LBB2_2:
0x23: {  	s20 =	sshra.s32 s18, $0x2  }
0x24: {  	[sflag:s10] =	ssyncadd.s32 $0xFFFFC000;
	s18 =	smov.u32 s19;
	s21 =	sadd.s32 $0x200, s19  }
0x25: {  	[tilespmem:s15], [sflag:$0x1] =	stream.indirect.gather [hbm4b:s4+s14], $0x80, s20, s14, $0xb8;
	[tilespmem:$0x1CC00] =	vst v63  }
0x26: {  	p0 =	sne.s32 s19, $0x9C00;
	_ =	swait.ge [sflag:s16], $0x4000  }
.Ltmp0:
0x27: {  	[sflag:s16] =	ssyncset.done $0x0;
	(pc) =	sbr.rel @p0 .LBB2_2-.Ltmp0, $4  }
0x28: {  	s19 =	sadd.s32 $0x2800, s20;
	[sflag:s16] =	ssyncadd.s32 $0xFFFFC000  }
0x29: {  	[spmem:s2] =	stream.indirect.scatter.add.f32 [tilespmem:s15], [sflag:$0x2], $0x80, s19, s14, $0xb8;
	[tilespmem:$0x1CC00] =	vst v63  }
0x2a: {  	_ =	swait.ge [sflag:s10], $0x4000  }
0x2b: {  	s19 =	smov.u32 s21;
	[sflag:s10] =	ssyncset.done $0x0  }
0x2c: {  	s18 =	sshra.s32 s18, $0x2;
	[sflag:s10] =	ssyncadd.s32 $0xFFFFC000  }
0x2d: {  	[tilespmem:s15], [sflag:$0x1] =	stream.indirect.gather [hbm4b:s4+s14], $0x80, s18, s14, $0xb8;
	[tilespmem:$0x1CC00] =	vst v63  }
0x2e: {  	_ =	swait.ge [sflag:s16], $0x4000  }
0x2f: {  	[sflag:s16] =	ssyncset.done $0x0  }
0x30: {  	s18 =	sadd.s32 $0x2800, s18;
	[sflag:s16] =	ssyncadd.s32 $0xFFFFC000  }
0x31: {  	[spmem:s2] =	stream.indirect.scatter.add.f32 [tilespmem:s15], [sflag:$0x2], $0x80, s18, s14, $0xb8;
	[tilespmem:$0x1CC00] =	vst v63  }
0x32: {  	_ =	swait.ge [sflag:s10], $0x4000  }
0x33: {  	s17 =	sadd.s32 $0x1, s17;
	[sflag:s10] =	ssyncset.done $0x0  }
0x34: {  	p0 =	sne.s32 s17, s9;
	[sflag:s10] =	ssyncadd.s32 $0xFFFFC000  }
.Ltmp1:
0x35: {  	[bflag:$0x0] =	sbarrier.arrive $0xFFFF;
	(pc) =	sbr.rel @p0 .LBB2_1-.Ltmp1, $4  }
0x36: {  	[hbm:s8], [sflag:s12] =	dma.local [spmem:s13], $0x2780  }
0x37: {  	_ =	swait.ge [sflag:s10], $0x2780  }
0x38: {  	[sflag:s10] =	ssyncset.done $0x0  }
0x39: {  	[sflag:s10] =	ssyncadd.s32 $0xFFFFD880  }
0x3a: {  	_ =	sfence.sel $0x180000  }
0x3b: {  	[bflag:$0x0] =	sbarrier.arrive $0xFFFF  }
0x3c: {  	p0 =	sne.s32 s0, $0x0;
	_ =	strace $0x9000005F  }
0x3d: {  	s0 =	sadd.s32 @!p0 $0x100000, s1;
	[bflag:$0x2] =	sbarrier.arrive $0xFFFF  }
0x3e: {  	[sflag:s0] =	ssyncadd.tile.s32 @!p0 $0x1;
	_ =	shalt  }
.Lfunc_end2:
_tile_overlayer_lowered:
.L_overlay_start_2:
0x3f: {  	(tag) =	ssettag $0x2  }
0x40: {  	s0 =	rddreg [dreg:$0x0];
	s2 =	stileid.u32  }
0x41: {  	s1 =	rddreg [dreg:$0x1];
	p0 =	sne.s32 s2, $0x0  }
0x42: {  	s3 =	rddreg [dreg:$0x2];
	[bflag:$0x3] =	sbarrier.arrive $0xFFFF;
	s2 =	simm.s32 @!p0 $0x1C02  }
0x43: {  	[timem:s3], [sflag:s2] =	dma.local @!p0 [hbm:s0], s1  }
0x44: {  	s0 =	simm.s32 @!p0 $0x2  }
0x45: {  	_ =	swait.ge @!p0 [sflag:s0], s1  }
0x46: {  	s1 =	ssub.s32 @!p0 $0x0, s1;
	[sflag:s0] =	ssyncset.done @!p0 $0x0  }
0x47: {  	[sflag:s0] =	ssyncadd.s32 @!p0 s1  }
0x48: {  	[bflag:$0x3] =	sbarrier.arrive $0xFFFF  }
0x49: {  	_ =	shalt  }

// kernel: kernel.60.cloned.1.call-start
scs
__scs_entry_jumppad:
0x0: {  	(pc) =	sbr.rel $0x88, $3  }
0x1: {  	(tag) =	ssettag $0x0;
	lr =	simm.s32 $0x1  }
0x2: {  	[smem:$0x3F85] =	sst lr;
	_ =	strace $0xD0000000  }
0x3: {  	_ = 	snop  }
0x4: {  	_ = 	snop  }
0x5: {  	_ = 	snop  }
0x6: {  	_ = 	snop  }
0x7: {  	_ = 	snop  }
__scs_overlays_trampoline_lowered:
0x8: {  	[smem:$0x3F94] =	sst s0  }
0x9: {  	[smem:$0x3F95] =	sst s1  }
0xa: {  	[smem:$0x3F96] =	sst s2  }
0xb: {  	[smem:$0x3F97] =	sst s3  }
0xc: {  	[smem:$0x3F98] =	sst s4  }
0xd: {  	[smem:$0x3F99] =	sst s5  }
0xe: {  	[smem:$0x3F9A] =	sst s6  }
0xf: {  	[smem:$0x3F9B] =	sst s7  }
0x10: {  	[smem:$0x3F9C] =	sst s8  }
0x11: {  	[smem:$0x3F9D] =	sst s9;
	s0 =	simm.s32 @!p0 $0x0  }
0x12: {  	s1 =	sld [smem:$0x3F83];
	s0 =	simm.s32 @p0 $0x1  }
0x13: {  	[smem:$0x3F9E] =	sst s0;
	s0 =	simm.s32 @!p1 $0x0  }
0x14: {  	s2 =	sld [smem:$0x3F82];
	s0 =	simm.s32 @p1 $0x1  }
0x15: {  	[smem:$0x3F9F] =	sst s0;
	s0 =	simm.s32 @!p2 $0x0  }
0x16: {  	s3 =	sld [smem:$0x3FDB];
	s0 =	simm.s32 @p2 $0x1  }
0x17: {  	s4 =	simm.s32 $0x1BF5;
	[smem:$0x3FA1] =	sst s0  }
0x18: {  	s0 =	sld [smem:$0x3F84];
	_ =	swait.ge [sflag:s4], $0x0  }
0x19: {  	s7 =	sld [smem:$0x3F85]  }
0x1a: {  	s8 =	sadd.s32 $0xFFFFE003, lr  }
0x1b: {  	s9 =	sadd.s32 $0xFFFFFEF7, lr;
	s5 =	simm.s32 $0xFFFFFFFF;
	p2 =	slt.u32 s8, $0xFFFFF086  }
0x1c: {  	p1 =	slt.u32 s9, $0xF7A;
	s5 =	simm.s32 @!p2 $0x0  }
0x1d: {  	s5 =	simm.s32 @p1 $0x1;
	p0 =	seq.s32 s7, s2  }
0x1e: {  	s7 =	smul.u32 @!p0 $0xF7A, s2;
	p2 =	seq.s32 @!p0 s5, $0x0  }
0x1f: {  	s9 =	smul.u32 $0xF7A, s1;
	s8 =	simm.s32 @!p0 $0x1BF5;
	p2 =	por !p2, p0  }
0x20: {  	[sflag:s8] =	ssyncset.s32 @!p0 $0xFFFFF086;
	s6 =	sadd.s32 @!p0 s3, s7;
	s7 =	simm.s32 @!p0 $0x108  }
0x21: {  	s3 =	sadd.s32 s3, s9;
	s6 =	sadd.s32 @!p0 $0x88, s6;
	s7 =	simm.s32 @p2 $0x1082  }
0x22: {  	[simem:s7], [sflag:s8] =	dma.local @!p0 [hbm:s6], $0xF7A  }
0x23: {  	s9 =	sor.u32 $0xD0000000, s2;
	s6 =	simm.s32 $0x108;
	_ =	swait.ge @!p0 [sflag:s8], $0x0  }
0x24: {  	s3 =	sadd.s32 $0x88, s3;
	s6 =	simm.s32 @!p1 $0x1082;
	[sflag:s4] =	ssyncset.s32 $0xFFFFF086  }
0x25: {  	[simem:s6], [sflag:s4] =	dma.local [hbm:s3], $0xF7A  }
0x26: {  	[smem:$0x3F85] =	sst s1;
	(tag) =	ssettag s2;
	_ =	strace s9  }
0x27: {  	s1 =	sld [smem:$0x3F95]  }
0x28: {  	s2 =	sld [smem:$0x3F96]  }
0x29: {  	s4 =	sld [smem:$0x3F98]  }
0x2a: {  	p0 =	seq.s32 s5, $0x0;
	s5 =	sld [smem:$0x3F99]  }
0x2b: {  	s6 =	sld [smem:$0x3F9A]  }
0x2c: {  	s7 =	sld [smem:$0x3F9B]  }
0x2d: {  	s3 =	simm.s32 $0x108;
	s8 =	sld [smem:$0x3F9C]  }
0x2e: {  	s3 =	simm.s32 @!p0 $0x1082;
	s9 =	sld [smem:$0x3F9D]  }
0x2f: {  	lr =	sadd.s32 s0, s3;
	s0 =	sld [smem:$0x3F94]  }
0x30: {  	s3 =	sld [smem:$0x3F97]  }
0x31: {  	[smem:$0x3FA0] =	sst s10  }
0x32: {  	s10 =	sld [smem:$0x3F9E];
	_ =	sdelay $0x3  }
0x33: {  	p0 =	seq.s32 s10, $0x1;
	s10 =	sld [smem:$0x3FA0];
	_ =	sdelay $0x3  }
0x34: {  	[smem:$0x3FA0] =	sst s10  }
0x35: {  	s10 =	sld [smem:$0x3F9F];
	_ =	sdelay $0x3  }
0x36: {  	p1 =	seq.s32 s10, $0x1;
	s10 =	sld [smem:$0x3FA0];
	_ =	sdelay $0x3  }
0x37: {  	[smem:$0x3FA0] =	sst s10  }
0x38: {  	s10 =	sld [smem:$0x3FA1]  }
0x39: {  	_ = 	snop;
	(pc) =	sbr.ind lr, $3  }
0x3a: {  	_ = 	snop  }
0x3b: {  	_ = 	snop  }
0x3c: {  	p2 =	seq.s32 s10, $0x1;
	s10 =	sld [smem:$0x3FA0]  }
0x3d: {  	_ =	shalt  }
0x3e: {  	_ =	shalt  }
0x3f: {  	_ =	shalt  }
0x40: {  	_ =	shalt  }
0x41: {  	_ =	shalt  }
0x42: {  	_ =	shalt  }
0x43: {  	_ =	shalt  }
0x44: {  	_ =	shalt  }
0x45: {  	_ =	shalt  }
0x46: {  	_ =	shalt  }
0x47: {  	_ =	shalt  }
0x48: {  	_ =	shalt  }
0x49: {  	_ =	shalt  }
0x4a: {  	_ =	shalt  }
0x4b: {  	_ =	shalt  }
0x4c: {  	_ =	shalt  }
0x4d: {  	_ =	shalt  }
0x4e: {  	_ =	shalt  }
0x4f: {  	_ =	shalt  }
0x50: {  	_ =	shalt  }
0x51: {  	_ =	shalt  }
0x52: {  	_ =	shalt  }
0x53: {  	_ =	shalt  }
0x54: {  	_ =	shalt  }
0x55: {  	_ =	shalt  }
0x56: {  	_ =	shalt  }
0x57: {  	_ =	shalt  }
0x58: {  	_ =	shalt  }
0x59: {  	_ =	shalt  }
0x5a: {  	_ =	shalt  }
0x5b: {  	_ =	shalt  }
0x5c: {  	_ =	shalt  }
0x5d: {  	_ =	shalt  }
0x5e: {  	_ =	shalt  }
0x5f: {  	_ =	shalt  }
0x60: {  	_ =	shalt  }
0x61: {  	_ =	shalt  }
0x62: {  	_ =	shalt  }
0x63: {  	_ =	shalt  }
0x64: {  	_ =	shalt  }
0x65: {  	_ =	shalt  }
0x66: {  	_ =	shalt  }
0x67: {  	_ =	shalt  }
0x68: {  	_ =	shalt  }
0x69: {  	_ =	shalt  }
0x6a: {  	_ =	shalt  }
0x6b: {  	_ =	shalt  }
0x6c: {  	_ =	shalt  }
0x6d: {  	_ =	shalt  }
0x6e: {  	_ =	shalt  }
0x6f: {  	_ =	shalt  }
0x70: {  	_ =	shalt  }
0x71: {  	_ =	shalt  }
0x72: {  	_ =	shalt  }
0x73: {  	_ =	shalt  }
0x74: {  	_ =	shalt  }
0x75: {  	_ =	shalt  }
0x76: {  	_ =	shalt  }
0x77: {  	_ =	shalt  }
0x78: {  	_ =	shalt  }
0x79: {  	_ =	shalt  }
0x7a: {  	_ =	shalt  }
0x7b: {  	_ =	shalt  }
0x7c: {  	_ =	shalt  }
0x7d: {  	_ =	shalt  }
0x7e: {  	_ =	shalt  }
0x7f: {  	_ =	shalt  }
0x80: {  	_ =	shalt  }
0x81: {  	_ =	shalt  }
0x82: {  	_ =	shalt  }
0x83: {  	_ =	shalt  }
0x84: {  	_ =	shalt  }
0x85: {  	_ =	shalt  }
0x86: {  	_ =	shalt  }
0x87: {  	_ =	shalt  }
.Lfunc_end0:
.L_simem_size_0:
called_computation.9_lowered:
.L_overlay_start_0:
0x88: {  	s2 =	sld [smem:$0x3FD9]  }
0x89: {  	s3 =	sld [smem:$0x3FFE];
	_ =	sdelay $0x1  }
0x8a: {  	s1 =	srdreg.scid  }
0x8b: {  	s0 =	sand.u32 $0x1, s1  }
0x8c: {  	s17 =	sshll.u32 s0, $0xA;
	s2 =	sadd.s32 s3, s2  }
0x8d: {  	s2 =	sadd.s32 s2, s17  }
0x8e: {  	[smem:$0x3FAC] =	sst s2  }
0x8f: {  	_ = 	snop  }
0x90: {  	(tm) =	ssettm $0x1  }
0x91: {  	s18 =	sld [smem:$0x3FFB];
	_ =	sdelay $0x3  }
0x92: {  	_ =	strace s18  }
0x93: {  	s2 =	sld [smem:$0x3FFC];
	_ =	sdelay $0x3  }
0x94: {  	_ =	strace s2  }
0x95: {  	s2 =	sld [smem:$0x3FFD];
	_ =	sdelay $0x3  }
0x96: {  	_ =	strace s2  }
0x97: {  	_ =	strace $0x8FFFFFFF  }
0x98: {  	s19 =	sld [smem:$0x3FDB];
	_ =	sdelay $0x1  }
0x99: {  	s20 =	simm.s32 $_scs_section_size  }
0x9a: {  	s4 =	simm.s32 $_size__tile_overlayer_lowered;
	s5 =	simm.s32 $_tile_overlayer_lowered  }
0x9b: {  	s6 =	simm.s32 $0x1BFF;
	s21 =	sshll.u32 s5, $0x1;
	s3 =	sadd.s32 s20, s19  }
0x9c: {  	s22 =	simm.s32 $0x0;
	s4 =	sshll.u32 s4, $0x1;
	s5 =	sadd.s32 s21, s3  }
0x9d: {  	[timem:s22], [sflag:s6] =	dma.local [hbm:s5], s4  }
0x9e: {  	_ =	swait.ge [sflag:s6], s4  }
0x9f: {  	s4 =	ssub.s32 $0x0, s4;
	[sflag:s6] =	ssyncset.done $0x0  }
0xa0: {  	[sflag:s6] =	ssyncadd.s32 s4;
	_ =	sdelay $0x1  }
0xa1: {  	s23 =	simm.s32 $0x1B8B  }
0xa2: {  	_ =	swait.ge [sflag:s23], $0x1  }
0xa3: {  	[sflag:s23] =	ssyncset.done $0x0  }
0xa4: {  	[sflag:s23] =	ssyncadd.s32 $0xFFFFFFFF  }
0xa5: {  	s4 =	sld [smem:$0x0]  }
0xa6: {  	s5 =	sand.u32 $0xFFFFFFFE, s1  }
0xa7: {  	p0 =	sne.s32 s1, s5  }
0xa8: {  	s5 =	sshll.u32 @p0 s5, $0xE  }
0xa9: {  	s5 =	sadd.s32 @p0 $0x11B8D, s5;
	s6 =	sshll.u32 @p0 s4, $0x11  }
0xaa: {  	s5 =	sor.u32 @p0 s6, s5  }
0xab: {  	[sflag:s5] =	ssyncadd.remote.s32 @p0 $0x1;
	_ =	sdelay $0x1  }
0xac: {  	s5 =	simm.s32 @p0 $0x1B8D  }
0xad: {  	_ =	swait.eq @p0 [sflag:s5], $0x1  }
0xae: {  	[sflag:s5] =	ssyncadd.s32 @p0 $0xFFFFFFFF  }
0xaf: {  	s6 =	sshll.u32 @!p0 s1, $0xE  }
0xb0: {  	s6 =	sor.u32 @!p0 $0x4000, s6;
	s5 =	simm.s32 @!p0 $0x1B8D  }
0xb1: {  	s4 =	sshll.u32 @!p0 s4, $0x11;
	s6 =	sadd.s32 @!p0 $0x11B8D, s6;
	_ =	swait.eq @!p0 [sflag:s5], $0x1  }
0xb2: {  	s4 =	sor.u32 @!p0 s4, s6;
	[sflag:s5] =	ssyncadd.s32 @!p0 $0xFFFFFFFF  }
0xb3: {  	s25 =	simm.s32 $0x1B8E;
	s24 =	sld [smem:$0x3FFE];
	[sflag:s4] =	ssyncadd.remote.s32 @!p0 $0x1  }
0xb4: {  	s26 =	simm.s32 $execute0_lowered;
	[smem:$0x3FD2] =	sst s25  }
0xb5: {  	s5 =	sshll.u32 s26, $0x1;
	_ =	strace $0x80000061;
	[dreg:$0x1] =	wrdreg $0xFFFFFFFF  }
0xb6: {  	s28 =	simm.s32 $_size_execute0_lowered;
	s3 =	sadd.s32 s3, s5;
	[dreg:$0x0] =	wrdreg $0x0  }
0xb7: {  	s5 =	sshll.u32 s28, $0x1;
	[dreg:$0x2] =	wrdreg s3  }
0xb8: {  	[dreg:$0x3] =	wrdreg s5  }
0xb9: {  	[dreg:$0x4] =	wrdreg $0xC0  }
0xba: {  	_ =	task [dreg:s22], $0x5FFFF  }
0xbb: {  	[dreg:$0x1] =	wrdreg $0xFFFFFFFF  }
0xbc: {  	[dreg:$0x0] =	wrdreg $0x60  }
0xbd: {  	[dreg:$0x2] =	wrdreg s24  }
0xbe: {  	[dreg:$0x3] =	wrdreg $0x90000  }
0xbf: {  	[dreg:$0x4] =	wrdreg $0x9  }
0xc0: {  	_ =	task.clear_ibuf [dreg:s22], $0x5FFFF;
	_ =	strace $0x90000061  }
0xc1: {  	s29 =	simm.s32 $0x9;
	_ =	strace $0x80000063  }
0xc2: {  	_ =	swait.ge [sflag:s29], $0x1  }
0xc3: {  	[sflag:s29] =	ssyncadd.s32 $0xFFFFFFFF  }
0xc4: {  	_ =	strace $0x90000063  }
0xc5: {  	_ =	sfence  }
0xc6: {  	s30 =	sld [smem:$0x0];
	_ =	sdelay $0x2  }
0xc7: {  	s31 =	sshll.u32 s1, $0xD;
	s1 =	sshrl.u32 s1, $0x2  }
0xc8: {  	s4 =	sand.u32 $0x4000, s31;
	s1 =	sadd.s32 s1, s30  }
0xc9: {  	s0 =	sor.u32 s4, s0;
	s1 =	sshll.u32 s1, $0x11  }
0xca: {  	s0 =	sor.u32 s1, s0  }
0xcb: {  	s0 =	sadd.s32 $0x8F2B, s0  }
0xcc: {  	[sflag:s0] =	ssyncadd.remote.s32 $0x1  }
0xcd: {  	_ =	sfence.sel $0xFFFF  }
0xce: {  	[dreg:$0x0] =	wrdreg $0xFFFFFFFF;
	(pc) =	sbr.abs _section_cstart, $3  }
0xcf: {  	[dreg:$0x1] =	wrdreg $0xFFFFFFFF  }
0xd0: {  	_ =	task.clear_ibuf [dreg:s22], $0x2FFFF;
	_ =	strace $0x9FFFFFFF  }
0xd1: {  	(tm) =	ssettm $0x7FFFFFFF  }
tec
execute0_lowered:
.L_overlay_start_1:
0x0: {  	(tag) =	ssettag $0x1  }
0x1: {  	s0 =	srdreg.scid;
	s6 =	rddreg [dreg:$0x0]  }
0x2: {  	s2 =	rddreg [dreg:$0x1];
	s3 =	simm.s32 $0x0;
	s14 =	simm.s32 $0x80  }
0x3: {  	s15 =	simm.s32 $0x5000;
	s5 =	sand.u32 $0x1, s0;
	s0 =	stileid.u32  }
0x4: {  	s16 =	simm.s32 $0x1;
	s17 =	simm.s32 $0x0;
	s8 =	smul.u32 $0x13C00, s0  }
0x5: {  	[smem:$0x7FF] =	sst s3;
	s1 =	sshll.u32 s5, $0x4;
	s9 =	smul.u32 $0x13C000, s5  }
0x6: {  	s5 =	ssub.s32 $0x2, s5;
	s31 =	smul.u32 $0x4F000, s0;
	s12 =	sshll.u32 s0, $0x6  }
0x7: {  	s4 =	sor.u32 s0, s1;
	s1 =	rddreg [dreg:$0x2];
	_ =	strace $0x80000062  }
0x8: {  	s11 =	sshrl.u32 s5, $0x1;
	s12 =	sor.u32 $0x1C02, s12;
	s7 =	smul.u32 $0x500, s4  }
0x9: {  	s4 =	sadd.s32 $0x171000, s6;
	s10 =	sshrl.u32 s8, $0x3;
	s8 =	sadd.s32 s8, s9  }
0xa: {  	s11 =	ssub.s32 s5, s11;
	s9 =	sshrl.u32 s31, $0x2;
	s10 =	sadd.s32 s10, s6  }
0xb: {  	s8 =	sshrl.u32 s8, $0x3;
	s13 =	sadd.s32 s9, s2;
	s9 =	smax.u32 s11, $0x1  }
0xc: {  	s11 =	simm.s32 $0x2800;
	s7 =	sadd.s32 s7, s6;
	s8 =	sadd.s32 s8, s6  }
0xd: {  	s13 =	sshrl.u32 s13, $0x3;
	s5 =	sadd.s32 $0x15D000, s7;
	s6 =	sadd.s32 $0x167000, s7  }
0xe: {  	s7 =	sadd.s32 $0xE6800, s10;
	s8 =	sadd.s32 $0x234600, s8;
	s10 =	simm.s32 $0x2  }
.LBB2_1:
0xf: {  	[tilespmem:s3], [sflag:$0x2] =	stream.linear.gather [hbm4b:s5+s3], $0x2780, $0x38;
	[tilespmem:$0x1CC00] =	vst v63  }
0x10: {  	_ =	swait.ge [sflag:s10], $0x2780  }
0x11: {  	[sflag:s10] =	ssyncset.done $0x0  }
0x12: {  	[sflag:s10] =	ssyncadd.s32 $0xFFFFD880  }
0x13: {  	[tilespmem:s11], [sflag:$0x2] =	stream.linear.gather [hbm4b:s6+s3], $0x2780, $0x38;
	[tilespmem:$0x1CC00] =	vst v63  }
0x14: {  	_ =	swait.ge [sflag:s10], $0x2780  }
0x15: {  	[sflag:s10] =	ssyncset.done $0x0  }
0x16: {  	[sflag:s10] =	ssyncadd.s32 $0xFFFFD880  }
0x17: {  	[spmem:s13], [sflag:s12] =	dma.local [hbm:s7], $0x2780  }
0x18: {  	_ =	swait.ge [sflag:s10], $0x2780  }
0x19: {  	[sflag:s10] =	ssyncset.done $0x0  }
0x1a: {  	[sflag:s10] =	ssyncadd.s32 $0xFFFFD880  }
0x1b: {  	s18 =	simm.s32 $0x0;
	[bflag:$0x0] =	sbarrier.arrive $0xFFFF  }
0x1c: {  	[tilespmem:s15], [sflag:$0x1] =	stream.indirect.gather [hbm4b:s4+s14], $0x80, s18, s14, $0xb8;
	[tilespmem:$0x1CC00] =	vst v63  }
0x1d: {  	_ =	swait.ge [sflag:s16], $0x4000  }
0x1e: {  	[sflag:s16] =	ssyncset.done $0x0  }
0x1f: {  	s31 =	simm.s32 $0x2800;
	[sflag:s16] =	ssyncadd.s32 $0xFFFFC000  }
0x20: {  	[spmem:s2] =	stream.indirect.scatter.add.f32 [tilespmem:s15], [sflag:$0x2], $0x80, s31, s14, $0xb8;
	[tilespmem:$0x1CC00] =	vst v63  }
0x21: {  	_ =	swait.ge [sflag:s10], $0x4000  }
0x22: {  	s19 =	simm.s32 $0x400;
	s18 =	simm.s32 $0x200;
	[sflag:s10] =	ssyncset.done $0x0  }
.LBB2_2:
0x23: {  	s20 =	sshra.s32 s18, $0x2  }
0x24: {  	[sflag:s10] =	ssyncadd.s32 $0xFFFFC000;
	s18 =	smov.u32 s19;
	s21 =	sadd.s32 $0x200, s19  }
0x25: {  	[tilespmem:s15], [sflag:$0x1] =	stream.indirect.gather [hbm4b:s4+s14], $0x80, s20, s14, $0xb8;
	[tilespmem:$0x1CC00] =	vst v63  }
0x26: {  	p0 =	sne.s32 s19, $0x9C00;
	_ =	swait.ge [sflag:s16], $0x4000  }
.Ltmp0:
0x27: {  	[sflag:s16] =	ssyncset.done $0x0;
	(pc) =	sbr.rel @p0 .LBB2_2-.Ltmp0, $4  }
0x28: {  	s19 =	sadd.s32 $0x2800, s20;
	[sflag:s16] =	ssyncadd.s32 $0xFFFFC000  }
0x29: {  	[spmem:s2] =	stream.indirect.scatter.add.f32 [tilespmem:s15], [sflag:$0x2], $0x80, s19, s14, $0xb8;
	[tilespmem:$0x1CC00] =	vst v63  }
0x2a: {  	_ =	swait.ge [sflag:s10], $0x4000  }
0x2b: {  	s19 =	smov.u32 s21;
	[sflag:s10] =	ssyncset.done $0x0  }
0x2c: {  	s18 =	sshra.s32 s18, $0x2;
	[sflag:s10] =	ssyncadd.s32 $0xFFFFC000  }
0x2d: {  	[tilespmem:s15], [sflag:$0x1] =	stream.indirect.gather [hbm4b:s4+s14], $0x80, s18, s14, $0xb8;
	[tilespmem:$0x1CC00] =	vst v63  }
0x2e: {  	_ =	swait.ge [sflag:s16], $0x4000  }
0x2f: {  	[sflag:s16] =	ssyncset.done $0x0  }
0x30: {  	s18 =	sadd.s32 $0x2800, s18;
	[sflag:s16] =	ssyncadd.s32 $0xFFFFC000  }
0x31: {  	[spmem:s2] =	stream.indirect.scatter.add.f32 [tilespmem:s15], [sflag:$0x2], $0x80, s18, s14, $0xb8;
	[tilespmem:$0x1CC00] =	vst v63  }
0x32: {  	_ =	swait.ge [sflag:s10], $0x4000  }
0x33: {  	s17 =	sadd.s32 $0x1, s17;
	[sflag:s10] =	ssyncset.done $0x0  }
0x34: {  	p0 =	sne.s32 s17, s9;
	[sflag:s10] =	ssyncadd.s32 $0xFFFFC000  }
.Ltmp1:
0x35: {  	[bflag:$0x0] =	sbarrier.arrive $0xFFFF;
	(pc) =	sbr.rel @p0 .LBB2_1-.Ltmp1, $4  }
0x36: {  	[hbm:s8], [sflag:s12] =	dma.local [spmem:s13], $0x2780  }
0x37: {  	_ =	swait.ge [sflag:s10], $0x2780  }
0x38: {  	[sflag:s10] =	ssyncset.done $0x0  }
0x39: {  	[sflag:s10] =	ssyncadd.s32 $0xFFFFD880  }
0x3a: {  	_ =	sfence.sel $0x180000  }
0x3b: {  	[bflag:$0x0] =	sbarrier.arrive $0xFFFF  }
0x3c: {  	p0 =	sne.s32 s0, $0x0;
	_ =	strace $0x90000062  }
0x3d: {  	s0 =	sadd.s32 @!p0 $0x100000, s1;
	[bflag:$0x2] =	sbarrier.arrive $0xFFFF  }
0x3e: {  	[sflag:s0] =	ssyncadd.tile.s32 @!p0 $0x1;
	_ =	shalt  }
.Lfunc_end2:
_tile_overlayer_lowered:
.L_overlay_start_2:
0x3f: {  	(tag) =	ssettag $0x2  }
0x40: {  	s0 =	rddreg [dreg:$0x0];
	s2 =	stileid.u32  }
0x41: {  	s1 =	rddreg [dreg:$0x1];
	p0 =	sne.s32 s2, $0x0  }
0x42: {  	s3 =	rddreg [dreg:$0x2];
	[bflag:$0x3] =	sbarrier.arrive $0xFFFF;
	s2 =	simm.s32 @!p0 $0x1C02  }
0x43: {  	[timem:s3], [sflag:s2] =	dma.local @!p0 [hbm:s0], s1  }
0x44: {  	s0 =	simm.s32 @!p0 $0x2  }
0x45: {  	_ =	swait.ge @!p0 [sflag:s0], s1  }
0x46: {  	s1 =	ssub.s32 @!p0 $0x0, s1;
	[sflag:s0] =	ssyncset.done @!p0 $0x0  }
0x47: {  	[sflag:s0] =	ssyncadd.s32 @!p0 s1  }
0x48: {  	[bflag:$0x3] =	sbarrier.arrive $0xFFFF  }
0x49: {  	_ =	shalt  }

// kernel: kernel.63.cloned.1.call-start
scs
__scs_entry_jumppad:
0x0: {  	(pc) =	sbr.rel $0x88, $3  }
0x1: {  	(tag) =	ssettag $0x0;
	lr =	simm.s32 $0x1  }
0x2: {  	[smem:$0x3F85] =	sst lr;
	_ =	strace $0xD0000000  }
0x3: {  	_ = 	snop  }
0x4: {  	_ = 	snop  }
0x5: {  	_ = 	snop  }
0x6: {  	_ = 	snop  }
0x7: {  	_ = 	snop  }
__scs_overlays_trampoline_lowered:
0x8: {  	[smem:$0x3F94] =	sst s0  }
0x9: {  	[smem:$0x3F95] =	sst s1  }
0xa: {  	[smem:$0x3F96] =	sst s2  }
0xb: {  	[smem:$0x3F97] =	sst s3  }
0xc: {  	[smem:$0x3F98] =	sst s4  }
0xd: {  	[smem:$0x3F99] =	sst s5  }
0xe: {  	[smem:$0x3F9A] =	sst s6  }
0xf: {  	[smem:$0x3F9B] =	sst s7  }
0x10: {  	[smem:$0x3F9C] =	sst s8  }
0x11: {  	[smem:$0x3F9D] =	sst s9;
	s0 =	simm.s32 @!p0 $0x0  }
0x12: {  	s1 =	sld [smem:$0x3F83];
	s0 =	simm.s32 @p0 $0x1  }
0x13: {  	[smem:$0x3F9E] =	sst s0;
	s0 =	simm.s32 @!p1 $0x0  }
0x14: {  	s2 =	sld [smem:$0x3F82];
	s0 =	simm.s32 @p1 $0x1  }
0x15: {  	[smem:$0x3F9F] =	sst s0;
	s0 =	simm.s32 @!p2 $0x0  }
0x16: {  	s3 =	sld [smem:$0x3FDB];
	s0 =	simm.s32 @p2 $0x1  }
0x17: {  	s4 =	simm.s32 $0x1BF5;
	[smem:$0x3FA1] =	sst s0  }
0x18: {  	s0 =	sld [smem:$0x3F84];
	_ =	swait.ge [sflag:s4], $0x0  }
0x19: {  	s7 =	sld [smem:$0x3F85]  }
0x1a: {  	s8 =	sadd.s32 $0xFFFFE003, lr  }
0x1b: {  	s9 =	sadd.s32 $0xFFFFFEF7, lr;
	s5 =	simm.s32 $0xFFFFFFFF;
	p2 =	slt.u32 s8, $0xFFFFF086  }
0x1c: {  	p1 =	slt.u32 s9, $0xF7A;
	s5 =	simm.s32 @!p2 $0x0  }
0x1d: {  	s5 =	simm.s32 @p1 $0x1;
	p0 =	seq.s32 s7, s2  }
0x1e: {  	s7 =	smul.u32 @!p0 $0xF7A, s2;
	p2 =	seq.s32 @!p0 s5, $0x0  }
0x1f: {  	s9 =	smul.u32 $0xF7A, s1;
	s8 =	simm.s32 @!p0 $0x1BF5;
	p2 =	por !p2, p0  }
0x20: {  	[sflag:s8] =	ssyncset.s32 @!p0 $0xFFFFF086;
	s6 =	sadd.s32 @!p0 s3, s7;
	s7 =	simm.s32 @!p0 $0x108  }
0x21: {  	s3 =	sadd.s32 s3, s9;
	s6 =	sadd.s32 @!p0 $0x88, s6;
	s7 =	simm.s32 @p2 $0x1082  }
0x22: {  	[simem:s7], [sflag:s8] =	dma.local @!p0 [hbm:s6], $0xF7A  }
0x23: {  	s9 =	sor.u32 $0xD0000000, s2;
	s6 =	simm.s32 $0x108;
	_ =	swait.ge @!p0 [sflag:s8], $0x0  }
0x24: {  	s3 =	sadd.s32 $0x88, s3;
	s6 =	simm.s32 @!p1 $0x1082;
	[sflag:s4] =	ssyncset.s32 $0xFFFFF086  }
0x25: {  	[simem:s6], [sflag:s4] =	dma.local [hbm:s3], $0xF7A  }
0x26: {  	[smem:$0x3F85] =	sst s1;
	(tag) =	ssettag s2;
	_ =	strace s9  }
0x27: {  	s1 =	sld [smem:$0x3F95]  }
0x28: {  	s2 =	sld [smem:$0x3F96]  }
0x29: {  	s4 =	sld [smem:$0x3F98]  }
0x2a: {  	p0 =	seq.s32 s5, $0x0;
	s5 =	sld [smem:$0x3F99]  }
0x2b: {  	s6 =	sld [smem:$0x3F9A]  }
0x2c: {  	s7 =	sld [smem:$0x3F9B]  }
0x2d: {  	s3 =	simm.s32 $0x108;
	s8 =	sld [smem:$0x3F9C]  }
0x2e: {  	s3 =	simm.s32 @!p0 $0x1082;
	s9 =	sld [smem:$0x3F9D]  }
0x2f: {  	lr =	sadd.s32 s0, s3;
	s0 =	sld [smem:$0x3F94]  }
0x30: {  	s3 =	sld [smem:$0x3F97]  }
0x31: {  	[smem:$0x3FA0] =	sst s10  }
0x32: {  	s10 =	sld [smem:$0x3F9E];
	_ =	sdelay $0x3  }
0x33: {  	p0 =	seq.s32 s10, $0x1;
	s10 =	sld [smem:$0x3FA0];
	_ =	sdelay $0x3  }
0x34: {  	[smem:$0x3FA0] =	sst s10  }
0x35: {  	s10 =	sld [smem:$0x3F9F];
	_ =	sdelay $0x3  }
0x36: {  	p1 =	seq.s32 s10, $0x1;
	s10 =	sld [smem:$0x3FA0];
	_ =	sdelay $0x3  }
0x37: {  	[smem:$0x3FA0] =	sst s10  }
0x38: {  	s10 =	sld [smem:$0x3FA1]  }
0x39: {  	_ = 	snop;
	(pc) =	sbr.ind lr, $3  }
0x3a: {  	_ = 	snop  }
0x3b: {  	_ = 	snop  }
0x3c: {  	p2 =	seq.s32 s10, $0x1;
	s10 =	sld [smem:$0x3FA0]  }
0x3d: {  	_ =	shalt  }
0x3e: {  	_ =	shalt  }
0x3f: {  	_ =	shalt  }
0x40: {  	_ =	shalt  }
0x41: {  	_ =	shalt  }
0x42: {  	_ =	shalt  }
0x43: {  	_ =	shalt  }
0x44: {  	_ =	shalt  }
0x45: {  	_ =	shalt  }
0x46: {  	_ =	shalt  }
0x47: {  	_ =	shalt  }
0x48: {  	_ =	shalt  }
0x49: {  	_ =	shalt  }
0x4a: {  	_ =	shalt  }
0x4b: {  	_ =	shalt  }
0x4c: {  	_ =	shalt  }
0x4d: {  	_ =	shalt  }
0x4e: {  	_ =	shalt  }
0x4f: {  	_ =	shalt  }
0x50: {  	_ =	shalt  }
0x51: {  	_ =	shalt  }
0x52: {  	_ =	shalt  }
0x53: {  	_ =	shalt  }
0x54: {  	_ =	shalt  }
0x55: {  	_ =	shalt  }
0x56: {  	_ =	shalt  }
0x57: {  	_ =	shalt  }
0x58: {  	_ =	shalt  }
0x59: {  	_ =	shalt  }
0x5a: {  	_ =	shalt  }
0x5b: {  	_ =	shalt  }
0x5c: {  	_ =	shalt  }
0x5d: {  	_ =	shalt  }
0x5e: {  	_ =	shalt  }
0x5f: {  	_ =	shalt  }
0x60: {  	_ =	shalt  }
0x61: {  	_ =	shalt  }
0x62: {  	_ =	shalt  }
0x63: {  	_ =	shalt  }
0x64: {  	_ =	shalt  }
0x65: {  	_ =	shalt  }
0x66: {  	_ =	shalt  }
0x67: {  	_ =	shalt  }
0x68: {  	_ =	shalt  }
0x69: {  	_ =	shalt  }
0x6a: {  	_ =	shalt  }
0x6b: {  	_ =	shalt  }
0x6c: {  	_ =	shalt  }
0x6d: {  	_ =	shalt  }
0x6e: {  	_ =	shalt  }
0x6f: {  	_ =	shalt  }
0x70: {  	_ =	shalt  }
0x71: {  	_ =	shalt  }
0x72: {  	_ =	shalt  }
0x73: {  	_ =	shalt  }
0x74: {  	_ =	shalt  }
0x75: {  	_ =	shalt  }
0x76: {  	_ =	shalt  }
0x77: {  	_ =	shalt  }
0x78: {  	_ =	shalt  }
0x79: {  	_ =	shalt  }
0x7a: {  	_ =	shalt  }
0x7b: {  	_ =	shalt  }
0x7c: {  	_ =	shalt  }
0x7d: {  	_ =	shalt  }
0x7e: {  	_ =	shalt  }
0x7f: {  	_ =	shalt  }
0x80: {  	_ =	shalt  }
0x81: {  	_ =	shalt  }
0x82: {  	_ =	shalt  }
0x83: {  	_ =	shalt  }
0x84: {  	_ =	shalt  }
0x85: {  	_ =	shalt  }
0x86: {  	_ =	shalt  }
0x87: {  	_ =	shalt  }
.Lfunc_end0:
.L_simem_size_0:
called_computation.10_lowered:
.L_overlay_start_0:
0x88: {  	s2 =	sld [smem:$0x3FD9]  }
0x89: {  	s3 =	sld [smem:$0x3FFE];
	_ =	sdelay $0x1  }
0x8a: {  	s1 =	srdreg.scid  }
0x8b: {  	s0 =	sand.u32 $0x1, s1  }
0x8c: {  	s17 =	sshll.u32 s0, $0xA;
	s2 =	sadd.s32 s3, s2  }
0x8d: {  	s2 =	sadd.s32 s2, s17  }
0x8e: {  	[smem:$0x3FAC] =	sst s2  }
0x8f: {  	_ = 	snop  }
0x90: {  	(tm) =	ssettm $0x1  }
0x91: {  	s18 =	sld [smem:$0x3FFB];
	_ =	sdelay $0x3  }
0x92: {  	_ =	strace s18  }
0x93: {  	s2 =	sld [smem:$0x3FFC];
	_ =	sdelay $0x3  }
0x94: {  	_ =	strace s2  }
0x95: {  	s2 =	sld [smem:$0x3FFD];
	_ =	sdelay $0x3  }
0x96: {  	_ =	strace s2  }
0x97: {  	_ =	strace $0x8FFFFFFF  }
0x98: {  	s19 =	sld [smem:$0x3FDB];
	_ =	sdelay $0x1  }
0x99: {  	s20 =	simm.s32 $_scs_section_size  }
0x9a: {  	s4 =	simm.s32 $_size__tile_overlayer_lowered;
	s5 =	simm.s32 $_tile_overlayer_lowered  }
0x9b: {  	s6 =	simm.s32 $0x1BFF;
	s21 =	sshll.u32 s5, $0x1;
	s3 =	sadd.s32 s20, s19  }
0x9c: {  	s22 =	simm.s32 $0x0;
	s4 =	sshll.u32 s4, $0x1;
	s5 =	sadd.s32 s21, s3  }
0x9d: {  	[timem:s22], [sflag:s6] =	dma.local [hbm:s5], s4  }
0x9e: {  	_ =	swait.ge [sflag:s6], s4  }
0x9f: {  	s4 =	ssub.s32 $0x0, s4;
	[sflag:s6] =	ssyncset.done $0x0  }
0xa0: {  	[sflag:s6] =	ssyncadd.s32 s4;
	_ =	sdelay $0x1  }
0xa1: {  	s23 =	simm.s32 $0x1B8B  }
0xa2: {  	_ =	swait.ge [sflag:s23], $0x1  }
0xa3: {  	[sflag:s23] =	ssyncset.done $0x0  }
0xa4: {  	[sflag:s23] =	ssyncadd.s32 $0xFFFFFFFF  }
0xa5: {  	s4 =	sld [smem:$0x0]  }
0xa6: {  	s5 =	sand.u32 $0xFFFFFFFE, s1  }
0xa7: {  	p0 =	sne.s32 s1, s5  }
0xa8: {  	s5 =	sshll.u32 @p0 s5, $0xE  }
0xa9: {  	s5 =	sadd.s32 @p0 $0x11B8D, s5;
	s6 =	sshll.u32 @p0 s4, $0x11  }
0xaa: {  	s5 =	sor.u32 @p0 s6, s5  }
0xab: {  	[sflag:s5] =	ssyncadd.remote.s32 @p0 $0x1;
	_ =	sdelay $0x1  }
0xac: {  	s5 =	simm.s32 @p0 $0x1B8D  }
0xad: {  	_ =	swait.eq @p0 [sflag:s5], $0x1  }
0xae: {  	[sflag:s5] =	ssyncadd.s32 @p0 $0xFFFFFFFF  }
0xaf: {  	s6 =	sshll.u32 @!p0 s1, $0xE  }
0xb0: {  	s6 =	sor.u32 @!p0 $0x4000, s6;
	s5 =	simm.s32 @!p0 $0x1B8D  }
0xb1: {  	s4 =	sshll.u32 @!p0 s4, $0x11;
	s6 =	sadd.s32 @!p0 $0x11B8D, s6;
	_ =	swait.eq @!p0 [sflag:s5], $0x1  }
0xb2: {  	s4 =	sor.u32 @!p0 s4, s6;
	[sflag:s5] =	ssyncadd.s32 @!p0 $0xFFFFFFFF  }
0xb3: {  	s25 =	simm.s32 $0x1B8E;
	s24 =	sld [smem:$0x3FFE];
	[sflag:s4] =	ssyncadd.remote.s32 @!p0 $0x1  }
0xb4: {  	s26 =	simm.s32 $execute0_lowered;
	[smem:$0x3FD2] =	sst s25  }
0xb5: {  	s5 =	sshll.u32 s26, $0x1;
	_ =	strace $0x80000064;
	[dreg:$0x1] =	wrdreg $0xFFFFFFFF  }
0xb6: {  	s28 =	simm.s32 $_size_execute0_lowered;
	s3 =	sadd.s32 s3, s5;
	[dreg:$0x0] =	wrdreg $0x0  }
0xb7: {  	s5 =	sshll.u32 s28, $0x1;
	[dreg:$0x2] =	wrdreg s3  }
0xb8: {  	[dreg:$0x3] =	wrdreg s5  }
0xb9: {  	[dreg:$0x4] =	wrdreg $0xC0  }
0xba: {  	_ =	task [dreg:s22], $0x5FFFF  }
0xbb: {  	[dreg:$0x1] =	wrdreg $0xFFFFFFFF  }
0xbc: {  	[dreg:$0x0] =	wrdreg $0x60  }
0xbd: {  	[dreg:$0x2] =	wrdreg s24  }
0xbe: {  	[dreg:$0x3] =	wrdreg $0x90000  }
0xbf: {  	[dreg:$0x4] =	wrdreg $0xA  }
0xc0: {  	_ =	task.clear_ibuf [dreg:s22], $0x5FFFF;
	_ =	strace $0x90000064  }
0xc1: {  	s29 =	simm.s32 $0xA;
	_ =	strace $0x80000066  }
0xc2: {  	_ =	swait.ge [sflag:s29], $0x1  }
0xc3: {  	[sflag:s29] =	ssyncadd.s32 $0xFFFFFFFF  }
0xc4: {  	_ =	strace $0x90000066  }
0xc5: {  	_ =	sfence  }
0xc6: {  	s30 =	sld [smem:$0x0];
	_ =	sdelay $0x2  }
0xc7: {  	s31 =	sshll.u32 s1, $0xD;
	s1 =	sshrl.u32 s1, $0x2  }
0xc8: {  	s4 =	sand.u32 $0x4000, s31;
	s1 =	sadd.s32 s1, s30  }
0xc9: {  	s0 =	sor.u32 s4, s0;
	s1 =	sshll.u32 s1, $0x11  }
0xca: {  	s0 =	sor.u32 s1, s0  }
0xcb: {  	s0 =	sadd.s32 $0x8F2B, s0  }
0xcc: {  	[sflag:s0] =	ssyncadd.remote.s32 $0x1  }
0xcd: {  	_ =	sfence.sel $0xFFFF  }
0xce: {  	[dreg:$0x0] =	wrdreg $0xFFFFFFFF;
	(pc) =	sbr.abs _section_cstart, $3  }
0xcf: {  	[dreg:$0x1] =	wrdreg $0xFFFFFFFF  }
0xd0: {  	_ =	task.clear_ibuf [dreg:s22], $0x2FFFF;
	_ =	strace $0x9FFFFFFF  }
0xd1: {  	(tm) =	ssettm $0x7FFFFFFF  }
tec
execute0_lowered:
.L_overlay_start_1:
0x0: {  	(tag) =	ssettag $0x1  }
0x1: {  	s0 =	srdreg.scid;
	s6 =	rddreg [dreg:$0x0]  }
0x2: {  	s2 =	rddreg [dreg:$0x1];
	s3 =	simm.s32 $0x0;
	s14 =	simm.s32 $0x80  }
0x3: {  	s15 =	simm.s32 $0x5000;
	s5 =	sand.u32 $0x1, s0;
	s0 =	stileid.u32  }
0x4: {  	s16 =	simm.s32 $0x1;
	s17 =	simm.s32 $0x0;
	s8 =	smul.u32 $0x13C00, s0  }
0x5: {  	[smem:$0x7FF] =	sst s3;
	s1 =	sshll.u32 s5, $0x4;
	s9 =	smul.u32 $0x13C000, s5  }
0x6: {  	s5 =	ssub.s32 $0x2, s5;
	s31 =	smul.u32 $0x4F000, s0;
	s12 =	sshll.u32 s0, $0x6  }
0x7: {  	s4 =	sor.u32 s0, s1;
	s1 =	rddreg [dreg:$0x2];
	_ =	strace $0x80000065  }
0x8: {  	s11 =	sshrl.u32 s5, $0x1;
	s12 =	sor.u32 $0x1C02, s12;
	s7 =	smul.u32 $0x500, s4  }
0x9: {  	s4 =	sadd.s32 $0x23200, s6;
	s10 =	sshrl.u32 s8, $0x3;
	s8 =	sadd.s32 s8, s9  }
0xa: {  	s11 =	ssub.s32 s5, s11;
	s9 =	sshrl.u32 s31, $0x2;
	s10 =	sadd.s32 s10, s6  }
0xb: {  	s8 =	sshrl.u32 s8, $0x3;
	s13 =	sadd.s32 s9, s2;
	s9 =	smax.u32 s11, $0x1  }
0xc: {  	s11 =	simm.s32 $0x2800;
	s7 =	sadd.s32 s7, s6;
	s8 =	sadd.s32 s8, s6  }
0xd: {  	s13 =	sshrl.u32 s13, $0x3;
	s5 =	sadd.s32 $0xF200, s7;
	s6 =	sadd.s32 $0x19200, s7  }
0xe: {  	s7 =	sadd.s32 $0xE6800, s10;
	s8 =	sadd.s32 $0x283600, s8;
	s10 =	simm.s32 $0x2  }
.LBB2_1:
0xf: {  	[tilespmem:s3], [sflag:$0x2] =	stream.linear.gather [hbm4b:s5+s3], $0x2780, $0x38;
	[tilespmem:$0x1CC00] =	vst v63  }
0x10: {  	_ =	swait.ge [sflag:s10], $0x2780  }
0x11: {  	[sflag:s10] =	ssyncset.done $0x0  }
0x12: {  	[sflag:s10] =	ssyncadd.s32 $0xFFFFD880  }
0x13: {  	[tilespmem:s11], [sflag:$0x2] =	stream.linear.gather [hbm4b:s6+s3], $0x2780, $0x38;
	[tilespmem:$0x1CC00] =	vst v63  }
0x14: {  	_ =	swait.ge [sflag:s10], $0x2780  }
0x15: {  	[sflag:s10] =	ssyncset.done $0x0  }
0x16: {  	[sflag:s10] =	ssyncadd.s32 $0xFFFFD880  }
0x17: {  	[spmem:s13], [sflag:s12] =	dma.local [hbm:s7], $0x2780  }
0x18: {  	_ =	swait.ge [sflag:s10], $0x2780  }
0x19: {  	[sflag:s10] =	ssyncset.done $0x0  }
0x1a: {  	[sflag:s10] =	ssyncadd.s32 $0xFFFFD880  }
0x1b: {  	s18 =	simm.s32 $0x0;
	[bflag:$0x0] =	sbarrier.arrive $0xFFFF  }
0x1c: {  	[tilespmem:s15], [sflag:$0x1] =	stream.indirect.gather [hbm4b:s4+s14], $0x80, s18, s14, $0xb8;
	[tilespmem:$0x1CC00] =	vst v63  }
0x1d: {  	_ =	swait.ge [sflag:s16], $0x4000  }
0x1e: {  	[sflag:s16] =	ssyncset.done $0x0  }
0x1f: {  	s31 =	simm.s32 $0x2800;
	[sflag:s16] =	ssyncadd.s32 $0xFFFFC000  }
0x20: {  	[spmem:s2] =	stream.indirect.scatter.add.f32 [tilespmem:s15], [sflag:$0x2], $0x80, s31, s14, $0xb8;
	[tilespmem:$0x1CC00] =	vst v63  }
0x21: {  	_ =	swait.ge [sflag:s10], $0x4000  }
0x22: {  	s19 =	simm.s32 $0x400;
	s18 =	simm.s32 $0x200;
	[sflag:s10] =	ssyncset.done $0x0  }
.LBB2_2:
0x23: {  	s20 =	sshra.s32 s18, $0x2  }
0x24: {  	[sflag:s10] =	ssyncadd.s32 $0xFFFFC000;
	s18 =	smov.u32 s19;
	s21 =	sadd.s32 $0x200, s19  }
0x25: {  	[tilespmem:s15], [sflag:$0x1] =	stream.indirect.gather [hbm4b:s4+s14], $0x80, s20, s14, $0xb8;
	[tilespmem:$0x1CC00] =	vst v63  }
0x26: {  	p0 =	sne.s32 s19, $0x9C00;
	_ =	swait.ge [sflag:s16], $0x4000  }
.Ltmp0:
0x27: {  	[sflag:s16] =	ssyncset.done $0x0;
	(pc) =	sbr.rel @p0 .LBB2_2-.Ltmp0, $4  }
0x28: {  	s19 =	sadd.s32 $0x2800, s20;
	[sflag:s16] =	ssyncadd.s32 $0xFFFFC000  }
0x29: {  	[spmem:s2] =	stream.indirect.scatter.add.f32 [tilespmem:s15], [sflag:$0x2], $0x80, s19, s14, $0xb8;
	[tilespmem:$0x1CC00] =	vst v63  }
0x2a: {  	_ =	swait.ge [sflag:s10], $0x4000  }
0x2b: {  	s19 =	smov.u32 s21;
	[sflag:s10] =	ssyncset.done $0x0  }
0x2c: {  	s18 =	sshra.s32 s18, $0x2;
	[sflag:s10] =	ssyncadd.s32 $0xFFFFC000  }
0x2d: {  	[tilespmem:s15], [sflag:$0x1] =	stream.indirect.gather [hbm4b:s4+s14], $0x80, s18, s14, $0xb8;
	[tilespmem:$0x1CC00] =	vst v63  }
0x2e: {  	_ =	swait.ge [sflag:s16], $0x4000  }
0x2f: {  	[sflag:s16] =	ssyncset.done $0x0  }
0x30: {  	s18 =	sadd.s32 $0x2800, s18;
	[sflag:s16] =	ssyncadd.s32 $0xFFFFC000  }
0x31: {  	[spmem:s2] =	stream.indirect.scatter.add.f32 [tilespmem:s15], [sflag:$0x2], $0x80, s18, s14, $0xb8;
	[tilespmem:$0x1CC00] =	vst v63  }
0x32: {  	_ =	swait.ge [sflag:s10], $0x4000  }
0x33: {  	s17 =	sadd.s32 $0x1, s17;
	[sflag:s10] =	ssyncset.done $0x0  }
0x34: {  	p0 =	sne.s32 s17, s9;
	[sflag:s10] =	ssyncadd.s32 $0xFFFFC000  }
.Ltmp1:
0x35: {  	[bflag:$0x0] =	sbarrier.arrive $0xFFFF;
	(pc) =	sbr.rel @p0 .LBB2_1-.Ltmp1, $4  }
0x36: {  	[hbm:s8], [sflag:s12] =	dma.local [spmem:s13], $0x2780  }
0x37: {  	_ =	swait.ge [sflag:s10], $0x2780  }
0x38: {  	[sflag:s10] =	ssyncset.done $0x0  }
0x39: {  	[sflag:s10] =	ssyncadd.s32 $0xFFFFD880  }
0x3a: {  	_ =	sfence.sel $0x180000  }
0x3b: {  	[bflag:$0x0] =	sbarrier.arrive $0xFFFF  }
0x3c: {  	p0 =	sne.s32 s0, $0x0;
	_ =	strace $0x90000065  }
0x3d: {  	s0 =	sadd.s32 @!p0 $0x100000, s1;
	[bflag:$0x2] =	sbarrier.arrive $0xFFFF  }
0x3e: {  	[sflag:s0] =	ssyncadd.tile.s32 @!p0 $0x1;
	_ =	shalt  }
.Lfunc_end2:
_tile_overlayer_lowered:
.L_overlay_start_2:
0x3f: {  	(tag) =	ssettag $0x2  }
0x40: {  	s0 =	rddreg [dreg:$0x0];
	s2 =	stileid.u32  }
0x41: {  	s1 =	rddreg [dreg:$0x1];
	p0 =	sne.s32 s2, $0x0  }
0x42: {  	s3 =	rddreg [dreg:$0x2];
	[bflag:$0x3] =	sbarrier.arrive $0xFFFF;
	s2 =	simm.s32 @!p0 $0x1C02  }
0x43: {  	[timem:s3], [sflag:s2] =	dma.local @!p0 [hbm:s0], s1  }
0x44: {  	s0 =	simm.s32 @!p0 $0x2  }
0x45: {  	_ =	swait.ge @!p0 [sflag:s0], s1  }
0x46: {  	s1 =	ssub.s32 @!p0 $0x0, s1;
	[sflag:s0] =	ssyncset.done @!p0 $0x0  }
0x47: {  	[sflag:s0] =	ssyncadd.s32 @!p0 s1  }
0x48: {  	[bflag:$0x3] =	sbarrier.arrive $0xFFFF  }
0x49: {  	_ =	shalt  }

// kernel: kernel.66.cloned.1.call-start
scs
__scs_entry_jumppad:
0x0: {  	(pc) =	sbr.rel $0x88, $3  }
0x1: {  	(tag) =	ssettag $0x0;
	lr =	simm.s32 $0x1  }
0x2: {  	[smem:$0x3F85] =	sst lr;
	_ =	strace $0xD0000000  }
0x3: {  	_ = 	snop  }
0x4: {  	_ = 	snop  }
0x5: {  	_ = 	snop  }
0x6: {  	_ = 	snop  }
0x7: {  	_ = 	snop  }
__scs_overlays_trampoline_lowered:
0x8: {  	[smem:$0x3F94] =	sst s0  }
0x9: {  	[smem:$0x3F95] =	sst s1  }
0xa: {  	[smem:$0x3F96] =	sst s2  }
0xb: {  	[smem:$0x3F97] =	sst s3  }
0xc: {  	[smem:$0x3F98] =	sst s4  }
0xd: {  	[smem:$0x3F99] =	sst s5  }
0xe: {  	[smem:$0x3F9A] =	sst s6  }
0xf: {  	[smem:$0x3F9B] =	sst s7  }
0x10: {  	[smem:$0x3F9C] =	sst s8  }
0x11: {  	[smem:$0x3F9D] =	sst s9;
	s0 =	simm.s32 @!p0 $0x0  }
0x12: {  	s1 =	sld [smem:$0x3F83];
	s0 =	simm.s32 @p0 $0x1  }
0x13: {  	[smem:$0x3F9E] =	sst s0;
	s0 =	simm.s32 @!p1 $0x0  }
0x14: {  	s2 =	sld [smem:$0x3F82];
	s0 =	simm.s32 @p1 $0x1  }
0x15: {  	[smem:$0x3F9F] =	sst s0;
	s0 =	simm.s32 @!p2 $0x0  }
0x16: {  	s3 =	sld [smem:$0x3FDB];
	s0 =	simm.s32 @p2 $0x1  }
0x17: {  	s4 =	simm.s32 $0x1BF5;
	[smem:$0x3FA1] =	sst s0  }
0x18: {  	s0 =	sld [smem:$0x3F84];
	_ =	swait.ge [sflag:s4], $0x0  }
0x19: {  	s7 =	sld [smem:$0x3F85]  }
0x1a: {  	s8 =	sadd.s32 $0xFFFFE003, lr  }
0x1b: {  	s9 =	sadd.s32 $0xFFFFFEF7, lr;
	s5 =	simm.s32 $0xFFFFFFFF;
	p2 =	slt.u32 s8, $0xFFFFF086  }
0x1c: {  	p1 =	slt.u32 s9, $0xF7A;
	s5 =	simm.s32 @!p2 $0x0  }
0x1d: {  	s5 =	simm.s32 @p1 $0x1;
	p0 =	seq.s32 s7, s2  }
0x1e: {  	s7 =	smul.u32 @!p0 $0xF7A, s2;
	p2 =	seq.s32 @!p0 s5, $0x0  }
0x1f: {  	s9 =	smul.u32 $0xF7A, s1;
	s8 =	simm.s32 @!p0 $0x1BF5;
	p2 =	por !p2, p0  }
0x20: {  	[sflag:s8] =	ssyncset.s32 @!p0 $0xFFFFF086;
	s6 =	sadd.s32 @!p0 s3, s7;
	s7 =	simm.s32 @!p0 $0x108  }
0x21: {  	s3 =	sadd.s32 s3, s9;
	s6 =	sadd.s32 @!p0 $0x88, s6;
	s7 =	simm.s32 @p2 $0x1082  }
0x22: {  	[simem:s7], [sflag:s8] =	dma.local @!p0 [hbm:s6], $0xF7A  }
0x23: {  	s9 =	sor.u32 $0xD0000000, s2;
	s6 =	simm.s32 $0x108;
	_ =	swait.ge @!p0 [sflag:s8], $0x0  }
0x24: {  	s3 =	sadd.s32 $0x88, s3;
	s6 =	simm.s32 @!p1 $0x1082;
	[sflag:s4] =	ssyncset.s32 $0xFFFFF086  }
0x25: {  	[simem:s6], [sflag:s4] =	dma.local [hbm:s3], $0xF7A  }
0x26: {  	[smem:$0x3F85] =	sst s1;
	(tag) =	ssettag s2;
	_ =	strace s9  }
0x27: {  	s1 =	sld [smem:$0x3F95]  }
0x28: {  	s2 =	sld [smem:$0x3F96]  }
0x29: {  	s4 =	sld [smem:$0x3F98]  }
0x2a: {  	p0 =	seq.s32 s5, $0x0;
	s5 =	sld [smem:$0x3F99]  }
0x2b: {  	s6 =	sld [smem:$0x3F9A]  }
0x2c: {  	s7 =	sld [smem:$0x3F9B]  }
0x2d: {  	s3 =	simm.s32 $0x108;
	s8 =	sld [smem:$0x3F9C]  }
0x2e: {  	s3 =	simm.s32 @!p0 $0x1082;
	s9 =	sld [smem:$0x3F9D]  }
0x2f: {  	lr =	sadd.s32 s0, s3;
	s0 =	sld [smem:$0x3F94]  }
0x30: {  	s3 =	sld [smem:$0x3F97]  }
0x31: {  	[smem:$0x3FA0] =	sst s10  }
0x32: {  	s10 =	sld [smem:$0x3F9E];
	_ =	sdelay $0x3  }
0x33: {  	p0 =	seq.s32 s10, $0x1;
	s10 =	sld [smem:$0x3FA0];
	_ =	sdelay $0x3  }
0x34: {  	[smem:$0x3FA0] =	sst s10  }
0x35: {  	s10 =	sld [smem:$0x3F9F];
	_ =	sdelay $0x3  }
0x36: {  	p1 =	seq.s32 s10, $0x1;
	s10 =	sld [smem:$0x3FA0];
	_ =	sdelay $0x3  }
0x37: {  	[smem:$0x3FA0] =	sst s10  }
0x38: {  	s10 =	sld [smem:$0x3FA1]  }
0x39: {  	_ = 	snop;
	(pc) =	sbr.ind lr, $3  }
0x3a: {  	_ = 	snop  }
0x3b: {  	_ = 	snop  }
0x3c: {  	p2 =	seq.s32 s10, $0x1;
	s10 =	sld [smem:$0x3FA0]  }
0x3d: {  	_ =	shalt  }
0x3e: {  	_ =	shalt  }
0x3f: {  	_ =	shalt  }
0x40: {  	_ =	shalt  }
0x41: {  	_ =	shalt  }
0x42: {  	_ =	shalt  }
0x43: {  	_ =	shalt  }
0x44: {  	_ =	shalt  }
0x45: {  	_ =	shalt  }
0x46: {  	_ =	shalt  }
0x47: {  	_ =	shalt  }
0x48: {  	_ =	shalt  }
0x49: {  	_ =	shalt  }
0x4a: {  	_ =	shalt  }
0x4b: {  	_ =	shalt  }
0x4c: {  	_ =	shalt  }
0x4d: {  	_ =	shalt  }
0x4e: {  	_ =	shalt  }
0x4f: {  	_ =	shalt  }
0x50: {  	_ =	shalt  }
0x51: {  	_ =	shalt  }
0x52: {  	_ =	shalt  }
0x53: {  	_ =	shalt  }
0x54: {  	_ =	shalt  }
0x55: {  	_ =	shalt  }
0x56: {  	_ =	shalt  }
0x57: {  	_ =	shalt  }
0x58: {  	_ =	shalt  }
0x59: {  	_ =	shalt  }
0x5a: {  	_ =	shalt  }
0x5b: {  	_ =	shalt  }
0x5c: {  	_ =	shalt  }
0x5d: {  	_ =	shalt  }
0x5e: {  	_ =	shalt  }
0x5f: {  	_ =	shalt  }
0x60: {  	_ =	shalt  }
0x61: {  	_ =	shalt  }
0x62: {  	_ =	shalt  }
0x63: {  	_ =	shalt  }
0x64: {  	_ =	shalt  }
0x65: {  	_ =	shalt  }
0x66: {  	_ =	shalt  }
0x67: {  	_ =	shalt  }
0x68: {  	_ =	shalt  }
0x69: {  	_ =	shalt  }
0x6a: {  	_ =	shalt  }
0x6b: {  	_ =	shalt  }
0x6c: {  	_ =	shalt  }
0x6d: {  	_ =	shalt  }
0x6e: {  	_ =	shalt  }
0x6f: {  	_ =	shalt  }
0x70: {  	_ =	shalt  }
0x71: {  	_ =	shalt  }
0x72: {  	_ =	shalt  }
0x73: {  	_ =	shalt  }
0x74: {  	_ =	shalt  }
0x75: {  	_ =	shalt  }
0x76: {  	_ =	shalt  }
0x77: {  	_ =	shalt  }
0x78: {  	_ =	shalt  }
0x79: {  	_ =	shalt  }
0x7a: {  	_ =	shalt  }
0x7b: {  	_ =	shalt  }
0x7c: {  	_ =	shalt  }
0x7d: {  	_ =	shalt  }
0x7e: {  	_ =	shalt  }
0x7f: {  	_ =	shalt  }
0x80: {  	_ =	shalt  }
0x81: {  	_ =	shalt  }
0x82: {  	_ =	shalt  }
0x83: {  	_ =	shalt  }
0x84: {  	_ =	shalt  }
0x85: {  	_ =	shalt  }
0x86: {  	_ =	shalt  }
0x87: {  	_ =	shalt  }
.Lfunc_end0:
.L_simem_size_0:
called_computation.11_lowered:
.L_overlay_start_0:
0x88: {  	s2 =	sld [smem:$0x3FD9]  }
0x89: {  	s3 =	sld [smem:$0x3FFE];
	_ =	sdelay $0x1  }
0x8a: {  	s1 =	srdreg.scid  }
0x8b: {  	s0 =	sand.u32 $0x1, s1  }
0x8c: {  	s17 =	sshll.u32 s0, $0xA;
	s2 =	sadd.s32 s3, s2  }
0x8d: {  	s2 =	sadd.s32 s2, s17  }
0x8e: {  	[smem:$0x3FAC] =	sst s2  }
0x8f: {  	_ = 	snop  }
0x90: {  	(tm) =	ssettm $0x1  }
0x91: {  	s18 =	sld [smem:$0x3FFB];
	_ =	sdelay $0x3  }
0x92: {  	_ =	strace s18  }
0x93: {  	s2 =	sld [smem:$0x3FFC];
	_ =	sdelay $0x3  }
0x94: {  	_ =	strace s2  }
0x95: {  	s2 =	sld [smem:$0x3FFD];
	_ =	sdelay $0x3  }
0x96: {  	_ =	strace s2  }
0x97: {  	_ =	strace $0x8FFFFFFF  }
0x98: {  	s19 =	sld [smem:$0x3FDB];
	_ =	sdelay $0x1  }
0x99: {  	s20 =	simm.s32 $_scs_section_size  }
0x9a: {  	s4 =	simm.s32 $_size__tile_overlayer_lowered;
	s5 =	simm.s32 $_tile_overlayer_lowered  }
0x9b: {  	s6 =	simm.s32 $0x1BFF;
	s21 =	sshll.u32 s5, $0x1;
	s3 =	sadd.s32 s20, s19  }
0x9c: {  	s22 =	simm.s32 $0x0;
	s4 =	sshll.u32 s4, $0x1;
	s5 =	sadd.s32 s21, s3  }
0x9d: {  	[timem:s22], [sflag:s6] =	dma.local [hbm:s5], s4  }
0x9e: {  	_ =	swait.ge [sflag:s6], s4  }
0x9f: {  	s4 =	ssub.s32 $0x0, s4;
	[sflag:s6] =	ssyncset.done $0x0  }
0xa0: {  	[sflag:s6] =	ssyncadd.s32 s4;
	_ =	sdelay $0x1  }
0xa1: {  	s23 =	simm.s32 $0x1B8B  }
0xa2: {  	_ =	swait.ge [sflag:s23], $0x1  }
0xa3: {  	[sflag:s23] =	ssyncset.done $0x0  }
0xa4: {  	[sflag:s23] =	ssyncadd.s32 $0xFFFFFFFF  }
0xa5: {  	s4 =	sld [smem:$0x0]  }
0xa6: {  	s5 =	sand.u32 $0xFFFFFFFE, s1  }
0xa7: {  	p0 =	sne.s32 s1, s5  }
0xa8: {  	s5 =	sshll.u32 @p0 s5, $0xE  }
0xa9: {  	s5 =	sadd.s32 @p0 $0x11B8D, s5;
	s6 =	sshll.u32 @p0 s4, $0x11  }
0xaa: {  	s5 =	sor.u32 @p0 s6, s5  }
0xab: {  	[sflag:s5] =	ssyncadd.remote.s32 @p0 $0x1;
	_ =	sdelay $0x1  }
0xac: {  	s5 =	simm.s32 @p0 $0x1B8D  }
0xad: {  	_ =	swait.eq @p0 [sflag:s5], $0x1  }
0xae: {  	[sflag:s5] =	ssyncadd.s32 @p0 $0xFFFFFFFF  }
0xaf: {  	s6 =	sshll.u32 @!p0 s1, $0xE  }
0xb0: {  	s6 =	sor.u32 @!p0 $0x4000, s6;
	s5 =	simm.s32 @!p0 $0x1B8D  }
0xb1: {  	s4 =	sshll.u32 @!p0 s4, $0x11;
	s6 =	sadd.s32 @!p0 $0x11B8D, s6;
	_ =	swait.eq @!p0 [sflag:s5], $0x1  }
0xb2: {  	s4 =	sor.u32 @!p0 s4, s6;
	[sflag:s5] =	ssyncadd.s32 @!p0 $0xFFFFFFFF  }
0xb3: {  	s25 =	simm.s32 $0x1B8E;
	s24 =	sld [smem:$0x3FFE];
	[sflag:s4] =	ssyncadd.remote.s32 @!p0 $0x1  }
0xb4: {  	s26 =	simm.s32 $execute0_lowered;
	[smem:$0x3FD2] =	sst s25  }
0xb5: {  	s5 =	sshll.u32 s26, $0x1;
	_ =	strace $0x80000067;
	[dreg:$0x1] =	wrdreg $0xFFFFFFFF  }
0xb6: {  	s28 =	simm.s32 $_size_execute0_lowered;
	s3 =	sadd.s32 s3, s5;
	[dreg:$0x0] =	wrdreg $0x0  }
0xb7: {  	s5 =	sshll.u32 s28, $0x1;
	[dreg:$0x2] =	wrdreg s3  }
0xb8: {  	[dreg:$0x3] =	wrdreg s5  }
0xb9: {  	[dreg:$0x4] =	wrdreg $0xC0  }
0xba: {  	_ =	task [dreg:s22], $0x5FFFF  }
0xbb: {  	[dreg:$0x1] =	wrdreg $0xFFFFFFFF  }
0xbc: {  	[dreg:$0x0] =	wrdreg $0x60  }
0xbd: {  	[dreg:$0x2] =	wrdreg s24  }
0xbe: {  	[dreg:$0x3] =	wrdreg $0x90000  }
0xbf: {  	[dreg:$0x4] =	wrdreg $0x9  }
0xc0: {  	_ =	task.clear_ibuf [dreg:s22], $0x5FFFF;
	_ =	strace $0x90000067  }
0xc1: {  	s29 =	simm.s32 $0x9;
	_ =	strace $0x80000069  }
0xc2: {  	_ =	swait.ge [sflag:s29], $0x1  }
0xc3: {  	[sflag:s29] =	ssyncadd.s32 $0xFFFFFFFF  }
0xc4: {  	_ =	strace $0x90000069  }
0xc5: {  	_ =	sfence  }
0xc6: {  	s30 =	sld [smem:$0x0];
	_ =	sdelay $0x2  }
0xc7: {  	s31 =	sshll.u32 s1, $0xD;
	s1 =	sshrl.u32 s1, $0x2  }
0xc8: {  	s4 =	sand.u32 $0x4000, s31;
	s1 =	sadd.s32 s1, s30  }
0xc9: {  	s0 =	sor.u32 s4, s0;
	s1 =	sshll.u32 s1, $0x11  }
0xca: {  	s0 =	sor.u32 s1, s0  }
0xcb: {  	s0 =	sadd.s32 $0x8F2B, s0  }
0xcc: {  	[sflag:s0] =	ssyncadd.remote.s32 $0x1  }
0xcd: {  	_ =	sfence.sel $0xFFFF  }
0xce: {  	[dreg:$0x0] =	wrdreg $0xFFFFFFFF;
	(pc) =	sbr.abs _section_cstart, $3  }
0xcf: {  	[dreg:$0x1] =	wrdreg $0xFFFFFFFF  }
0xd0: {  	_ =	task.clear_ibuf [dreg:s22], $0x2FFFF;
	_ =	strace $0x9FFFFFFF  }
0xd1: {  	(tm) =	ssettm $0x7FFFFFFF  }
tec
execute0_lowered:
.L_overlay_start_1:
0x0: {  	(tag) =	ssettag $0x1  }
0x1: {  	s0 =	srdreg.scid;
	s6 =	rddreg [dreg:$0x0]  }
0x2: {  	s2 =	rddreg [dreg:$0x1];
	s3 =	simm.s32 $0x0;
	s14 =	simm.s32 $0x80  }
0x3: {  	s15 =	simm.s32 $0x5000;
	s5 =	sand.u32 $0x1, s0;
	s0 =	stileid.u32  }
0x4: {  	s16 =	simm.s32 $0x1;
	s17 =	simm.s32 $0x0;
	s8 =	smul.u32 $0x13C00, s0  }
0x5: {  	[smem:$0x7FF] =	sst s3;
	s1 =	sshll.u32 s5, $0x4;
	s9 =	smul.u32 $0x13C000, s5  }
0x6: {  	s5 =	ssub.s32 $0x2, s5;
	s31 =	smul.u32 $0x4F000, s0;
	s12 =	sshll.u32 s0, $0x6  }
0x7: {  	s4 =	sor.u32 s0, s1;
	s1 =	rddreg [dreg:$0x2];
	_ =	strace $0x80000068  }
0x8: {  	s11 =	sshrl.u32 s5, $0x1;
	s12 =	sor.u32 $0x1C02, s12;
	s7 =	smul.u32 $0x500, s4  }
0x9: {  	s4 =	sadd.s32 $0x171000, s6;
	s10 =	sshrl.u32 s8, $0x3;
	s8 =	sadd.s32 s8, s9  }
0xa: {  	s11 =	ssub.s32 s5, s11;
	s9 =	sshrl.u32 s31, $0x2;
	s10 =	sadd.s32 s10, s6  }
0xb: {  	s8 =	sshrl.u32 s8, $0x3;
	s13 =	sadd.s32 s9, s2;
	s9 =	smax.u32 s11, $0x1  }
0xc: {  	s11 =	simm.s32 $0x2800;
	s7 =	sadd.s32 s7, s6;
	s8 =	sadd.s32 s8, s6  }
0xd: {  	s13 =	sshrl.u32 s13, $0x3;
	s5 =	sadd.s32 $0x15D000, s7;
	s6 =	sadd.s32 $0x167000, s7  }
0xe: {  	s7 =	sadd.s32 $0xE6800, s10;
	s8 =	sadd.s32 $0x234600, s8;
	s10 =	simm.s32 $0x2  }
.LBB2_1:
0xf: {  	[tilespmem:s3], [sflag:$0x2] =	stream.linear.gather [hbm4b:s5+s3], $0x2780, $0x38;
	[tilespmem:$0x1CC00] =	vst v63  }
0x10: {  	_ =	swait.ge [sflag:s10], $0x2780  }
0x11: {  	[sflag:s10] =	ssyncset.done $0x0  }
0x12: {  	[sflag:s10] =	ssyncadd.s32 $0xFFFFD880  }
0x13: {  	[tilespmem:s11], [sflag:$0x2] =	stream.linear.gather [hbm4b:s6+s3], $0x2780, $0x38;
	[tilespmem:$0x1CC00] =	vst v63  }
0x14: {  	_ =	swait.ge [sflag:s10], $0x2780  }
0x15: {  	[sflag:s10] =	ssyncset.done $0x0  }
0x16: {  	[sflag:s10] =	ssyncadd.s32 $0xFFFFD880  }
0x17: {  	[spmem:s13], [sflag:s12] =	dma.local [hbm:s7], $0x2780  }
0x18: {  	_ =	swait.ge [sflag:s10], $0x2780  }
0x19: {  	[sflag:s10] =	ssyncset.done $0x0  }
0x1a: {  	[sflag:s10] =	ssyncadd.s32 $0xFFFFD880  }
0x1b: {  	s18 =	simm.s32 $0x0;
	[bflag:$0x0] =	sbarrier.arrive $0xFFFF  }
0x1c: {  	[tilespmem:s15], [sflag:$0x1] =	stream.indirect.gather [hbm4b:s4+s14], $0x80, s18, s14, $0xb8;
	[tilespmem:$0x1CC00] =	vst v63  }
0x1d: {  	_ =	swait.ge [sflag:s16], $0x4000  }
0x1e: {  	[sflag:s16] =	ssyncset.done $0x0  }
0x1f: {  	s31 =	simm.s32 $0x2800;
	[sflag:s16] =	ssyncadd.s32 $0xFFFFC000  }
0x20: {  	[spmem:s2] =	stream.indirect.scatter.add.f32 [tilespmem:s15], [sflag:$0x2], $0x80, s31, s14, $0xb8;
	[tilespmem:$0x1CC00] =	vst v63  }
0x21: {  	_ =	swait.ge [sflag:s10], $0x4000  }
0x22: {  	s19 =	simm.s32 $0x400;
	s18 =	simm.s32 $0x200;
	[sflag:s10] =	ssyncset.done $0x0  }
.LBB2_2:
0x23: {  	s20 =	sshra.s32 s18, $0x2  }
0x24: {  	[sflag:s10] =	ssyncadd.s32 $0xFFFFC000;
	s18 =	smov.u32 s19;
	s21 =	sadd.s32 $0x200, s19  }
0x25: {  	[tilespmem:s15], [sflag:$0x1] =	stream.indirect.gather [hbm4b:s4+s14], $0x80, s20, s14, $0xb8;
	[tilespmem:$0x1CC00] =	vst v63  }
0x26: {  	p0 =	sne.s32 s19, $0x9C00;
	_ =	swait.ge [sflag:s16], $0x4000  }
.Ltmp0:
0x27: {  	[sflag:s16] =	ssyncset.done $0x0;
	(pc) =	sbr.rel @p0 .LBB2_2-.Ltmp0, $4  }
0x28: {  	s19 =	sadd.s32 $0x2800, s20;
	[sflag:s16] =	ssyncadd.s32 $0xFFFFC000  }
0x29: {  	[spmem:s2] =	stream.indirect.scatter.add.f32 [tilespmem:s15], [sflag:$0x2], $0x80, s19, s14, $0xb8;
	[tilespmem:$0x1CC00] =	vst v63  }
0x2a: {  	_ =	swait.ge [sflag:s10], $0x4000  }
0x2b: {  	s19 =	smov.u32 s21;
	[sflag:s10] =	ssyncset.done $0x0  }
0x2c: {  	s18 =	sshra.s32 s18, $0x2;
	[sflag:s10] =	ssyncadd.s32 $0xFFFFC000  }
0x2d: {  	[tilespmem:s15], [sflag:$0x1] =	stream.indirect.gather [hbm4b:s4+s14], $0x80, s18, s14, $0xb8;
	[tilespmem:$0x1CC00] =	vst v63  }
0x2e: {  	_ =	swait.ge [sflag:s16], $0x4000  }
0x2f: {  	[sflag:s16] =	ssyncset.done $0x0  }
0x30: {  	s18 =	sadd.s32 $0x2800, s18;
	[sflag:s16] =	ssyncadd.s32 $0xFFFFC000  }
0x31: {  	[spmem:s2] =	stream.indirect.scatter.add.f32 [tilespmem:s15], [sflag:$0x2], $0x80, s18, s14, $0xb8;
	[tilespmem:$0x1CC00] =	vst v63  }
0x32: {  	_ =	swait.ge [sflag:s10], $0x4000  }
0x33: {  	s17 =	sadd.s32 $0x1, s17;
	[sflag:s10] =	ssyncset.done $0x0  }
0x34: {  	p0 =	sne.s32 s17, s9;
	[sflag:s10] =	ssyncadd.s32 $0xFFFFC000  }
.Ltmp1:
0x35: {  	[bflag:$0x0] =	sbarrier.arrive $0xFFFF;
	(pc) =	sbr.rel @p0 .LBB2_1-.Ltmp1, $4  }
0x36: {  	[hbm:s8], [sflag:s12] =	dma.local [spmem:s13], $0x2780  }
0x37: {  	_ =	swait.ge [sflag:s10], $0x2780  }
0x38: {  	[sflag:s10] =	ssyncset.done $0x0  }
0x39: {  	[sflag:s10] =	ssyncadd.s32 $0xFFFFD880  }
0x3a: {  	_ =	sfence.sel $0x180000  }
0x3b: {  	[bflag:$0x0] =	sbarrier.arrive $0xFFFF  }
0x3c: {  	p0 =	sne.s32 s0, $0x0;
	_ =	strace $0x90000068  }
0x3d: {  	s0 =	sadd.s32 @!p0 $0x100000, s1;
	[bflag:$0x2] =	sbarrier.arrive $0xFFFF  }
0x3e: {  	[sflag:s0] =	ssyncadd.tile.s32 @!p0 $0x1;
	_ =	shalt  }
.Lfunc_end2:
_tile_overlayer_lowered:
.L_overlay_start_2:
0x3f: {  	(tag) =	ssettag $0x2  }
0x40: {  	s0 =	rddreg [dreg:$0x0];
	s2 =	stileid.u32  }
0x41: {  	s1 =	rddreg [dreg:$0x1];
	p0 =	sne.s32 s2, $0x0  }
0x42: {  	s3 =	rddreg [dreg:$0x2];
	[bflag:$0x3] =	sbarrier.arrive $0xFFFF;
	s2 =	simm.s32 @!p0 $0x1C02  }
0x43: {  	[timem:s3], [sflag:s2] =	dma.local @!p0 [hbm:s0], s1  }
0x44: {  	s0 =	simm.s32 @!p0 $0x2  }
0x45: {  	_ =	swait.ge @!p0 [sflag:s0], s1  }
0x46: {  	s1 =	ssub.s32 @!p0 $0x0, s1;
	[sflag:s0] =	ssyncset.done @!p0 $0x0  }
0x47: {  	[sflag:s0] =	ssyncadd.s32 @!p0 s1  }
0x48: {  	[bflag:$0x3] =	sbarrier.arrive $0xFFFF  }
0x49: {  	_ =	shalt  }

</sc_bundles>
